<compile_context>
chip_gen: v7x
topology: tpu7x:2x2x1
jax: 0.10.2.dev20260603
libtpu: 0.0.44.dev20260713+nightly
codegen_flags: <defaults>
</compile_context>

<pallas_src>
import functools
import jax
import jax.numpy as jnp
from jax import lax
from jax.experimental import pallas as pl
from jax.experimental.pallas import tpu as pltpu

H = 128
NGRID = (8, 8, 8)


def _silu(v):
    return v * jax.nn.sigmoid(v)


def _ln_in(v, g, b):
    m = v.mean(-1, keepdims=True)
    var = v.var(-1, keepdims=True)
    return (v - m) * lax.rsqrt(var + 1e-5) * g + b


def _k1_body(x_ref, rbf_ref, w1_ref, b1_ref, wrbf_ref, g_ref, bln_ref,
             xln_out, t_out):
    x = x_ref[...]
    x_ln = _ln_in(x, g_ref[...], bln_ref[...])
    h = _silu(jnp.dot(x_ln, w1_ref[...], preferred_element_type=jnp.float32)
              + b1_ref[...])
    rbf_h = jnp.dot(rbf_ref[...], wrbf_ref[...],
                    preferred_element_type=jnp.float32)
    xln_out[...] = x_ln
    t_out[...] = h * rbf_h


def _k1(x, rbf, w1, b1, wrbf, g, bln, blk=1000):
    E = x.shape[0]
    grid = (E // blk,)
    return pl.pallas_call(
        _k1_body,
        grid=grid,
        in_specs=[
            pl.BlockSpec((blk, H), lambda i: (i, 0)),
            pl.BlockSpec((blk, 8), lambda i: (i, 0)),
            pl.BlockSpec((H, H), lambda i: (0, 0)),
            pl.BlockSpec((1, H), lambda i: (0, 0)),
            pl.BlockSpec((8, H), lambda i: (0, 0)),
            pl.BlockSpec((1, H), lambda i: (0, 0)),
            pl.BlockSpec((1, H), lambda i: (0, 0)),
        ],
        out_specs=[
            pl.BlockSpec((blk, H), lambda i: (i, 0)),
            pl.BlockSpec((blk, H), lambda i: (i, 0)),
        ],
        out_shape=[
            jax.ShapeDtypeStruct((E, H), jnp.float32),
            jax.ShapeDtypeStruct((E, H), jnp.float32),
        ],
    )(x, rbf, w1, b1, wrbf, g, bln)


def _k2_body(tkj_ref, sbf_ref, wsbf_ref, m_out):
    sbf_h = jnp.dot(sbf_ref[...], wsbf_ref[...],
                    preferred_element_type=jnp.float32)
    m_out[...] = tkj_ref[...] * sbf_h


def _k2(tkj, sbf, wsbf, blk=2000):
    T = sbf.shape[0]
    S = sbf.shape[1]
    return pl.pallas_call(
        _k2_body,
        grid=(T // blk,),
        in_specs=[
            pl.BlockSpec((blk, H), lambda i: (i, 0)),
            pl.BlockSpec((blk, S), lambda i: (i, 0)),
            pl.BlockSpec((S, H), lambda i: (0, 0)),
        ],
        out_specs=pl.BlockSpec((blk, H), lambda i: (i, 0)),
        out_shape=jax.ShapeDtypeStruct((T, H), jnp.float32),
    )(tkj, sbf, wsbf)


def _k3_body(xln_ref, agg_ref, rbf_ref, w2_ref, b2_ref, wlin_ref,
             x2_out, ax_out):
    x2 = _silu(jnp.dot(xln_ref[...] + agg_ref[...], w2_ref[...],
                       preferred_element_type=jnp.float32) + b2_ref[...])
    a_pre = jnp.dot(rbf_ref[...], wlin_ref[...],
                    preferred_element_type=jnp.float32)
    x2_out[...] = x2
    ax_out[...] = a_pre * x2


def _k3(xln, agg, rbf, w2, b2, wlin, blk=1000):
    E = xln.shape[0]
    return pl.pallas_call(
        _k3_body,
        grid=(E // blk,),
        in_specs=[
            pl.BlockSpec((blk, H), lambda i: (i, 0)),
            pl.BlockSpec((blk, H), lambda i: (i, 0)),
            pl.BlockSpec((blk, 8), lambda i: (i, 0)),
            pl.BlockSpec((H, H), lambda i: (0, 0)),
            pl.BlockSpec((1, H), lambda i: (0, 0)),
            pl.BlockSpec((8, H), lambda i: (0, 0)),
        ],
        out_specs=[
            pl.BlockSpec((blk, H), lambda i: (i, 0)),
            pl.BlockSpec((blk, H), lambda i: (i, 0)),
        ],
        out_shape=[
            jax.ShapeDtypeStruct((E, H), jnp.float32),
            jax.ShapeDtypeStruct((E, H), jnp.float32),
        ],
    )(xln, agg, rbf, w2, b2, wlin)


def _k5_body(mx_ref, wr_ref, g_ref, b_ref, out_ref, pad_ref):
    mx = _ln_in(mx_ref[...], g_ref[...], b_ref[...])
    pad_ref[...] = jnp.zeros_like(pad_ref)
    pad_ref[1:9, 1:9, 1:9, :] = mx.reshape(8, 8, 8, H)
    acc = jnp.zeros((512, H), jnp.float32)
    for k in range(27):
        dz, r = divmod(k, 9)
        dy, dx = divmod(r, 3)
        sl = pad_ref[dz:dz + 8, dy:dy + 8, dx:dx + 8, :].reshape(512, H)
        acc = acc + jnp.dot(sl, wr_ref[k], preferred_element_type=jnp.float32)
    out_ref[...] = _silu(acc)


def _k5(m_x, w_r, g, b):
    GM = m_x.shape[0]
    n = GM // 512
    return pl.pallas_call(
        _k5_body,
        grid=(n,),
        in_specs=[
            pl.BlockSpec((512, H), lambda i: (i, 0)),
            pl.BlockSpec((27, H, H), lambda i: (0, 0, 0)),
            pl.BlockSpec((1, H), lambda i: (0, 0)),
            pl.BlockSpec((1, H), lambda i: (0, 0)),
        ],
        out_specs=pl.BlockSpec((512, H), lambda i: (i, 0)),
        out_shape=jax.ShapeDtypeStruct((GM, H), jnp.float32),
        scratch_shapes=[pltpu.VMEM((10, 10, 10, H), jnp.float32)],
    )(m_x, w_r, g, b)


def _k2b_body(ea_a_ref, ea_m_ref, wea_ref, wem_ref, oa_ref, om_ref):
    oa_ref[...] = jnp.dot(ea_a_ref[...], wea_ref[...],
                          preferred_element_type=jnp.float32)
    om_ref[...] = jnp.dot(ea_m_ref[...], wem_ref[...],
                          preferred_element_type=jnp.float32)


def _k2b(ea_a, ea_m, wea, wem, blk=2000):
    EA = ea_a.shape[0]
    R = ea_a.shape[1]
    return pl.pallas_call(
        _k2b_body,
        grid=(EA // blk,),
        in_specs=[
            pl.BlockSpec((blk, R), lambda i: (i, 0)),
            pl.BlockSpec((blk, R), lambda i: (i, 0)),
            pl.BlockSpec((R, H), lambda i: (0, 0)),
            pl.BlockSpec((R, H), lambda i: (0, 0)),
        ],
        out_specs=[
            pl.BlockSpec((blk, H), lambda i: (i, 0)),
            pl.BlockSpec((blk, H), lambda i: (i, 0)),
        ],
        out_shape=[
            jax.ShapeDtypeStruct((EA, H), jnp.float32),
            jax.ShapeDtypeStruct((EA, H), jnp.float32),
        ],
    )(ea_a, ea_m, wea, wem)


def _k6_body(agg_ref, mx2_ref, dmx_ref, w_ref, b_ref, g_ref, bln_ref,
             out_ref):
    msg = _silu(jnp.dot(agg_ref[...], w_ref[...],
                        preferred_element_type=jnp.float32) + b_ref[...])
    msg = _ln_in(msg, g_ref[...], bln_ref[...])
    out_ref[...] = dmx_ref[...] + mx2_ref[...] + msg


def _k6(agg, mx2, dmx, w, b, g, bln, blk=2048):
    GM = mx2.shape[0]
    return pl.pallas_call(
        _k6_body,
        grid=(GM // blk,),
        in_specs=[
            pl.BlockSpec((blk, H), lambda i: (i, 0)),
            pl.BlockSpec((blk, H), lambda i: (i, 0)),
            pl.BlockSpec((blk, H), lambda i: (i, 0)),
            pl.BlockSpec((H, H), lambda i: (0, 0)),
            pl.BlockSpec((1, H), lambda i: (0, 0)),
            pl.BlockSpec((1, H), lambda i: (0, 0)),
            pl.BlockSpec((1, H), lambda i: (0, 0)),
        ],
        out_specs=pl.BlockSpec((blk, H), lambda i: (i, 0)),
        out_shape=jax.ShapeDtypeStruct((GM, H), jnp.float32),
    )(agg, mx2, dmx, w, b, g, bln)


def _k7_body(agg_ref, w_ref, b_ref, out_ref):
    out_ref[...] = _silu(jnp.dot(agg_ref[...], w_ref[...],
                                 preferred_element_type=jnp.float32)
                         + b_ref[...])


def _k7(agg, w, b, blk=1000):
    Nn = agg.shape[0]
    return pl.pallas_call(
        _k7_body,
        grid=(Nn // blk,),
        in_specs=[
            pl.BlockSpec((blk, H), lambda i: (i, 0)),
            pl.BlockSpec((H, H), lambda i: (0, 0)),
            pl.BlockSpec((1, H), lambda i: (0, 0)),
        ],
        out_specs=pl.BlockSpec((blk, H), lambda i: (i, 0)),
        out_shape=jax.ShapeDtypeStruct((Nn, H), jnp.float32),
    )(agg, w, b)


def _k8_body(mj_ref, mi_ref, dx_ref, x2_ref, wt_ref, wb_ref, b_ref, g_ref,
             bln_ref, out_ref):
    v = (jnp.dot(mj_ref[...], wt_ref[...], preferred_element_type=jnp.float32)
         + jnp.dot(mi_ref[...], wb_ref[...],
                   preferred_element_type=jnp.float32) + b_ref[...])
    v = _ln_in(_silu(v), g_ref[...], bln_ref[...])
    out_ref[...] = dx_ref[...] + x2_ref[...] + v


def _k8(mj, mi, dx, x2, wt, wb, b, g, bln, blk=1000):
    E = mj.shape[0]
    return pl.pallas_call(
        _k8_body,
        grid=(E // blk,),
        in_specs=[
            pl.BlockSpec((blk, H), lambda i: (i, 0)),
            pl.BlockSpec((blk, H), lambda i: (i, 0)),
            pl.BlockSpec((blk, H), lambda i: (i, 0)),
            pl.BlockSpec((blk, H), lambda i: (i, 0)),
            pl.BlockSpec((H, H), lambda i: (0, 0)),
            pl.BlockSpec((H, H), lambda i: (0, 0)),
            pl.BlockSpec((1, H), lambda i: (0, 0)),
            pl.BlockSpec((1, H), lambda i: (0, 0)),
            pl.BlockSpec((1, H), lambda i: (0, 0)),
        ],
        out_specs=pl.BlockSpec((blk, H), lambda i: (i, 0)),
        out_shape=jax.ShapeDtypeStruct((E, H), jnp.float32),
    )(mj, mi, dx, x2, wt, wb, b, g, bln)


def kernel(x, rbf, sbf, idx_kj, idx_ji, m_x, a2a_edge_index, a2m_edge_index,
           m2a_edge_index, a2m_edge_weights, m2a_edge_weights, a2m_edge_attr,
           m2a_edge_attr, num_nodes, params):
    p = params
    E = x.shape[0]
    GM = m_x.shape[0]
    N = 10000

    def row(v):
        return v.reshape(1, H)

    x_ln, t = _k1(x, rbf, p['short_W1'], row(p['short_b1']), p['short_W_rbf'],
                  row(p['short_ln_g']), row(p['short_ln_b']))
    tkj = jnp.take(t, idx_kj, axis=0)
    m = _k2(tkj, sbf, p['short_W_sbf'])
    agg = jax.ops.segment_sum(m, idx_ji, num_segments=E)
    x2, ax_edge = _k3(x_ln, agg, rbf, p['short_W2'], row(p['short_b2']),
                      p['lin_rbf_W'])

    a2a_seg = jnp.minimum(a2a_edge_index[1], num_nodes - 1)
    a_x = jax.ops.segment_sum(ax_edge, a2a_seg, num_segments=N)

    w_r = p['conv_W'].transpose(2, 3, 4, 1, 0).reshape(27, H, H)
    mx2 = _k5(m_x, w_r, row(p['long_ln_g']), row(p['long_ln_b']))

    ea_a, ea_m = _k2b(a2m_edge_attr, m2a_edge_attr, p['a2m_We'], p['m2a_We'])

    msg_a = jnp.take(a_x, a2m_edge_index[0], axis=0) \
        * a2m_edge_weights[:, None] + ea_a
    agg_a = jax.ops.segment_sum(msg_a, a2m_edge_index[1], num_segments=GM)
    out_grid = _k6(agg_a, mx2, m_x, p['a2m_W'], row(p['a2m_b']),
                   row(p['a2m_ln_g']), row(p['a2m_ln_b']))

    msg_m = jnp.take(mx2, m2a_edge_index[0], axis=0) \
        * m2a_edge_weights[:, None] + ea_m
    agg_m = jax.ops.segment_sum(msg_m, m2a_edge_index[1], num_segments=N)
    m2a_tab = _k7(agg_m, p['m2a_W'], row(p['m2a_b']))

    mj = jnp.take(m2a_tab, a2a_edge_index[0], axis=0)
    mi = jnp.take(m2a_tab, a2a_edge_index[1], axis=0)
    out_edge = _k8(mj, mi, x, x2, p['comb_W'][:H], p['comb_W'][H:],
                   row(p['comb_b']), row(p['m2a_ln_g']), row(p['m2a_ln_b']))

    return (out_edge, out_grid)

# --- scband reference (transcript-rebuilt; emitter-appended) ---
"""Pipeline reference for scband-short-long-mix-layer-4715874091793 (READ-ONLY COPY).

The authoritative reference and input builder live on the scoring server;
editing this copy changes nothing except your own understanding.
"""

import jax, jax.numpy as jnp
import numpy as np

H = 128; R = 8; S = 64; E = 160000; T = 320000; N = 10000; GM = 16384; EA = 80000; NG = (8, 8, 8)


def setup_inputs(seed: int = 0) -> dict:
    key = jax.random.key(seed)
    ks = jax.random.split(key, 40)
    s = 0.05
    p = {}
    p['lin_rbf_W'] = jax.random.normal(ks[14], (R, H)) * s
    p['short_W_rbf'] = jax.random.normal(ks[15], (R, H)) * s
    p['short_W_sbf'] = jax.random.normal(ks[16], (S, H)) * s
    p['short_W1'] = jax.random.normal(ks[17], (H, H)) * s
    p['short_b1'] = jnp.zeros((H,))
    p['short_W2'] = jax.random.normal(ks[18], (H, H)) * s
    p['short_b2'] = jnp.zeros((H,))
    p['conv_W'] = jax.random.normal(ks[19], (H, H, 3, 3, 3)) * (1.0 / np.sqrt(H * 27))
    p['a2m_We'] = jax.random.normal(ks[20], (R, H)) * s
    p['a2m_W'] = jax.random.normal(ks[21], (H, H)) * s
    p['a2m_b'] = jnp.zeros((H,))
    p['m2a_We'] = jax.random.normal(ks[22], (R, H)) * s
    p['m2a_W'] = jax.random.normal(ks[23], (H, H)) * s
    p['m2a_b'] = jnp.zeros((H,))
    p['comb_W'] = jax.random.normal(ks[24], (2 * H, H)) * s
    p['comb_b'] = jnp.zeros((H,))
    for nm in ['short', 'long', 'a2m', 'm2a']:
        p[nm + '_ln_g'] = jnp.ones((H,))
        p[nm + '_ln_b'] = jnp.zeros((H,))
    inp = {
        'x': jax.random.normal(ks[0], (E, H), jnp.float32),
        'rbf': jax.random.uniform(ks[1], (E, R), jnp.float32),
        'sbf': jax.random.uniform(ks[2], (T, S), jnp.float32),
        'idx_kj': jax.random.randint(ks[3], (T,), 0, E),
        'idx_ji': jax.random.randint(ks[4], (T,), 0, E),
        'm_x': jax.random.normal(ks[5], (GM, H), jnp.float32),
        'a2a_edge_index': jax.random.randint(ks[6], (2, E), 0, N),
        'a2m_edge_index': jax.random.randint(ks[7], (2, EA), 0, N),
        'm2a_edge_index': jax.random.randint(ks[8], (2, EA), 0, N),
        'a2m_edge_weights': jax.random.uniform(ks[9], (EA,), jnp.float32),
        'm2a_edge_weights': jax.random.uniform(ks[10], (EA,), jnp.float32),
        'a2m_edge_attr': jax.random.normal(ks[11], (EA, R), jnp.float32),
        'm2a_edge_attr': jax.random.normal(ks[12], (EA, R), jnp.float32),
        'num_nodes': N,
        'params': p,
    }
    return inp


def _ln(v, g, b):
    m = v.mean(-1, keepdims=True)
    var = v.var(-1, keepdims=True)
    return (v - m) / jnp.sqrt(var + 1e-5) * g + b


def _short_mp(x, rbf, sbf, idx_kj, idx_ji, p):
    rbf_h = rbf @ p['short_W_rbf']
    sbf_h = sbf @ p['short_W_sbf']
    h = jax.nn.silu(x @ p['short_W1'] + p['short_b1'])
    m = (h * rbf_h)[idx_kj] * sbf_h
    agg = jax.ops.segment_sum(m, idx_ji, num_segments=x.shape[0])
    return jax.nn.silu((x + agg) @ p['short_W2'] + p['short_b2'])


def _edge_mp(src, edge_index, ew, ea, dim_size, We, W, b):
    msg = src[edge_index[0]] * ew[:, None] + ea @ We
    agg = jax.ops.segment_sum(msg, edge_index[1], num_segments=dim_size)
    return jax.nn.silu(agg @ W + b)


def _long_mp(m_x, p):
    n = m_x.shape[0] // (NG[0] * NG[1] * NG[2])
    h = m_x.reshape(n, NG[0], NG[1], NG[2], H).transpose(0, 4, 1, 2, 3)
    h = jax.lax.conv_general_dilated(h, p['conv_W'], (1, 1, 1), 'SAME',
                                     dimension_numbers=('NCDHW', 'OIDHW', 'NCDHW'))
    h = jax.nn.silu(h)
    return h.transpose(0, 2, 3, 4, 1).reshape(-1, H)


def reference(x, rbf, sbf, idx_kj, idx_ji, m_x, a2a_edge_index, a2m_edge_index,
              m2a_edge_index, a2m_edge_weights, m2a_edge_weights, a2m_edge_attr,
              m2a_edge_attr, num_nodes, params):
    p = params
    delta_m_x = m_x
    delta_x = x
    x = _ln(x, p['short_ln_g'], p['short_ln_b'])
    x = _short_mp(x, rbf, sbf, idx_kj, idx_ji, p)
    a_x = (rbf @ p['lin_rbf_W']) * x
    a2a_seg = jnp.minimum(a2a_edge_index[1], num_nodes - 1)
    a_x = jax.ops.segment_sum(a_x, a2a_seg, num_segments=N)
    m_x = _ln(m_x, p['long_ln_g'], p['long_ln_b'])
    m_x = _long_mp(m_x, p)
    a2m_message = _edge_mp(a_x, a2m_edge_index, a2m_edge_weights, a2m_edge_attr,
                           m_x.shape[0], p['a2m_We'], p['a2m_W'], p['a2m_b'])
    a2m_message = _ln(a2m_message, p['a2m_ln_g'], p['a2m_ln_b'])
    m2a_message = _edge_mp(m_x, m2a_edge_index, m2a_edge_weights, m2a_edge_attr,
                           a_x.shape[0], p['m2a_We'], p['m2a_W'], p['m2a_b'])
    mj = m2a_message[a2a_edge_index[0]]
    mi = m2a_message[a2a_edge_index[1]]
    m2a_message = jax.nn.silu(jnp.concatenate([mj, mi], axis=-1) @ p['comb_W'] + p['comb_b'])
    m2a_message = _ln(m2a_message, p['m2a_ln_g'], p['m2a_ln_b'])
    return (delta_x + x + m2a_message, m_x + a2m_message + delta_m_x)

if __name__ == "__main__":
    import jax
    _d = setup_inputs()
    print(jax.jit(kernel)(*tuple(_d.values())))

</pallas_src>

<mosaic_0001>
module attributes {stable_mosaic.version = 14 : i64} {
  func.func @_k1_body(%arg0: i32, %arg1: memref<1000x128xf32, #tpu.memory_space<vmem>>, %arg2: memref<1000x8xf32, #tpu.memory_space<vmem>>, %arg3: memref<128x128xf32, #tpu.memory_space<vmem>>, %arg4: memref<1x128xf32, #tpu.memory_space<vmem>>, %arg5: memref<8x128xf32, #tpu.memory_space<vmem>>, %arg6: memref<1x128xf32, #tpu.memory_space<vmem>>, %arg7: memref<1x128xf32, #tpu.memory_space<vmem>>, %arg8: memref<1000x128xf32, #tpu.memory_space<vmem>>, %arg9: memref<1000x128xf32, #tpu.memory_space<vmem>>) attributes {dimension_semantics = [#tpu.dimension_semantics<arbitrary>], iteration_bounds = array<i64: 160>, scalar_prefetch = 0 : i64, scratch_operands = 0 : i64, tpu.core_type = #tpu.core_type<tc>, window_params = [{transform_indices = @transform_0, window_bounds = array<i64: 1000, 128>}, {transform_indices = @transform_1, window_bounds = array<i64: 1000, 8>}, {pipeline_mode = #tpu.pipeline_mode<synchronous>, transform_indices = @transform_2, window_bounds = array<i64: 128, 128>}, {pipeline_mode = #tpu.pipeline_mode<synchronous>, transform_indices = @transform_3, window_bounds = array<i64: 1, 128>}, {pipeline_mode = #tpu.pipeline_mode<synchronous>, transform_indices = @transform_4, window_bounds = array<i64: 8, 128>}, {pipeline_mode = #tpu.pipeline_mode<synchronous>, transform_indices = @transform_5, window_bounds = array<i64: 1, 128>}, {pipeline_mode = #tpu.pipeline_mode<synchronous>, transform_indices = @transform_6, window_bounds = array<i64: 1, 128>}, {transform_indices = @transform_7, window_bounds = array<i64: 1000, 128>}, {transform_indices = @transform_8, window_bounds = array<i64: 1000, 128>}]} {
    %get3A = arith.constant 0 : index
    %get3A_0 = arith.constant 0 : index
    %get3A_1 = vector.load %arg1[%get3A, %get3A_0] : memref<1000x128xf32, #tpu.memory_space<vmem>>, vector<1000x128xf32>
    %get3A_2 = arith.constant 0 : index
    %get3A_3 = arith.constant 0 : index
    %get3A_4 = vector.load %arg6[%get3A_2, %get3A_3] : memref<1x128xf32, #tpu.memory_space<vmem>>, vector<1x128xf32>
    %get3A_5 = arith.constant 0 : index
    %get3A_6 = arith.constant 0 : index
    %get3A_7 = vector.load %arg7[%get3A_5, %get3A_6] : memref<1x128xf32, #tpu.memory_space<vmem>>, vector<1x128xf32>
    %reduce_sum3A = arith.constant dense<0.000000e+00> : vector<1000xf32>
    %reduce_sum3A_8 = vector.multi_reduction <add>, %get3A_1, %reduce_sum3A [1] : vector<1000x128xf32> to vector<1000xf32>
    %broadcast_in_dim3A = vector.shape_cast %reduce_sum3A_8 : vector<1000xf32> to vector<1000x1xf32>
    %div3A = arith.constant 1.280000e+02 : f32
    %div3A_9 = vector.broadcast %div3A : f32 to vector<1000x1xf32>
    %div3A_10 = arith.divf %broadcast_in_dim3A, %div3A_9 : vector<1000x1xf32>
    %jit3A = arith.constant 0 : i32
    %reduce_sum3A_11 = arith.constant dense<0.000000e+00> : vector<1000xf32>
    %reduce_sum3A_12 = vector.multi_reduction <add>, %get3A_1, %reduce_sum3A_11 [1] : vector<1000x128xf32> to vector<1000xf32>
    %broadcast_in_dim3A_13 = vector.shape_cast %reduce_sum3A_12 : vector<1000xf32> to vector<1000x1xf32>
    %div3A_14 = arith.constant 1.280000e+02 : f32
    %div3A_15 = vector.broadcast %div3A_14 : f32 to vector<1000x1xf32>
    %div3A_16 = arith.divf %broadcast_in_dim3A_13, %div3A_15 : vector<1000x1xf32>
    %sub3A = vector.broadcast %div3A_16 : vector<1000x1xf32> to vector<1000x128xf32>
    %sub3A_17 = arith.subf %get3A_1, %sub3A : vector<1000x128xf32>
    %square3A = arith.mulf %sub3A_17, %sub3A_17 : vector<1000x128xf32>
    %convert_element_type3A = arith.sitofp %jit3A : i32 to f32
    %sub3A_18 = arith.constant 1.280000e+02 : f32
    %sub3A_19 = arith.subf %sub3A_18, %convert_element_type3A : f32
    %reduce_sum3A_20 = arith.constant dense<0.000000e+00> : vector<1000xf32>
    %reduce_sum3A_21 = vector.multi_reduction <add>, %square3A, %reduce_sum3A_20 [1] : vector<1000x128xf32> to vector<1000xf32>
    %broadcast_in_dim3A_22 = vector.shape_cast %reduce_sum3A_21 : vector<1000xf32> to vector<1000x1xf32>
    %div3A_23 = vector.broadcast %sub3A_19 : f32 to vector<1000x1xf32>
    %div3A_24 = arith.divf %broadcast_in_dim3A_22, %div3A_23 : vector<1000x1xf32>
    %gt3A = arith.constant 0.000000e+00 : f32
    %gt3A_25 = arith.cmpf ogt, %sub3A_19, %gt3A : f32
    %jit3A_26 = arith.constant 0x7FC00000 : f32
    %broadcast_in_dim3A_27 = vector.broadcast %jit3A_26 : f32 to vector<1000x1xf32>
    %select_n3A = arith.select %gt3A_25, %div3A_24, %broadcast_in_dim3A_27 : vector<1000x1xf32>
    %sub3A_28 = vector.broadcast %div3A_10 : vector<1000x1xf32> to vector<1000x128xf32>
    %sub3A_29 = arith.subf %get3A_1, %sub3A_28 : vector<1000x128xf32>
    %add3A = arith.constant 9.99999974E-6 : f32
    %add3A_30 = vector.broadcast %add3A : f32 to vector<1000x1xf32>
    %add3A_31 = arith.addf %select_n3A, %add3A_30 : vector<1000x1xf32>
    %rsqrt3A = math.rsqrt %add3A_31 : vector<1000x1xf32>
    %mul3A = vector.broadcast %rsqrt3A : vector<1000x1xf32> to vector<1000x128xf32>
    %mul3A_32 = arith.mulf %sub3A_29, %mul3A : vector<1000x128xf32>
    %mul3A_33 = vector.broadcast %get3A_4 : vector<1x128xf32> to vector<1000x128xf32>
    %mul3A_34 = arith.mulf %mul3A_32, %mul3A_33 : vector<1000x128xf32>
    %add3A_35 = vector.broadcast %get3A_7 : vector<1x128xf32> to vector<1000x128xf32>
    %add3A_36 = arith.addf %mul3A_34, %add3A_35 : vector<1000x128xf32>
    %get3A_37 = arith.constant 0 : index
    %get3A_38 = arith.constant 0 : index
    %get3A_39 = vector.load %arg3[%get3A_37, %get3A_38] : memref<128x128xf32, #tpu.memory_space<vmem>>, vector<128x128xf32>
    %dot_general3A = arith.constant dense<0.000000e+00> : vector<1000x128xf32>
    %dot_general3A_40 = tpu.matmul %add3A_36, %get3A_39, %dot_general3A {dimension_numbers = #tpu.dot_dimension_numbers<[1], [0], [0], [1], [0, 0, 1, 1], [], []>, transpose_lhs_hint = false} : vector<1000x128xf32>, vector<128x128xf32>, vector<1000x128xf32> -> vector<1000x128xf32>
    %get3A_41 = arith.constant 0 : index
    %get3A_42 = arith.constant 0 : index
    %get3A_43 = vector.load %arg4[%get3A_41, %get3A_42] : memref<1x128xf32, #tpu.memory_space<vmem>>, vector<1x128xf32>
    %add3A_44 = vector.broadcast %get3A_43 : vector<1x128xf32> to vector<1000x128xf32>
    %add3A_45 = arith.addf %dot_general3A_40, %add3A_44 : vector<1000x128xf32>
    %logistic3A = arith.negf %add3A_45 : vector<1000x128xf32>
    %logistic3A_46 = math.exp %logistic3A : vector<1000x128xf32>
    %logistic3A_47 = arith.constant 1.000000e+00 : f32
    %logistic3A_48 = vector.broadcast %logistic3A_47 : f32 to vector<1000x128xf32>
    %logistic3A_49 = arith.addf %logistic3A_48, %logistic3A_46 : vector<1000x128xf32>
    %logistic3A_50 = arith.divf %logistic3A_48, %logistic3A_49 : vector<1000x128xf32>
    %mul3A_51 = arith.mulf %add3A_45, %logistic3A_50 : vector<1000x128xf32>
    %get3A_52 = arith.constant 0 : index
    %get3A_53 = arith.constant 0 : index
    %get3A_54 = vector.load %arg2[%get3A_52, %get3A_53] : memref<1000x8xf32, #tpu.memory_space<vmem>>, vector<1000x8xf32>
    %get3A_55 = arith.constant 0 : index
    %get3A_56 = arith.constant 0 : index
    %get3A_57 = vector.load %arg5[%get3A_55, %get3A_56] : memref<8x128xf32, #tpu.memory_space<vmem>>, vector<8x128xf32>
    %dot_general3A_58 = arith.constant dense<0.000000e+00> : vector<1000x128xf32>
    %dot_general3A_59 = tpu.matmul %get3A_54, %get3A_57, %dot_general3A_58 {dimension_numbers = #tpu.dot_dimension_numbers<[1], [0], [0], [1], [0, 0, 1, 1], [], []>, transpose_lhs_hint = false} : vector<1000x8xf32>, vector<8x128xf32>, vector<1000x128xf32> -> vector<1000x128xf32>
    %swap3A = arith.constant 0 : index
    %swap3A_60 = arith.constant 0 : index
    %swap3A_61 = vector.load %arg8[%swap3A, %swap3A_60] : memref<1000x128xf32, #tpu.memory_space<vmem>>, vector<1000x128xf32>
    tpu.vector_store %arg8[%swap3A, %swap3A_60], %add3A_36 {strides = array<i32>} : memref<1000x128xf32, #tpu.memory_space<vmem>>, vector<1000x128xf32>,
    %mul3A_62 = arith.mulf %mul3A_51, %dot_general3A_59 : vector<1000x128xf32>
    %swap3A_63 = arith.constant 0 : index
    %swap3A_64 = arith.constant 0 : index
    %swap3A_65 = vector.load %arg9[%swap3A_63, %swap3A_64] : memref<1000x128xf32, #tpu.memory_space<vmem>>, vector<1000x128xf32>
    tpu.vector_store %arg9[%swap3A_63, %swap3A_64], %mul3A_62 {strides = array<i32>} : memref<1000x128xf32, #tpu.memory_space<vmem>>, vector<1000x128xf32>,
    return
  }
  func.func @transform_0(%arg0: i32) -> (i32, i32) {
    %c0_i32 = arith.constant 0 : i32
    %c0_i32_0 = arith.constant 0 : i32
    return %arg0, %c0_i32 : i32, i32
  }
  func.func @transform_1(%arg0: i32) -> (i32, i32) {
    %c0_i32 = arith.constant 0 : i32
    %c0_i32_0 = arith.constant 0 : i32
    return %arg0, %c0_i32 : i32, i32
  }
  func.func @transform_2(%arg0: i32) -> (i32, i32) {
    %c0_i32 = arith.constant 0 : i32
    %c0_i32_0 = arith.constant 0 : i32
    %c0_i32_1 = arith.constant 0 : i32
    return %c0_i32, %c0_i32_0 : i32, i32
  }
  func.func @transform_3(%arg0: i32) -> (i32, i32) {
    %c0_i32 = arith.constant 0 : i32
    %c0_i32_0 = arith.constant 0 : i32
    %c0_i32_1 = arith.constant 0 : i32
    return %c0_i32, %c0_i32_0 : i32, i32
  }
  func.func @transform_4(%arg0: i32) -> (i32, i32) {
    %c0_i32 = arith.constant 0 : i32
    %c0_i32_0 = arith.constant 0 : i32
    %c0_i32_1 = arith.constant 0 : i32
    return %c0_i32, %c0_i32_0 : i32, i32
  }
  func.func @transform_5(%arg0: i32) -> (i32, i32) {
    %c0_i32 = arith.constant 0 : i32
    %c0_i32_0 = arith.constant 0 : i32
    %c0_i32_1 = arith.constant 0 : i32
    return %c0_i32, %c0_i32_0 : i32, i32
  }
  func.func @transform_6(%arg0: i32) -> (i32, i32) {
    %c0_i32 = arith.constant 0 : i32
    %c0_i32_0 = arith.constant 0 : i32
    %c0_i32_1 = arith.constant 0 : i32
    return %c0_i32, %c0_i32_0 : i32, i32
  }
  func.func @transform_7(%arg0: i32) -> (i32, i32) {
    %c0_i32 = arith.constant 0 : i32
    %c0_i32_0 = arith.constant 0 : i32
    return %arg0, %c0_i32 : i32, i32
  }
  func.func @transform_8(%arg0: i32) -> (i32, i32) {
    %c0_i32 = arith.constant 0 : i32
    %c0_i32_0 = arith.constant 0 : i32
    return %arg0, %c0_i32 : i32, i32
  }
}

module attributes {stable_mosaic.version = 14 : i64} {
  func.func @_k2_body(%arg0: i32, %arg1: memref<2000x128xf32, #tpu.memory_space<vmem>>, %arg2: memref<2000x64xf32, #tpu.memory_space<vmem>>, %arg3: memref<64x128xf32, #tpu.memory_space<vmem>>, %arg4: memref<2000x128xf32, #tpu.memory_space<vmem>>) attributes {dimension_semantics = [#tpu.dimension_semantics<arbitrary>], iteration_bounds = array<i64: 160>, scalar_prefetch = 0 : i64, scratch_operands = 0 : i64, tpu.core_type = #tpu.core_type<tc>, window_params = [{transform_indices = @transform_0, window_bounds = array<i64: 2000, 128>}, {transform_indices = @transform_1, window_bounds = array<i64: 2000, 64>}, {pipeline_mode = #tpu.pipeline_mode<synchronous>, transform_indices = @transform_2, window_bounds = array<i64: 64, 128>}, {transform_indices = @transform_3, window_bounds = array<i64: 2000, 128>}]} {
    %get3A = arith.constant 0 : index
    %get3A_0 = arith.constant 0 : index
    %get3A_1 = vector.load %arg2[%get3A, %get3A_0] : memref<2000x64xf32, #tpu.memory_space<vmem>>, vector<2000x64xf32>
    %get3A_2 = arith.constant 0 : index
    %get3A_3 = arith.constant 0 : index
    %get3A_4 = vector.load %arg3[%get3A_2, %get3A_3] : memref<64x128xf32, #tpu.memory_space<vmem>>, vector<64x128xf32>
    %dot_general3A = arith.constant dense<0.000000e+00> : vector<2000x128xf32>
    %dot_general3A_5 = tpu.matmul %get3A_1, %get3A_4, %dot_general3A {dimension_numbers = #tpu.dot_dimension_numbers<[1], [0], [0], [1], [0, 0, 1, 1], [], []>, transpose_lhs_hint = false} : vector<2000x64xf32>, vector<64x128xf32>, vector<2000x128xf32> -> vector<2000x128xf32>
    %get3A_6 = arith.constant 0 : index
    %get3A_7 = arith.constant 0 : index
    %get3A_8 = vector.load %arg1[%get3A_6, %get3A_7] : memref<2000x128xf32, #tpu.memory_space<vmem>>, vector<2000x128xf32>
    %mul3A = arith.mulf %get3A_8, %dot_general3A_5 : vector<2000x128xf32>
    %swap3A = arith.constant 0 : index
    %swap3A_9 = arith.constant 0 : index
    %swap3A_10 = vector.load %arg4[%swap3A, %swap3A_9] : memref<2000x128xf32, #tpu.memory_space<vmem>>, vector<2000x128xf32>
    tpu.vector_store %arg4[%swap3A, %swap3A_9], %mul3A {strides = array<i32>} : memref<2000x128xf32, #tpu.memory_space<vmem>>, vector<2000x128xf32>,
    return
  }
  func.func @transform_0(%arg0: i32) -> (i32, i32) {
    %c0_i32 = arith.constant 0 : i32
    %c0_i32_0 = arith.constant 0 : i32
    return %arg0, %c0_i32 : i32, i32
  }
  func.func @transform_1(%arg0: i32) -> (i32, i32) {
    %c0_i32 = arith.constant 0 : i32
    %c0_i32_0 = arith.constant 0 : i32
    return %arg0, %c0_i32 : i32, i32
  }
  func.func @transform_2(%arg0: i32) -> (i32, i32) {
    %c0_i32 = arith.constant 0 : i32
    %c0_i32_0 = arith.constant 0 : i32
    %c0_i32_1 = arith.constant 0 : i32
    return %c0_i32, %c0_i32_0 : i32, i32
  }
  func.func @transform_3(%arg0: i32) -> (i32, i32) {
    %c0_i32 = arith.constant 0 : i32
    %c0_i32_0 = arith.constant 0 : i32
    return %arg0, %c0_i32 : i32, i32
  }
}

module attributes {stable_mosaic.version = 14 : i64} {
  func.func @_k3_body(%arg0: i32, %arg1: memref<1000x128xf32, #tpu.memory_space<vmem>>, %arg2: memref<1000x128xf32, #tpu.memory_space<vmem>>, %arg3: memref<1000x8xf32, #tpu.memory_space<vmem>>, %arg4: memref<128x128xf32, #tpu.memory_space<vmem>>, %arg5: memref<1x128xf32, #tpu.memory_space<vmem>>, %arg6: memref<8x128xf32, #tpu.memory_space<vmem>>, %arg7: memref<1000x128xf32, #tpu.memory_space<vmem>>, %arg8: memref<1000x128xf32, #tpu.memory_space<vmem>>) attributes {dimension_semantics = [#tpu.dimension_semantics<arbitrary>], iteration_bounds = array<i64: 160>, scalar_prefetch = 0 : i64, scratch_operands = 0 : i64, tpu.core_type = #tpu.core_type<tc>, window_params = [{transform_indices = @transform_0, window_bounds = array<i64: 1000, 128>}, {transform_indices = @transform_1, window_bounds = array<i64: 1000, 128>}, {transform_indices = @transform_2, window_bounds = array<i64: 1000, 8>}, {pipeline_mode = #tpu.pipeline_mode<synchronous>, transform_indices = @transform_3, window_bounds = array<i64: 128, 128>}, {pipeline_mode = #tpu.pipeline_mode<synchronous>, transform_indices = @transform_4, window_bounds = array<i64: 1, 128>}, {pipeline_mode = #tpu.pipeline_mode<synchronous>, transform_indices = @transform_5, window_bounds = array<i64: 8, 128>}, {transform_indices = @transform_6, window_bounds = array<i64: 1000, 128>}, {transform_indices = @transform_7, window_bounds = array<i64: 1000, 128>}]} {
    %get3A = arith.constant 0 : index
    %get3A_0 = arith.constant 0 : index
    %get3A_1 = vector.load %arg1[%get3A, %get3A_0] : memref<1000x128xf32, #tpu.memory_space<vmem>>, vector<1000x128xf32>
    %get3A_2 = arith.constant 0 : index
    %get3A_3 = arith.constant 0 : index
    %get3A_4 = vector.load %arg2[%get3A_2, %get3A_3] : memref<1000x128xf32, #tpu.memory_space<vmem>>, vector<1000x128xf32>
    %add3A = arith.addf %get3A_1, %get3A_4 : vector<1000x128xf32>
    %get3A_5 = arith.constant 0 : index
    %get3A_6 = arith.constant 0 : index
    %get3A_7 = vector.load %arg4[%get3A_5, %get3A_6] : memref<128x128xf32, #tpu.memory_space<vmem>>, vector<128x128xf32>
    %dot_general3A = arith.constant dense<0.000000e+00> : vector<1000x128xf32>
    %dot_general3A_8 = tpu.matmul %add3A, %get3A_7, %dot_general3A {dimension_numbers = #tpu.dot_dimension_numbers<[1], [0], [0], [1], [0, 0, 1, 1], [], []>, transpose_lhs_hint = false} : vector<1000x128xf32>, vector<128x128xf32>, vector<1000x128xf32> -> vector<1000x128xf32>
    %get3A_9 = arith.constant 0 : index
    %get3A_10 = arith.constant 0 : index
    %get3A_11 = vector.load %arg5[%get3A_9, %get3A_10] : memref<1x128xf32, #tpu.memory_space<vmem>>, vector<1x128xf32>
    %add3A_12 = vector.broadcast %get3A_11 : vector<1x128xf32> to vector<1000x128xf32>
    %add3A_13 = arith.addf %dot_general3A_8, %add3A_12 : vector<1000x128xf32>
    %logistic3A = arith.negf %add3A_13 : vector<1000x128xf32>
    %logistic3A_14 = math.exp %logistic3A : vector<1000x128xf32>
    %logistic3A_15 = arith.constant 1.000000e+00 : f32
    %logistic3A_16 = vector.broadcast %logistic3A_15 : f32 to vector<1000x128xf32>
    %logistic3A_17 = arith.addf %logistic3A_16, %logistic3A_14 : vector<1000x128xf32>
    %logistic3A_18 = arith.divf %logistic3A_16, %logistic3A_17 : vector<1000x128xf32>
    %mul3A = arith.mulf %add3A_13, %logistic3A_18 : vector<1000x128xf32>
    %get3A_19 = arith.constant 0 : index
    %get3A_20 = arith.constant 0 : index
    %get3A_21 = vector.load %arg3[%get3A_19, %get3A_20] : memref<1000x8xf32, #tpu.memory_space<vmem>>, vector<1000x8xf32>
    %get3A_22 = arith.constant 0 : index
    %get3A_23 = arith.constant 0 : index
    %get3A_24 = vector.load %arg6[%get3A_22, %get3A_23] : memref<8x128xf32, #tpu.memory_space<vmem>>, vector<8x128xf32>
    %dot_general3A_25 = arith.constant dense<0.000000e+00> : vector<1000x128xf32>
    %dot_general3A_26 = tpu.matmul %get3A_21, %get3A_24, %dot_general3A_25 {dimension_numbers = #tpu.dot_dimension_numbers<[1], [0], [0], [1], [0, 0, 1, 1], [], []>, transpose_lhs_hint = false} : vector<1000x8xf32>, vector<8x128xf32>, vector<1000x128xf32> -> vector<1000x128xf32>
    %swap3A = arith.constant 0 : index
    %swap3A_27 = arith.constant 0 : index
    %swap3A_28 = vector.load %arg7[%swap3A, %swap3A_27] : memref<1000x128xf32, #tpu.memory_space<vmem>>, vector<1000x128xf32>
    tpu.vector_store %arg7[%swap3A, %swap3A_27], %mul3A {strides = array<i32>} : memref<1000x128xf32, #tpu.memory_space<vmem>>, vector<1000x128xf32>,
    %mul3A_29 = arith.mulf %dot_general3A_26, %mul3A : vector<1000x128xf32>
    %swap3A_30 = arith.constant 0 : index
    %swap3A_31 = arith.constant 0 : index
    %swap3A_32 = vector.load %arg8[%swap3A_30, %swap3A_31] : memref<1000x128xf32, #tpu.memory_space<vmem>>, vector<1000x128xf32>
    tpu.vector_store %arg8[%swap3A_30, %swap3A_31], %mul3A_29 {strides = array<i32>} : memref<1000x128xf32, #tpu.memory_space<vmem>>, vector<1000x128xf32>,
    return
  }
  func.func @transform_0(%arg0: i32) -> (i32, i32) {
    %c0_i32 = arith.constant 0 : i32
    %c0_i32_0 = arith.constant 0 : i32
    return %arg0, %c0_i32 : i32, i32
  }
  func.func @transform_1(%arg0: i32) -> (i32, i32) {
    %c0_i32 = arith.constant 0 : i32
    %c0_i32_0 = arith.constant 0 : i32
    return %arg0, %c0_i32 : i32, i32
  }
  func.func @transform_2(%arg0: i32) -> (i32, i32) {
    %c0_i32 = arith.constant 0 : i32
    %c0_i32_0 = arith.constant 0 : i32
    return %arg0, %c0_i32 : i32, i32
  }
  func.func @transform_3(%arg0: i32) -> (i32, i32) {
    %c0_i32 = arith.constant 0 : i32
    %c0_i32_0 = arith.constant 0 : i32
    %c0_i32_1 = arith.constant 0 : i32
    return %c0_i32, %c0_i32_0 : i32, i32
  }
  func.func @transform_4(%arg0: i32) -> (i32, i32) {
    %c0_i32 = arith.constant 0 : i32
    %c0_i32_0 = arith.constant 0 : i32
    %c0_i32_1 = arith.constant 0 : i32
    return %c0_i32, %c0_i32_0 : i32, i32
  }
  func.func @transform_5(%arg0: i32) -> (i32, i32) {
    %c0_i32 = arith.constant 0 : i32
    %c0_i32_0 = arith.constant 0 : i32
    %c0_i32_1 = arith.constant 0 : i32
    return %c0_i32, %c0_i32_0 : i32, i32
  }
  func.func @transform_6(%arg0: i32) -> (i32, i32) {
    %c0_i32 = arith.constant 0 : i32
    %c0_i32_0 = arith.constant 0 : i32
    return %arg0, %c0_i32 : i32, i32
  }
  func.func @transform_7(%arg0: i32) -> (i32, i32) {
    %c0_i32 = arith.constant 0 : i32
    %c0_i32_0 = arith.constant 0 : i32
    return %arg0, %c0_i32 : i32, i32
  }
}

module attributes {stable_mosaic.version = 14 : i64} {
  func.func @_k5_body(%arg0: i32, %arg1: memref<512x128xf32, #tpu.memory_space<vmem>>, %arg2: memref<27x128x128xf32, #tpu.memory_space<vmem>>, %arg3: memref<1x128xf32, #tpu.memory_space<vmem>>, %arg4: memref<1x128xf32, #tpu.memory_space<vmem>>, %arg5: memref<512x128xf32, #tpu.memory_space<vmem>>, %arg6: memref<10x10x10x128xf32, #tpu.memory_space<vmem>>) attributes {dimension_semantics = [#tpu.dimension_semantics<arbitrary>], iteration_bounds = array<i64: 32>, scalar_prefetch = 0 : i64, scratch_operands = 1 : i64, tpu.core_type = #tpu.core_type<tc>, window_params = [{transform_indices = @transform_0, window_bounds = array<i64: 512, 128>}, {pipeline_mode = #tpu.pipeline_mode<synchronous>, transform_indices = @transform_1, window_bounds = array<i64: 27, 128, 128>}, {pipeline_mode = #tpu.pipeline_mode<synchronous>, transform_indices = @transform_2, window_bounds = array<i64: 1, 128>}, {pipeline_mode = #tpu.pipeline_mode<synchronous>, transform_indices = @transform_3, window_bounds = array<i64: 1, 128>}, {transform_indices = @transform_4, window_bounds = array<i64: 512, 128>}]} {
    %get3A = arith.constant 0 : index
    %get3A_0 = arith.constant 0 : index
    %get3A_1 = vector.load %arg1[%get3A, %get3A_0] : memref<512x128xf32, #tpu.memory_space<vmem>>, vector<512x128xf32>
    %get3A_2 = arith.constant 0 : index
    %get3A_3 = arith.constant 0 : index
    %get3A_4 = vector.load %arg3[%get3A_2, %get3A_3] : memref<1x128xf32, #tpu.memory_space<vmem>>, vector<1x128xf32>
    %get3A_5 = arith.constant 0 : index
    %get3A_6 = arith.constant 0 : index
    %get3A_7 = vector.load %arg4[%get3A_5, %get3A_6] : memref<1x128xf32, #tpu.memory_space<vmem>>, vector<1x128xf32>
    %reduce_sum3A = arith.constant dense<0.000000e+00> : vector<512xf32>
    %reduce_sum3A_8 = vector.multi_reduction <add>, %get3A_1, %reduce_sum3A [1] : vector<512x128xf32> to vector<512xf32>
    %broadcast_in_dim3A = vector.shape_cast %reduce_sum3A_8 : vector<512xf32> to vector<512x1xf32>
    %div3A = arith.constant 1.280000e+02 : f32
    %div3A_9 = vector.broadcast %div3A : f32 to vector<512x1xf32>
    %div3A_10 = arith.divf %broadcast_in_dim3A, %div3A_9 : vector<512x1xf32>
    %jit3A = arith.constant 0 : i32
    %reduce_sum3A_11 = arith.constant dense<0.000000e+00> : vector<512xf32>
    %reduce_sum3A_12 = vector.multi_reduction <add>, %get3A_1, %reduce_sum3A_11 [1] : vector<512x128xf32> to vector<512xf32>
    %broadcast_in_dim3A_13 = vector.shape_cast %reduce_sum3A_12 : vector<512xf32> to vector<512x1xf32>
    %div3A_14 = arith.constant 1.280000e+02 : f32
    %div3A_15 = vector.broadcast %div3A_14 : f32 to vector<512x1xf32>
    %div3A_16 = arith.divf %broadcast_in_dim3A_13, %div3A_15 : vector<512x1xf32>
    %sub3A = vector.broadcast %div3A_16 : vector<512x1xf32> to vector<512x128xf32>
    %sub3A_17 = arith.subf %get3A_1, %sub3A : vector<512x128xf32>
    %square3A = arith.mulf %sub3A_17, %sub3A_17 : vector<512x128xf32>
    %convert_element_type3A = arith.sitofp %jit3A : i32 to f32
    %sub3A_18 = arith.constant 1.280000e+02 : f32
    %sub3A_19 = arith.subf %sub3A_18, %convert_element_type3A : f32
    %reduce_sum3A_20 = arith.constant dense<0.000000e+00> : vector<512xf32>
    %reduce_sum3A_21 = vector.multi_reduction <add>, %square3A, %reduce_sum3A_20 [1] : vector<512x128xf32> to vector<512xf32>
    %broadcast_in_dim3A_22 = vector.shape_cast %reduce_sum3A_21 : vector<512xf32> to vector<512x1xf32>
    %div3A_23 = vector.broadcast %sub3A_19 : f32 to vector<512x1xf32>
    %div3A_24 = arith.divf %broadcast_in_dim3A_22, %div3A_23 : vector<512x1xf32>
    %gt3A = arith.constant 0.000000e+00 : f32
    %gt3A_25 = arith.cmpf ogt, %sub3A_19, %gt3A : f32
    %jit3A_26 = arith.constant 0x7FC00000 : f32
    %broadcast_in_dim3A_27 = vector.broadcast %jit3A_26 : f32 to vector<512x1xf32>
    %select_n3A = arith.select %gt3A_25, %div3A_24, %broadcast_in_dim3A_27 : vector<512x1xf32>
    %sub3A_28 = vector.broadcast %div3A_10 : vector<512x1xf32> to vector<512x128xf32>
    %sub3A_29 = arith.subf %get3A_1, %sub3A_28 : vector<512x128xf32>
    %add3A = arith.constant 9.99999974E-6 : f32
    %add3A_30 = vector.broadcast %add3A : f32 to vector<512x1xf32>
    %add3A_31 = arith.addf %select_n3A, %add3A_30 : vector<512x1xf32>
    %rsqrt3A = math.rsqrt %add3A_31 : vector<512x1xf32>
    %mul3A = vector.broadcast %rsqrt3A : vector<512x1xf32> to vector<512x128xf32>
    %mul3A_32 = arith.mulf %sub3A_29, %mul3A : vector<512x128xf32>
    %mul3A_33 = vector.broadcast %get3A_4 : vector<1x128xf32> to vector<512x128xf32>
    %mul3A_34 = arith.mulf %mul3A_32, %mul3A_33 : vector<512x128xf32>
    %add3A_35 = vector.broadcast %get3A_7 : vector<1x128xf32> to vector<512x128xf32>
    %add3A_36 = arith.addf %mul3A_34, %add3A_35 : vector<512x128xf32>
    %broadcast_in_dim3A_37 = arith.constant 0.000000e+00 : f32
    %broadcast_in_dim3A_38 = vector.broadcast %broadcast_in_dim3A_37 : f32 to vector<10x10x10x128xf32>
    %swap3A = arith.constant 0 : index
    %swap3A_39 = arith.constant 0 : index
    %swap3A_40 = arith.constant 0 : index
    %swap3A_41 = arith.constant 0 : index
    %swap3A_42 = vector.load %arg6[%swap3A, %swap3A_39, %swap3A_40, %swap3A_41] : memref<10x10x10x128xf32, #tpu.memory_space<vmem>>, vector<10x10x10x128xf32>
    tpu.vector_store %arg6[%swap3A, %swap3A_39, %swap3A_40, %swap3A_41], %broadcast_in_dim3A_38 {strides = array<i32>} : memref<10x10x10x128xf32, #tpu.memory_space<vmem>>, vector<10x10x10x128xf32>,
    %reshape3A = vector.shape_cast %add3A_36 : vector<512x128xf32> to vector<8x8x8x128xf32>
    %swap3A_43 = arith.constant 1 : index
    %swap3A_44 = arith.constant 1 : index
    %swap3A_45 = arith.constant 1 : index
    %swap3A_46 = arith.constant 0 : index
    %swap3A_47 = vector.load %arg6[%swap3A_43, %swap3A_44, %swap3A_45, %swap3A_46] : memref<10x10x10x128xf32, #tpu.memory_space<vmem>>, vector<8x8x8x128xf32>
    tpu.vector_store %arg6[%swap3A_43, %swap3A_44, %swap3A_45, %swap3A_46], %reshape3A {strides = array<i32>} : memref<10x10x10x128xf32, #tpu.memory_space<vmem>>, vector<8x8x8x128xf32>,
    %broadcast_in_dim3A_48 = arith.constant 0.000000e+00 : f32
    %broadcast_in_dim3A_49 = vector.broadcast %broadcast_in_dim3A_48 : f32 to vector<512x128xf32>
    %get3A_50 = arith.constant 0 : index
    %get3A_51 = arith.constant 0 : index
    %get3A_52 = arith.constant 0 : index
    %get3A_53 = arith.constant 0 : index
    %get3A_54 = vector.load %arg6[%get3A_50, %get3A_51, %get3A_52, %get3A_53] : memref<10x10x10x128xf32, #tpu.memory_space<vmem>>, vector<8x8x8x128xf32>
    %reshape3A_55 = vector.shape_cast %get3A_54 : vector<8x8x8x128xf32> to vector<512x128xf32>
    %get3A_56 = arith.constant 0 : index
    %get3A_57 = arith.constant 0 : index
    %get3A_58 = arith.constant 0 : index
    %get3A_59 = vector.load %arg2[%get3A_56, %get3A_57, %get3A_58] : memref<27x128x128xf32, #tpu.memory_space<vmem>>, vector<1x128x128xf32>
    %get3A_60 = vector.shape_cast %get3A_59 : vector<1x128x128xf32> to vector<128x128xf32>
    %dot_general3A = arith.constant dense<0.000000e+00> : vector<512x128xf32>
    %dot_general3A_61 = tpu.matmul %reshape3A_55, %get3A_60, %dot_general3A {dimension_numbers = #tpu.dot_dimension_numbers<[1], [0], [0], [1], [0, 0, 1, 1], [], []>, transpose_lhs_hint = false} : vector<512x128xf32>, vector<128x128xf32>, vector<512x128xf32> -> vector<512x128xf32>
    %add3A_62 = arith.addf %broadcast_in_dim3A_49, %dot_general3A_61 : vector<512x128xf32>
    %get3A_63 = arith.constant 0 : index
    %get3A_64 = arith.constant 0 : index
    %get3A_65 = arith.constant 1 : index
    %get3A_66 = arith.constant 0 : index
    %get3A_67 = vector.load %arg6[%get3A_63, %get3A_64, %get3A_65, %get3A_66] : memref<10x10x10x128xf32, #tpu.memory_space<vmem>>, vector<8x8x8x128xf32>
    %reshape3A_68 = vector.shape_cast %get3A_67 : vector<8x8x8x128xf32> to vector<512x128xf32>
    %get3A_69 = arith.constant 1 : index
    %get3A_70 = arith.constant 0 : index
    %get3A_71 = arith.constant 0 : index
    %get3A_72 = vector.load %arg2[%get3A_69, %get3A_70, %get3A_71] : memref<27x128x128xf32, #tpu.memory_space<vmem>>, vector<1x128x128xf32>
    %get3A_73 = vector.shape_cast %get3A_72 : vector<1x128x128xf32> to vector<128x128xf32>
    %dot_general3A_74 = arith.constant dense<0.000000e+00> : vector<512x128xf32>
    %dot_general3A_75 = tpu.matmul %reshape3A_68, %get3A_73, %dot_general3A_74 {dimension_numbers = #tpu.dot_dimension_numbers<[1], [0], [0], [1], [0, 0, 1, 1], [], []>, transpose_lhs_hint = false} : vector<512x128xf32>, vector<128x128xf32>, vector<512x128xf32> -> vector<512x128xf32>
    %add3A_76 = arith.addf %add3A_62, %dot_general3A_75 : vector<512x128xf32>
    %get3A_77 = arith.constant 0 : index
    %get3A_78 = arith.constant 0 : index
    %get3A_79 = arith.constant 2 : index
    %get3A_80 = arith.constant 0 : index
    %get3A_81 = vector.load %arg6[%get3A_77, %get3A_78, %get3A_79, %get3A_80] : memref<10x10x10x128xf32, #tpu.memory_space<vmem>>, vector<8x8x8x128xf32>
    %reshape3A_82 = vector.shape_cast %get3A_81 : vector<8x8x8x128xf32> to vector<512x128xf32>
    %get3A_83 = arith.constant 2 : index
    %get3A_84 = arith.constant 0 : index
    %get3A_85 = arith.constant 0 : index
    %get3A_86 = vector.load %arg2[%get3A_83, %get3A_84, %get3A_85] : memref<27x128x128xf32, #tpu.memory_space<vmem>>, vector<1x128x128xf32>
    %get3A_87 = vector.shape_cast %get3A_86 : vector<1x128x128xf32> to vector<128x128xf32>
    %dot_general3A_88 = arith.constant dense<0.000000e+00> : vector<512x128xf32>
    %dot_general3A_89 = tpu.matmul %reshape3A_82, %get3A_87, %dot_general3A_88 {dimension_numbers = #tpu.dot_dimension_numbers<[1], [0], [0], [1], [0, 0, 1, 1], [], []>, transpose_lhs_hint = false} : vector<512x128xf32>, vector<128x128xf32>, vector<512x128xf32> -> vector<512x128xf32>
    %add3A_90 = arith.addf %add3A_76, %dot_general3A_89 : vector<512x128xf32>
    %get3A_91 = arith.constant 0 : index
    %get3A_92 = arith.constant 1 : index
    %get3A_93 = arith.constant 0 : index
    %get3A_94 = arith.constant 0 : index
    %get3A_95 = vector.load %arg6[%get3A_91, %get3A_92, %get3A_93, %get3A_94] : memref<10x10x10x128xf32, #tpu.memory_space<vmem>>, vector<8x8x8x128xf32>
    %reshape3A_96 = vector.shape_cast %get3A_95 : vector<8x8x8x128xf32> to vector<512x128xf32>
    %get3A_97 = arith.constant 3 : index
    %get3A_98 = arith.constant 0 : index
    %get3A_99 = arith.constant 0 : index
    %get3A_100 = vector.load %arg2[%get3A_97, %get3A_98, %get3A_99] : memref<27x128x128xf32, #tpu.memory_space<vmem>>, vector<1x128x128xf32>
    %get3A_101 = vector.shape_cast %get3A_100 : vector<1x128x128xf32> to vector<128x128xf32>
    %dot_general3A_102 = arith.constant dense<0.000000e+00> : vector<512x128xf32>
    %dot_general3A_103 = tpu.matmul %reshape3A_96, %get3A_101, %dot_general3A_102 {dimension_numbers = #tpu.dot_dimension_numbers<[1], [0], [0], [1], [0, 0, 1, 1], [], []>, transpose_lhs_hint = false} : vector<512x128xf32>, vector<128x128xf32>, vector<512x128xf32> -> vector<512x128xf32>
    %add3A_104 = arith.addf %add3A_90, %dot_general3A_103 : vector<512x128xf32>
    %get3A_105 = arith.constant 0 : index
    %get3A_106 = arith.constant 1 : index
    %get3A_107 = arith.constant 1 : index
    %get3A_108 = arith.constant 0 : index
    %get3A_109 = vector.load %arg6[%get3A_105, %get3A_106, %get3A_107, %get3A_108] : memref<10x10x10x128xf32, #tpu.memory_space<vmem>>, vector<8x8x8x128xf32>
    %reshape3A_110 = vector.shape_cast %get3A_109 : vector<8x8x8x128xf32> to vector<512x128xf32>
    %get3A_111 = arith.constant 4 : index
    %get3A_112 = arith.constant 0 : index
    %get3A_113 = arith.constant 0 : index
    %get3A_114 = vector.load %arg2[%get3A_111, %get3A_112, %get3A_113] : memref<27x128x128xf32, #tpu.memory_space<vmem>>, vector<1x128x128xf32>
    %get3A_115 = vector.shape_cast %get3A_114 : vector<1x128x128xf32> to vector<128x128xf32>
    %dot_general3A_116 = arith.constant dense<0.000000e+00> : vector<512x128xf32>
    %dot_general3A_117 = tpu.matmul %reshape3A_110, %get3A_115, %dot_general3A_116 {dimension_numbers = #tpu.dot_dimension_numbers<[1], [0], [0], [1], [0, 0, 1, 1], [], []>, transpose_lhs_hint = false} : vector<512x128xf32>, vector<128x128xf32>, vector<512x128xf32> -> vector<512x128xf32>
    %add3A_118 = arith.addf %add3A_104, %dot_general3A_117 : vector<512x128xf32>
    %get3A_119 = arith.constant 0 : index
    %get3A_120 = arith.constant 1 : index
    %get3A_121 = arith.constant 2 : index
    %get3A_122 = arith.constant 0 : index
    %get3A_123 = vector.load %arg6[%get3A_119, %get3A_120, %get3A_121, %get3A_122] : memref<10x10x10x128xf32, #tpu.memory_space<vmem>>, vector<8x8x8x128xf32>
    %reshape3A_124 = vector.shape_cast %get3A_123 : vector<8x8x8x128xf32> to vector<512x128xf32>
    %get3A_125 = arith.constant 5 : index
    %get3A_126 = arith.constant 0 : index
    %get3A_127 = arith.constant 0 : index
    %get3A_128 = vector.load %arg2[%get3A_125, %get3A_126, %get3A_127] : memref<27x128x128xf32, #tpu.memory_space<vmem>>, vector<1x128x128xf32>
    %get3A_129 = vector.shape_cast %get3A_128 : vector<1x128x128xf32> to vector<128x128xf32>
    %dot_general3A_130 = arith.constant dense<0.000000e+00> : vector<512x128xf32>
    %dot_general3A_131 = tpu.matmul %reshape3A_124, %get3A_129, %dot_general3A_130 {dimension_numbers = #tpu.dot_dimension_numbers<[1], [0], [0], [1], [0, 0, 1, 1], [], []>, transpose_lhs_hint = false} : vector<512x128xf32>, vector<128x128xf32>, vector<512x128xf32> -> vector<512x128xf32>
    %add3A_132 = arith.addf %add3A_118, %dot_general3A_131 : vector<512x128xf32>
    %get3A_133 = arith.constant 0 : index
    %get3A_134 = arith.constant 2 : index
    %get3A_135 = arith.constant 0 : index
    %get3A_136 = arith.constant 0 : index
    %get3A_137 = vector.load %arg6[%get3A_133, %get3A_134, %get3A_135, %get3A_136] : memref<10x10x10x128xf32, #tpu.memory_space<vmem>>, vector<8x8x8x128xf32>
    %reshape3A_138 = vector.shape_cast %get3A_137 : vector<8x8x8x128xf32> to vector<512x128xf32>
    %get3A_139 = arith.constant 6 : index
    %get3A_140 = arith.constant 0 : index
    %get3A_141 = arith.constant 0 : index
    %get3A_142 = vector.load %arg2[%get3A_139, %get3A_140, %get3A_141] : memref<27x128x128xf32, #tpu.memory_space<vmem>>, vector<1x128x128xf32>
    %get3A_143 = vector.shape_cast %get3A_142 : vector<1x128x128xf32> to vector<128x128xf32>
    %dot_general3A_144 = arith.constant dense<0.000000e+00> : vector<512x128xf32>
    %dot_general3A_145 = tpu.matmul %reshape3A_138, %get3A_143, %dot_general3A_144 {dimension_numbers = #tpu.dot_dimension_numbers<[1], [0], [0], [1], [0, 0, 1, 1], [], []>, transpose_lhs_hint = false} : vector<512x128xf32>, vector<128x128xf32>, vector<512x128xf32> -> vector<512x128xf32>
    %add3A_146 = arith.addf %add3A_132, %dot_general3A_145 : vector<512x128xf32>
    %get3A_147 = arith.constant 0 : index
    %get3A_148 = arith.constant 2 : index
    %get3A_149 = arith.constant 1 : index
    %get3A_150 = arith.constant 0 : index
    %get3A_151 = vector.load %arg6[%get3A_147, %get3A_148, %get3A_149, %get3A_150] : memref<10x10x10x128xf32, #tpu.memory_space<vmem>>, vector<8x8x8x128xf32>
    %reshape3A_152 = vector.shape_cast %get3A_151 : vector<8x8x8x128xf32> to vector<512x128xf32>
    %get3A_153 = arith.constant 7 : index
    %get3A_154 = arith.constant 0 : index
    %get3A_155 = arith.constant 0 : index
    %get3A_156 = vector.load %arg2[%get3A_153, %get3A_154, %get3A_155] : memref<27x128x128xf32, #tpu.memory_space<vmem>>, vector<1x128x128xf32>
    %get3A_157 = vector.shape_cast %get3A_156 : vector<1x128x128xf32> to vector<128x128xf32>
    %dot_general3A_158 = arith.constant dense<0.000000e+00> : vector<512x128xf32>
    %dot_general3A_159 = tpu.matmul %reshape3A_152, %get3A_157, %dot_general3A_158 {dimension_numbers = #tpu.dot_dimension_numbers<[1], [0], [0], [1], [0, 0, 1, 1], [], []>, transpose_lhs_hint = false} : vector<512x128xf32>, vector<128x128xf32>, vector<512x128xf32> -> vector<512x128xf32>
    %add3A_160 = arith.addf %add3A_146, %dot_general3A_159 : vector<512x128xf32>
    %get3A_161 = arith.constant 0 : index
    %get3A_162 = arith.constant 2 : index
    %get3A_163 = arith.constant 2 : index
    %get3A_164 = arith.constant 0 : index
    %get3A_165 = vector.load %arg6[%get3A_161, %get3A_162, %get3A_163, %get3A_164] : memref<10x10x10x128xf32, #tpu.memory_space<vmem>>, vector<8x8x8x128xf32>
    %reshape3A_166 = vector.shape_cast %get3A_165 : vector<8x8x8x128xf32> to vector<512x128xf32>
    %get3A_167 = arith.constant 8 : index
    %get3A_168 = arith.constant 0 : index
    %get3A_169 = arith.constant 0 : index
    %get3A_170 = vector.load %arg2[%get3A_167, %get3A_168, %get3A_169] : memref<27x128x128xf32, #tpu.memory_space<vmem>>, vector<1x128x128xf32>
    %get3A_171 = vector.shape_cast %get3A_170 : vector<1x128x128xf32> to vector<128x128xf32>
    %dot_general3A_172 = arith.constant dense<0.000000e+00> : vector<512x128xf32>
    %dot_general3A_173 = tpu.matmul %reshape3A_166, %get3A_171, %dot_general3A_172 {dimension_numbers = #tpu.dot_dimension_numbers<[1], [0], [0], [1], [0, 0, 1, 1], [], []>, transpose_lhs_hint = false} : vector<512x128xf32>, vector<128x128xf32>, vector<512x128xf32> -> vector<512x128xf32>
    %add3A_174 = arith.addf %add3A_160, %dot_general3A_173 : vector<512x128xf32>
    %get3A_175 = arith.constant 1 : index
    %get3A_176 = arith.constant 0 : index
    %get3A_177 = arith.constant 0 : index
    %get3A_178 = arith.constant 0 : index
    %get3A_179 = vector.load %arg6[%get3A_175, %get3A_176, %get3A_177, %get3A_178] : memref<10x10x10x128xf32, #tpu.memory_space<vmem>>, vector<8x8x8x128xf32>
    %reshape3A_180 = vector.shape_cast %get3A_179 : vector<8x8x8x128xf32> to vector<512x128xf32>
    %get3A_181 = arith.constant 9 : index
    %get3A_182 = arith.constant 0 : index
    %get3A_183 = arith.constant 0 : index
    %get3A_184 = vector.load %arg2[%get3A_181, %get3A_182, %get3A_183] : memref<27x128x128xf32, #tpu.memory_space<vmem>>, vector<1x128x128xf32>
    %get3A_185 = vector.shape_cast %get3A_184 : vector<1x128x128xf32> to vector<128x128xf32>
    %dot_general3A_186 = arith.constant dense<0.000000e+00> : vector<512x128xf32>
    %dot_general3A_187 = tpu.matmul %reshape3A_180, %get3A_185, %dot_general3A_186 {dimension_numbers = #tpu.dot_dimension_numbers<[1], [0], [0], [1], [0, 0, 1, 1], [], []>, transpose_lhs_hint = false} : vector<512x128xf32>, vector<128x128xf32>, vector<512x128xf32> -> vector<512x128xf32>
    %add3A_188 = arith.addf %add3A_174, %dot_general3A_187 : vector<512x128xf32>
    %get3A_189 = arith.constant 1 : index
    %get3A_190 = arith.constant 0 : index
    %get3A_191 = arith.constant 1 : index
    %get3A_192 = arith.constant 0 : index
    %get3A_193 = vector.load %arg6[%get3A_189, %get3A_190, %get3A_191, %get3A_192] : memref<10x10x10x128xf32, #tpu.memory_space<vmem>>, vector<8x8x8x128xf32>
    %reshape3A_194 = vector.shape_cast %get3A_193 : vector<8x8x8x128xf32> to vector<512x128xf32>
    %get3A_195 = arith.constant 10 : index
    %get3A_196 = arith.constant 0 : index
    %get3A_197 = arith.constant 0 : index
    %get3A_198 = vector.load %arg2[%get3A_195, %get3A_196, %get3A_197] : memref<27x128x128xf32, #tpu.memory_space<vmem>>, vector<1x128x128xf32>
    %get3A_199 = vector.shape_cast %get3A_198 : vector<1x128x128xf32> to vector<128x128xf32>
    %dot_general3A_200 = arith.constant dense<0.000000e+00> : vector<512x128xf32>
    %dot_general3A_201 = tpu.matmul %reshape3A_194, %get3A_199, %dot_general3A_200 {dimension_numbers = #tpu.dot_dimension_numbers<[1], [0], [0], [1], [0, 0, 1, 1], [], []>, transpose_lhs_hint = false} : vector<512x128xf32>, vector<128x128xf32>, vector<512x128xf32> -> vector<512x128xf32>
    %add3A_202 = arith.addf %add3A_188, %dot_general3A_201 : vector<512x128xf32>
    %get3A_203 = arith.constant 1 : index
    %get3A_204 = arith.constant 0 : index
    %get3A_205 = arith.constant 2 : index
    %get3A_206 = arith.constant 0 : index
    %get3A_207 = vector.load %arg6[%get3A_203, %get3A_204, %get3A_205, %get3A_206] : memref<10x10x10x128xf32, #tpu.memory_space<vmem>>, vector<8x8x8x128xf32>
    %reshape3A_208 = vector.shape_cast %get3A_207 : vector<8x8x8x128xf32> to vector<512x128xf32>
    %get3A_209 = arith.constant 11 : index
    %get3A_210 = arith.constant 0 : index
    %get3A_211 = arith.constant 0 : index
    %get3A_212 = vector.load %arg2[%get3A_209, %get3A_210, %get3A_211] : memref<27x128x128xf32, #tpu.memory_space<vmem>>, vector<1x128x128xf32>
    %get3A_213 = vector.shape_cast %get3A_212 : vector<1x128x128xf32> to vector<128x128xf32>
    %dot_general3A_214 = arith.constant dense<0.000000e+00> : vector<512x128xf32>
    %dot_general3A_215 = tpu.matmul %reshape3A_208, %get3A_213, %dot_general3A_214 {dimension_numbers = #tpu.dot_dimension_numbers<[1], [0], [0], [1], [0, 0, 1, 1], [], []>, transpose_lhs_hint = false} : vector<512x128xf32>, vector<128x128xf32>, vector<512x128xf32> -> vector<512x128xf32>
    %add3A_216 = arith.addf %add3A_202, %dot_general3A_215 : vector<512x128xf32>
    %get3A_217 = arith.constant 1 : index
    %get3A_218 = arith.constant 1 : index
    %get3A_219 = arith.constant 0 : index
    %get3A_220 = arith.constant 0 : index
    %get3A_221 = vector.load %arg6[%get3A_217, %get3A_218, %get3A_219, %get3A_220] : memref<10x10x10x128xf32, #tpu.memory_space<vmem>>, vector<8x8x8x128xf32>
    %reshape3A_222 = vector.shape_cast %get3A_221 : vector<8x8x8x128xf32> to vector<512x128xf32>
    %get3A_223 = arith.constant 12 : index
    %get3A_224 = arith.constant 0 : index
    %get3A_225 = arith.constant 0 : index
    %get3A_226 = vector.load %arg2[%get3A_223, %get3A_224, %get3A_225] : memref<27x128x128xf32, #tpu.memory_space<vmem>>, vector<1x128x128xf32>
    %get3A_227 = vector.shape_cast %get3A_226 : vector<1x128x128xf32> to vector<128x128xf32>
    %dot_general3A_228 = arith.constant dense<0.000000e+00> : vector<512x128xf32>
    %dot_general3A_229 = tpu.matmul %reshape3A_222, %get3A_227, %dot_general3A_228 {dimension_numbers = #tpu.dot_dimension_numbers<[1], [0], [0], [1], [0, 0, 1, 1], [], []>, transpose_lhs_hint = false} : vector<512x128xf32>, vector<128x128xf32>, vector<512x128xf32> -> vector<512x128xf32>
    %add3A_230 = arith.addf %add3A_216, %dot_general3A_229 : vector<512x128xf32>
    %get3A_231 = arith.constant 1 : index
    %get3A_232 = arith.constant 1 : index
    %get3A_233 = arith.constant 1 : index
    %get3A_234 = arith.constant 0 : index
    %get3A_235 = vector.load %arg6[%get3A_231, %get3A_232, %get3A_233, %get3A_234] : memref<10x10x10x128xf32, #tpu.memory_space<vmem>>, vector<8x8x8x128xf32>
    %reshape3A_236 = vector.shape_cast %get3A_235 : vector<8x8x8x128xf32> to vector<512x128xf32>
    %get3A_237 = arith.constant 13 : index
    %get3A_238 = arith.constant 0 : index
    %get3A_239 = arith.constant 0 : index
    %get3A_240 = vector.load %arg2[%get3A_237, %get3A_238, %get3A_239] : memref<27x128x128xf32, #tpu.memory_space<vmem>>, vector<1x128x128xf32>
    %get3A_241 = vector.shape_cast %get3A_240 : vector<1x128x128xf32> to vector<128x128xf32>
    %dot_general3A_242 = arith.constant dense<0.000000e+00> : vector<512x128xf32>
    %dot_general3A_243 = tpu.matmul %reshape3A_236, %get3A_241, %dot_general3A_242 {dimension_numbers = #tpu.dot_dimension_numbers<[1], [0], [0], [1], [0, 0, 1, 1], [], []>, transpose_lhs_hint = false} : vector<512x128xf32>, vector<128x128xf32>, vector<512x128xf32> -> vector<512x128xf32>
    %add3A_244 = arith.addf %add3A_230, %dot_general3A_243 : vector<512x128xf32>
    %get3A_245 = arith.constant 1 : index
    %get3A_246 = arith.constant 1 : index
    %get3A_247 = arith.constant 2 : index
    %get3A_248 = arith.constant 0 : index
    %get3A_249 = vector.load %arg6[%get3A_245, %get3A_246, %get3A_247, %get3A_248] : memref<10x10x10x128xf32, #tpu.memory_space<vmem>>, vector<8x8x8x128xf32>
    %reshape3A_250 = vector.shape_cast %get3A_249 : vector<8x8x8x128xf32> to vector<512x128xf32>
    %get3A_251 = arith.constant 14 : index
    %get3A_252 = arith.constant 0 : index
    %get3A_253 = arith.constant 0 : index
    %get3A_254 = vector.load %arg2[%get3A_251, %get3A_252, %get3A_253] : memref<27x128x128xf32, #tpu.memory_space<vmem>>, vector<1x128x128xf32>
    %get3A_255 = vector.shape_cast %get3A_254 : vector<1x128x128xf32> to vector<128x128xf32>
    %dot_general3A_256 = arith.constant dense<0.000000e+00> : vector<512x128xf32>
    %dot_general3A_257 = tpu.matmul %reshape3A_250, %get3A_255, %dot_general3A_256 {dimension_numbers = #tpu.dot_dimension_numbers<[1], [0], [0], [1], [0, 0, 1, 1], [], []>, transpose_lhs_hint = false} : vector<512x128xf32>, vector<128x128xf32>, vector<512x128xf32> -> vector<512x128xf32>
    %add3A_258 = arith.addf %add3A_244, %dot_general3A_257 : vector<512x128xf32>
    %get3A_259 = arith.constant 1 : index
    %get3A_260 = arith.constant 2 : index
    %get3A_261 = arith.constant 0 : index
    %get3A_262 = arith.constant 0 : index
    %get3A_263 = vector.load %arg6[%get3A_259, %get3A_260, %get3A_261, %get3A_262] : memref<10x10x10x128xf32, #tpu.memory_space<vmem>>, vector<8x8x8x128xf32>
    %reshape3A_264 = vector.shape_cast %get3A_263 : vector<8x8x8x128xf32> to vector<512x128xf32>
    %get3A_265 = arith.constant 15 : index
    %get3A_266 = arith.constant 0 : index
    %get3A_267 = arith.constant 0 : index
    %get3A_268 = vector.load %arg2[%get3A_265, %get3A_266, %get3A_267] : memref<27x128x128xf32, #tpu.memory_space<vmem>>, vector<1x128x128xf32>
    %get3A_269 = vector.shape_cast %get3A_268 : vector<1x128x128xf32> to vector<128x128xf32>
    %dot_general3A_270 = arith.constant dense<0.000000e+00> : vector<512x128xf32>
    %dot_general3A_271 = tpu.matmul %reshape3A_264, %get3A_269, %dot_general3A_270 {dimension_numbers = #tpu.dot_dimension_numbers<[1], [0], [0], [1], [0, 0, 1, 1], [], []>, transpose_lhs_hint = false} : vector<512x128xf32>, vector<128x128xf32>, vector<512x128xf32> -> vector<512x128xf32>
    %add3A_272 = arith.addf %add3A_258, %dot_general3A_271 : vector<512x128xf32>
    %get3A_273 = arith.constant 1 : index
    %get3A_274 = arith.constant 2 : index
    %get3A_275 = arith.constant 1 : index
    %get3A_276 = arith.constant 0 : index
    %get3A_277 = vector.load %arg6[%get3A_273, %get3A_274, %get3A_275, %get3A_276] : memref<10x10x10x128xf32, #tpu.memory_space<vmem>>, vector<8x8x8x128xf32>
    %reshape3A_278 = vector.shape_cast %get3A_277 : vector<8x8x8x128xf32> to vector<512x128xf32>
    %get3A_279 = arith.constant 16 : index
    %get3A_280 = arith.constant 0 : index
    %get3A_281 = arith.constant 0 : index
    %get3A_282 = vector.load %arg2[%get3A_279, %get3A_280, %get3A_281] : memref<27x128x128xf32, #tpu.memory_space<vmem>>, vector<1x128x128xf32>
    %get3A_283 = vector.shape_cast %get3A_282 : vector<1x128x128xf32> to vector<128x128xf32>
    %dot_general3A_284 = arith.constant dense<0.000000e+00> : vector<512x128xf32>
    %dot_general3A_285 = tpu.matmul %reshape3A_278, %get3A_283, %dot_general3A_284 {dimension_numbers = #tpu.dot_dimension_numbers<[1], [0], [0], [1], [0, 0, 1, 1], [], []>, transpose_lhs_hint = false} : vector<512x128xf32>, vector<128x128xf32>, vector<512x128xf32> -> vector<512x128xf32>
    %add3A_286 = arith.addf %add3A_272, %dot_general3A_285 : vector<512x128xf32>
    %get3A_287 = arith.constant 1 : index
    %get3A_288 = arith.constant 2 : index
    %get3A_289 = arith.constant 2 : index
    %get3A_290 = arith.constant 0 : index
    %get3A_291 = vector.load %arg6[%get3A_287, %get3A_288, %get3A_289, %get3A_290] : memref<10x10x10x128xf32, #tpu.memory_space<vmem>>, vector<8x8x8x128xf32>
    %reshape3A_292 = vector.shape_cast %get3A_291 : vector<8x8x8x128xf32> to vector<512x128xf32>
    %get3A_293 = arith.constant 17 : index
    %get3A_294 = arith.constant 0 : index
    %get3A_295 = arith.constant 0 : index
    %get3A_296 = vector.load %arg2[%get3A_293, %get3A_294, %get3A_295] : memref<27x128x128xf32, #tpu.memory_space<vmem>>, vector<1x128x128xf32>
    %get3A_297 = vector.shape_cast %get3A_296 : vector<1x128x128xf32> to vector<128x128xf32>
    %dot_general3A_298 = arith.constant dense<0.000000e+00> : vector<512x128xf32>
    %dot_general3A_299 = tpu.matmul %reshape3A_292, %get3A_297, %dot_general3A_298 {dimension_numbers = #tpu.dot_dimension_numbers<[1], [0], [0], [1], [0, 0, 1, 1], [], []>, transpose_lhs_hint = false} : vector<512x128xf32>, vector<128x128xf32>, vector<512x128xf32> -> vector<512x128xf32>
    %add3A_300 = arith.addf %add3A_286, %dot_general3A_299 : vector<512x128xf32>
    %get3A_301 = arith.constant 2 : index
    %get3A_302 = arith.constant 0 : index
    %get3A_303 = arith.constant 0 : index
    %get3A_304 = arith.constant 0 : index
    %get3A_305 = vector.load %arg6[%get3A_301, %get3A_302, %get3A_303, %get3A_304] : memref<10x10x10x128xf32, #tpu.memory_space<vmem>>, vector<8x8x8x128xf32>
    %reshape3A_306 = vector.shape_cast %get3A_305 : vector<8x8x8x128xf32> to vector<512x128xf32>
    %get3A_307 = arith.constant 18 : index
    %get3A_308 = arith.constant 0 : index
    %get3A_309 = arith.constant 0 : index
    %get3A_310 = vector.load %arg2[%get3A_307, %get3A_308, %get3A_309] : memref<27x128x128xf32, #tpu.memory_space<vmem>>, vector<1x128x128xf32>
    %get3A_311 = vector.shape_cast %get3A_310 : vector<1x128x128xf32> to vector<128x128xf32>
    %dot_general3A_312 = arith.constant dense<0.000000e+00> : vector<512x128xf32>
    %dot_general3A_313 = tpu.matmul %reshape3A_306, %get3A_311, %dot_general3A_312 {dimension_numbers = #tpu.dot_dimension_numbers<[1], [0], [0], [1], [0, 0, 1, 1], [], []>, transpose_lhs_hint = false} : vector<512x128xf32>, vector<128x128xf32>, vector<512x128xf32> -> vector<512x128xf32>
    %add3A_314 = arith.addf %add3A_300, %dot_general3A_313 : vector<512x128xf32>
    %get3A_315 = arith.constant 2 : index
    %get3A_316 = arith.constant 0 : index
    %get3A_317 = arith.constant 1 : index
    %get3A_318 = arith.constant 0 : index
    %get3A_319 = vector.load %arg6[%get3A_315, %get3A_316, %get3A_317, %get3A_318] : memref<10x10x10x128xf32, #tpu.memory_space<vmem>>, vector<8x8x8x128xf32>
    %reshape3A_320 = vector.shape_cast %get3A_319 : vector<8x8x8x128xf32> to vector<512x128xf32>
    %get3A_321 = arith.constant 19 : index
    %get3A_322 = arith.constant 0 : index
    %get3A_323 = arith.constant 0 : index
    %get3A_324 = vector.load %arg2[%get3A_321, %get3A_322, %get3A_323] : memref<27x128x128xf32, #tpu.memory_space<vmem>>, vector<1x128x128xf32>
    %get3A_325 = vector.shape_cast %get3A_324 : vector<1x128x128xf32> to vector<128x128xf32>
    %dot_general3A_326 = arith.constant dense<0.000000e+00> : vector<512x128xf32>
    %dot_general3A_327 = tpu.matmul %reshape3A_320, %get3A_325, %dot_general3A_326 {dimension_numbers = #tpu.dot_dimension_numbers<[1], [0], [0], [1], [0, 0, 1, 1], [], []>, transpose_lhs_hint = false} : vector<512x128xf32>, vector<128x128xf32>, vector<512x128xf32> -> vector<512x128xf32>
    %add3A_328 = arith.addf %add3A_314, %dot_general3A_327 : vector<512x128xf32>
    %get3A_329 = arith.constant 2 : index
    %get3A_330 = arith.constant 0 : index
    %get3A_331 = arith.constant 2 : index
    %get3A_332 = arith.constant 0 : index
    %get3A_333 = vector.load %arg6[%get3A_329, %get3A_330, %get3A_331, %get3A_332] : memref<10x10x10x128xf32, #tpu.memory_space<vmem>>, vector<8x8x8x128xf32>
    %reshape3A_334 = vector.shape_cast %get3A_333 : vector<8x8x8x128xf32> to vector<512x128xf32>
    %get3A_335 = arith.constant 20 : index
    %get3A_336 = arith.constant 0 : index
    %get3A_337 = arith.constant 0 : index
    %get3A_338 = vector.load %arg2[%get3A_335, %get3A_336, %get3A_337] : memref<27x128x128xf32, #tpu.memory_space<vmem>>, vector<1x128x128xf32>
    %get3A_339 = vector.shape_cast %get3A_338 : vector<1x128x128xf32> to vector<128x128xf32>
    %dot_general3A_340 = arith.constant dense<0.000000e+00> : vector<512x128xf32>
    %dot_general3A_341 = tpu.matmul %reshape3A_334, %get3A_339, %dot_general3A_340 {dimension_numbers = #tpu.dot_dimension_numbers<[1], [0], [0], [1], [0, 0, 1, 1], [], []>, transpose_lhs_hint = false} : vector<512x128xf32>, vector<128x128xf32>, vector<512x128xf32> -> vector<512x128xf32>
    %add3A_342 = arith.addf %add3A_328, %dot_general3A_341 : vector<512x128xf32>
    %get3A_343 = arith.constant 2 : index
    %get3A_344 = arith.constant 1 : index
    %get3A_345 = arith.constant 0 : index
    %get3A_346 = arith.constant 0 : index
    %get3A_347 = vector.load %arg6[%get3A_343, %get3A_344, %get3A_345, %get3A_346] : memref<10x10x10x128xf32, #tpu.memory_space<vmem>>, vector<8x8x8x128xf32>
    %reshape3A_348 = vector.shape_cast %get3A_347 : vector<8x8x8x128xf32> to vector<512x128xf32>
    %get3A_349 = arith.constant 21 : index
    %get3A_350 = arith.constant 0 : index
    %get3A_351 = arith.constant 0 : index
    %get3A_352 = vector.load %arg2[%get3A_349, %get3A_350, %get3A_351] : memref<27x128x128xf32, #tpu.memory_space<vmem>>, vector<1x128x128xf32>
    %get3A_353 = vector.shape_cast %get3A_352 : vector<1x128x128xf32> to vector<128x128xf32>
    %dot_general3A_354 = arith.constant dense<0.000000e+00> : vector<512x128xf32>
    %dot_general3A_355 = tpu.matmul %reshape3A_348, %get3A_353, %dot_general3A_354 {dimension_numbers = #tpu.dot_dimension_numbers<[1], [0], [0], [1], [0, 0, 1, 1], [], []>, transpose_lhs_hint = false} : vector<512x128xf32>, vector<128x128xf32>, vector<512x128xf32> -> vector<512x128xf32>
    %add3A_356 = arith.addf %add3A_342, %dot_general3A_355 : vector<512x128xf32>
    %get3A_357 = arith.constant 2 : index
    %get3A_358 = arith.constant 1 : index
    %get3A_359 = arith.constant 1 : index
    %get3A_360 = arith.constant 0 : index
    %get3A_361 = vector.load %arg6[%get3A_357, %get3A_358, %get3A_359, %get3A_360] : memref<10x10x10x128xf32, #tpu.memory_space<vmem>>, vector<8x8x8x128xf32>
    %reshape3A_362 = vector.shape_cast %get3A_361 : vector<8x8x8x128xf32> to vector<512x128xf32>
    %get3A_363 = arith.constant 22 : index
    %get3A_364 = arith.constant 0 : index
    %get3A_365 = arith.constant 0 : index
    %get3A_366 = vector.load %arg2[%get3A_363, %get3A_364, %get3A_365] : memref<27x128x128xf32, #tpu.memory_space<vmem>>, vector<1x128x128xf32>
    %get3A_367 = vector.shape_cast %get3A_366 : vector<1x128x128xf32> to vector<128x128xf32>
    %dot_general3A_368 = arith.constant dense<0.000000e+00> : vector<512x128xf32>
    %dot_general3A_369 = tpu.matmul %reshape3A_362, %get3A_367, %dot_general3A_368 {dimension_numbers = #tpu.dot_dimension_numbers<[1], [0], [0], [1], [0, 0, 1, 1], [], []>, transpose_lhs_hint = false} : vector<512x128xf32>, vector<128x128xf32>, vector<512x128xf32> -> vector<512x128xf32>
    %add3A_370 = arith.addf %add3A_356, %dot_general3A_369 : vector<512x128xf32>
    %get3A_371 = arith.constant 2 : index
    %get3A_372 = arith.constant 1 : index
    %get3A_373 = arith.constant 2 : index
    %get3A_374 = arith.constant 0 : index
    %get3A_375 = vector.load %arg6[%get3A_371, %get3A_372, %get3A_373, %get3A_374] : memref<10x10x10x128xf32, #tpu.memory_space<vmem>>, vector<8x8x8x128xf32>
    %reshape3A_376 = vector.shape_cast %get3A_375 : vector<8x8x8x128xf32> to vector<512x128xf32>
    %get3A_377 = arith.constant 23 : index
    %get3A_378 = arith.constant 0 : index
    %get3A_379 = arith.constant 0 : index
    %get3A_380 = vector.load %arg2[%get3A_377, %get3A_378, %get3A_379] : memref<27x128x128xf32, #tpu.memory_space<vmem>>, vector<1x128x128xf32>
    %get3A_381 = vector.shape_cast %get3A_380 : vector<1x128x128xf32> to vector<128x128xf32>
    %dot_general3A_382 = arith.constant dense<0.000000e+00> : vector<512x128xf32>
    %dot_general3A_383 = tpu.matmul %reshape3A_376, %get3A_381, %dot_general3A_382 {dimension_numbers = #tpu.dot_dimension_numbers<[1], [0], [0], [1], [0, 0, 1, 1], [], []>, transpose_lhs_hint = false} : vector<512x128xf32>, vector<128x128xf32>, vector<512x128xf32> -> vector<512x128xf32>
    %add3A_384 = arith.addf %add3A_370, %dot_general3A_383 : vector<512x128xf32>
    %get3A_385 = arith.constant 2 : index
    %get3A_386 = arith.constant 2 : index
    %get3A_387 = arith.constant 0 : index
    %get3A_388 = arith.constant 0 : index
    %get3A_389 = vector.load %arg6[%get3A_385, %get3A_386, %get3A_387, %get3A_388] : memref<10x10x10x128xf32, #tpu.memory_space<vmem>>, vector<8x8x8x128xf32>
    %reshape3A_390 = vector.shape_cast %get3A_389 : vector<8x8x8x128xf32> to vector<512x128xf32>
    %get3A_391 = arith.constant 24 : index
    %get3A_392 = arith.constant 0 : index
    %get3A_393 = arith.constant 0 : index
    %get3A_394 = vector.load %arg2[%get3A_391, %get3A_392, %get3A_393] : memref<27x128x128xf32, #tpu.memory_space<vmem>>, vector<1x128x128xf32>
    %get3A_395 = vector.shape_cast %get3A_394 : vector<1x128x128xf32> to vector<128x128xf32>
    %dot_general3A_396 = arith.constant dense<0.000000e+00> : vector<512x128xf32>
    %dot_general3A_397 = tpu.matmul %reshape3A_390, %get3A_395, %dot_general3A_396 {dimension_numbers = #tpu.dot_dimension_numbers<[1], [0], [0], [1], [0, 0, 1, 1], [], []>, transpose_lhs_hint = false} : vector<512x128xf32>, vector<128x128xf32>, vector<512x128xf32> -> vector<512x128xf32>
    %add3A_398 = arith.addf %add3A_384, %dot_general3A_397 : vector<512x128xf32>
    %get3A_399 = arith.constant 2 : index
    %get3A_400 = arith.constant 2 : index
    %get3A_401 = arith.constant 1 : index
    %get3A_402 = arith.constant 0 : index
    %get3A_403 = vector.load %arg6[%get3A_399, %get3A_400, %get3A_401, %get3A_402] : memref<10x10x10x128xf32, #tpu.memory_space<vmem>>, vector<8x8x8x128xf32>
    %reshape3A_404 = vector.shape_cast %get3A_403 : vector<8x8x8x128xf32> to vector<512x128xf32>
    %get3A_405 = arith.constant 25 : index
    %get3A_406 = arith.constant 0 : index
    %get3A_407 = arith.constant 0 : index
    %get3A_408 = vector.load %arg2[%get3A_405, %get3A_406, %get3A_407] : memref<27x128x128xf32, #tpu.memory_space<vmem>>, vector<1x128x128xf32>
    %get3A_409 = vector.shape_cast %get3A_408 : vector<1x128x128xf32> to vector<128x128xf32>
    %dot_general3A_410 = arith.constant dense<0.000000e+00> : vector<512x128xf32>
    %dot_general3A_411 = tpu.matmul %reshape3A_404, %get3A_409, %dot_general3A_410 {dimension_numbers = #tpu.dot_dimension_numbers<[1], [0], [0], [1], [0, 0, 1, 1], [], []>, transpose_lhs_hint = false} : vector<512x128xf32>, vector<128x128xf32>, vector<512x128xf32> -> vector<512x128xf32>
    %add3A_412 = arith.addf %add3A_398, %dot_general3A_411 : vector<512x128xf32>
    %get3A_413 = arith.constant 2 : index
    %get3A_414 = arith.constant 2 : index
    %get3A_415 = arith.constant 2 : index
    %get3A_416 = arith.constant 0 : index
    %get3A_417 = vector.load %arg6[%get3A_413, %get3A_414, %get3A_415, %get3A_416] : memref<10x10x10x128xf32, #tpu.memory_space<vmem>>, vector<8x8x8x128xf32>
    %reshape3A_418 = vector.shape_cast %get3A_417 : vector<8x8x8x128xf32> to vector<512x128xf32>
    %get3A_419 = arith.constant 26 : index
    %get3A_420 = arith.constant 0 : index
    %get3A_421 = arith.constant 0 : index
    %get3A_422 = vector.load %arg2[%get3A_419, %get3A_420, %get3A_421] : memref<27x128x128xf32, #tpu.memory_space<vmem>>, vector<1x128x128xf32>
    %get3A_423 = vector.shape_cast %get3A_422 : vector<1x128x128xf32> to vector<128x128xf32>
    %dot_general3A_424 = arith.constant dense<0.000000e+00> : vector<512x128xf32>
    %dot_general3A_425 = tpu.matmul %reshape3A_418, %get3A_423, %dot_general3A_424 {dimension_numbers = #tpu.dot_dimension_numbers<[1], [0], [0], [1], [0, 0, 1, 1], [], []>, transpose_lhs_hint = false} : vector<512x128xf32>, vector<128x128xf32>, vector<512x128xf32> -> vector<512x128xf32>
    %add3A_426 = arith.addf %add3A_412, %dot_general3A_425 : vector<512x128xf32>
    %logistic3A = arith.negf %add3A_426 : vector<512x128xf32>
    %logistic3A_427 = math.exp %logistic3A : vector<512x128xf32>
    %logistic3A_428 = arith.constant 1.000000e+00 : f32
    %logistic3A_429 = vector.broadcast %logistic3A_428 : f32 to vector<512x128xf32>
    %logistic3A_430 = arith.addf %logistic3A_429, %logistic3A_427 : vector<512x128xf32>
    %logistic3A_431 = arith.divf %logistic3A_429, %logistic3A_430 : vector<512x128xf32>
    %mul3A_432 = arith.mulf %add3A_426, %logistic3A_431 : vector<512x128xf32>
    %swap3A_433 = arith.constant 0 : index
    %swap3A_434 = arith.constant 0 : index
    %swap3A_435 = vector.load %arg5[%swap3A_433, %swap3A_434] : memref<512x128xf32, #tpu.memory_space<vmem>>, vector<512x128xf32>
    tpu.vector_store %arg5[%swap3A_433, %swap3A_434], %mul3A_432 {strides = array<i32>} : memref<512x128xf32, #tpu.memory_space<vmem>>, vector<512x128xf32>,
    return
  }
  func.func @transform_0(%arg0: i32) -> (i32, i32) {
    %c0_i32 = arith.constant 0 : i32
    %c0_i32_0 = arith.constant 0 : i32
    return %arg0, %c0_i32 : i32, i32
  }
  func.func @transform_1(%arg0: i32) -> (i32, i32, i32) {
    %c0_i32 = arith.constant 0 : i32
    %c0_i32_0 = arith.constant 0 : i32
    %c0_i32_1 = arith.constant 0 : i32
    %c0_i32_2 = arith.constant 0 : i32
    return %c0_i32, %c0_i32_0, %c0_i32_1 : i32, i32, i32
  }
  func.func @transform_2(%arg0: i32) -> (i32, i32) {
    %c0_i32 = arith.constant 0 : i32
    %c0_i32_0 = arith.constant 0 : i32
    %c0_i32_1 = arith.constant 0 : i32
    return %c0_i32, %c0_i32_0 : i32, i32
  }
  func.func @transform_3(%arg0: i32) -> (i32, i32) {
    %c0_i32 = arith.constant 0 : i32
    %c0_i32_0 = arith.constant 0 : i32
    %c0_i32_1 = arith.constant 0 : i32
    return %c0_i32, %c0_i32_0 : i32, i32
  }
  func.func @transform_4(%arg0: i32) -> (i32, i32) {
    %c0_i32 = arith.constant 0 : i32
    %c0_i32_0 = arith.constant 0 : i32
    return %arg0, %c0_i32 : i32, i32
  }
}

module attributes {stable_mosaic.version = 14 : i64} {
  func.func @_k2b_body(%arg0: i32, %arg1: memref<2000x8xf32, #tpu.memory_space<vmem>>, %arg2: memref<2000x8xf32, #tpu.memory_space<vmem>>, %arg3: memref<8x128xf32, #tpu.memory_space<vmem>>, %arg4: memref<8x128xf32, #tpu.memory_space<vmem>>, %arg5: memref<2000x128xf32, #tpu.memory_space<vmem>>, %arg6: memref<2000x128xf32, #tpu.memory_space<vmem>>) attributes {dimension_semantics = [#tpu.dimension_semantics<arbitrary>], iteration_bounds = array<i64: 40>, scalar_prefetch = 0 : i64, scratch_operands = 0 : i64, tpu.core_type = #tpu.core_type<tc>, window_params = [{transform_indices = @transform_0, window_bounds = array<i64: 2000, 8>}, {transform_indices = @transform_1, window_bounds = array<i64: 2000, 8>}, {pipeline_mode = #tpu.pipeline_mode<synchronous>, transform_indices = @transform_2, window_bounds = array<i64: 8, 128>}, {pipeline_mode = #tpu.pipeline_mode<synchronous>, transform_indices = @transform_3, window_bounds = array<i64: 8, 128>}, {transform_indices = @transform_4, window_bounds = array<i64: 2000, 128>}, {transform_indices = @transform_5, window_bounds = array<i64: 2000, 128>}]} {
    %get3A = arith.constant 0 : index
    %get3A_0 = arith.constant 0 : index
    %get3A_1 = vector.load %arg1[%get3A, %get3A_0] : memref<2000x8xf32, #tpu.memory_space<vmem>>, vector<2000x8xf32>
    %get3A_2 = arith.constant 0 : index
    %get3A_3 = arith.constant 0 : index
    %get3A_4 = vector.load %arg3[%get3A_2, %get3A_3] : memref<8x128xf32, #tpu.memory_space<vmem>>, vector<8x128xf32>
    %dot_general3A = arith.constant dense<0.000000e+00> : vector<2000x128xf32>
    %dot_general3A_5 = tpu.matmul %get3A_1, %get3A_4, %dot_general3A {dimension_numbers = #tpu.dot_dimension_numbers<[1], [0], [0], [1], [0, 0, 1, 1], [], []>, transpose_lhs_hint = false} : vector<2000x8xf32>, vector<8x128xf32>, vector<2000x128xf32> -> vector<2000x128xf32>
    %swap3A = arith.constant 0 : index
    %swap3A_6 = arith.constant 0 : index
    %swap3A_7 = vector.load %arg5[%swap3A, %swap3A_6] : memref<2000x128xf32, #tpu.memory_space<vmem>>, vector<2000x128xf32>
    tpu.vector_store %arg5[%swap3A, %swap3A_6], %dot_general3A_5 {strides = array<i32>} : memref<2000x128xf32, #tpu.memory_space<vmem>>, vector<2000x128xf32>,
    %get3A_8 = arith.constant 0 : index
    %get3A_9 = arith.constant 0 : index
    %get3A_10 = vector.load %arg2[%get3A_8, %get3A_9] : memref<2000x8xf32, #tpu.memory_space<vmem>>, vector<2000x8xf32>
    %get3A_11 = arith.constant 0 : index
    %get3A_12 = arith.constant 0 : index
    %get3A_13 = vector.load %arg4[%get3A_11, %get3A_12] : memref<8x128xf32, #tpu.memory_space<vmem>>, vector<8x128xf32>
    %dot_general3A_14 = arith.constant dense<0.000000e+00> : vector<2000x128xf32>
    %dot_general3A_15 = tpu.matmul %get3A_10, %get3A_13, %dot_general3A_14 {dimension_numbers = #tpu.dot_dimension_numbers<[1], [0], [0], [1], [0, 0, 1, 1], [], []>, transpose_lhs_hint = false} : vector<2000x8xf32>, vector<8x128xf32>, vector<2000x128xf32> -> vector<2000x128xf32>
    %swap3A_16 = arith.constant 0 : index
    %swap3A_17 = arith.constant 0 : index
    %swap3A_18 = vector.load %arg6[%swap3A_16, %swap3A_17] : memref<2000x128xf32, #tpu.memory_space<vmem>>, vector<2000x128xf32>
    tpu.vector_store %arg6[%swap3A_16, %swap3A_17], %dot_general3A_15 {strides = array<i32>} : memref<2000x128xf32, #tpu.memory_space<vmem>>, vector<2000x128xf32>,
    return
  }
  func.func @transform_0(%arg0: i32) -> (i32, i32) {
    %c0_i32 = arith.constant 0 : i32
    %c0_i32_0 = arith.constant 0 : i32
    return %arg0, %c0_i32 : i32, i32
  }
  func.func @transform_1(%arg0: i32) -> (i32, i32) {
    %c0_i32 = arith.constant 0 : i32
    %c0_i32_0 = arith.constant 0 : i32
    return %arg0, %c0_i32 : i32, i32
  }
  func.func @transform_2(%arg0: i32) -> (i32, i32) {
    %c0_i32 = arith.constant 0 : i32
    %c0_i32_0 = arith.constant 0 : i32
    %c0_i32_1 = arith.constant 0 : i32
    return %c0_i32, %c0_i32_0 : i32, i32
  }
  func.func @transform_3(%arg0: i32) -> (i32, i32) {
    %c0_i32 = arith.constant 0 : i32
    %c0_i32_0 = arith.constant 0 : i32
    %c0_i32_1 = arith.constant 0 : i32
    return %c0_i32, %c0_i32_0 : i32, i32
  }
  func.func @transform_4(%arg0: i32) -> (i32, i32) {
    %c0_i32 = arith.constant 0 : i32
    %c0_i32_0 = arith.constant 0 : i32
    return %arg0, %c0_i32 : i32, i32
  }
  func.func @transform_5(%arg0: i32) -> (i32, i32) {
    %c0_i32 = arith.constant 0 : i32
    %c0_i32_0 = arith.constant 0 : i32
    return %arg0, %c0_i32 : i32, i32
  }
}

module attributes {stable_mosaic.version = 14 : i64} {
  func.func @_k7_body(%arg0: i32, %arg1: memref<1000x128xf32, #tpu.memory_space<vmem>>, %arg2: memref<128x128xf32, #tpu.memory_space<vmem>>, %arg3: memref<1x128xf32, #tpu.memory_space<vmem>>, %arg4: memref<1000x128xf32, #tpu.memory_space<vmem>>) attributes {dimension_semantics = [#tpu.dimension_semantics<arbitrary>], iteration_bounds = array<i64: 10>, scalar_prefetch = 0 : i64, scratch_operands = 0 : i64, tpu.core_type = #tpu.core_type<tc>, window_params = [{transform_indices = @transform_0, window_bounds = array<i64: 1000, 128>}, {pipeline_mode = #tpu.pipeline_mode<synchronous>, transform_indices = @transform_1, window_bounds = array<i64: 128, 128>}, {pipeline_mode = #tpu.pipeline_mode<synchronous>, transform_indices = @transform_2, window_bounds = array<i64: 1, 128>}, {transform_indices = @transform_3, window_bounds = array<i64: 1000, 128>}]} {
    %get3A = arith.constant 0 : index
    %get3A_0 = arith.constant 0 : index
    %get3A_1 = vector.load %arg1[%get3A, %get3A_0] : memref<1000x128xf32, #tpu.memory_space<vmem>>, vector<1000x128xf32>
    %get3A_2 = arith.constant 0 : index
    %get3A_3 = arith.constant 0 : index
    %get3A_4 = vector.load %arg2[%get3A_2, %get3A_3] : memref<128x128xf32, #tpu.memory_space<vmem>>, vector<128x128xf32>
    %dot_general3A = arith.constant dense<0.000000e+00> : vector<1000x128xf32>
    %dot_general3A_5 = tpu.matmul %get3A_1, %get3A_4, %dot_general3A {dimension_numbers = #tpu.dot_dimension_numbers<[1], [0], [0], [1], [0, 0, 1, 1], [], []>, transpose_lhs_hint = false} : vector<1000x128xf32>, vector<128x128xf32>, vector<1000x128xf32> -> vector<1000x128xf32>
    %get3A_6 = arith.constant 0 : index
    %get3A_7 = arith.constant 0 : index
    %get3A_8 = vector.load %arg3[%get3A_6, %get3A_7] : memref<1x128xf32, #tpu.memory_space<vmem>>, vector<1x128xf32>
    %add3A = vector.broadcast %get3A_8 : vector<1x128xf32> to vector<1000x128xf32>
    %add3A_9 = arith.addf %dot_general3A_5, %add3A : vector<1000x128xf32>
    %logistic3A = arith.negf %add3A_9 : vector<1000x128xf32>
    %logistic3A_10 = math.exp %logistic3A : vector<1000x128xf32>
    %logistic3A_11 = arith.constant 1.000000e+00 : f32
    %logistic3A_12 = vector.broadcast %logistic3A_11 : f32 to vector<1000x128xf32>
    %logistic3A_13 = arith.addf %logistic3A_12, %logistic3A_10 : vector<1000x128xf32>
    %logistic3A_14 = arith.divf %logistic3A_12, %logistic3A_13 : vector<1000x128xf32>
    %mul3A = arith.mulf %add3A_9, %logistic3A_14 : vector<1000x128xf32>
    %swap3A = arith.constant 0 : index
    %swap3A_15 = arith.constant 0 : index
    %swap3A_16 = vector.load %arg4[%swap3A, %swap3A_15] : memref<1000x128xf32, #tpu.memory_space<vmem>>, vector<1000x128xf32>
    tpu.vector_store %arg4[%swap3A, %swap3A_15], %mul3A {strides = array<i32>} : memref<1000x128xf32, #tpu.memory_space<vmem>>, vector<1000x128xf32>,
    return
  }
  func.func @transform_0(%arg0: i32) -> (i32, i32) {
    %c0_i32 = arith.constant 0 : i32
    %c0_i32_0 = arith.constant 0 : i32
    return %arg0, %c0_i32 : i32, i32
  }
  func.func @transform_1(%arg0: i32) -> (i32, i32) {
    %c0_i32 = arith.constant 0 : i32
    %c0_i32_0 = arith.constant 0 : i32
    %c0_i32_1 = arith.constant 0 : i32
    return %c0_i32, %c0_i32_0 : i32, i32
  }
  func.func @transform_2(%arg0: i32) -> (i32, i32) {
    %c0_i32 = arith.constant 0 : i32
    %c0_i32_0 = arith.constant 0 : i32
    %c0_i32_1 = arith.constant 0 : i32
    return %c0_i32, %c0_i32_0 : i32, i32
  }
  func.func @transform_3(%arg0: i32) -> (i32, i32) {
    %c0_i32 = arith.constant 0 : i32
    %c0_i32_0 = arith.constant 0 : i32
    return %arg0, %c0_i32 : i32, i32
  }
}

module attributes {stable_mosaic.version = 14 : i64} {
  func.func @_k8_body(%arg0: i32, %arg1: memref<1000x128xf32, #tpu.memory_space<vmem>>, %arg2: memref<1000x128xf32, #tpu.memory_space<vmem>>, %arg3: memref<1000x128xf32, #tpu.memory_space<vmem>>, %arg4: memref<1000x128xf32, #tpu.memory_space<vmem>>, %arg5: memref<128x128xf32, #tpu.memory_space<vmem>>, %arg6: memref<128x128xf32, #tpu.memory_space<vmem>>, %arg7: memref<1x128xf32, #tpu.memory_space<vmem>>, %arg8: memref<1x128xf32, #tpu.memory_space<vmem>>, %arg9: memref<1x128xf32, #tpu.memory_space<vmem>>, %arg10: memref<1000x128xf32, #tpu.memory_space<vmem>>) attributes {dimension_semantics = [#tpu.dimension_semantics<arbitrary>], iteration_bounds = array<i64: 160>, scalar_prefetch = 0 : i64, scratch_operands = 0 : i64, tpu.core_type = #tpu.core_type<tc>, window_params = [{transform_indices = @transform_0, window_bounds = array<i64: 1000, 128>}, {transform_indices = @transform_1, window_bounds = array<i64: 1000, 128>}, {transform_indices = @transform_2, window_bounds = array<i64: 1000, 128>}, {transform_indices = @transform_3, window_bounds = array<i64: 1000, 128>}, {pipeline_mode = #tpu.pipeline_mode<synchronous>, transform_indices = @transform_4, window_bounds = array<i64: 128, 128>}, {pipeline_mode = #tpu.pipeline_mode<synchronous>, transform_indices = @transform_5, window_bounds = array<i64: 128, 128>}, {pipeline_mode = #tpu.pipeline_mode<synchronous>, transform_indices = @transform_6, window_bounds = array<i64: 1, 128>}, {pipeline_mode = #tpu.pipeline_mode<synchronous>, transform_indices = @transform_7, window_bounds = array<i64: 1, 128>}, {pipeline_mode = #tpu.pipeline_mode<synchronous>, transform_indices = @transform_8, window_bounds = array<i64: 1, 128>}, {transform_indices = @transform_9, window_bounds = array<i64: 1000, 128>}]} {
    %get3A = arith.constant 0 : index
    %get3A_0 = arith.constant 0 : index
    %get3A_1 = vector.load %arg1[%get3A, %get3A_0] : memref<1000x128xf32, #tpu.memory_space<vmem>>, vector<1000x128xf32>
    %get3A_2 = arith.constant 0 : index
    %get3A_3 = arith.constant 0 : index
    %get3A_4 = vector.load %arg5[%get3A_2, %get3A_3] : memref<128x128xf32, #tpu.memory_space<vmem>>, vector<128x128xf32>
    %dot_general3A = arith.constant dense<0.000000e+00> : vector<1000x128xf32>
    %dot_general3A_5 = tpu.matmul %get3A_1, %get3A_4, %dot_general3A {dimension_numbers = #tpu.dot_dimension_numbers<[1], [0], [0], [1], [0, 0, 1, 1], [], []>, transpose_lhs_hint = false} : vector<1000x128xf32>, vector<128x128xf32>, vector<1000x128xf32> -> vector<1000x128xf32>
    %get3A_6 = arith.constant 0 : index
    %get3A_7 = arith.constant 0 : index
    %get3A_8 = vector.load %arg2[%get3A_6, %get3A_7] : memref<1000x128xf32, #tpu.memory_space<vmem>>, vector<1000x128xf32>
    %get3A_9 = arith.constant 0 : index
    %get3A_10 = arith.constant 0 : index
    %get3A_11 = vector.load %arg6[%get3A_9, %get3A_10] : memref<128x128xf32, #tpu.memory_space<vmem>>, vector<128x128xf32>
    %dot_general3A_12 = arith.constant dense<0.000000e+00> : vector<1000x128xf32>
    %dot_general3A_13 = tpu.matmul %get3A_8, %get3A_11, %dot_general3A_12 {dimension_numbers = #tpu.dot_dimension_numbers<[1], [0], [0], [1], [0, 0, 1, 1], [], []>, transpose_lhs_hint = false} : vector<1000x128xf32>, vector<128x128xf32>, vector<1000x128xf32> -> vector<1000x128xf32>
    %add3A = arith.addf %dot_general3A_5, %dot_general3A_13 : vector<1000x128xf32>
    %get3A_14 = arith.constant 0 : index
    %get3A_15 = arith.constant 0 : index
    %get3A_16 = vector.load %arg7[%get3A_14, %get3A_15] : memref<1x128xf32, #tpu.memory_space<vmem>>, vector<1x128xf32>
    %add3A_17 = vector.broadcast %get3A_16 : vector<1x128xf32> to vector<1000x128xf32>
    %add3A_18 = arith.addf %add3A, %add3A_17 : vector<1000x128xf32>
    %logistic3A = arith.negf %add3A_18 : vector<1000x128xf32>
    %logistic3A_19 = math.exp %logistic3A : vector<1000x128xf32>
    %logistic3A_20 = arith.constant 1.000000e+00 : f32
    %logistic3A_21 = vector.broadcast %logistic3A_20 : f32 to vector<1000x128xf32>
    %logistic3A_22 = arith.addf %logistic3A_21, %logistic3A_19 : vector<1000x128xf32>
    %logistic3A_23 = arith.divf %logistic3A_21, %logistic3A_22 : vector<1000x128xf32>
    %mul3A = arith.mulf %add3A_18, %logistic3A_23 : vector<1000x128xf32>
    %get3A_24 = arith.constant 0 : index
    %get3A_25 = arith.constant 0 : index
    %get3A_26 = vector.load %arg8[%get3A_24, %get3A_25] : memref<1x128xf32, #tpu.memory_space<vmem>>, vector<1x128xf32>
    %get3A_27 = arith.constant 0 : index
    %get3A_28 = arith.constant 0 : index
    %get3A_29 = vector.load %arg9[%get3A_27, %get3A_28] : memref<1x128xf32, #tpu.memory_space<vmem>>, vector<1x128xf32>
    %reduce_sum3A = arith.constant dense<0.000000e+00> : vector<1000xf32>
    %reduce_sum3A_30 = vector.multi_reduction <add>, %mul3A, %reduce_sum3A [1] : vector<1000x128xf32> to vector<1000xf32>
    %broadcast_in_dim3A = vector.shape_cast %reduce_sum3A_30 : vector<1000xf32> to vector<1000x1xf32>
    %div3A = arith.constant 1.280000e+02 : f32
    %div3A_31 = vector.broadcast %div3A : f32 to vector<1000x1xf32>
    %div3A_32 = arith.divf %broadcast_in_dim3A, %div3A_31 : vector<1000x1xf32>
    %jit3A = arith.constant 0 : i32
    %reduce_sum3A_33 = arith.constant dense<0.000000e+00> : vector<1000xf32>
    %reduce_sum3A_34 = vector.multi_reduction <add>, %mul3A, %reduce_sum3A_33 [1] : vector<1000x128xf32> to vector<1000xf32>
    %broadcast_in_dim3A_35 = vector.shape_cast %reduce_sum3A_34 : vector<1000xf32> to vector<1000x1xf32>
    %div3A_36 = arith.constant 1.280000e+02 : f32
    %div3A_37 = vector.broadcast %div3A_36 : f32 to vector<1000x1xf32>
    %div3A_38 = arith.divf %broadcast_in_dim3A_35, %div3A_37 : vector<1000x1xf32>
    %sub3A = vector.broadcast %div3A_38 : vector<1000x1xf32> to vector<1000x128xf32>
    %sub3A_39 = arith.subf %mul3A, %sub3A : vector<1000x128xf32>
    %square3A = arith.mulf %sub3A_39, %sub3A_39 : vector<1000x128xf32>
    %convert_element_type3A = arith.sitofp %jit3A : i32 to f32
    %sub3A_40 = arith.constant 1.280000e+02 : f32
    %sub3A_41 = arith.subf %sub3A_40, %convert_element_type3A : f32
    %reduce_sum3A_42 = arith.constant dense<0.000000e+00> : vector<1000xf32>
    %reduce_sum3A_43 = vector.multi_reduction <add>, %square3A, %reduce_sum3A_42 [1] : vector<1000x128xf32> to vector<1000xf32>
    %broadcast_in_dim3A_44 = vector.shape_cast %reduce_sum3A_43 : vector<1000xf32> to vector<1000x1xf32>
    %div3A_45 = vector.broadcast %sub3A_41 : f32 to vector<1000x1xf32>
    %div3A_46 = arith.divf %broadcast_in_dim3A_44, %div3A_45 : vector<1000x1xf32>
    %gt3A = arith.constant 0.000000e+00 : f32
    %gt3A_47 = arith.cmpf ogt, %sub3A_41, %gt3A : f32
    %jit3A_48 = arith.constant 0x7FC00000 : f32
    %broadcast_in_dim3A_49 = vector.broadcast %jit3A_48 : f32 to vector<1000x1xf32>
    %select_n3A = arith.select %gt3A_47, %div3A_46, %broadcast_in_dim3A_49 : vector<1000x1xf32>
    %sub3A_50 = vector.broadcast %div3A_32 : vector<1000x1xf32> to vector<1000x128xf32>
    %sub3A_51 = arith.subf %mul3A, %sub3A_50 : vector<1000x128xf32>
    %add3A_52 = arith.constant 9.99999974E-6 : f32
    %add3A_53 = vector.broadcast %add3A_52 : f32 to vector<1000x1xf32>
    %add3A_54 = arith.addf %select_n3A, %add3A_53 : vector<1000x1xf32>
    %rsqrt3A = math.rsqrt %add3A_54 : vector<1000x1xf32>
    %mul3A_55 = vector.broadcast %rsqrt3A : vector<1000x1xf32> to vector<1000x128xf32>
    %mul3A_56 = arith.mulf %sub3A_51, %mul3A_55 : vector<1000x128xf32>
    %mul3A_57 = vector.broadcast %get3A_26 : vector<1x128xf32> to vector<1000x128xf32>
    %mul3A_58 = arith.mulf %mul3A_56, %mul3A_57 : vector<1000x128xf32>
    %add3A_59 = vector.broadcast %get3A_29 : vector<1x128xf32> to vector<1000x128xf32>
    %add3A_60 = arith.addf %mul3A_58, %add3A_59 : vector<1000x128xf32>
    %get3A_61 = arith.constant 0 : index
    %get3A_62 = arith.constant 0 : index
    %get3A_63 = vector.load %arg3[%get3A_61, %get3A_62] : memref<1000x128xf32, #tpu.memory_space<vmem>>, vector<1000x128xf32>
    %get3A_64 = arith.constant 0 : index
    %get3A_65 = arith.constant 0 : index
    %get3A_66 = vector.load %arg4[%get3A_64, %get3A_65] : memref<1000x128xf32, #tpu.memory_space<vmem>>, vector<1000x128xf32>
    %add3A_67 = arith.addf %get3A_63, %get3A_66 : vector<1000x128xf32>
    %add3A_68 = arith.addf %add3A_67, %add3A_60 : vector<1000x128xf32>
    %swap3A = arith.constant 0 : index
    %swap3A_69 = arith.constant 0 : index
    %swap3A_70 = vector.load %arg10[%swap3A, %swap3A_69] : memref<1000x128xf32, #tpu.memory_space<vmem>>, vector<1000x128xf32>
    tpu.vector_store %arg10[%swap3A, %swap3A_69], %add3A_68 {strides = array<i32>} : memref<1000x128xf32, #tpu.memory_space<vmem>>, vector<1000x128xf32>,
    return
  }
  func.func @transform_0(%arg0: i32) -> (i32, i32) {
    %c0_i32 = arith.constant 0 : i32
    %c0_i32_0 = arith.constant 0 : i32
    return %arg0, %c0_i32 : i32, i32
  }
  func.func @transform_1(%arg0: i32) -> (i32, i32) {
    %c0_i32 = arith.constant 0 : i32
    %c0_i32_0 = arith.constant 0 : i32
    return %arg0, %c0_i32 : i32, i32
  }
  func.func @transform_2(%arg0: i32) -> (i32, i32) {
    %c0_i32 = arith.constant 0 : i32
    %c0_i32_0 = arith.constant 0 : i32
    return %arg0, %c0_i32 : i32, i32
  }
  func.func @transform_3(%arg0: i32) -> (i32, i32) {
    %c0_i32 = arith.constant 0 : i32
    %c0_i32_0 = arith.constant 0 : i32
    return %arg0, %c0_i32 : i32, i32
  }
  func.func @transform_4(%arg0: i32) -> (i32, i32) {
    %c0_i32 = arith.constant 0 : i32
    %c0_i32_0 = arith.constant 0 : i32
    %c0_i32_1 = arith.constant 0 : i32
    return %c0_i32, %c0_i32_0 : i32, i32
  }
  func.func @transform_5(%arg0: i32) -> (i32, i32) {
    %c0_i32 = arith.constant 0 : i32
    %c0_i32_0 = arith.constant 0 : i32
    %c0_i32_1 = arith.constant 0 : i32
    return %c0_i32, %c0_i32_0 : i32, i32
  }
  func.func @transform_6(%arg0: i32) -> (i32, i32) {
    %c0_i32 = arith.constant 0 : i32
    %c0_i32_0 = arith.constant 0 : i32
    %c0_i32_1 = arith.constant 0 : i32
    return %c0_i32, %c0_i32_0 : i32, i32
  }
  func.func @transform_7(%arg0: i32) -> (i32, i32) {
    %c0_i32 = arith.constant 0 : i32
    %c0_i32_0 = arith.constant 0 : i32
    %c0_i32_1 = arith.constant 0 : i32
    return %c0_i32, %c0_i32_0 : i32, i32
  }
  func.func @transform_8(%arg0: i32) -> (i32, i32) {
    %c0_i32 = arith.constant 0 : i32
    %c0_i32_0 = arith.constant 0 : i32
    %c0_i32_1 = arith.constant 0 : i32
    return %c0_i32, %c0_i32_0 : i32, i32
  }
  func.func @transform_9(%arg0: i32) -> (i32, i32) {
    %c0_i32 = arith.constant 0 : i32
    %c0_i32_0 = arith.constant 0 : i32
    return %arg0, %c0_i32 : i32, i32
  }
}

module attributes {stable_mosaic.version = 14 : i64} {
  func.func @_k6_body(%arg0: i32, %arg1: memref<2048x128xf32, #tpu.memory_space<vmem>>, %arg2: memref<2048x128xf32, #tpu.memory_space<vmem>>, %arg3: memref<2048x128xf32, #tpu.memory_space<vmem>>, %arg4: memref<128x128xf32, #tpu.memory_space<vmem>>, %arg5: memref<1x128xf32, #tpu.memory_space<vmem>>, %arg6: memref<1x128xf32, #tpu.memory_space<vmem>>, %arg7: memref<1x128xf32, #tpu.memory_space<vmem>>, %arg8: memref<2048x128xf32, #tpu.memory_space<vmem>>) attributes {dimension_semantics = [#tpu.dimension_semantics<arbitrary>], iteration_bounds = array<i64: 8>, scalar_prefetch = 0 : i64, scratch_operands = 0 : i64, tpu.core_type = #tpu.core_type<tc>, window_params = [{transform_indices = @transform_0, window_bounds = array<i64: 2048, 128>}, {transform_indices = @transform_1, window_bounds = array<i64: 2048, 128>}, {transform_indices = @transform_2, window_bounds = array<i64: 2048, 128>}, {pipeline_mode = #tpu.pipeline_mode<synchronous>, transform_indices = @transform_3, window_bounds = array<i64: 128, 128>}, {pipeline_mode = #tpu.pipeline_mode<synchronous>, transform_indices = @transform_4, window_bounds = array<i64: 1, 128>}, {pipeline_mode = #tpu.pipeline_mode<synchronous>, transform_indices = @transform_5, window_bounds = array<i64: 1, 128>}, {pipeline_mode = #tpu.pipeline_mode<synchronous>, transform_indices = @transform_6, window_bounds = array<i64: 1, 128>}, {transform_indices = @transform_7, window_bounds = array<i64: 2048, 128>}]} {
    %get3A = arith.constant 0 : index
    %get3A_0 = arith.constant 0 : index
    %get3A_1 = vector.load %arg1[%get3A, %get3A_0] : memref<2048x128xf32, #tpu.memory_space<vmem>>, vector<2048x128xf32>
    %get3A_2 = arith.constant 0 : index
    %get3A_3 = arith.constant 0 : index
    %get3A_4 = vector.load %arg4[%get3A_2, %get3A_3] : memref<128x128xf32, #tpu.memory_space<vmem>>, vector<128x128xf32>
    %dot_general3A = arith.constant dense<0.000000e+00> : vector<2048x128xf32>
    %dot_general3A_5 = tpu.matmul %get3A_1, %get3A_4, %dot_general3A {dimension_numbers = #tpu.dot_dimension_numbers<[1], [0], [0], [1], [0, 0, 1, 1], [], []>, transpose_lhs_hint = false} : vector<2048x128xf32>, vector<128x128xf32>, vector<2048x128xf32> -> vector<2048x128xf32>
    %get3A_6 = arith.constant 0 : index
    %get3A_7 = arith.constant 0 : index
    %get3A_8 = vector.load %arg5[%get3A_6, %get3A_7] : memref<1x128xf32, #tpu.memory_space<vmem>>, vector<1x128xf32>
    %add3A = vector.broadcast %get3A_8 : vector<1x128xf32> to vector<2048x128xf32>
    %add3A_9 = arith.addf %dot_general3A_5, %add3A : vector<2048x128xf32>
    %logistic3A = arith.negf %add3A_9 : vector<2048x128xf32>
    %logistic3A_10 = math.exp %logistic3A : vector<2048x128xf32>
    %logistic3A_11 = arith.constant 1.000000e+00 : f32
    %logistic3A_12 = vector.broadcast %logistic3A_11 : f32 to vector<2048x128xf32>
    %logistic3A_13 = arith.addf %logistic3A_12, %logistic3A_10 : vector<2048x128xf32>
    %logistic3A_14 = arith.divf %logistic3A_12, %logistic3A_13 : vector<2048x128xf32>
    %mul3A = arith.mulf %add3A_9, %logistic3A_14 : vector<2048x128xf32>
    %get3A_15 = arith.constant 0 : index
    %get3A_16 = arith.constant 0 : index
    %get3A_17 = vector.load %arg6[%get3A_15, %get3A_16] : memref<1x128xf32, #tpu.memory_space<vmem>>, vector<1x128xf32>
    %get3A_18 = arith.constant 0 : index
    %get3A_19 = arith.constant 0 : index
    %get3A_20 = vector.load %arg7[%get3A_18, %get3A_19] : memref<1x128xf32, #tpu.memory_space<vmem>>, vector<1x128xf32>
    %reduce_sum3A = arith.constant dense<0.000000e+00> : vector<2048xf32>
    %reduce_sum3A_21 = vector.multi_reduction <add>, %mul3A, %reduce_sum3A [1] : vector<2048x128xf32> to vector<2048xf32>
    %broadcast_in_dim3A = vector.shape_cast %reduce_sum3A_21 : vector<2048xf32> to vector<2048x1xf32>
    %div3A = arith.constant 1.280000e+02 : f32
    %div3A_22 = vector.broadcast %div3A : f32 to vector<2048x1xf32>
    %div3A_23 = arith.divf %broadcast_in_dim3A, %div3A_22 : vector<2048x1xf32>
    %jit3A = arith.constant 0 : i32
    %reduce_sum3A_24 = arith.constant dense<0.000000e+00> : vector<2048xf32>
    %reduce_sum3A_25 = vector.multi_reduction <add>, %mul3A, %reduce_sum3A_24 [1] : vector<2048x128xf32> to vector<2048xf32>
    %broadcast_in_dim3A_26 = vector.shape_cast %reduce_sum3A_25 : vector<2048xf32> to vector<2048x1xf32>
    %div3A_27 = arith.constant 1.280000e+02 : f32
    %div3A_28 = vector.broadcast %div3A_27 : f32 to vector<2048x1xf32>
    %div3A_29 = arith.divf %broadcast_in_dim3A_26, %div3A_28 : vector<2048x1xf32>
    %sub3A = vector.broadcast %div3A_29 : vector<2048x1xf32> to vector<2048x128xf32>
    %sub3A_30 = arith.subf %mul3A, %sub3A : vector<2048x128xf32>
    %square3A = arith.mulf %sub3A_30, %sub3A_30 : vector<2048x128xf32>
    %convert_element_type3A = arith.sitofp %jit3A : i32 to f32
    %sub3A_31 = arith.constant 1.280000e+02 : f32
    %sub3A_32 = arith.subf %sub3A_31, %convert_element_type3A : f32
    %reduce_sum3A_33 = arith.constant dense<0.000000e+00> : vector<2048xf32>
    %reduce_sum3A_34 = vector.multi_reduction <add>, %square3A, %reduce_sum3A_33 [1] : vector<2048x128xf32> to vector<2048xf32>
    %broadcast_in_dim3A_35 = vector.shape_cast %reduce_sum3A_34 : vector<2048xf32> to vector<2048x1xf32>
    %div3A_36 = vector.broadcast %sub3A_32 : f32 to vector<2048x1xf32>
    %div3A_37 = arith.divf %broadcast_in_dim3A_35, %div3A_36 : vector<2048x1xf32>
    %gt3A = arith.constant 0.000000e+00 : f32
    %gt3A_38 = arith.cmpf ogt, %sub3A_32, %gt3A : f32
    %jit3A_39 = arith.constant 0x7FC00000 : f32
    %broadcast_in_dim3A_40 = vector.broadcast %jit3A_39 : f32 to vector<2048x1xf32>
    %select_n3A = arith.select %gt3A_38, %div3A_37, %broadcast_in_dim3A_40 : vector<2048x1xf32>
    %sub3A_41 = vector.broadcast %div3A_23 : vector<2048x1xf32> to vector<2048x128xf32>
    %sub3A_42 = arith.subf %mul3A, %sub3A_41 : vector<2048x128xf32>
    %add3A_43 = arith.constant 9.99999974E-6 : f32
    %add3A_44 = vector.broadcast %add3A_43 : f32 to vector<2048x1xf32>
    %add3A_45 = arith.addf %select_n3A, %add3A_44 : vector<2048x1xf32>
    %rsqrt3A = math.rsqrt %add3A_45 : vector<2048x1xf32>
    %mul3A_46 = vector.broadcast %rsqrt3A : vector<2048x1xf32> to vector<2048x128xf32>
    %mul3A_47 = arith.mulf %sub3A_42, %mul3A_46 : vector<2048x128xf32>
    %mul3A_48 = vector.broadcast %get3A_17 : vector<1x128xf32> to vector<2048x128xf32>
    %mul3A_49 = arith.mulf %mul3A_47, %mul3A_48 : vector<2048x128xf32>
    %add3A_50 = vector.broadcast %get3A_20 : vector<1x128xf32> to vector<2048x128xf32>
    %add3A_51 = arith.addf %mul3A_49, %add3A_50 : vector<2048x128xf32>
    %get3A_52 = arith.constant 0 : index
    %get3A_53 = arith.constant 0 : index
    %get3A_54 = vector.load %arg3[%get3A_52, %get3A_53] : memref<2048x128xf32, #tpu.memory_space<vmem>>, vector<2048x128xf32>
    %get3A_55 = arith.constant 0 : index
    %get3A_56 = arith.constant 0 : index
    %get3A_57 = vector.load %arg2[%get3A_55, %get3A_56] : memref<2048x128xf32, #tpu.memory_space<vmem>>, vector<2048x128xf32>
    %add3A_58 = arith.addf %get3A_54, %get3A_57 : vector<2048x128xf32>
    %add3A_59 = arith.addf %add3A_58, %add3A_51 : vector<2048x128xf32>
    %swap3A = arith.constant 0 : index
    %swap3A_60 = arith.constant 0 : index
    %swap3A_61 = vector.load %arg8[%swap3A, %swap3A_60] : memref<2048x128xf32, #tpu.memory_space<vmem>>, vector<2048x128xf32>
    tpu.vector_store %arg8[%swap3A, %swap3A_60], %add3A_59 {strides = array<i32>} : memref<2048x128xf32, #tpu.memory_space<vmem>>, vector<2048x128xf32>,
    return
  }
  func.func @transform_0(%arg0: i32) -> (i32, i32) {
    %c0_i32 = arith.constant 0 : i32
    %c0_i32_0 = arith.constant 0 : i32
    return %arg0, %c0_i32 : i32, i32
  }
  func.func @transform_1(%arg0: i32) -> (i32, i32) {
    %c0_i32 = arith.constant 0 : i32
    %c0_i32_0 = arith.constant 0 : i32
    return %arg0, %c0_i32 : i32, i32
  }
  func.func @transform_2(%arg0: i32) -> (i32, i32) {
    %c0_i32 = arith.constant 0 : i32
    %c0_i32_0 = arith.constant 0 : i32
    return %arg0, %c0_i32 : i32, i32
  }
  func.func @transform_3(%arg0: i32) -> (i32, i32) {
    %c0_i32 = arith.constant 0 : i32
    %c0_i32_0 = arith.constant 0 : i32
    %c0_i32_1 = arith.constant 0 : i32
    return %c0_i32, %c0_i32_0 : i32, i32
  }
  func.func @transform_4(%arg0: i32) -> (i32, i32) {
    %c0_i32 = arith.constant 0 : i32
    %c0_i32_0 = arith.constant 0 : i32
    %c0_i32_1 = arith.constant 0 : i32
    return %c0_i32, %c0_i32_0 : i32, i32
  }
  func.func @transform_5(%arg0: i32) -> (i32, i32) {
    %c0_i32 = arith.constant 0 : i32
    %c0_i32_0 = arith.constant 0 : i32
    %c0_i32_1 = arith.constant 0 : i32
    return %c0_i32, %c0_i32_0 : i32, i32
  }
  func.func @transform_6(%arg0: i32) -> (i32, i32) {
    %c0_i32 = arith.constant 0 : i32
    %c0_i32_0 = arith.constant 0 : i32
    %c0_i32_1 = arith.constant 0 : i32
    return %c0_i32, %c0_i32_0 : i32, i32
  }
  func.func @transform_7(%arg0: i32) -> (i32, i32) {
    %c0_i32 = arith.constant 0 : i32
    %c0_i32_0 = arith.constant 0 : i32
    return %arg0, %c0_i32 : i32, i32
  }
}

</mosaic_0001>

<sc_bundles>
// kernel: gather_offload_async_start
scs
__scs_entry_jumppad:
0x0: {  	(pc) =	sbr.rel $0x88, $3  }
0x1: {  	(tag) =	ssettag $0x0;
	lr =	simm.s32 $0x1  }
0x2: {  	[smem:$0x3F7B] =	sst lr;
	_ =	strace $0xD0000000  }
0x3: {  	_ = 	snop  }
0x4: {  	_ = 	snop  }
0x5: {  	_ = 	snop  }
0x6: {  	_ = 	snop  }
0x7: {  	_ = 	snop  }
__scs_overlays_trampoline_lowered:
0x8: {  	[smem:$0x3F8A] =	sst s0  }
0x9: {  	[smem:$0x3F8B] =	sst s1  }
0xa: {  	[smem:$0x3F8C] =	sst s2  }
0xb: {  	[smem:$0x3F8D] =	sst s3  }
0xc: {  	[smem:$0x3F8E] =	sst s4  }
0xd: {  	[smem:$0x3F8F] =	sst s5  }
0xe: {  	[smem:$0x3F90] =	sst s6  }
0xf: {  	[smem:$0x3F91] =	sst s7  }
0x10: {  	[smem:$0x3F92] =	sst s8  }
0x11: {  	[smem:$0x3F93] =	sst s9;
	s0 =	simm.s32 @!p0 $0x0  }
0x12: {  	s1 =	sld [smem:$0x3F79];
	s0 =	simm.s32 @p0 $0x1  }
0x13: {  	[smem:$0x3F94] =	sst s0;
	s0 =	simm.s32 @!p1 $0x0  }
0x14: {  	s2 =	sld [smem:$0x3F78];
	s0 =	simm.s32 @p1 $0x1  }
0x15: {  	[smem:$0x3F95] =	sst s0;
	s0 =	simm.s32 @!p2 $0x0  }
0x16: {  	s3 =	sld [smem:$0x3FDB];
	s0 =	simm.s32 @p2 $0x1  }
0x17: {  	s4 =	simm.s32 $0x1BF5;
	[smem:$0x3F97] =	sst s0  }
0x18: {  	s0 =	sld [smem:$0x3F7A];
	_ =	swait.ge [sflag:s4], $0x0  }
0x19: {  	s7 =	sld [smem:$0x3F7B]  }
0x1a: {  	s8 =	sadd.s32 $0xFFFFE003, lr  }
0x1b: {  	s9 =	sadd.s32 $0xFFFFFEF7, lr;
	s5 =	simm.s32 $0xFFFFFFFF;
	p2 =	slt.u32 s8, $0xFFFFF086  }
0x1c: {  	p1 =	slt.u32 s9, $0xF7A;
	s5 =	simm.s32 @!p2 $0x0  }
0x1d: {  	s5 =	simm.s32 @p1 $0x1;
	p0 =	seq.s32 s7, s2  }
0x1e: {  	s7 =	smul.u32 @!p0 $0xF7A, s2;
	p2 =	seq.s32 @!p0 s5, $0x0  }
0x1f: {  	s9 =	smul.u32 $0xF7A, s1;
	s8 =	simm.s32 @!p0 $0x1BF5;
	p2 =	por !p2, p0  }
0x20: {  	[sflag:s8] =	ssyncset.s32 @!p0 $0xFFFFF086;
	s6 =	sadd.s32 @!p0 s3, s7;
	s7 =	simm.s32 @!p0 $0x108  }
0x21: {  	s3 =	sadd.s32 s3, s9;
	s6 =	sadd.s32 @!p0 $0x88, s6;
	s7 =	simm.s32 @p2 $0x1082  }
0x22: {  	[simem:s7], [sflag:s8] =	dma.local @!p0 [hbm:s6], $0xF7A  }
0x23: {  	s9 =	sor.u32 $0xD0000000, s2;
	s6 =	simm.s32 $0x108;
	_ =	swait.ge @!p0 [sflag:s8], $0x0  }
0x24: {  	s3 =	sadd.s32 $0x88, s3;
	s6 =	simm.s32 @!p1 $0x1082;
	[sflag:s4] =	ssyncset.s32 $0xFFFFF086  }
0x25: {  	[simem:s6], [sflag:s4] =	dma.local [hbm:s3], $0xF7A  }
0x26: {  	[smem:$0x3F7B] =	sst s1;
	(tag) =	ssettag s2;
	_ =	strace s9  }
0x27: {  	s1 =	sld [smem:$0x3F8B]  }
0x28: {  	s2 =	sld [smem:$0x3F8C]  }
0x29: {  	s4 =	sld [smem:$0x3F8E]  }
0x2a: {  	p0 =	seq.s32 s5, $0x0;
	s5 =	sld [smem:$0x3F8F]  }
0x2b: {  	s6 =	sld [smem:$0x3F90]  }
0x2c: {  	s7 =	sld [smem:$0x3F91]  }
0x2d: {  	s3 =	simm.s32 $0x108;
	s8 =	sld [smem:$0x3F92]  }
0x2e: {  	s3 =	simm.s32 @!p0 $0x1082;
	s9 =	sld [smem:$0x3F93]  }
0x2f: {  	lr =	sadd.s32 s0, s3;
	s0 =	sld [smem:$0x3F8A]  }
0x30: {  	s3 =	sld [smem:$0x3F8D]  }
0x31: {  	[smem:$0x3F96] =	sst s10  }
0x32: {  	s10 =	sld [smem:$0x3F94];
	_ =	sdelay $0x3  }
0x33: {  	p0 =	seq.s32 s10, $0x1;
	s10 =	sld [smem:$0x3F96];
	_ =	sdelay $0x3  }
0x34: {  	[smem:$0x3F96] =	sst s10  }
0x35: {  	s10 =	sld [smem:$0x3F95];
	_ =	sdelay $0x3  }
0x36: {  	p1 =	seq.s32 s10, $0x1;
	s10 =	sld [smem:$0x3F96];
	_ =	sdelay $0x3  }
0x37: {  	[smem:$0x3F96] =	sst s10  }
0x38: {  	s10 =	sld [smem:$0x3F97]  }
0x39: {  	_ = 	snop;
	(pc) =	sbr.ind lr, $3  }
0x3a: {  	_ = 	snop  }
0x3b: {  	_ = 	snop  }
0x3c: {  	p2 =	seq.s32 s10, $0x1;
	s10 =	sld [smem:$0x3F96]  }
0x3d: {  	_ =	shalt  }
0x3e: {  	_ =	shalt  }
0x3f: {  	_ =	shalt  }
0x40: {  	_ =	shalt  }
0x41: {  	_ =	shalt  }
0x42: {  	_ =	shalt  }
0x43: {  	_ =	shalt  }
0x44: {  	_ =	shalt  }
0x45: {  	_ =	shalt  }
0x46: {  	_ =	shalt  }
0x47: {  	_ =	shalt  }
0x48: {  	_ =	shalt  }
0x49: {  	_ =	shalt  }
0x4a: {  	_ =	shalt  }
0x4b: {  	_ =	shalt  }
0x4c: {  	_ =	shalt  }
0x4d: {  	_ =	shalt  }
0x4e: {  	_ =	shalt  }
0x4f: {  	_ =	shalt  }
0x50: {  	_ =	shalt  }
0x51: {  	_ =	shalt  }
0x52: {  	_ =	shalt  }
0x53: {  	_ =	shalt  }
0x54: {  	_ =	shalt  }
0x55: {  	_ =	shalt  }
0x56: {  	_ =	shalt  }
0x57: {  	_ =	shalt  }
0x58: {  	_ =	shalt  }
0x59: {  	_ =	shalt  }
0x5a: {  	_ =	shalt  }
0x5b: {  	_ =	shalt  }
0x5c: {  	_ =	shalt  }
0x5d: {  	_ =	shalt  }
0x5e: {  	_ =	shalt  }
0x5f: {  	_ =	shalt  }
0x60: {  	_ =	shalt  }
0x61: {  	_ =	shalt  }
0x62: {  	_ =	shalt  }
0x63: {  	_ =	shalt  }
0x64: {  	_ =	shalt  }
0x65: {  	_ =	shalt  }
0x66: {  	_ =	shalt  }
0x67: {  	_ =	shalt  }
0x68: {  	_ =	shalt  }
0x69: {  	_ =	shalt  }
0x6a: {  	_ =	shalt  }
0x6b: {  	_ =	shalt  }
0x6c: {  	_ =	shalt  }
0x6d: {  	_ =	shalt  }
0x6e: {  	_ =	shalt  }
0x6f: {  	_ =	shalt  }
0x70: {  	_ =	shalt  }
0x71: {  	_ =	shalt  }
0x72: {  	_ =	shalt  }
0x73: {  	_ =	shalt  }
0x74: {  	_ =	shalt  }
0x75: {  	_ =	shalt  }
0x76: {  	_ =	shalt  }
0x77: {  	_ =	shalt  }
0x78: {  	_ =	shalt  }
0x79: {  	_ =	shalt  }
0x7a: {  	_ =	shalt  }
0x7b: {  	_ =	shalt  }
0x7c: {  	_ =	shalt  }
0x7d: {  	_ =	shalt  }
0x7e: {  	_ =	shalt  }
0x7f: {  	_ =	shalt  }
0x80: {  	_ =	shalt  }
0x81: {  	_ =	shalt  }
0x82: {  	_ =	shalt  }
0x83: {  	_ =	shalt  }
0x84: {  	_ =	shalt  }
0x85: {  	_ =	shalt  }
0x86: {  	_ =	shalt  }
0x87: {  	_ =	shalt  }
.Lfunc_end0:
.L_simem_size_0:
called_computation.4_lowered:
.L_overlay_start_0:
0x88: {  	s2 =	sld [smem:$0x3FD9]  }
0x89: {  	s3 =	sld [smem:$0x3FFE];
	_ =	sdelay $0x1  }
0x8a: {  	s1 =	srdreg.scid  }
0x8b: {  	s0 =	sand.u32 $0x1, s1  }
0x8c: {  	s16 =	sshll.u32 s0, $0xA;
	s2 =	sadd.s32 s3, s2  }
0x8d: {  	s2 =	sadd.s32 s2, s16  }
0x8e: {  	[smem:$0x3FA2] =	sst s2  }
0x8f: {  	_ = 	snop  }
0x90: {  	(tm) =	ssettm $0x1  }
0x91: {  	s17 =	sld [smem:$0x3FFB];
	_ =	sdelay $0x3  }
0x92: {  	_ =	strace s17  }
0x93: {  	s2 =	sld [smem:$0x3FFC];
	_ =	sdelay $0x3  }
0x94: {  	_ =	strace s2  }
0x95: {  	s2 =	sld [smem:$0x3FFD];
	_ =	sdelay $0x3  }
0x96: {  	_ =	strace s2  }
0x97: {  	_ =	strace $0x8FFFFFFF  }
0x98: {  	s18 =	sld [smem:$0x3FDB];
	_ =	sdelay $0x1  }
0x99: {  	s19 =	simm.s32 $_scs_section_size  }
0x9a: {  	s4 =	simm.s32 $_size__tile_overlayer_lowered;
	s5 =	simm.s32 $_tile_overlayer_lowered  }
0x9b: {  	s22 =	simm.s32 $0x1BFF;
	s21 =	sshll.u32 s5, $0x1;
	s2 =	sadd.s32 s19, s18  }
0x9c: {  	s6 =	simm.s32 $0x0;
	s20 =	sshll.u32 s4, $0x1;
	s4 =	sadd.s32 s21, s2  }
0x9d: {  	[timem:s6], [sflag:s22] =	dma.local [hbm:s4], s20  }
0x9e: {  	_ =	swait.ge [sflag:s22], s20  }
0x9f: {  	s3 =	ssub.s32 $0x0, s20;
	[sflag:s22] =	ssyncset.done $0x0  }
0xa0: {  	[sflag:s22] =	ssyncadd.s32 s3;
	_ =	sdelay $0x1  }
0xa1: {  	s23 =	simm.s32 $0x1B8B  }
0xa2: {  	_ =	swait.ge [sflag:s23], $0x1  }
0xa3: {  	[sflag:s23] =	ssyncset.done $0x0  }
0xa4: {  	s25 =	simm.s32 $0x1B8E;
	s24 =	sld [smem:$0x3FFE];
	[sflag:s23] =	ssyncadd.s32 $0xFFFFFFFF  }
0xa5: {  	s26 =	simm.s32 $execute0_lowered;
	[smem:$0x3FD2] =	sst s25  }
0xa6: {  	s4 =	sshll.u32 s26, $0x1;
	_ =	strace $0x80000046;
	[dreg:$0x1] =	wrdreg $0xFFFFFFFF  }
0xa7: {  	s28 =	simm.s32 $_size_execute0_lowered;
	s2 =	sadd.s32 s2, s4;
	[dreg:$0x0] =	wrdreg $0x0  }
0xa8: {  	s4 =	sshll.u32 s28, $0x1;
	[dreg:$0x2] =	wrdreg s2  }
0xa9: {  	[dreg:$0x3] =	wrdreg s4  }
0xaa: {  	[dreg:$0x4] =	wrdreg $0xC0  }
0xab: {  	_ =	task [dreg:s6], $0x5FFFF  }
0xac: {  	[dreg:$0x1] =	wrdreg $0xFFFFFFFF  }
0xad: {  	[dreg:$0x0] =	wrdreg $0x60  }
0xae: {  	[dreg:$0x2] =	wrdreg s24  }
0xaf: {  	[dreg:$0x3] =	wrdreg $0x9  }
0xb0: {  	_ =	task.clear_ibuf [dreg:s6], $0x4FFFF;
	_ =	strace $0x90000046  }
0xb1: {  	s29 =	simm.s32 $0x9;
	_ =	strace $0x80000048  }
0xb2: {  	_ =	swait.ge [sflag:s29], $0x1  }
0xb3: {  	[sflag:s29] =	ssyncadd.s32 $0xFFFFFFFF  }
0xb4: {  	_ =	strace $0x90000048  }
0xb5: {  	_ =	sfence  }
0xb6: {  	s30 =	sld [smem:$0x0];
	_ =	sdelay $0x2  }
0xb7: {  	s31 =	sshll.u32 s1, $0xD;
	s1 =	sshrl.u32 s1, $0x2  }
0xb8: {  	s3 =	sand.u32 $0x4000, s31;
	s1 =	sadd.s32 s1, s30  }
0xb9: {  	s0 =	sor.u32 s3, s0;
	s1 =	sshll.u32 s1, $0x11  }
0xba: {  	s0 =	sor.u32 s1, s0  }
0xbb: {  	s0 =	sadd.s32 $0x8F2B, s0  }
0xbc: {  	[sflag:s0] =	ssyncadd.remote.s32 $0x1  }
0xbd: {  	_ =	sfence.sel $0xFFFF  }
0xbe: {  	[dreg:$0x0] =	wrdreg $0xFFFFFFFF;
	(pc) =	sbr.abs _section_cstart, $3  }
0xbf: {  	[dreg:$0x1] =	wrdreg $0xFFFFFFFF  }
0xc0: {  	_ =	task.clear_ibuf [dreg:s6], $0x2FFFF;
	_ =	strace $0x9FFFFFFF  }
0xc1: {  	(tm) =	ssettm $0x7FFFFFFF  }
tec
execute0_lowered:
.L_overlay_start_1:
0x0: {  	(tag) =	ssettag $0x1  }
0x1: {  	s0 =	srdreg.scid  }
0x2: {  	s1 =	sshll.u32 s0, $0x4  }
0x3: {  	s0 =	stileid.u32;
	s1 =	sand.u32 $0x10, s1  }
0x4: {  	s1 =	sor.u32 s0, s1  }
0x5: {  	s2 =	smul.u32 $0x1F, s1  }
0x6: {  	s3 =	smin.u32 s1, $0x8  }
0x7: {  	s2 =	sadd.s32 s3, s2  }
0x8: {  	p0 =	slt.u32 s1, $0x8;
	s1 =	simm.s32 $0x2800;
	s2 =	smul.u32 $0x140, s2  }
0x9: {  	s1 =	simm.s32 @!p0 $0x26C0  }
0xa: {  	s1 =	sadd.s32 s1, s2  }
0xb: {  	s3 =	smin.u32 s1, $0x4E200  }
0xc: {  	s7 =	ssub.s32 s3, s2  }
0xd: {  	p0 =	sgt.s32 s7, $0x0  }
0xe: {  	s7 =	simm.s32 @!p0 $0x0  }
0xf: {  	s31 =	smulhi.u32 $0x66666667, s7  }
0x10: {  	s9 =	rddreg [dreg:$0x0];
	s6 =	simm.s32 $0x1;
	s11 =	simm.s32 $0x3  }
0x11: {  	s13 =	simm.s32 $0x0;
	s12 =	simm.s32 $0x0;
	s8 =	sshrl.u32 s31, $0x7  }
0x12: {  	s4 =	sadd.s32 $0xA600, s9;
	s5 =	sadd.s32 $0x800, s9;
	s10 =	smul.u32 $0x140, s8  }
.Ltmp0:
0x13: {  	s9 =	sadd.s32 $0x4EC600, s9;
	s1 =	rddreg [dreg:$0x1];
	(pc) =	sbr.rel .LBB2_1-.Ltmp0, $4  }
0x14: {  	_ =	strace $0x80000047;
	p0 =	sne.s32 s7, s10;
	s10 =	simm.s32 $0x1  }
0x15: {  	[sflag:s6] =	ssyncpa.u1 $0x0;
	s7 =	simm.s32 $0x2;
	s10 =	simm.s32 @!p0 $0x0  }
0x16: {  	[sflag:s7] =	ssyncpa.u1 $0x0;
	p0 =	por $0x0, $0x0;
	s8 =	sadd.s32 s10, s8  }
0x17: {  	vm0 =	vmmov $0xff;
	vm1 =	vcmask $0x3F20;
	[sflag:s11] =	ssyncpa.u1 $0x0;
	s11 =	smov.u32 s2;
	s10 =	sadd.s32 $0x1, s8  }
.LBB2_6:
0x18: {  	[hbm:s17] =	stream.linear.scatter [tilespmem:s14], [sflag:$0x3], $0x400, $0x38;
	[tilespmem:$0x14280] =	vst v63  }
.LBB2_7:
0x19: {  	s13 =	sadd.s32 $0x140, s11  }
0x1a: {  	s15 =	smov.u32 s2;
	p2 =	slt.s32 s13, s3  }
0x1b: {  	s15 =	smov.u32 @p2 s13;
	p2 =	sne.s32 s12, s10  }
.Ltmp1:
0x1c: {  	p1 =	slt.u32 s12, $0x2;
	(pc) =	sbr.rel @!p2 .LBB2_8-.Ltmp1, $4  }
0x1d: {  	s14 =	simm.s32 @!p1 $0x3  }
0x1e: {  	s16 =	sadd.s32 $0x1, s12;
	_ =	swait.ge @!p1 [sflag:s14], $0xA000  }
0x1f: {  	p0 =	por !p0, !p0;
	s13 =	smov.u32 s11;
	[sflag:s14] =	ssyncset.done @!p1 $0x0  }
0x20: {  	s12 =	smov.u32 s16;
	s11 =	smov.u32 s15;
	[sflag:s14] =	ssyncadd.s32 @!p1 $0xFFFF6000  }
.LBB2_1:
0x21: {  	p1 =	sge.u32 s12, s8  }
0x22: {  	s14 =	sxor.u32 @!p1 $0xFFFFFFFF, s12  }
0x23: {  	s14 =	sand.u32 @!p1 $0x1, s14  }
0x24: {  	s14 =	smul.u32 @!p1 $0x500, s14  }
0x25: {  	s31 =	sadd.s32 $0xFFFFFFFF, s12;
	s15 =	sshrl.u32 @!p1 s11, $0x3  }
0x26: {  	s16 =	sand.u32 @!p1 $0x7, s11;
	s15 =	sadd.s32 @!p1 s5, s15;
	s14 =	sshrl.u32 @!p1 s14, $0x2  }
0x27: {  	[tilespmem:s14], [sflag:$0x2] =	stream.linear.gather @!p1 [hbm4b:s15+s16], $0x140, $0x38;
	[tilespmem:$0x14280] =	vst v63  }
0x28: {  	p1 =	sge.u32 s31, s8  }
.Ltmp2:
0x29: {  	_ = 	snop;
	(pc) =	sbr.rel @p1 .LBB2_7-.Ltmp2, $1  }
0x2a: {  	_ =	sdelay $0x3  }
0x2b: {  	s14 =	simm.s32 $0x1  }
0x2c: {  	s14 =	simm.s32 @!p0 $0x0  }
0x2d: {  	s15 =	smul.u32 $0x500, s14  }
0x2e: {  	_ =	swait.ge [sflag:s7], $0x140  }
0x2f: {  	[sflag:s7] =	ssyncset.done $0x0;
	s16 =	sshrl.u32 s15, $0x2  }
0x30: {  	[sflag:s7] =	ssyncadd.s32 $0xFFFFFEC0;
	s15 =	sadd.s32 $0x0, s16  }
0x31: {  	v0 =	vld.msk [tilespmem:s15+$0x0 ss:$0x1], $0xffff;
	_ =	sdelay $0x4  }
0x32: {  	vm2 =	vgt.s32 v0, $0x0  }
0x33: {  	v0 =	vnsel vm2, $0x0, v0  }
0x34: {  	v0 =	vmin.u32 v0, $0x270FF  }
0x35: {  	v0 =	vshll.u32 v0, $0x4  }
0x36: {  	s14 =	smul.u32 $0x28000, s14;
	_ =	sdelay $0x1  }
0x37: {  	s14 =	sshrl.u32 s14, $0x2  }
0x38: {  	s14 =	sor.u32 $0x280, s14  }
0x39: {  	[tilespmem:s14], [sflag:$0x1] =	stream.indirect_vreg.gather [hbm:s4], $0x80, v0, vm0, $0x38;
	[tilespmem:$0x14280] =	vst v63  }
0x3a: {  	s17 =	sadd.s32 $0x10, s16;
	s15 =	sadd.s32 $0x400, s14  }
0x3b: {  	[tilespmem:s15], [sflag:$0x1] =	stream.indirect_vreg.gather [hbm:s4], $0x80, v0, vm1, $0x38;
	[tilespmem:$0x14280] =	vst v63  }
0x3c: {  	s18 =	simm.s32 $0x80;
	v0 =	vld.msk [tilespmem:s17+$0x0 ss:$0x1], $0xffff;
	s17 =	smov.u32 s14  }
.LBB2_3:
0x3d: {  	p1 =	sne.s32 s18, $0x4C0;
	_ =	sdelay $0x4  }
0x3e: {  	vm2 =	vgt.s32 v0, $0x0  }
0x3f: {  	v0 =	vnsel vm2, $0x0, v0  }
0x40: {  	v0 =	vmin.u32 v0, $0x270FF  }
0x41: {  	v0 =	vshll.u32 v0, $0x4;
	_ =	sdelay $0x3  }
.Ltmp3:
0x42: {  	s19 =	sshra.s32 s18, $0x2;
	s17 =	sadd.s32 $0x800, s17;
	(pc) =	sbr.rel @p1 .LBB2_3-.Ltmp3, $4  }
0x43: {  	[tilespmem:s17], [sflag:$0x1] =	stream.indirect_vreg.gather [hbm:s4], $0x80, v0, vm0, $0x38;
	[tilespmem:$0x14280] =	vst v63  }
0x44: {  	s19 =	sadd.s32 s19, s16;
	s20 =	sadd.s32 $0x400, s17  }
0x45: {  	[tilespmem:s20], [sflag:$0x1] =	stream.indirect_vreg.gather [hbm:s4], $0x80, v0, vm1, $0x38;
	[tilespmem:$0x14280] =	vst v63  }
0x46: {  	s18 =	sadd.s32 $0x40, s18;
	v0 =	vld.msk [tilespmem:s19+$0x0 ss:$0x1], $0xffff  }
0x47: {  	_ =	sdelay $0x3  }
0x48: {  	vm2 =	vgt.s32 v0, $0x0  }
0x49: {  	v0 =	vnsel vm2, $0x0, v0  }
0x4a: {  	v0 =	vmin.u32 v0, $0x270FF  }
0x4b: {  	v0 =	vshll.u32 v0, $0x4;
	_ =	sdelay $0x3  }
0x4c: {  	s16 =	sadd.s32 $0x800, s17  }
0x4d: {  	[tilespmem:s16], [sflag:$0x1] =	stream.indirect_vreg.gather [hbm:s4], $0x80, v0, vm0, $0x38;
	[tilespmem:$0x14280] =	vst v63  }
0x4e: {  	s16 =	sadd.s32 $0x400, s16  }
0x4f: {  	[tilespmem:s16], [sflag:$0x1] =	stream.indirect_vreg.gather [hbm:s4], $0x80, v0, vm1, $0x38;
	[tilespmem:$0x14280] =	vst v63  }
0x50: {  	s13 =	sshll.u32 s13, $0x4;
	_ =	swait.ge [sflag:s6], $0xA000  }
0x51: {  	s13 =	sadd.s32 s13, s9;
	[sflag:s6] =	ssyncset.done $0x0  }
0x52: {  	s17 =	sadd.s32 $0x0, s13;
	s16 =	simm.s32 $0x80;
	[sflag:s6] =	ssyncadd.s32 $0xFFFF6000  }
.LBB2_5:
0x53: {  	[hbm:s17] =	stream.linear.scatter [tilespmem:s14], [sflag:$0x3], $0x400, $0x38;
	[tilespmem:$0x14280] =	vst v63  }
0x54: {  	s17 =	smov.u32 s16;
	s14 =	smov.u32 s15;
	p1 =	sne.s32 s16, $0x1380  }
.Ltmp4:
0x55: {  	s16 =	sadd.s32 $0x80, s16;
	(pc) =	sbr.rel @p1 .LBB2_5-.Ltmp4, $2  }
0x56: {  	_ =	sdelay $0x2  }
0x57: {  	s15 =	sadd.s32 $0x400, s15;
	s17 =	sadd.s32 s17, s13  }
.Ltmp5:
0x58: {  	_ = 	snop;
	(pc) =	sbr.rel .LBB2_6-.Ltmp5, $1  }
0x59: {  	_ =	sdelay $0x3  }
.LBB2_8:
0x5a: {  	_ =	sfence.sel $0x180000  }
0x5b: {  	s2 =	simm.s32 $0x2;
	[bflag:$0x0] =	sbarrier.arrive $0xFFFF  }
0x5c: {  	s30 =	simm.s32 $0x3;
	[sflag:s2] =	ssyncpa.u1 $0x1  }
0x5d: {  	s31 =	simm.s32 $0x1;
	[sflag:s30] =	ssyncpa.u1 $0x1  }
0x5e: {  	[sflag:s31] =	ssyncpa.u1 $0x1  }
0x5f: {  	p0 =	sne.s32 s0, $0x0;
	_ =	strace $0x90000047  }
0x60: {  	s0 =	sadd.s32 @!p0 $0x100000, s1;
	[bflag:$0x2] =	sbarrier.arrive $0xFFFF  }
0x61: {  	[sflag:s0] =	ssyncadd.tile.s32 @!p0 $0x1;
	_ =	shalt  }
.Lfunc_end2:
_tile_overlayer_lowered:
.L_overlay_start_2:
0x62: {  	(tag) =	ssettag $0x2  }
0x63: {  	s0 =	rddreg [dreg:$0x0];
	s2 =	stileid.u32  }
0x64: {  	s1 =	rddreg [dreg:$0x1];
	p0 =	sne.s32 s2, $0x0  }
0x65: {  	s3 =	rddreg [dreg:$0x2];
	[bflag:$0x3] =	sbarrier.arrive $0xFFFF;
	s2 =	simm.s32 @!p0 $0x1C01  }
0x66: {  	[timem:s3], [sflag:s2] =	dma.local @!p0 [hbm:s0], s1  }
0x67: {  	s0 =	simm.s32 @!p0 $0x1  }
0x68: {  	_ =	swait.ge @!p0 [sflag:s0], s1  }
0x69: {  	s1 =	ssub.s32 @!p0 $0x0, s1;
	[sflag:s0] =	ssyncset.done @!p0 $0x0  }
0x6a: {  	[sflag:s0] =	ssyncadd.s32 @!p0 s1  }
0x6b: {  	[bflag:$0x3] =	sbarrier.arrive $0xFFFF  }
0x6c: {  	_ =	shalt  }

// kernel: scatter_offload_async_start.1
scs
__scs_entry_jumppad:
0x0: {  	(pc) =	sbr.rel $0x88, $3  }
0x1: {  	(tag) =	ssettag $0x0;
	lr =	simm.s32 $0x1  }
0x2: {  	[smem:$0x3F7B] =	sst lr;
	_ =	strace $0xD0000000  }
0x3: {  	_ = 	snop  }
0x4: {  	_ = 	snop  }
0x5: {  	_ = 	snop  }
0x6: {  	_ = 	snop  }
0x7: {  	_ = 	snop  }
__scs_overlays_trampoline_lowered:
0x8: {  	[smem:$0x3F8A] =	sst s0  }
0x9: {  	[smem:$0x3F8B] =	sst s1  }
0xa: {  	[smem:$0x3F8C] =	sst s2  }
0xb: {  	[smem:$0x3F8D] =	sst s3  }
0xc: {  	[smem:$0x3F8E] =	sst s4  }
0xd: {  	[smem:$0x3F8F] =	sst s5  }
0xe: {  	[smem:$0x3F90] =	sst s6  }
0xf: {  	[smem:$0x3F91] =	sst s7  }
0x10: {  	[smem:$0x3F92] =	sst s8  }
0x11: {  	[smem:$0x3F93] =	sst s9;
	s0 =	simm.s32 @!p0 $0x0  }
0x12: {  	s1 =	sld [smem:$0x3F79];
	s0 =	simm.s32 @p0 $0x1  }
0x13: {  	[smem:$0x3F94] =	sst s0;
	s0 =	simm.s32 @!p1 $0x0  }
0x14: {  	s2 =	sld [smem:$0x3F78];
	s0 =	simm.s32 @p1 $0x1  }
0x15: {  	[smem:$0x3F95] =	sst s0;
	s0 =	simm.s32 @!p2 $0x0  }
0x16: {  	s3 =	sld [smem:$0x3FDB];
	s0 =	simm.s32 @p2 $0x1  }
0x17: {  	s4 =	simm.s32 $0x1BF5;
	[smem:$0x3F97] =	sst s0  }
0x18: {  	s0 =	sld [smem:$0x3F7A];
	_ =	swait.ge [sflag:s4], $0x0  }
0x19: {  	s7 =	sld [smem:$0x3F7B]  }
0x1a: {  	s8 =	sadd.s32 $0xFFFFE003, lr  }
0x1b: {  	s9 =	sadd.s32 $0xFFFFFEF7, lr;
	s5 =	simm.s32 $0xFFFFFFFF;
	p2 =	slt.u32 s8, $0xFFFFF086  }
0x1c: {  	p1 =	slt.u32 s9, $0xF7A;
	s5 =	simm.s32 @!p2 $0x0  }
0x1d: {  	s5 =	simm.s32 @p1 $0x1;
	p0 =	seq.s32 s7, s2  }
0x1e: {  	s7 =	smul.u32 @!p0 $0xF7A, s2;
	p2 =	seq.s32 @!p0 s5, $0x0  }
0x1f: {  	s9 =	smul.u32 $0xF7A, s1;
	s8 =	simm.s32 @!p0 $0x1BF5;
	p2 =	por !p2, p0  }
0x20: {  	[sflag:s8] =	ssyncset.s32 @!p0 $0xFFFFF086;
	s6 =	sadd.s32 @!p0 s3, s7;
	s7 =	simm.s32 @!p0 $0x108  }
0x21: {  	s3 =	sadd.s32 s3, s9;
	s6 =	sadd.s32 @!p0 $0x88, s6;
	s7 =	simm.s32 @p2 $0x1082  }
0x22: {  	[simem:s7], [sflag:s8] =	dma.local @!p0 [hbm:s6], $0xF7A  }
0x23: {  	s9 =	sor.u32 $0xD0000000, s2;
	s6 =	simm.s32 $0x108;
	_ =	swait.ge @!p0 [sflag:s8], $0x0  }
0x24: {  	s3 =	sadd.s32 $0x88, s3;
	s6 =	simm.s32 @!p1 $0x1082;
	[sflag:s4] =	ssyncset.s32 $0xFFFFF086  }
0x25: {  	[simem:s6], [sflag:s4] =	dma.local [hbm:s3], $0xF7A  }
0x26: {  	[smem:$0x3F7B] =	sst s1;
	(tag) =	ssettag s2;
	_ =	strace s9  }
0x27: {  	s1 =	sld [smem:$0x3F8B]  }
0x28: {  	s2 =	sld [smem:$0x3F8C]  }
0x29: {  	s4 =	sld [smem:$0x3F8E]  }
0x2a: {  	p0 =	seq.s32 s5, $0x0;
	s5 =	sld [smem:$0x3F8F]  }
0x2b: {  	s6 =	sld [smem:$0x3F90]  }
0x2c: {  	s7 =	sld [smem:$0x3F91]  }
0x2d: {  	s3 =	simm.s32 $0x108;
	s8 =	sld [smem:$0x3F92]  }
0x2e: {  	s3 =	simm.s32 @!p0 $0x1082;
	s9 =	sld [smem:$0x3F93]  }
0x2f: {  	lr =	sadd.s32 s0, s3;
	s0 =	sld [smem:$0x3F8A]  }
0x30: {  	s3 =	sld [smem:$0x3F8D]  }
0x31: {  	[smem:$0x3F96] =	sst s10  }
0x32: {  	s10 =	sld [smem:$0x3F94];
	_ =	sdelay $0x3  }
0x33: {  	p0 =	seq.s32 s10, $0x1;
	s10 =	sld [smem:$0x3F96];
	_ =	sdelay $0x3  }
0x34: {  	[smem:$0x3F96] =	sst s10  }
0x35: {  	s10 =	sld [smem:$0x3F95];
	_ =	sdelay $0x3  }
0x36: {  	p1 =	seq.s32 s10, $0x1;
	s10 =	sld [smem:$0x3F96];
	_ =	sdelay $0x3  }
0x37: {  	[smem:$0x3F96] =	sst s10  }
0x38: {  	s10 =	sld [smem:$0x3F97]  }
0x39: {  	_ = 	snop;
	(pc) =	sbr.ind lr, $3  }
0x3a: {  	_ = 	snop  }
0x3b: {  	_ = 	snop  }
0x3c: {  	p2 =	seq.s32 s10, $0x1;
	s10 =	sld [smem:$0x3F96]  }
0x3d: {  	_ =	shalt  }
0x3e: {  	_ =	shalt  }
0x3f: {  	_ =	shalt  }
0x40: {  	_ =	shalt  }
0x41: {  	_ =	shalt  }
0x42: {  	_ =	shalt  }
0x43: {  	_ =	shalt  }
0x44: {  	_ =	shalt  }
0x45: {  	_ =	shalt  }
0x46: {  	_ =	shalt  }
0x47: {  	_ =	shalt  }
0x48: {  	_ =	shalt  }
0x49: {  	_ =	shalt  }
0x4a: {  	_ =	shalt  }
0x4b: {  	_ =	shalt  }
0x4c: {  	_ =	shalt  }
0x4d: {  	_ =	shalt  }
0x4e: {  	_ =	shalt  }
0x4f: {  	_ =	shalt  }
0x50: {  	_ =	shalt  }
0x51: {  	_ =	shalt  }
0x52: {  	_ =	shalt  }
0x53: {  	_ =	shalt  }
0x54: {  	_ =	shalt  }
0x55: {  	_ =	shalt  }
0x56: {  	_ =	shalt  }
0x57: {  	_ =	shalt  }
0x58: {  	_ =	shalt  }
0x59: {  	_ =	shalt  }
0x5a: {  	_ =	shalt  }
0x5b: {  	_ =	shalt  }
0x5c: {  	_ =	shalt  }
0x5d: {  	_ =	shalt  }
0x5e: {  	_ =	shalt  }
0x5f: {  	_ =	shalt  }
0x60: {  	_ =	shalt  }
0x61: {  	_ =	shalt  }
0x62: {  	_ =	shalt  }
0x63: {  	_ =	shalt  }
0x64: {  	_ =	shalt  }
0x65: {  	_ =	shalt  }
0x66: {  	_ =	shalt  }
0x67: {  	_ =	shalt  }
0x68: {  	_ =	shalt  }
0x69: {  	_ =	shalt  }
0x6a: {  	_ =	shalt  }
0x6b: {  	_ =	shalt  }
0x6c: {  	_ =	shalt  }
0x6d: {  	_ =	shalt  }
0x6e: {  	_ =	shalt  }
0x6f: {  	_ =	shalt  }
0x70: {  	_ =	shalt  }
0x71: {  	_ =	shalt  }
0x72: {  	_ =	shalt  }
0x73: {  	_ =	shalt  }
0x74: {  	_ =	shalt  }
0x75: {  	_ =	shalt  }
0x76: {  	_ =	shalt  }
0x77: {  	_ =	shalt  }
0x78: {  	_ =	shalt  }
0x79: {  	_ =	shalt  }
0x7a: {  	_ =	shalt  }
0x7b: {  	_ =	shalt  }
0x7c: {  	_ =	shalt  }
0x7d: {  	_ =	shalt  }
0x7e: {  	_ =	shalt  }
0x7f: {  	_ =	shalt  }
0x80: {  	_ =	shalt  }
0x81: {  	_ =	shalt  }
0x82: {  	_ =	shalt  }
0x83: {  	_ =	shalt  }
0x84: {  	_ =	shalt  }
0x85: {  	_ =	shalt  }
0x86: {  	_ =	shalt  }
0x87: {  	_ =	shalt  }
.Lfunc_end0:
.L_simem_size_0:
called_computation.1_lowered:
.L_overlay_start_0:
0x88: {  	s2 =	sld [smem:$0x3FD9]  }
0x89: {  	s3 =	sld [smem:$0x3FFE];
	_ =	sdelay $0x1  }
0x8a: {  	s1 =	srdreg.scid  }
0x8b: {  	s0 =	sand.u32 $0x1, s1  }
0x8c: {  	s13 =	sshll.u32 s0, $0xA;
	s2 =	sadd.s32 s3, s2  }
0x8d: {  	s2 =	sadd.s32 s2, s13  }
0x8e: {  	[smem:$0x3FA2] =	sst s2  }
0x8f: {  	_ = 	snop  }
0x90: {  	s2 =	sld [smem:$0x3FD0];
	_ =	sdelay $0x2  }
0x91: {  	s14 =	simm.s32 $0xB;
	s4 =	simm.s32 $0x10  }
0x92: {  	[smem:s4], [sflag:s14] =	dma.local [hbm:s2], $0x1  }
0x93: {  	_ =	swait.eq [sflag:s14], $0x1  }
0x94: {  	[sflag:s14] =	ssyncset.done $0x0  }
0x95: {  	[sflag:s14] =	ssyncadd.s32 $0xFFFFFFFF  }
0x96: {  	s15 =	sld [smem:$0x11];
	(tm) =	ssettm $0x1  }
0x97: {  	s16 =	sld [smem:$0x3FFB];
	_ =	sdelay $0x3  }
0x98: {  	_ =	strace s16  }
0x99: {  	s2 =	sld [smem:$0x3FFC];
	_ =	sdelay $0x3  }
0x9a: {  	_ =	strace s2  }
0x9b: {  	s2 =	sld [smem:$0x3FFD];
	_ =	sdelay $0x3  }
0x9c: {  	_ =	strace s2  }
0x9d: {  	_ =	strace $0x8FFFFFFF  }
0x9e: {  	s17 =	sld [smem:$0x3FDB];
	_ =	sdelay $0x1  }
0x9f: {  	s18 =	simm.s32 $_scs_section_size  }
0xa0: {  	s5 =	simm.s32 $_size__tile_overlayer_lowered;
	s6 =	simm.s32 $_tile_overlayer_lowered  }
0xa1: {  	s7 =	simm.s32 $0x1BFF;
	s19 =	sshll.u32 s6, $0x1;
	s4 =	sadd.s32 s18, s17  }
0xa2: {  	s20 =	simm.s32 $0x0;
	s5 =	sshll.u32 s5, $0x1;
	s6 =	sadd.s32 s19, s4  }
0xa3: {  	[timem:s20], [sflag:s7] =	dma.local [hbm:s6], s5  }
0xa4: {  	_ =	swait.ge [sflag:s7], s5  }
0xa5: {  	s5 =	ssub.s32 $0x0, s5;
	[sflag:s7] =	ssyncset.done $0x0  }
0xa6: {  	[sflag:s7] =	ssyncadd.s32 s5;
	_ =	sdelay $0x1  }
0xa7: {  	s21 =	simm.s32 $0x1B8B  }
0xa8: {  	_ =	swait.ge [sflag:s21], $0x1  }
0xa9: {  	[sflag:s21] =	ssyncset.done $0x0  }
0xaa: {  	s22 =	sld [smem:$0x3FFE];
	[sflag:s21] =	ssyncadd.s32 $0xFFFFFFFF  }
0xab: {  	s24 =	simm.s32 $0x1B8E;
	s23 =	sld [smem:$0x0]  }
0xac: {  	s25 =	simm.s32 $execute0_lowered;
	[smem:$0x3FD2] =	sst s24  }
0xad: {  	s7 =	sshll.u32 s25, $0x1;
	_ =	strace $0x8000004C;
	[dreg:$0x1] =	wrdreg $0xFFFFFFFF  }
0xae: {  	s8 =	simm.s32 $_size_execute0_lowered;
	s7 =	sadd.s32 s4, s7;
	[dreg:$0x0] =	wrdreg $0x0  }
0xaf: {  	s8 =	sshll.u32 s8, $0x1;
	[dreg:$0x2] =	wrdreg s7  }
0xb0: {  	[dreg:$0x3] =	wrdreg s8  }
0xb1: {  	[dreg:$0x4] =	wrdreg $0xC0  }
0xb2: {  	s26 =	simm.s32 $execute1_lowered;
	_ =	task [dreg:s20], $0x5FFFF  }
0xb3: {  	s7 =	sshll.u32 s26, $0x1;
	[dreg:$0x1] =	wrdreg $0xFFFFFFFF  }
0xb4: {  	s4 =	sadd.s32 s4, s7;
	[dreg:$0x0] =	wrdreg $0x60  }
0xb5: {  	[dreg:$0x2] =	wrdreg s4  }
0xb6: {  	[dreg:$0x3] =	wrdreg s22  }
0xb7: {  	[dreg:$0x4] =	wrdreg s15  }
0xb8: {  	[dreg:$0x5] =	wrdreg $0x9  }
0xb9: {  	_ =	task.clear_ibuf [dreg:s20], $0x6FFFF;
	_ =	strace $0x9000004C  }
0xba: {  	s28 =	simm.s32 $0x9;
	_ =	strace $0x8000004E  }
0xbb: {  	_ =	swait.ge [sflag:s28], $0x1  }
0xbc: {  	[sflag:s28] =	ssyncadd.s32 $0xFFFFFFFF  }
0xbd: {  	_ =	strace $0x9000004E  }
0xbe: {  	s4 =	sld [smem:$0x0]  }
0xbf: {  	s7 =	sand.u32 $0xFFFFFFFE, s1  }
0xc0: {  	p0 =	sne.s32 s1, s7  }
0xc1: {  	s7 =	sshll.u32 @p0 s7, $0xE  }
0xc2: {  	s7 =	sadd.s32 @p0 $0x11BF3, s7;
	s8 =	sshll.u32 @p0 s4, $0x11  }
0xc3: {  	s7 =	sor.u32 @p0 s8, s7  }
0xc4: {  	[sflag:s7] =	ssyncadd.remote.s32 @p0 $0x1;
	_ =	sdelay $0x1  }
0xc5: {  	s7 =	simm.s32 @p0 $0x1BF3  }
0xc6: {  	_ =	swait.eq @p0 [sflag:s7], $0x1  }
0xc7: {  	[sflag:s7] =	ssyncadd.s32 @p0 $0xFFFFFFFF  }
0xc8: {  	s8 =	sshll.u32 @!p0 s1, $0xE  }
0xc9: {  	s8 =	sor.u32 @!p0 $0x4000, s8;
	s7 =	simm.s32 @!p0 $0x1BF3  }
0xca: {  	s4 =	sshll.u32 @!p0 s4, $0x11;
	s8 =	sadd.s32 @!p0 $0x11BF3, s8;
	_ =	swait.eq @!p0 [sflag:s7], $0x1  }
0xcb: {  	s4 =	sor.u32 @!p0 s4, s8;
	[sflag:s7] =	ssyncadd.s32 @!p0 $0xFFFFFFFF  }
0xcc: {  	[sflag:s4] =	ssyncadd.remote.s32 @!p0 $0x1  }
0xcd: {  	_ =	strace $0x8000004F;
	[dreg:$0x1] =	wrdreg $0xFFFFFFFF  }
0xce: {  	[dreg:$0x0] =	wrdreg $0x2030  }
0xcf: {  	[dreg:$0x2] =	wrdreg s15  }
0xd0: {  	[dreg:$0x3] =	wrdreg s22  }
0xd1: {  	[dreg:$0x4] =	wrdreg s1  }
0xd2: {  	[dreg:$0x5] =	wrdreg s23  }
0xd3: {  	[dreg:$0x6] =	wrdreg $0xA  }
0xd4: {  	_ =	task.clear_ibuf [dreg:s20], $0x7FFFF;
	_ =	strace $0x9000004F  }
0xd5: {  	s29 =	simm.s32 $0xA;
	_ =	strace $0x80000051  }
0xd6: {  	_ =	swait.ge [sflag:s29], $0x1  }
0xd7: {  	[sflag:s29] =	ssyncadd.s32 $0xFFFFFFFF  }
0xd8: {  	_ =	strace $0x90000051  }
0xd9: {  	_ =	sfence  }
0xda: {  	s30 =	sld [smem:$0x0];
	_ =	sdelay $0x2  }
0xdb: {  	s31 =	sshll.u32 s1, $0xD;
	s1 =	sshrl.u32 s1, $0x2  }
0xdc: {  	s4 =	sand.u32 $0x4000, s31;
	s1 =	sadd.s32 s1, s30  }
0xdd: {  	s0 =	sor.u32 s4, s0;
	s1 =	sshll.u32 s1, $0x11  }
0xde: {  	s0 =	sor.u32 s1, s0  }
0xdf: {  	s0 =	sadd.s32 $0x8F2B, s0  }
0xe0: {  	[sflag:s0] =	ssyncadd.remote.s32 $0x1  }
0xe1: {  	_ =	sfence.sel $0xFFFF  }
0xe2: {  	[dreg:$0x0] =	wrdreg $0xFFFFFFFF;
	(pc) =	sbr.abs _section_cstart, $3  }
0xe3: {  	[dreg:$0x1] =	wrdreg $0xFFFFFFFF  }
0xe4: {  	_ =	task.clear_ibuf [dreg:s20], $0x2FFFF;
	_ =	strace $0x9FFFFFFF  }
0xe5: {  	(tm) =	ssettm $0x7FFFFFFF  }
tec
execute0_lowered:
.L_overlay_start_1:
0x0: {  	(tag) =	ssettag $0x1  }
0x1: {  	s3 =	rddreg [dreg:$0x0]  }
0x2: {  	s4 =	rddreg [dreg:$0x1]  }
0x3: {  	s2 =	rddreg [dreg:$0x2]  }
0x4: {  	s0 =	rddreg [dreg:$0x3]  }
0x5: {  	s5 =	stileid.u32;
	[bflag:$0x3] =	sbarrier.arrive $0xFFFF;
	s1 =	simm.s32 $_size_execute1_lowered  }
0x6: {  	s29 =	srdreg.scid;
	s31 =	simm.s32 $0x2;
	p0 =	sne.s32 s5, $0x0  }
0x7: {  	s1 =	sshll.u32 s1, $0x1;
	s6 =	simm.s32 @!p0 $0x1C3F;
	s7 =	simm.s32 @!p0 $0x4060  }
0x8: {  	[timem:s7], [sflag:s6] =	dma.local @!p0 [hbm:s3], s1  }
0x9: {  	s8 =	simm.s32 $0x0;
	s12 =	simm.s32 $0x0;
	s3 =	sshll.u32 s29, $0x7  }
.Ltmp0:
0xa: {  	s5 =	sshll.u32 s5, $0x8;
	s3 =	sand.u32 $0x80, s3;
	(pc) =	sbr.rel .LBB2_1-.Ltmp0, $4  }
0xb: {  	s10 =	simm.s32 $0x0;
	s11 =	simm.s32 $0x0;
	s3 =	sor.u32 s5, s3  }
0xc: {  	_ =	strace $0x8000004D;
	s5 =	simm.s32 $0x1;
	s30 =	ssub.s32 $0x2700, s3  }
0xd: {  	s4 =	sadd.s32 $0x800, s4;
	[sflag:s5] =	ssyncpa.u1 $0x0;
	s6 =	sshrl.u32 s30, $0xC  }
0xe: {  	s9 =	smov.u32 s3;
	[sflag:s31] =	ssyncpa.u1 $0x0;
	s7 =	sadd.s32 $0x2, s6  }
.LBB2_4:
0xf: {  	_ = 	snop  }
.LBB2_7:
0x10: {  	_ =	sdelay $0x3  }
0x11: {  	[tilespmem:v0+s16+$0x0 ss:$0x1] =	vst.idx.msk @p1 $0xffff, v2  }
0x12: {  	v56 =	vld.idx.msk [tilespmem:v1+s15+$0x0 ss:$0x1], $0xffff;
	s24 =	sor.u32 $0x70, s15;
	[tilespmem:v0+s17+$0x0 ss:$0x1] =	vst.idx.msk @p1 $0xffff, v4  }
0x13: {  	s25 =	sor.u32 $0x10, s15;
	[tilespmem:v0+s18+$0x0 ss:$0x1] =	vst.idx.msk @p1 $0xffff, v3;
	v57 =	vld.idx.msk [tilespmem:v1+s24+$0x0 ss:$0x1], $0xffff  }
0x14: {  	s26 =	sor.u32 $0x20, s15;
	[tilespmem:v0+s19+$0x0 ss:$0x1] =	vst.idx.msk @p1 $0xffff, v5;
	v58 =	vld.idx.msk [tilespmem:v1+s25+$0x0 ss:$0x1], $0xffff  }
0x15: {  	s28 =	sor.u32 $0x30, s15;
	[tilespmem:v0+s20+$0x0 ss:$0x1] =	vst.idx.msk @p1 $0xffff, v6;
	v59 =	vld.idx.msk [tilespmem:v1+s26+$0x0 ss:$0x1], $0xffff  }
0x16: {  	s29 =	sor.u32 $0x40, s15;
	[tilespmem:v0+s21+$0x0 ss:$0x1] =	vst.idx.msk @p1 $0xffff, v7;
	v60 =	vld.idx.msk [tilespmem:v1+s28+$0x0 ss:$0x1], $0xffff  }
0x17: {  	s30 =	sor.u32 $0x50, s15;
	v61 =	vld.idx.msk [tilespmem:v1+s29+$0x0 ss:$0x1], $0xffff;
	[tilespmem:v0+s15+$0x0 ss:$0x1] =	vst.idx.msk $0xffff, v56  }
0x18: {  	s31 =	sor.u32 $0x60, s15;
	v62 =	vld.idx.msk [tilespmem:v1+s30+$0x0 ss:$0x1], $0xffff;
	[tilespmem:v0+s24+$0x0 ss:$0x1] =	vst.idx.msk $0xffff, v57  }
0x19: {  	v63 =	vld.idx.msk [tilespmem:v1+s31+$0x0 ss:$0x1], $0xffff;
	[tilespmem:v0+s25+$0x0 ss:$0x1] =	vst.idx.msk $0xffff, v58  }
0x1a: {  	[tilespmem:v0+s26+$0x0 ss:$0x1] =	vst.idx.msk $0xffff, v59  }
0x1b: {  	[tilespmem:v0+s28+$0x0 ss:$0x1] =	vst.idx.msk $0xffff, v60  }
0x1c: {  	[tilespmem:v0+s29+$0x0 ss:$0x1] =	vst.idx.msk $0xffff, v61  }
0x1d: {  	[tilespmem:v0+s30+$0x0 ss:$0x1] =	vst.idx.msk $0xffff, v62  }
0x1e: {  	[tilespmem:v0+s31+$0x0 ss:$0x1] =	vst.idx.msk $0xffff, v63  }
.LBB2_8:
0x1f: {  	s15 =	sand.u32 $0x1FFFFFF, s10  }
0x20: {  	s16 =	smulhi.u32 $0x1A36E2F, s15;
	_ =	sdelay $0x1  }
0x21: {  	s16 =	sshrl.u32 s16, $0x6  }
0x22: {  	s16 =	smul.u32 $0x2710, s16;
	_ =	sdelay $0x1  }
0x23: {  	s15 =	ssub.s32 s15, s16  }
0x24: {  	s15 =	sshll.u32 s15, $0x4  }
0x25: {  	s15 =	sadd.s32 s2, s15  }
0x26: {  	[hbm4b:s15+s8] =	stream.linear.scatter [tilespmem:s14], [sflag:$0x2], s13, $0x38;
	[tilespmem:$0x10000] =	vst v63  }
.LBB2_9:
0x27: {  	p1 =	slt.u32 s11, $0x2  }
0x28: {  	p2 =	sgt.s32 @!p1 s12, $0x2690  }
0x29: {  	s13 =	smov.u32 s12;
	s14 =	sshra.s32 @!p1 s12, $0x1F;
	p2 =	por !p2, p1  }
0x2a: {  	s12 =	sand.u32 @!p1 s14, s12;
	s13 =	simm.s32 @p2 $0x2690  }
0x2b: {  	s12 =	ssub.s32 @!p1 s13, s12  }
0x2c: {  	s12 =	sadd.s32 @!p1 $0xFFFFD970, s12  }
0x2d: {  	s13 =	sshll.u32 @!p1 s12, $0x9  }
0x2e: {  	p2 =	sgt.s32 @!p1 s12, $0x7F;
	s12 =	ssub.s32 @!p1 $0x10000, s13  }
0x2f: {  	s14 =	sadd.s32 $0x1000, s9;
	p2 =	por !p2, p1;
	s12 =	sshrl.u32 @!p1 s12, $0x2  }
0x30: {  	s12 =	simm.s32 @!p2 $0x0;
	p2 =	sgt.s32 s14, $0x270F  }
0x31: {  	s14 =	smov.u32 @p2 s3;
	p2 =	sne.s32 s11, s7  }
.Ltmp1:
0x32: {  	_ = 	snop;
	(pc) =	sbr.rel @!p2 .LBB2_10-.Ltmp1, $4  }
0x33: {  	s13 =	simm.s32 @!p1 $0x2  }
0x34: {  	_ =	swait.ge @!p1 [sflag:s13], s12;
	s15 =	ssub.s32 @!p1 $0x0, s12  }
0x35: {  	s12 =	smov.u32 s10;
	s11 =	sadd.s32 $0x1, s11;
	[sflag:s13] =	ssyncset.done @!p1 $0x0  }
0x36: {  	s10 =	smov.u32 s9;
	s9 =	smov.u32 s14;
	[sflag:s13] =	ssyncadd.s32 @!p1 s15  }
.LBB2_1:
0x37: {  	p1 =	sgt.u32 s11, s6  }
0x38: {  	s13 =	sand.u32 @!p1 $0x1FFFFFF, s9  }
0x39: {  	p2 =	sgt.s32 @!p1 s9, $0x2690;
	s14 =	smulhi.u32 @!p1 $0x1A36E2F, s13  }
0x3a: {  	s15 =	smov.u32 s9;
	s16 =	sshra.s32 @!p1 s9, $0x1F;
	p2 =	por !p2, p1  }
0x3b: {  	s16 =	sand.u32 @!p1 s16, s9;
	s15 =	simm.s32 @p2 $0x2690;
	s14 =	sshrl.u32 @!p1 s14, $0x6  }
0x3c: {  	s15 =	ssub.s32 @!p1 s15, s16;
	s14 =	smul.u32 @!p1 $0x2710, s14  }
0x3d: {  	s16 =	sxor.u32 @!p1 $0xFFFFFFFF, s11;
	s15 =	sadd.s32 @!p1 $0xFFFFD970, s15  }
0x3e: {  	s16 =	sshll.u32 @!p1 s16, $0xE;
	s13 =	ssub.s32 @!p1 s13, s14;
	s14 =	sshll.u32 @!p1 s15, $0x9  }
0x3f: {  	s16 =	sand.u32 @!p1 $0x4000, s16;
	p2 =	sgt.s32 @!p1 s15, $0x7F;
	s14 =	ssub.s32 @!p1 $0x10000, s14  }
0x40: {  	p2 =	por !p2, p1;
	s13 =	sshll.u32 @!p1 s13, $0x4;
	s14 =	sshrl.u32 @!p1 s14, $0x2  }
0x41: {  	s15 =	simm.s32 @!p1 $0x0;
	s13 =	sadd.s32 @!p1 s4, s13;
	s14 =	simm.s32 @!p2 $0x0  }
0x42: {  	[tilespmem:s16], [sflag:$0x1] =	stream.linear.gather @!p1 [hbm4b:s13+s15], s14, $0x38;
	[tilespmem:$0x10000] =	vst v63  }
0x43: {  	p1 =	seq.s32 s11, $0x0  }
0x44: {  	p2 =	sge.u32 @!p1 s11, s7  }
0x45: {  	p1 =	por p1, p2  }
.Ltmp2:
0x46: {  	_ = 	snop;
	(pc) =	sbr.rel @p1 .LBB2_9-.Ltmp2, $1  }
0x47: {  	_ =	sdelay $0x3  }
0x48: {  	p1 =	sgt.s32 s10, $0x2690;
	s13 =	smov.u32 s10;
	s14 =	sshra.s32 s10, $0x1F  }
0x49: {  	s13 =	simm.s32 @!p1 $0x2690;
	s14 =	sand.u32 s14, s10  }
0x4a: {  	s13 =	ssub.s32 s13, s14  }
0x4b: {  	s13 =	sadd.s32 $0xFFFFD970, s13  }
0x4c: {  	s31 =	sshll.u32 s13, $0x9  }
0x4d: {  	s14 =	ssub.s32 $0x10000, s31  }
0x4e: {  	p1 =	sgt.s32 s13, $0x7F;
	s13 =	sshrl.u32 s14, $0x2;
	s14 =	sadd.s32 $0x80, s10  }
0x4f: {  	s13 =	simm.s32 @p1 $0x0;
	p1 =	slt.s32 s14, $0x2710  }
0x50: {  	s14 =	simm.s32 @!p1 $0x2710  }
0x51: {  	s16 =	ssub.s32 s14, s10  }
0x52: {  	p1 =	slt.s32 s16, $0x1  }
.Ltmp3:
0x53: {  	_ = 	snop;
	(pc) =	sbr.rel @p1 .LBB2_8-.Ltmp3, $4  }
0x54: {  	_ = 	snop  }
0x55: {  	s15 =	sshll.u32 s11, $0xE;
	_ =	swait.ge [sflag:s5], s13  }
0x56: {  	s15 =	sand.u32 $0x4000, s15;
	s17 =	ssub.s32 $0x0, s13;
	[sflag:s5] =	ssyncset.done $0x0  }
0x57: {  	s14 =	sor.u32 $0x8000, s15;
	[sflag:s5] =	ssyncadd.s32 s17  }
0x58: {  	p2 =	sne.s32 s16, $0x1  }
.Ltmp4:
0x59: {  	v1 =	vmov s15;
	v0 =	vmov s14;
	(pc) =	sbr.rel @!p2 .LBB2_4-.Ltmp4, $3  }
0x5a: {  	_ =	sdelay $0x1  }
0x5b: {  	s17 =	simm.s32 $0x0  }
0x5c: {  	s23 =	sadd.s32 $0xFFFFFFFF, s16;
	p1 =	por $0x0, $0x0;
	s15 =	sand.u32 $0x3F80, s17  }
0x5d: {  	_ =	sdelay $0x3  }
0x5e: {  	v6 =	vld.idx.msk [tilespmem:v1+s15+$0x0 ss:$0x1], $0xffff;
	s24 =	sor.u32 $0x70, s15  }
0x5f: {  	s16 =	sor.u32 $0x10, s15;
	v8 =	vld.idx.msk [tilespmem:v1+s24+$0x0 ss:$0x1], $0xffff  }
0x60: {  	s17 =	sor.u32 $0x20, s15;
	p2 =	sne.s32 s23, $0x1;
	v2 =	vld.idx.msk [tilespmem:v1+s16+$0x0 ss:$0x1], $0xffff  }
.Ltmp5:
0x61: {  	s18 =	sor.u32 $0x30, s15;
	v4 =	vld.idx.msk [tilespmem:v1+s17+$0x0 ss:$0x1], $0xffff;
	(pc) =	sbr.rel @!p2 .LBB2_7-.Ltmp5, $4  }
0x62: {  	s19 =	sor.u32 $0x40, s15;
	v3 =	vld.idx.msk [tilespmem:v1+s18+$0x0 ss:$0x1], $0xffff  }
0x63: {  	s21 =	sor.u32 $0x60, s15;
	v5 =	vld.idx.msk [tilespmem:v1+s19+$0x0 ss:$0x1], $0xffff  }
0x64: {  	s20 =	sor.u32 $0x50, s15;
	s22 =	simm.s32 $0x80;
	v7 =	vld.idx.msk [tilespmem:v1+s21+$0x0 ss:$0x1], $0xffff;
	[tilespmem:v0+s15+$0x0 ss:$0x1] =	vst.idx.msk $0xffff, v6  }
0x65: {  	s23 =	sadd.s32 $0xFFFFFFFF, s23;
	p1 =	por $0x1, $0x1;
	v6 =	vld.idx.msk [tilespmem:v1+s20+$0x0 ss:$0x1], $0xffff;
	s15 =	sand.u32 $0x3F80, s22;
	[tilespmem:v0+s24+$0x0 ss:$0x1] =	vst.idx.msk $0xffff, v8  }
.LBB2_6:
0x66: {  	p2 =	sne.s32 s23, $0x1;
	v8 =	vld.idx.msk [tilespmem:v1+s15+$0x0 ss:$0x1], $0xffff;
	s24 =	sor.u32 $0x70, s15;
	[tilespmem:v0+s16+$0x0 ss:$0x1] =	vst.idx.msk $0xffff, v2;
	s16 =	sor.u32 $0x10, s15  }
0x67: {  	s25 =	sor.u32 $0x30, s15;
	s26 =	sor.u32 $0x40, s15;
	v9 =	vld.idx.msk [tilespmem:v1+s24+$0x0 ss:$0x1], $0xffff;
	[tilespmem:v0+s17+$0x0 ss:$0x1] =	vst.idx.msk $0xffff, v4;
	s17 =	sor.u32 $0x20, s15  }
0x68: {  	s28 =	sor.u32 $0x50, s15;
	s29 =	sor.u32 $0x60, s15;
	v2 =	vld.idx.msk [tilespmem:v1+s16+$0x0 ss:$0x1], $0xffff;
	[tilespmem:v0+s18+$0x0 ss:$0x1] =	vst.idx.msk $0xffff, v3;
	s18 =	smov.u32 s25  }
.Ltmp6:
0x69: {  	v4 =	vld.idx.msk [tilespmem:v1+s17+$0x0 ss:$0x1], $0xffff;
	[tilespmem:v0+s19+$0x0 ss:$0x1] =	vst.idx.msk $0xffff, v5;
	s19 =	smov.u32 s26;
	(pc) =	sbr.rel @p2 .LBB2_6-.Ltmp6, $4  }
0x6a: {  	v3 =	vld.idx.msk [tilespmem:v1+s18+$0x0 ss:$0x1], $0xffff;
	[tilespmem:v0+s20+$0x0 ss:$0x1] =	vst.idx.msk $0xffff, v6;
	s20 =	smov.u32 s28  }
0x6b: {  	v5 =	vld.idx.msk [tilespmem:v1+s19+$0x0 ss:$0x1], $0xffff;
	[tilespmem:v0+s21+$0x0 ss:$0x1] =	vst.idx.msk $0xffff, v7;
	s21 =	smov.u32 s29  }
0x6c: {  	s22 =	sadd.s32 $0x80, s22;
	[tilespmem:v0+s15+$0x0 ss:$0x1] =	vst.idx.msk $0xffff, v8;
	v6 =	vld.idx.msk [tilespmem:v1+s20+$0x0 ss:$0x1], $0xffff  }
0x6d: {  	s23 =	sadd.s32 $0xFFFFFFFF, s23;
	s15 =	sand.u32 $0x3F80, s22;
	v7 =	vld.idx.msk [tilespmem:v1+s21+$0x0 ss:$0x1], $0xffff;
	[tilespmem:v0+s24+$0x0 ss:$0x1] =	vst.idx.msk $0xffff, v9  }
.Ltmp7:
0x6e: {  	_ = 	snop;
	(pc) =	sbr.rel .LBB2_7-.Ltmp7, $1  }
0x6f: {  	_ =	sdelay $0x3  }
.LBB2_10:
0x70: {  	_ =	sfence.sel $0x180000  }
0x71: {  	s2 =	simm.s32 $0x1;
	[bflag:$0x0] =	sbarrier.arrive $0xFFFF  }
0x72: {  	s31 =	simm.s32 $0x2;
	[sflag:s2] =	ssyncpa.u1 $0x1  }
0x73: {  	[sflag:s31] =	ssyncpa.u1 $0x1  }
0x74: {  	_ =	strace $0x9000004D  }
0x75: {  	s0 =	sadd.s32 @!p0 $0x100000, s0;
	[bflag:$0x2] =	sbarrier.arrive $0xFFFF  }
0x76: {  	[sflag:s0] =	ssyncadd.tile.s32 @!p0 $0x1;
	s0 =	simm.s32 @!p0 $0x3F  }
0x77: {  	_ =	swait.ge @!p0 [sflag:s0], s1  }
0x78: {  	s1 =	ssub.s32 @!p0 $0x0, s1;
	[sflag:s0] =	ssyncset.done @!p0 $0x0  }
0x79: {  	[sflag:s0] =	ssyncadd.s32 @!p0 s1  }
0x7a: {  	[bflag:$0x3] =	sbarrier.arrive $0xFFFF  }
0x7b: {  	_ =	shalt  }
.Lfunc_end2:
execute1_lowered:
.L_overlay_start_2:
0x7c: {  	(tag) =	ssettag $0x2  }
0x7d: {  	s1 =	rddreg [dreg:$0x0]  }
0x7e: {  	s2 =	rddreg [dreg:$0x1]  }
0x7f: {  	s3 =	rddreg [dreg:$0x2];
	_ =	strace $0x80000050;
	s0 =	simm.s32 $0x1  }
0x80: {  	v0 =	vimm.s32 $0x0;
	[sflag:s0] =	ssyncpa.u1 $0x0;
	s0 =	simm.s32 $0x108  }
0x81: {  	[tilespmem:s0+$0x70] =	vst v0  }
0x82: {  	[tilespmem:s0+$0x60] =	vst v0  }
0x83: {  	[tilespmem:s0+$0x50] =	vst v0  }
0x84: {  	[tilespmem:s0+$0x40] =	vst v0  }
0x85: {  	[tilespmem:s0+$0x30] =	vst v0  }
0x86: {  	s15 =	sadd.s32 $0x9D3600, s2;
	s6 =	sadd.s32 $0x4EC600, s2;
	[tilespmem:s0+$0x20] =	vst v0  }
0x87: {  	s14 =	sadd.s32 $0x9D8600, s2;
	s5 =	sand.u32 $0x1, s3;
	s3 =	simm.s32 $0x40;
	[tilespmem:s0+$0x10] =	vst v0  }
.LBB3_1:
0x88: {  	s3 =	sadd.s32 $0x40, s3;
	[tilespmem:s0+$0x0] =	vst v0;
	s0 =	sadd.s32 $0x80, s0  }
0x89: {  	p0 =	slt.u32 s3, $0x3C40;
	[tilespmem:s0+$0x70] =	vst v0  }
0x8a: {  	[tilespmem:s0+$0x60] =	vst v0  }
.Ltmp8:
0x8b: {  	[tilespmem:s0+$0x50] =	vst v0;
	(pc) =	sbr.rel @p0 .LBB3_1-.Ltmp8, $4  }
0x8c: {  	[tilespmem:s0+$0x40] =	vst v0  }
0x8d: {  	[tilespmem:s0+$0x30] =	vst v0  }
0x8e: {  	[tilespmem:s0+$0x20] =	vst v0  }
0x8f: {  	[tilespmem:s0+$0x10] =	vst v0  }
0x90: {  	s9 =	stileid.u32  }
0x91: {  	s2 =	smul.u32 $0x14, s9  }
0x92: {  	s3 =	smin.u32 s9, $0xE  }
0x93: {  	s2 =	sadd.s32 s3, s2  }
0x94: {  	p0 =	slt.u32 s9, $0xE;
	s7 =	smul.u32 $0xF0, s2;
	s2 =	simm.s32 $0x13B0  }
0x95: {  	s2 =	simm.s32 @!p0 $0x12C0  }
0x96: {  	s2 =	sadd.s32 s2, s7  }
0x97: {  	s8 =	smin.u32 s2, $0x13880  }
0x98: {  	s2 =	ssub.s32 s8, s7  }
0x99: {  	p0 =	sgt.s32 s2, $0x0  }
0x9a: {  	s29 =	simm.s32 $0x2;
	s10 =	simm.s32 $0x9;
	s2 =	simm.s32 @!p0 $0x0  }
0x9b: {  	s4 =	simm.s32 $0xA;
	s11 =	simm.s32 $0xB;
	s28 =	smulhi.u32 $0x88888889, s2  }
0x9c: {  	[dreg:$0x5] =	wrdreg s5;
	s31 =	smul.u32 $0x2710, s5;
	s12 =	simm.s32 $0x1  }
0x9d: {  	s22 =	simm.s32 $0x0;
	s18 =	simm.s32 $0xC;
	s30 =	sshrl.u32 s28, $0x7  }
0x9e: {  	s20 =	simm.s32 $0x0;
	s21 =	simm.s32 $0x0;
	s3 =	smul.u32 $0xF0, s30  }
.Ltmp9:
0x9f: {  	[tilespmem:s0+$0x0] =	vst v0;
	v0 =	vimm.s32 $0xFFFFFFFF;
	[sflag:s29] =	ssyncpa.u1 $0x0;
	s16 =	sshll.u32 s9, $0x8;
	(pc) =	sbr.rel .LBB3_3-.Ltmp9, $4  }
0xa0: {  	[tilespmem:$0xF208] =	vst v0;
	[sflag:s10] =	ssyncpa.u1 $0x0;
	p0 =	sne.s32 s2, s3;
	s2 =	simm.s32 $0x1  }
0xa1: {  	s14 =	sadd.s32 s31, s14;
	[sflag:s4] =	ssyncpa.u1 $0x0;
	s2 =	simm.s32 @!p0 $0x0  }
0xa2: {  	s15 =	sadd.s32 s31, s15;
	[sflag:s11] =	ssyncpa.u1 $0x0;
	s13 =	sadd.s32 s2, s30  }
0xa3: {  	v0 =	vlaneseq.u32;
	s19 =	smov.u32 s7;
	p0 =	por $0x0, $0x0;
	s17 =	sadd.s32 $0x1, s13  }
.LBB3_18:
0xa4: {  	s0 =	sshrl.u32 s31, $0x2  }
.LBB3_20:
0xa5: {  	_ =	swait.ge [sflag:s18], s0  }
0xa6: {  	s31 =	ssub.s32 $0x0, s0;
	v1 =	vmov s24;
	vm0 =	veq.s32 v0, $0x0;
	[sflag:s18] =	ssyncset.done $0x0  }
0xa7: {  	vm15 =	veq.s32 v0, $0x2;
	v1 =	vsel vm0, s30, v1;
	[sflag:s18] =	ssyncadd.s32 s31  }
0xa8: {  	v1 =	vsel vm15, s22, v1;
	[sflag:s18] =	ssyncpa.u1 $0x1  }
0xa9: {  	[tilespmem:$0xF208] =	vst v1  }
.LBB3_21:
0xaa: {  	s0 =	sadd.s32 $0xF0, s19  }
0xab: {  	s2 =	smov.u32 s7;
	p1 =	slt.s32 s0, s8  }
0xac: {  	s2 =	smov.u32 @p1 s0;
	p1 =	sne.s32 s21, s17  }
.Ltmp10:
0xad: {  	_ = 	snop;
	(pc) =	sbr.rel @!p1 .LBB3_22-.Ltmp10, $3  }
0xae: {  	_ =	sdelay $0x1  }
0xaf: {  	s22 =	smov.u32 s20;
	s31 =	sadd.s32 $0x1, s21;
	s20 =	smov.u32 s19  }
0xb0: {  	p0 =	por !p0, !p0;
	s21 =	smov.u32 s31;
	s19 =	smov.u32 s2  }
.LBB3_3:
0xb1: {  	p1 =	sge.u32 s21, s13  }
0xb2: {  	s0 =	smulhi.u32 @!p1 $0xAAAAAAAB, s21  }
0xb3: {  	s2 =	smov.u32 s19;
	p2 =	sgt.s32 @!p1 s19, $0x13790  }
0xb4: {  	s3 =	sshra.s32 @!p1 s19, $0x1F;
	p2 =	por !p2, p1;
	s0 =	sshrl.u32 @!p1 s0, $0x1  }
0xb5: {  	s3 =	sand.u32 @!p1 s3, s19;
	s2 =	simm.s32 @p2 $0x13790;
	s0 =	smul.u32 @!p1 $0x3, s0  }
0xb6: {  	s2 =	ssub.s32 @!p1 s2, s3  }
0xb7: {  	s2 =	sadd.s32 @!p1 $0xFFFEC870, s2;
	s0 =	ssub.s32 @!p1 s21, s0  }
0xb8: {  	s3 =	sshll.u32 @!p1 s2, $0x2;
	p2 =	sgt.s32 @!p1 s2, $0xEF;
	s0 =	smul.u32 @!p1 $0x3C0, s0  }
0xb9: {  	s4 =	sand.u32 @!p1 $0x7, s19;
	s2 =	ssub.s32 @!p1 $0x3C0, s3;
	p2 =	por !p2, p1  }
0xba: {  	s3 =	sshrl.u32 @!p1 s19, $0x3;
	s2 =	sshrl.u32 @!p1 s2, $0x2;
	s0 =	sshrl.u32 @!p1 s0, $0x2  }
0xbb: {  	s3 =	sadd.s32 @!p1 s3, s14;
	s2 =	simm.s32 @!p2 $0x0;
	s0 =	sadd.s32 @!p1 $0x10248, s0  }
0xbc: {  	[tilespmem:s0], [sflag:$0xA] =	stream.linear.gather @!p1 [hbm4b:s3+s4], s2, $0x38;
	[tilespmem:$0x1F6F8] =	vst v63  }
0xbd: {  	s0 =	sadd.s32 $0xFFFFFFFF, s21  }
0xbe: {  	p1 =	sge.u32 s0, s13  }
0xbf: {  	p2 =	sgt.s32 @!p1 s20, $0x13790  }
0xc0: {  	s2 =	smov.u32 s20;
	s3 =	sshra.s32 @!p1 s20, $0x1F;
	p2 =	por !p2, p1  }
0xc1: {  	s3 =	sand.u32 @!p1 s3, s20;
	s2 =	simm.s32 @p2 $0x13790  }
0xc2: {  	s2 =	ssub.s32 @!p1 s2, s3  }
0xc3: {  	s2 =	sadd.s32 @!p1 $0xFFFEC870, s2  }
0xc4: {  	s4 =	sand.u32 @!p1 $0x1, s0;
	s3 =	sshll.u32 @!p1 s2, $0x2  }
0xc5: {  	p2 =	sgt.s32 @!p1 s2, $0xEF;
	s2 =	ssub.s32 @!p1 $0x3C0, s3;
	s3 =	smulhi.u32 @!p1 $0xAAAAAAAB, s0  }
0xc6: {  	s23 =	smul.u32 @!p1 $0x3C0, s4;
	p2 =	por !p2, p1;
	s2 =	sshrl.u32 @!p1 s2, $0x2  }
0xc7: {  	s5 =	simm.s32 @!p1 $0xA;
	s2 =	simm.s32 @!p2 $0x0;
	s3 =	sshrl.u32 @!p1 s3, $0x1  }
0xc8: {  	s23 =	sshrl.u32 @!p1 s23, $0x2;
	_ =	swait.ge @!p1 [sflag:s5], s2;
	s3 =	smul.u32 @!p1 $0x3, s3  }
0xc9: {  	s23 =	sadd.s32 @!p1 $0x10518, s23;
	s24 =	ssub.s32 @!p1 $0x0, s2;
	[sflag:s5] =	ssyncset.done @!p1 $0x0  }
0xca: {  	[sflag:s5] =	ssyncadd.s32 @!p1 s24;
	s5 =	sshrl.u32 @!p1 s20, $0x3;
	s0 =	ssub.s32 @!p1 s0, s3  }
0xcb: {  	s24 =	sand.u32 @!p1 $0x7, s20;
	s5 =	sadd.s32 @!p1 s5, s15;
	s0 =	smul.u32 @!p1 $0x3C0, s0  }
0xcc: {  	[tilespmem:s23], [sflag:$0xB] =	stream.linear.gather @!p1 [hbm4b:s5+s24], s2, $0x38;
	[tilespmem:$0x1F6F8] =	vst v63  }
0xcd: {  	s3 =	ssub.s32 @!p1 $0x13880, s20;
	s2 =	smul.u32 @!p1 $0x1E000, s4  }
0xce: {  	p2 =	slt.s32 @!p1 s3, $0xF0  }
0xcf: {  	p2 =	por !p2, p1;
	s0 =	sshrl.u32 @!p1 s0, $0x2;
	s2 =	sshrl.u32 @!p1 s2, $0x2  }
0xd0: {  	s3 =	simm.s32 @p2 $0xF0;
	s0 =	sadd.s32 @!p1 $0x10248, s0;
	s2 =	sor.u32 @!p1 $0x106F8, s2  }
0xd1: {  	[tilespmem:s2], [sflag:$0x9] =	stream.indirect.gather @!p1 [hbm4b:s6+s3], $0x80, s0, s3, $0xb8;
	[tilespmem:$0x1F6F8] =	vst v63  }
0xd2: {  	p1 =	slt.u32 s21, $0x2  }
.Ltmp11:
0xd3: {  	_ = 	snop;
	(pc) =	sbr.rel @p1 .LBB3_21-.Ltmp11, $1  }
0xd4: {  	_ =	sdelay $0x3  }
0xd5: {  	p1 =	sgt.s32 s22, $0x13790  }
0xd6: {  	s0 =	smov.u32 s22;
	s2 =	sshra.s32 s22, $0x1F;
	s3 =	ssub.s32 $0x13880, s22  }
0xd7: {  	s0 =	simm.s32 @!p1 $0x13790;
	s2 =	sand.u32 s2, s22;
	p1 =	slt.s32 s3, $0xF0  }
0xd8: {  	s0 =	ssub.s32 s0, s2;
	s3 =	simm.s32 @!p1 $0xF0  }
0xd9: {  	s0 =	sadd.s32 $0xFFFEC870, s0;
	s25 =	sshll.u32 s3, $0x7  }
0xda: {  	s26 =	sshll.u32 s0, $0x2;
	s2 =	sand.u32 $0x3FFFFF80, s25  }
0xdb: {  	p1 =	sgt.s32 s0, $0xEF;
	s29 =	ssub.s32 $0x3C0, s26;
	_ =	swait.ge [sflag:s10], s2  }
0xdc: {  	s2 =	ssub.s32 $0x0, s2;
	[sflag:s10] =	ssyncset.done $0x0;
	s0 =	sshrl.u32 s29, $0x2  }
0xdd: {  	[sflag:s10] =	ssyncadd.s32 s2;
	s0 =	simm.s32 @p1 $0x0  }
0xde: {  	_ =	swait.ge [sflag:s11], s0  }
0xdf: {  	s0 =	ssub.s32 $0x0, s0;
	[sflag:s11] =	ssyncset.done $0x0  }
0xe0: {  	[sflag:s11] =	ssyncadd.s32 s0  }
0xe1: {  	v1 =	vld [tilespmem:$0xF208];
	_ =	sdelay $0x4  }
0xe2: {  	(v2sf) =	vpush v1, $0x0  }
0xe3: {  	(v2sf) =	vpush v1, $0x1  }
0xe4: {  	(v2sf) =	vpush v1, $0x2;
	_ =	sdelay $0x3  }
0xe5: {  	s0 =	sadd.s32 $0xF0, s22  }
0xe6: {  	s2 =	ssub.s32 $0x27100, s22;
	p1 =	slt.s32 s8, s0  }
0xe7: {  	s0 =	smov.u32 @p1 s8;
	p1 =	sgt.s32 s2, $0x0  }
0xe8: {  	s26 =	ssub.s32 s0, s22;
	s2 =	simm.s32 @!p1 $0x0  }
0xe9: {  	p1 =	slt.s32 s2, s26  }
0xea: {  	s26 =	smov.u32 @p1 s2  }
0xeb: {  	s25 =	simm.s32 $0x1;
	p1 =	slt.s32 s26, $0x1  }
.Ltmp12:
0xec: {  	s25 =	simm.s32 @!p0 $0x0;
	(pc) =	sbr.rel @p1 .LBB3_8-.Ltmp12, $4  }
0xed: {  	s31 =	smul.u32 $0x3C0, s25  }
0xee: {  	s28 =	spop (v2sf)  }
0xef: {  	s0 =	sshrl.u32 s31, $0x2;
	s30 =	spop (v2sf)  }
0xf0: {  	s23 =	sadd.s32 $0x10518, s0;
	s22 =	spop (v2sf)  }
0xf1: {  	s0 =	smin.u32 s26, $0x10  }
0xf2: {  	v1 =	vmov s0  }
0xf3: {  	p2 =	sgt.s32 s26, $0x10;
	vm1 =	vgt.u32 v1, v0  }
.Ltmp13:
0xf4: {  	_ = 	snop;
	(pc) =	sbr.rel @!p2 .LBB3_7-.Ltmp13, $2  }
0xf5: {  	_ =	sdelay $0x2  }
0xf6: {  	s4 =	simm.s32 $0x10;
	s24 =	sadd.s32 $0xFFFFFFF0, s26;
	s0 =	smov.u32 s23;
	vm0 =	vmmov vm1  }
.LBB3_6:
0xf7: {  	s2 =	smin.u32 s24, $0x10;
	s4 =	sadd.s32 $0x10, s4;
	v1 =	vld.msk [tilespmem:s0+$0x0 ss:$0x1], vm1  }
0xf8: {  	v2 =	vmov s2;
	p2 =	slt.s32 s4, s26  }
0xf9: {  	vm1 =	vgt.u32 v2, v0  }
.Ltmp14:
0xfa: {  	(pc) =	sbr.rel @p2 .LBB3_6-.Ltmp14, $3  }
0xfb: {  	_ =	sdelay $0x1  }
0xfc: {  	v1 =	vshll.u32 v1, $0x4  }
0xfd: {  	s24 =	sadd.s32 $0xFFFFFFF0, s24;
	[tilespmem:s0+$0x0] =	vst.msk vm0, v1;
	s0 =	sadd.s32 $0x10, s0;
	vm0 =	vmmov vm1  }
.LBB3_7:
0xfe: {  	_ =	sdelay $0x4  }
0xff: {  	v1 =	vld.msk [tilespmem:s0+$0x0 ss:$0x1], vm1;
	_ =	sdelay $0x4  }
0x100: {  	v1 =	vshll.u32 v1, $0x4  }
0x101: {  	[tilespmem:s0+$0x0] =	vst.msk vm0, v1  }
.LBB3_8:
0x102: {  	s0 =	sand.u32 $0x1, s21  }
0x103: {  	s0 =	smul.u32 $0xF0, s0  }
0x104: {  	p2 =	sne.s32 s30, $0xFFFFFFFF  }
0x105: {  	v1 =	vld.msk @!p2 [tilespmem:s0+$0x10518], $0x1;
	_ =	sdelay $0x4  }
0x106: {  	(v2sf) =	vpush @!p2 v1, $0x0;
	_ =	sdelay $0xc  }
.Ltmp15:
0x107: {  	_ = 	snop;
	(pc) =	sbr.rel @p1 .LBB3_19-.Ltmp15, $4  }
0x108: {  	_ = 	snop  }
0x109: {  	s29 =	spop @!p2 (v2sf)  }
0x10a: {  	s22 =	simm.s32 @!p2 $0x0;
	s24 =	smov.u32 s29  }
0x10b: {  	[sflag:s18] =	ssyncpa.u1 $0x0;
	s29 =	smov.u32 @p2 s28;
	s24 =	smov.u32 @p2 s30  }
0x10c: {  	v1 =	vld.msk [tilespmem:s23+$0x0], $0x1;
	_ =	sdelay $0x4  }
0x10d: {  	(v2sf) =	vpush v1, $0x0;
	_ =	sdelay $0xe  }
0x10e: {  	s2 =	smul.u32 $0x1E000, s25;
	s0 =	spop (v2sf)  }
0x10f: {  	s26 =	ssub.s32 $0x0, s26;
	p1 =	seq.s32 s29, s0  }
0x110: {  	s30 =	sadd.s32 $0x1, s26;
	s2 =	sshrl.u32 s2, $0x2;
	p2 =	sgt.s32 @!p1 s29, $0x0  }
0x111: {  	s25 =	sor.u32 $0x10738, s2;
	s2 =	smov.u32 s29;
	p2 =	por !p2, p1  }
0x112: {  	s2 =	simm.s32 @p2 $0x0;
	p2 =	seq.s32 s30, $0x0  }
.Ltmp16:
0x113: {  	_ = 	snop;
	(pc) =	sbr.rel @p2 .LBB3_11-.Ltmp16, $4  }
0x114: {  	_ = 	snop  }
0x115: {  	s28 =	simm.s32 $0x0;
	s31 =	sadd.s32 $0x1, s23;
	s2 =	smin.u32 @!p1 s2, $0x270F0  }
0x116: {  	s4 =	simm.s32 @!p1 $0x1;
	s5 =	simm.s32 @!p1 $0x7988;
	s3 =	sand.u32 @!p1 $0x3FFF8, s2  }
0x117: {  	s4 =	smov.u32 @p1 s28;
	s2 =	sand.u32 @!p1 $0x7, s2;
	s3 =	sadd.s32 @!p1 s1, s3  }
.LBB3_10:
0x118: {  	s9 =	smov.u32 s4  }
0x119: {  	[tilespmem:s5], [sflag:$0x2] =	stream.linear.gather @!p1 [hbm4b:s3+s2], $0x80, $0x38;
	[tilespmem:$0x1F6F8] =	vst v63  }
0x11a: {  	s30 =	sadd.s32 $0x1, s30;
	s2 =	smov.u32 s0;
	v1 =	vld.msk [tilespmem:s31+$0x0], $0x1  }
0x11b: {  	p2 =	seq.s32 s30, $0x0;
	_ =	sdelay $0x3  }
0x11c: {  	(v2sf) =	vpush v1, $0x0;
	_ =	sdelay $0xe  }
0x11d: {  	s0 =	spop (v2sf)  }
0x11e: {  	p1 =	seq.s32 s2, s0  }
0x11f: {  	p3 =	sgt.s32 @!p1 s2, $0x0;
	s3 =	sshll.u32 @!p1 s4, $0x9;
	s4 =	sadd.s32 @!p1 $0x1, s4  }
.Ltmp17:
0x120: {  	p3 =	por !p3, p1;
	s3 =	sshra.s32 @!p1 s3, $0x2;
	(pc) =	sbr.rel @!p2 .LBB3_10-.Ltmp17, $4  }
0x121: {  	s4 =	smov.u32 @p1 s9;
	s2 =	simm.s32 @p3 $0x0;
	s5 =	sadd.s32 @!p1 $0x7988, s3  }
0x122: {  	s2 =	smin.u32 @!p1 s2, $0x270F0  }
0x123: {  	s3 =	sand.u32 @!p1 $0x3FFF8, s2;
	s2 =	sand.u32 @!p1 $0x7, s2  }
0x124: {  	s31 =	sadd.s32 $0x1, s31;
	s3 =	sadd.s32 @!p1 s1, s3  }
.LBB3_11:
0x125: {  	[tilespmem:s5], [sflag:$0x2] =	stream.linear.gather @!p1 [hbm4b:s3+s2], $0x80, $0x38;
	[tilespmem:$0x1F6F8] =	vst v63  }
.Ltmp18:
0x126: {  	s0 =	sshll.u32 s4, $0x7;
	(pc) =	sbr.rel .LBB3_12-.Ltmp18, $4  }
0x127: {  	s30 =	simm.s32 $0x2;
	s0 =	sand.u32 $0x3FFFFF80, s0  }
0x128: {  	_ =	swait.ge [sflag:s30], s0  }
0x129: {  	s0 =	ssub.s32 $0x0, s0;
	[sflag:s30] =	ssyncset.done $0x0  }
0x12a: {  	s31 =	simm.s32 $0x0;
	[sflag:s30] =	ssyncadd.s32 s0  }
.LBB3_13:
0x12b: {  	v1 =	vld [tilespmem:s25+$0xFFFFFFC0];
	_ =	sdelay $0x3  }
0x12c: {  	s0 =	sshra.s32 s0, $0x2  }
0x12d: {  	[tilespmem:s0+$0x108] =	vst.add.f32.msk $0xffff, v1  }
0x12e: {  	v1 =	vld [tilespmem:s25+$0xFFFFFFD0];
	_ =	sdelay $0x4  }
0x12f: {  	[tilespmem:s0+$0x118] =	vst.add.f32.msk $0xffff, v1  }
0x130: {  	v1 =	vld [tilespmem:s25+$0xFFFFFFE0];
	_ =	sdelay $0x4  }
0x131: {  	[tilespmem:s0+$0x128] =	vst.add.f32.msk $0xffff, v1  }
0x132: {  	v1 =	vld [tilespmem:s25+$0xFFFFFFF0];
	_ =	sdelay $0x4  }
0x133: {  	[tilespmem:s0+$0x138] =	vst.add.f32.msk $0xffff, v1  }
0x134: {  	v1 =	vld [tilespmem:s25+$0x0];
	_ =	sdelay $0x4  }
0x135: {  	[tilespmem:s0+$0x148] =	vst.add.f32.msk $0xffff, v1  }
0x136: {  	v1 =	vld [tilespmem:s25+$0x10];
	_ =	sdelay $0x4  }
0x137: {  	[tilespmem:s0+$0x158] =	vst.add.f32.msk $0xffff, v1  }
0x138: {  	v1 =	vld [tilespmem:s25+$0x20];
	_ =	sdelay $0x4  }
0x139: {  	[tilespmem:s0+$0x168] =	vst.add.f32.msk $0xffff, v1  }
0x13a: {  	v1 =	vld [tilespmem:s25+$0x30];
	_ =	sdelay $0x4  }
0x13b: {  	[tilespmem:s0+$0x178] =	vst.add.f32.msk $0xffff, v1  }
.LBB3_17:
0x13c: {  	s26 =	sadd.s32 $0x1, s26  }
0x13d: {  	p1 =	seq.s32 s26, $0x0  }
.Ltmp19:
0x13e: {  	_ = 	snop;
	(pc) =	sbr.rel @p1 .LBB3_18-.Ltmp19, $2  }
0x13f: {  	_ =	sdelay $0x2  }
0x140: {  	s23 =	sadd.s32 $0x1, s23;
	s25 =	sadd.s32 $0x80, s25;
	s29 =	smov.u32 s30  }
.LBB3_12:
0x141: {  	v1 =	vld.msk [tilespmem:s23+$0x0], $0x1;
	_ =	sdelay $0x4  }
0x142: {  	(v2sf) =	vpush v1, $0x0;
	_ =	sdelay $0xe  }
0x143: {  	s30 =	spop (v2sf)  }
0x144: {  	p1 =	sne.s32 s29, s30  }
.Ltmp20:
0x145: {  	_ = 	snop;
	(pc) =	sbr.rel @!p1 .LBB3_13-.Ltmp20, $2  }
0x146: {  	_ =	sdelay $0x2  }
0x147: {  	s0 =	sshll.u32 s22, $0x9  }
0x148: {  	p1 =	seq.s32 s29, s24  }
.Ltmp21:
0x149: {  	_ = 	snop;
	(pc) =	sbr.rel @!p1 .LBB3_15-.Ltmp21, $1  }
0x14a: {  	_ =	sdelay $0x3  }
0x14b: {  	s0 =	sshra.s32 s0, $0x2  }
.Ltmp22:
0x14c: {  	s0 =	sadd.s32 $0x108, s0;
	(pc) =	sbr.rel .LBB3_16-.Ltmp22, $4  }
0x14d: {  	[spmem:s16] =	stream.linear.scatter [tilespmem:s0], [sflag:$0x1], $0x80, $0x38;
	[tilespmem:$0x1F6F8] =	vst v63  }
0x14e: {  	_ =	swait.ge [sflag:s12], $0x80  }
0x14f: {  	[sflag:s12] =	ssyncset.done $0x0  }
0x150: {  	[sflag:s12] =	ssyncadd.s32 $0xFFFFFF80  }
.LBB3_15:
0x151: {  	s2 =	sshll.u32 s28, $0x9  }
0x152: {  	s2 =	sshra.s32 s2, $0x2  }
0x153: {  	v1 =	vld [tilespmem:s2+$0x7988];
	_ =	sdelay $0x3  }
0x154: {  	s0 =	sshra.s32 s0, $0x2  }
0x155: {  	[tilespmem:s0+$0x108] =	vst.add.f32.msk $0xffff, v1  }
0x156: {  	v1 =	vld [tilespmem:s2+$0x7998];
	_ =	sdelay $0x4  }
0x157: {  	[tilespmem:s0+$0x118] =	vst.add.f32.msk $0xffff, v1  }
0x158: {  	v1 =	vld [tilespmem:s2+$0x79A8];
	_ =	sdelay $0x4  }
0x159: {  	[tilespmem:s0+$0x128] =	vst.add.f32.msk $0xffff, v1  }
0x15a: {  	v1 =	vld [tilespmem:s2+$0x79B8];
	_ =	sdelay $0x4  }
0x15b: {  	[tilespmem:s0+$0x138] =	vst.add.f32.msk $0xffff, v1  }
0x15c: {  	v1 =	vld [tilespmem:s2+$0x79C8];
	_ =	sdelay $0x4  }
0x15d: {  	[tilespmem:s0+$0x148] =	vst.add.f32.msk $0xffff, v1  }
0x15e: {  	v1 =	vld [tilespmem:s2+$0x79D8];
	_ =	sdelay $0x4  }
0x15f: {  	[tilespmem:s0+$0x158] =	vst.add.f32.msk $0xffff, v1  }
0x160: {  	v1 =	vld [tilespmem:s2+$0x79E8];
	_ =	sdelay $0x4  }
0x161: {  	[tilespmem:s0+$0x168] =	vst.add.f32.msk $0xffff, v1  }
0x162: {  	v1 =	vld [tilespmem:s2+$0x79F8];
	_ =	sdelay $0x2  }
0x163: {  	p1 =	sgt.u32 s29, $0x270F0  }
0x164: {  	s2 =	sand.u32 @!p1 $0x3FFF8, s29  }
0x165: {  	s3 =	sadd.s32 $0x108, s0;
	[tilespmem:s0+$0x178] =	vst.add.f32.msk $0xffff, v1;
	s0 =	sadd.s32 @!p1 s1, s2;
	s2 =	sand.u32 @!p1 $0x7, s29  }
0x166: {  	[hbm4b:s0+s2] =	stream.linear.scatter @!p1 [tilespmem:s3], [sflag:$0xC], $0x80, $0x38;
	[tilespmem:$0x1F6F8] =	vst v63  }
0x167: {  	s0 =	simm.s32 $0x0  }
0x168: {  	s0 =	simm.s32 @!p1 $0x200  }
0x169: {  	s31 =	sadd.s32 s0, s31  }
.LBB3_16:
0x16a: {  	s0 =	sadd.s32 $0x1, s22  }
0x16b: {  	s2 =	smulhi.u32 $0x88888889, s0;
	_ =	sdelay $0x1  }
0x16c: {  	v1 =	vld [tilespmem:s25+$0xFFFFFFC0];
	s2 =	sshrl.u32 s2, $0x7  }
0x16d: {  	s2 =	smul.u32 $0xF0, s2;
	_ =	sdelay $0x1  }
0x16e: {  	s22 =	ssub.s32 s0, s2  }
0x16f: {  	s0 =	sshll.u32 s22, $0x7  }
0x170: {  	[tilespmem:s0+$0x108] =	vst v1  }
0x171: {  	v1 =	vld [tilespmem:s25+$0xFFFFFFD0];
	_ =	sdelay $0x4  }
0x172: {  	[tilespmem:s0+$0x118] =	vst v1  }
0x173: {  	v1 =	vld [tilespmem:s25+$0xFFFFFFE0];
	_ =	sdelay $0x4  }
0x174: {  	[tilespmem:s0+$0x128] =	vst v1  }
0x175: {  	v1 =	vld [tilespmem:s25+$0xFFFFFFF0];
	_ =	sdelay $0x4  }
0x176: {  	[tilespmem:s0+$0x138] =	vst v1  }
0x177: {  	v1 =	vld [tilespmem:s25+$0x0];
	_ =	sdelay $0x4  }
0x178: {  	[tilespmem:s0+$0x148] =	vst v1  }
0x179: {  	v1 =	vld [tilespmem:s25+$0x10];
	_ =	sdelay $0x4  }
0x17a: {  	[tilespmem:s0+$0x158] =	vst v1  }
0x17b: {  	v1 =	vld [tilespmem:s25+$0x20];
	_ =	sdelay $0x4  }
0x17c: {  	[tilespmem:s0+$0x168] =	vst v1  }
0x17d: {  	v1 =	vld [tilespmem:s25+$0x30]  }
.Ltmp23:
0x17e: {  	_ = 	snop;
	(pc) =	sbr.rel .LBB3_17-.Ltmp23, $2  }
0x17f: {  	_ =	sdelay $0x2  }
0x180: {  	s28 =	sadd.s32 $0x1, s28;
	[tilespmem:s0+$0x178] =	vst v1  }
.LBB3_19:
.Ltmp24:
0x181: {  	(pc) =	sbr.rel .LBB3_20-.Ltmp24, $4  }
0x182: {  	_ = 	snop  }
0x183: {  	s0 =	simm.s32 $0x2  }
0x184: {  	_ =	swait.ge [sflag:s0], $0x0  }
0x185: {  	s30 =	smov.u32 s29;
	[sflag:s0] =	ssyncset.done $0x0;
	s0 =	simm.s32 $0x0  }
.LBB3_22:
0x186: {  	_ =	sfence.sel $0x180000  }
0x187: {  	s0 =	simm.s32 $0x9;
	[bflag:$0x0] =	sbarrier.arrive $0xFFFF  }
0x188: {  	s24 =	simm.s32 $0xA;
	[sflag:s0] =	ssyncpa.u1 $0x1  }
0x189: {  	s25 =	simm.s32 $0xB;
	[sflag:s24] =	ssyncpa.u1 $0x1  }
0x18a: {  	s26 =	simm.s32 $0x2;
	[sflag:s25] =	ssyncpa.u1 $0x1  }
0x18b: {  	[sflag:s26] =	ssyncpa.u1 $0x1  }
0x18c: {  	v0 =	vld [tilespmem:$0xF208];
	_ =	sdelay $0x4  }
0x18d: {  	(v2sf) =	vpush v0, $0x0  }
0x18e: {  	(v2sf) =	vpush v0, $0x1;
	_ =	sdelay $0x1  }
0x18f: {  	(v2sf) =	vpush v0, $0x2;
	_ =	sdelay $0xb  }
0x190: {  	s0 =	spop (v2sf)  }
0x191: {  	s2 =	spop (v2sf)  }
0x192: {  	s3 =	smov.u32 s0;
	p0 =	sne.s32 s0, s2  }
0x193: {  	s4 =	spop (v2sf);
	s3 =	simm.s32 @!p0 $0xFFFFFFFF  }
0x194: {  	v2 =	vimm.s32 $0x1;
	v3 =	vlaneseq.u32;
	p0 =	seq.s32 s4, $0xFFFFFFFF;
	v1 =	vmov s3  }
0x195: {  	s16 =	stileid.u32;
	v0 =	vperm.xlane v0, v2;
	p1 =	sne.s32 @!p0 s0, s2;
	v1 =	vperm.xlane v1, v3  }
0x196: {  	vm0 =	vcmask $0x3F04;
	s6 =	simm.s32 $0xF208;
	s0 =	simm.s32 @!p0 $0x1;
	p1 =	por !p1, p0  }
0x197: {  	s3 =	sshll.u32 s16, $0x1;
	s2 =	sshll.u32 @!p0 s4, $0x9;
	s0 =	simm.s32 @p1 $0x0;
	v0 =	vsel vm0, v1, v0  }
0x198: {  	s5 =	sor.u32 $0x1000, s3;
	s2 =	sshra.s32 @!p0 s2, $0x2;
	s0 =	sor.u32 @!p0 s0, s3;
	[tilespmem:$0xF208] =	vst v0  }
0x199: {  	[spmem:s5] =	stream.linear.scatter [tilespmem:s6], [sflag:$0x1], $0x2, $0x38;
	[tilespmem:$0x1F6F8] =	vst v63  }
0x19a: {  	s2 =	sadd.s32 @!p0 $0x108, s2;
	s0 =	sshll.u32 @!p0 s0, $0x7  }
0x19b: {  	[spmem:s0] =	stream.linear.scatter @!p0 [tilespmem:s2], [sflag:$0x1], $0x80, $0x38;
	[tilespmem:$0x1F6F8] =	vst v63  }
0x19c: {  	s0 =	simm.s32 @!p0 $0x82  }
0x19d: {  	s28 =	simm.s32 $0x1;
	s0 =	simm.s32 @p0 $0x2  }
0x19e: {  	_ =	swait.ge [sflag:s28], s0  }
0x19f: {  	s0 =	ssub.s32 $0x0, s0;
	[sflag:s28] =	ssyncset.done $0x0  }
0x1a0: {  	p0 =	sne.s32 s16, $0x0;
	[sflag:s28] =	ssyncadd.s32 s0  }
.Ltmp25:
0x1a1: {  	_ =	sfence.stream.spmem;
	(pc) =	sbr.rel @p0 .LBB3_39-.Ltmp25, $4  }
0x1a2: {  	s29 =	simm.s32 $0x3;
	[bflag:$0x0] =	sbarrier.arrive $0xFFFF  }
0x1a3: {  	s30 =	simm.s32 $0x4;
	[sflag:s29] =	ssyncpa.u1 $0x1  }
0x1a4: {  	s31 =	simm.s32 $0x3C;
	[sflag:s30] =	ssyncpa.u1 $0x1  }
0x1a5: {  	s15 =	rddreg [dreg:$0x5];
	[sflag:s31] =	ssyncpa.u1 $0x1  }
0x1a6: {  	_ =	sfence.stream.spmem;
	s0 =	simm.s32 $0x5  }
0x1a7: {  	s2 =	simm.s32 $0x1000;
	s3 =	simm.s32 $0xF218;
	[sflag:s0] =	ssyncpa.u1 $0x0  }
0x1a8: {  	[tilespmem:s3], [sflag:$0x5] =	stream.linear.gather [spmem:s2], $0x20, $0x38;
	[tilespmem:$0x1F6F8] =	vst v63  }
0x1a9: {  	s26 =	simm.s32 $0x0;
	s28 =	simm.s32 $0xF238  }
0x1aa: {  	[tilespmem:s28], [sflag:$0x5] =	stream.linear.gather [spmem:s26], $0x1000, $0x38;
	[tilespmem:$0x1F6F8] =	vst v63  }
0x1ab: {  	_ =	swait.ge [sflag:s0], $0x1020  }
0x1ac: {  	[sflag:s0] =	ssyncset.done $0x0  }
0x1ad: {  	s29 =	simm.s32 $0x0;
	[sflag:s0] =	ssyncadd.s32 $0xFFFFEFE0  }
0x1ae: {  	v0 =	vld.msk [tilespmem:s29+$0xF218], $0x1;
	_ =	sdelay $0x1  }
0x1af: {  	s30 =	simm.s32 $0x1  }
0x1b0: {  	v1 =	vld.msk [tilespmem:s30+$0xF218], $0x1;
	_ =	sdelay $0x1  }
0x1b1: {  	(v2sf) =	vpush v0, $0x0;
	_ =	sdelay $0x2  }
0x1b2: {  	(v2sf) =	vpush v1, $0x0;
	_ =	sdelay $0x2  }
0x1b3: {  	s31 =	simm.s32 $0x2  }
0x1b4: {  	v0 =	vld.msk [tilespmem:s31+$0xF218], $0x1;
	_ =	sdelay $0x2  }
0x1b5: {  	s4 =	simm.s32 $0xFFFFFFFF;
	s5 =	simm.s32 $0xFFFFFFFF;
	s0 =	simm.s32 $0xC  }
.LBB3_24:
0x1b6: {  	s2 =	smov.u32 s5;
	s3 =	smov.u32 s4  }
0x1b7: {  	s4 =	sshra.s32 s0, $0x2;
	p1 =	sne.s32 s0, $0x7C;
	s0 =	sadd.s32 $0x4, s0;
	(v2sf) =	vpush v0, $0x0  }
0x1b8: {  	v0 =	vld.msk [tilespmem:s4+$0xF218], $0x1  }
.Ltmp26:
0x1b9: {  	(pc) =	sbr.rel @p1 .LBB3_24-.Ltmp26, $4  }
0x1ba: {  	s5 =	spop (v2sf)  }
0x1bb: {  	p2 =	sne.s32 s3, $0xFFFFFFFF;
	s4 =	smov.u32 s5  }
0x1bc: {  	p3 =	seq.s32 s5, $0xFFFFFFFF;
	s4 =	smov.u32 @p2 s3  }
0x1bd: {  	s5 =	smov.u32 @p3 s2;
	s4 =	smov.u32 @p3 s3  }
0x1be: {  	(v2sf) =	vpush v0, $0x0;
	_ =	sdelay $0x8  }
0x1bf: {  	s0 =	spop (v2sf)  }
0x1c0: {  	p1 =	sne.s32 s4, $0xFFFFFFFF;
	s2 =	smov.u32 s0  }
0x1c1: {  	s9 =	simm.s32 $0x6;
	p2 =	seq.s32 s0, $0xFFFFFFFF;
	s2 =	smov.u32 @p1 s4  }
0x1c2: {  	s6 =	simm.s32 $0x0;
	s2 =	smov.u32 @p2 s4;
	s3 =	spop (v2sf)  }
0x1c3: {  	s0 =	smov.u32 @p2 s5;
	p1 =	sne.s32 s2, $0xFFFFFFFF;
	s4 =	smov.u32 s3  }
.Ltmp27:
0x1c4: {  	p2 =	seq.s32 s3, $0xFFFFFFFF;
	s4 =	smov.u32 @p1 s2;
	(pc) =	sbr.rel .LBB3_26-.Ltmp27, $4  }
0x1c5: {  	s10 =	simm.s32 $0xF188;
	s4 =	smov.u32 @p2 s2;
	s7 =	spop (v2sf)  }
0x1c6: {  	s11 =	simm.s32 $0x0;
	p1 =	sne.s32 s4, $0xFFFFFFFF;
	s8 =	smov.u32 s7  }
0x1c7: {  	s3 =	smov.u32 @p2 s0;
	p2 =	seq.s32 s7, $0xFFFFFFFF;
	s8 =	smov.u32 @p1 s4  }
0x1c8: {  	[sflag:s9] =	ssyncpa.u1 $0x0;
	s7 =	smov.u32 @p2 s3;
	s8 =	smov.u32 @p2 s4  }
.LBB3_32:
0x1c9: {  	p1 =	sgt.u32 s12, $0x270F0  }
0x1ca: {  	p2 =	seq.s32 @!p1 s12, s8  }
0x1cb: {  	p1 =	por p1, p2  }
0x1cc: {  	p2 =	sne.s32 @!p1 s12, s7  }
0x1cd: {  	p1 =	por p1, !p2  }
0x1ce: {  	s0 =	sshll.u32 @p1 s11, $0x9  }
0x1cf: {  	s0 =	sand.u32 @!p1 $0x3FFF8, s12  }
0x1d0: {  	s2 =	sand.u32 @!p1 $0x7, s12;
	s0 =	sadd.s32 @!p1 s1, s0  }
0x1d1: {  	[tilespmem:s10], [sflag:$0x6] =	stream.linear.gather @!p1 [hbm4b:s0+s2], $0x80, $0x38;
	[tilespmem:$0x1F6F8] =	vst v63  }
0x1d2: {  	_ =	swait.ge @!p1 [sflag:s9], $0x80  }
0x1d3: {  	[sflag:s9] =	ssyncset.done @!p1 $0x0  }
0x1d4: {  	[sflag:s9] =	ssyncadd.s32 @!p1 $0xFFFFFF80  }
0x1d5: {  	v1 =	vld @!p1 [tilespmem:$0xF188];
	_ =	sdelay $0x2  }
0x1d6: {  	s0 =	sshll.u32 @!p1 s11, $0x9  }
0x1d7: {  	s2 =	sshrl.u32 @!p1 s0, $0x2  }
0x1d8: {  	[tilespmem:s2+$0xF238] =	vst.add.f32.msk @!p1 $0xffff, v1  }
0x1d9: {  	v1 =	vld @!p1 [tilespmem:$0xF198];
	_ =	sdelay $0x4  }
0x1da: {  	[tilespmem:s2+$0xF248] =	vst.add.f32.msk @!p1 $0xffff, v1  }
0x1db: {  	v1 =	vld @!p1 [tilespmem:$0xF1A8];
	_ =	sdelay $0x4  }
0x1dc: {  	[tilespmem:s2+$0xF258] =	vst.add.f32.msk @!p1 $0xffff, v1  }
0x1dd: {  	v1 =	vld @!p1 [tilespmem:$0xF1B8];
	_ =	sdelay $0x4  }
0x1de: {  	[tilespmem:s2+$0xF268] =	vst.add.f32.msk @!p1 $0xffff, v1  }
0x1df: {  	v1 =	vld @!p1 [tilespmem:$0xF1C8];
	_ =	sdelay $0x4  }
0x1e0: {  	[tilespmem:s2+$0xF278] =	vst.add.f32.msk @!p1 $0xffff, v1  }
0x1e1: {  	v1 =	vld @!p1 [tilespmem:$0xF1D8];
	_ =	sdelay $0x4  }
0x1e2: {  	[tilespmem:s2+$0xF288] =	vst.add.f32.msk @!p1 $0xffff, v1  }
0x1e3: {  	v1 =	vld @!p1 [tilespmem:$0xF1E8];
	_ =	sdelay $0x4  }
0x1e4: {  	[tilespmem:s2+$0xF298] =	vst.add.f32.msk @!p1 $0xffff, v1  }
0x1e5: {  	v1 =	vld @!p1 [tilespmem:$0xF1F8];
	_ =	sdelay $0x4  }
0x1e6: {  	[tilespmem:s2+$0xF2A8] =	vst.add.f32.msk @!p1 $0xffff, v1  }
0x1e7: {  	s0 =	sshrl.u32 s0, $0x2;
	[tilespmem:s6+$0xF218] =	vst.msk $0x1, v0  }
0x1e8: {  	v0 =	vld [tilespmem:s0+$0xF238];
	_ =	sdelay $0x2  }
0x1e9: {  	s31 =	sshll.u32 s6, $0x9  }
0x1ea: {  	s2 =	sshra.s32 s31, $0x2  }
0x1eb: {  	[tilespmem:s2+$0xF238] =	vst v0  }
0x1ec: {  	v0 =	vld [tilespmem:s0+$0xF248];
	_ =	sdelay $0x4  }
0x1ed: {  	[tilespmem:s2+$0xF248] =	vst v0  }
0x1ee: {  	v0 =	vld [tilespmem:s0+$0xF258];
	_ =	sdelay $0x4  }
0x1ef: {  	[tilespmem:s2+$0xF258] =	vst v0  }
0x1f0: {  	v0 =	vld [tilespmem:s0+$0xF268];
	_ =	sdelay $0x4  }
0x1f1: {  	[tilespmem:s2+$0xF268] =	vst v0  }
0x1f2: {  	v0 =	vld [tilespmem:s0+$0xF278];
	_ =	sdelay $0x4  }
0x1f3: {  	[tilespmem:s2+$0xF278] =	vst v0  }
0x1f4: {  	v0 =	vld [tilespmem:s0+$0xF288];
	_ =	sdelay $0x4  }
0x1f5: {  	[tilespmem:s2+$0xF288] =	vst v0  }
0x1f6: {  	v0 =	vld [tilespmem:s0+$0xF298];
	_ =	sdelay $0x4  }
0x1f7: {  	[tilespmem:s2+$0xF298] =	vst v0  }
0x1f8: {  	v0 =	vld [tilespmem:s0+$0xF2A8];
	_ =	sdelay $0x4  }
0x1f9: {  	s6 =	sadd.s32 $0x1, s6;
	[tilespmem:s2+$0xF2A8] =	vst v0  }
.LBB3_33:
0x1fa: {  	s11 =	sadd.s32 $0x1, s11  }
0x1fb: {  	p1 =	sne.s32 s11, $0x20  }
.Ltmp28:
0x1fc: {  	_ = 	snop;
	(pc) =	sbr.rel @!p1 .LBB3_34-.Ltmp28, $1  }
0x1fd: {  	_ =	sdelay $0x3  }
.LBB3_26:
0x1fe: {  	v0 =	vld.msk [tilespmem:s11+$0xF218], $0x1;
	_ =	sdelay $0x4  }
0x1ff: {  	(v2sf) =	vpush v0, $0x0;
	_ =	sdelay $0xe  }
0x200: {  	s12 =	spop (v2sf)  }
0x201: {  	p1 =	seq.s32 s12, $0xFFFFFFFF  }
.Ltmp29:
0x202: {  	_ = 	snop;
	(pc) =	sbr.rel @p1 .LBB3_33-.Ltmp29, $1  }
0x203: {  	_ =	sdelay $0x3  }
0x204: {  	p1 =	slt.s32 s6, $0x1  }
.Ltmp30:
0x205: {  	_ = 	snop;
	(pc) =	sbr.rel @p1 .LBB3_32-.Ltmp30, $1  }
0x206: {  	_ =	sdelay $0x3  }
0x207: {  	s13 =	simm.s32 $0xF218;
	p1 =	por $0x0, $0x0  }
0x208: {  	v1 =	vld.msk @!p1 [tilespmem:s13+$0x0], $0x1;
	_ =	sdelay $0x4  }
0x209: {  	(v2sf) =	vpush @!p1 v1, $0x0;
	_ =	sdelay $0xd  }
0x20a: {  	p3 =	sne.s32 s6, $0x1  }
.Ltmp31:
0x20b: {  	s0 =	spop @!p1 (v2sf);
	(pc) =	sbr.rel @!p3 .LBB3_30-.Ltmp31, $4  }
0x20c: {  	p2 =	seq.s32 @!p1 s12, s0  }
0x20d: {  	s14 =	simm.s32 $0x0;
	p2 =	por !p2, p1  }
0x20e: {  	s2 =	simm.s32 $0xFFFFFFFF;
	s14 =	simm.s32 @p2 $0xFFFFFFFF  }
0x20f: {  	s0 =	simm.s32 $0x1;
	s14 =	smov.u32 @p1 s2  }
.LBB3_29:
0x210: {  	s2 =	smov.u32 s14;
	p1 =	sne.s32 s14, $0xFFFFFFFF  }
0x211: {  	s13 =	sadd.s32 $0x1, s13;
	s14 =	smov.u32 s0;
	s0 =	sadd.s32 $0x1, s0  }
0x212: {  	p2 =	sne.s32 s6, s0;
	v1 =	vld.msk @!p1 [tilespmem:s13+$0x0], $0x1;
	_ =	sdelay $0x4  }
0x213: {  	(v2sf) =	vpush @!p1 v1, $0x0;
	_ =	sdelay $0xe  }
.Ltmp32:
0x214: {  	s3 =	spop @!p1 (v2sf);
	(pc) =	sbr.rel @p2 .LBB3_29-.Ltmp32, $4  }
0x215: {  	p3 =	seq.s32 @!p1 s12, s3  }
0x216: {  	p3 =	por !p3, p1  }
0x217: {  	s14 =	simm.s32 @p3 $0xFFFFFFFF  }
0x218: {  	s14 =	smov.u32 @p1 s2  }
.LBB3_30:
0x219: {  	p1 =	seq.s32 s14, $0xFFFFFFFF  }
.Ltmp33:
0x21a: {  	_ = 	snop;
	(pc) =	sbr.rel @p1 .LBB3_32-.Ltmp33, $1  }
0x21b: {  	_ =	sdelay $0x3  }
0x21c: {  	s0 =	sshll.u32 s11, $0x7  }
0x21d: {  	s0 =	sand.u32 $0x3FFFFF80, s0  }
0x21e: {  	v0 =	vld [tilespmem:s0+$0xF238];
	_ =	sdelay $0x2  }
0x21f: {  	s2 =	sshll.u32 s14, $0x9  }
0x220: {  	s2 =	sshra.s32 s2, $0x2  }
0x221: {  	[tilespmem:s2+$0xF238] =	vst.add.f32.msk $0xffff, v0  }
0x222: {  	v0 =	vld [tilespmem:s0+$0xF248];
	_ =	sdelay $0x4  }
0x223: {  	[tilespmem:s2+$0xF248] =	vst.add.f32.msk $0xffff, v0  }
0x224: {  	v0 =	vld [tilespmem:s0+$0xF258];
	_ =	sdelay $0x4  }
0x225: {  	[tilespmem:s2+$0xF258] =	vst.add.f32.msk $0xffff, v0  }
0x226: {  	v0 =	vld [tilespmem:s0+$0xF268];
	_ =	sdelay $0x4  }
0x227: {  	[tilespmem:s2+$0xF268] =	vst.add.f32.msk $0xffff, v0  }
0x228: {  	v0 =	vld [tilespmem:s0+$0xF278];
	_ =	sdelay $0x4  }
0x229: {  	[tilespmem:s2+$0xF278] =	vst.add.f32.msk $0xffff, v0  }
0x22a: {  	v0 =	vld [tilespmem:s0+$0xF288];
	_ =	sdelay $0x4  }
0x22b: {  	[tilespmem:s2+$0xF288] =	vst.add.f32.msk $0xffff, v0  }
0x22c: {  	v0 =	vld [tilespmem:s0+$0xF298];
	_ =	sdelay $0x4  }
0x22d: {  	[tilespmem:s2+$0xF298] =	vst.add.f32.msk $0xffff, v0  }
0x22e: {  	v0 =	vld [tilespmem:s0+$0xF2A8]  }
.Ltmp34:
0x22f: {  	_ = 	snop;
	(pc) =	sbr.rel .LBB3_33-.Ltmp34, $2  }
0x230: {  	_ =	sdelay $0x2  }
0x231: {  	[tilespmem:s2+$0xF2A8] =	vst.add.f32.msk $0xffff, v0  }
.LBB3_34:
0x232: {  	s0 =	simm.s32 $0x6;
	p1 =	seq.s32 s6, $0x0  }
0x233: {  	[sflag:s0] =	ssyncpa.u1 $0x1;
	v0 =	vimm.s32 @p1 $0xFFFFFFFF  }
0x234: {  	s9 =	sadd.s32 $0xFFFFFFFF, s6;
	[tilespmem:$0x10238] =	vst @p1 v0  }
0x235: {  	v0 =	vld.msk @!p1 [tilespmem:s9+$0xF218], $0x1;
	_ =	sdelay $0x1  }
0x236: {  	v1 =	vld.msk @!p1 [tilespmem:$0xF218], $0x1;
	_ =	sdelay $0x2  }
0x237: {  	p2 =	seq.s32 @!p1 s9, $0x0;
	v0 =	vbroadcast @!p1 v0, $0x0  }
0x238: {  	vm0 =	vmmov @!p1 $0x1;
	p2 =	por !p2, p1  }
0x239: {  	v1 =	vnsel @!p1 vm0, $0xFFFFFFFF, v1;
	vm0 =	vcmask @!p1 $0x308;
	v0 =	vpsel !p2, $0xFFFFFFFF, v0  }
0x23a: {  	p2 =	sne.s32 @!p1 s8, s7;
	v0 =	vsel @!p1 vm0, v1, v0  }
0x23b: {  	s0 =	simm.s32 @!p1 $0xF238;
	s2 =	simm.s32 @!p1 $0x0;
	p3 =	por !p2, p1;
	[tilespmem:$0x10238] =	vst @!p1 v0  }
0x23c: {  	[spmem:s2] =	stream.linear.scatter @!p1 [tilespmem:s0], [sflag:$0x1], $0x80, $0x38;
	[tilespmem:$0x1F6F8] =	vst v63  }
0x23d: {  	s0 =	sshll.u32 @!p3 s9, $0x9  }
0x23e: {  	s0 =	sshra.s32 @!p3 s0, $0x2  }
0x23f: {  	s2 =	simm.s32 @!p3 $0x80;
	s0 =	sadd.s32 @!p3 $0xF238, s0  }
0x240: {  	[spmem:s2] =	stream.linear.scatter @!p3 [tilespmem:s0], [sflag:$0x1], $0x80, $0x38;
	[tilespmem:$0x1F6F8] =	vst v63  }
0x241: {  	s0 =	simm.s32 @!p3 $0x1  }
0x242: {  	_ =	swait.ge @!p3 [sflag:s0], $0x100  }
0x243: {  	p1 =	por p2, p1;
	[sflag:s0] =	ssyncset.done @!p3 $0x0  }
0x244: {  	[sflag:s0] =	ssyncadd.s32 @!p3 $0xFFFFFF00;
	s0 =	simm.s32 @!p1 $0x1  }
0x245: {  	_ =	swait.ge @!p1 [sflag:s0], $0x80  }
0x246: {  	s29 =	simm.s32 $0x10238;
	[sflag:s0] =	ssyncset.done @!p1 $0x0  }
0x247: {  	s30 =	simm.s32 $0x1000;
	s31 =	simm.s32 $0x1;
	[sflag:s0] =	ssyncadd.s32 @!p1 $0xFFFFFF80  }
0x248: {  	[spmem:s30] =	stream.linear.scatter [tilespmem:s29], [sflag:$0x1], $0x10, $0x38;
	[tilespmem:$0x1F6F8] =	vst v63  }
0x249: {  	_ =	swait.ge [sflag:s31], $0x10  }
0x24a: {  	[sflag:s31] =	ssyncset.done $0x0  }
0x24b: {  	p1 =	seq.s32 s15, $0x0;
	s8 =	rddreg [dreg:$0x2];
	[sflag:s31] =	ssyncadd.s32 $0xFFFFFFF0  }
0x24c: {  	s2 =	sshll.u32 @p1 s8, $0xE;
	s7 =	rddreg [dreg:$0x3]  }
0x24d: {  	s0 =	sadd.s32 @p1 $0x15C3C, s2;
	s2 =	sshll.u32 @p1 s7, $0x11  }
0x24e: {  	_ =	sfence.stream.spmem;
	s0 =	sor.u32 @p1 s2, s0  }
0x24f: {  	[sflag:s0] =	ssyncadd.remote.s32 @p1 $0x1;
	s0 =	simm.s32 @p1 $0x4  }
0x250: {  	s3 =	simm.s32 @!p1 $0x3C;
	s2 =	sand.u32 $0xFFFFFFFE, s8;
	_ =	swait.ge @p1 [sflag:s0], $0x22  }
0x251: {  	s4 =	simm.s32 @!p1 $0x0;
	s2 =	sadd.s32 @!p1 $0x4, s2;
	[sflag:s0] =	ssyncset.done @p1 $0x0  }
0x252: {  	s5 =	simm.s32 @!p1 $0x100;
	[sflag:s0] =	ssyncadd.s32 @p1 $0xFFFFFFDE;
	s0 =	sshll.u32 @!p1 s2, $0x1A  }
0x253: {  	s2 =	sshll.u32 @!p1 s2, $0xD;
	s0 =	sor.u32 @!p1 s0, s7;
	_ =	swait.eq @!p1 [sflag:s3], $0x1  }
0x254: {  	s2 =	sor.u32 @!p1 $0x1C04, s2;
	s3 =	simm.s32 @!p1 $0x1C03;
	s0 =	sor.u32 @!p1 $0x80004000, s0  }
0x255: {  	[spmem:s5], [sflag:s2] =	dma.general @!p1 [spmem:s4], [sflag:s3], length:$0x20, [dreg:$0x0], stride_count:$0x0, ici_dest:s0, dma_misc:DstOpCode:WRITE  }
0x256: {  	p2 =	slt.s32 s9, $0x2;
	s4 =	simm.s32 @!p1 $0x200;
	s5 =	simm.s32 @!p1 $0x202  }
0x257: {  	[spmem:s5], [sflag:s2] =	dma.general @!p1 [spmem:s4], [sflag:s3], length:$0x2, [dreg:$0x0], stride_count:$0x0, ici_dest:s0, dma_misc:DstOpCode:WRITE  }
.Ltmp35:
0x258: {  	s0 =	simm.s32 @!p1 $0x3;
	(pc) =	sbr.rel @p2 .LBB3_38-.Ltmp35, $4  }
0x259: {  	s2 =	sshll.u32 @!p1 s8, $0xE;
	_ =	swait.ge @!p1 [sflag:s0], $0x22  }
0x25a: {  	s3 =	sshll.u32 @!p1 s7, $0x11;
	s2 =	sadd.s32 @!p1 $0x11C3C, s2;
	[sflag:s0] =	ssyncset.done @!p1 $0x0  }
0x25b: {  	[sflag:s0] =	ssyncadd.s32 @!p1 $0xFFFFFFDE;
	s0 =	sor.u32 @!p1 s3, s2  }
0x25c: {  	[sflag:s0] =	ssyncadd.remote.s32 @!p1 $0xFFFFFFFF;
	s0 =	simm.s32 $0x0  }
0x25d: {  	s0 =	simm.s32 $0xF219  }
0x25e: {  	v0 =	vld.msk [tilespmem:s0+$0x0], $0x1;
	_ =	sdelay $0x4  }
0x25f: {  	(v2sf) =	vpush v0, $0x0;
	_ =	sdelay $0xb  }
0x260: {  	s31 =	sadd.s32 $0xFFFFFFFE, s6  }
0x261: {  	s0 =	sadd.s32 $0xFFFFFFFF, s31  }
0x262: {  	p2 =	sne.s32 s0, $0x0  }
.Ltmp36:
0x263: {  	s2 =	spop (v2sf);
	(pc) =	sbr.rel @!p2 .LBB3_37-.Ltmp36, $4  }
0x264: {  	s4 =	simm.s32 $0xF2B8;
	s7 =	simm.s32 $0x0;
	p1 =	sgt.u32 s2, $0x270F0  }
0x265: {  	s5 =	simm.s32 $0x0;
	s6 =	simm.s32 $0xF21A;
	s3 =	sand.u32 @!p1 $0x3FFF8, s2  }
0x266: {  	s2 =	sand.u32 @!p1 $0x7, s2;
	s7 =	simm.s32 @!p1 $0x200;
	s3 =	sadd.s32 @!p1 s1, s3  }
0x267: {  	[hbm4b:s3+s2] =	stream.linear.scatter @!p1 [tilespmem:s4], [sflag:$0x5], $0x80, $0x38;
	[tilespmem:$0x1F6F8] =	vst v63  }
.LBB3_36:
0x268: {  	v0 =	vld.msk [tilespmem:s6+$0x0], $0x1;
	s0 =	sadd.s32 $0xFFFFFFFF, s0;
	s5 =	sadd.s32 s5, s7  }
0x269: {  	p1 =	sne.s32 s0, $0x0;
	_ =	sdelay $0x3  }
0x26a: {  	(v2sf) =	vpush v0, $0x0;
	_ =	sdelay $0xe  }
.Ltmp37:
0x26b: {  	s2 =	spop (v2sf);
	(pc) =	sbr.rel @p1 .LBB3_36-.Ltmp37, $4  }
0x26c: {  	s7 =	simm.s32 $0x0;
	p2 =	sgt.u32 s2, $0x270F0  }
0x26d: {  	s4 =	sadd.s32 $0x80, s4;
	s7 =	simm.s32 @!p2 $0x200;
	s3 =	sand.u32 @!p2 $0x3FFF8, s2  }
0x26e: {  	s6 =	sadd.s32 $0x1, s6;
	s2 =	sand.u32 @!p2 $0x7, s2;
	s3 =	sadd.s32 @!p2 s1, s3  }
0x26f: {  	[hbm4b:s3+s2] =	stream.linear.scatter @!p2 [tilespmem:s4], [sflag:$0x5], $0x80, $0x38;
	[tilespmem:$0x1F6F8] =	vst v63  }
.LBB3_37:
0x270: {  	s0 =	sadd.s32 s5, s7  }
0x271: {  	s0 =	sshrl.u32 s0, $0x2  }
.LBB3_38:
0x272: {  	s2 =	simm.s32 $0x5  }
0x273: {  	_ =	swait.ge [sflag:s2], s0  }
0x274: {  	s31 =	ssub.s32 $0x0, s0;
	[sflag:s2] =	ssyncset.done $0x0  }
0x275: {  	[sflag:s2] =	ssyncadd.s32 s31  }
0x276: {  	[sflag:s2] =	ssyncpa.u1 $0x1  }
.LBB3_39:
0x277: {  	s0 =	sor.u32 s15, s16  }
0x278: {  	p1 =	sne.s32 s0, $0x0  }
.Ltmp38:
0x279: {  	_ = 	snop;
	(pc) =	sbr.rel @p1 .LBB3_54-.Ltmp38, $3  }
0x27a: {  	_ =	sdelay $0x1  }
0x27b: {  	[bflag:$0x0] =	sbarrier.arrive $0xFFFF  }
0x27c: {  	_ =	sfence  }
0x27d: {  	s0 =	simm.s32 $0x7  }
0x27e: {  	s2 =	simm.s32 $0x1000;
	s3 =	simm.s32 $0xF218;
	[sflag:s0] =	ssyncpa.u1 $0x0  }
0x27f: {  	[tilespmem:s3], [sflag:$0x7] =	stream.linear.gather [spmem:s2], $0x20, $0x38;
	[tilespmem:$0x1F6F8] =	vst v63  }
0x280: {  	s30 =	simm.s32 $0xF238;
	s2 =	simm.s32 $0x0  }
0x281: {  	[tilespmem:s30], [sflag:$0x7] =	stream.linear.gather [spmem:s2], $0x1000, $0x38;
	[tilespmem:$0x1F6F8] =	vst v63  }
.Ltmp39:
0x282: {  	_ = 	snop;
	(pc) =	sbr.rel .LBB3_41-.Ltmp39, $4  }
0x283: {  	_ =	swait.ge [sflag:s0], $0x1020  }
0x284: {  	[sflag:s0] =	ssyncset.done $0x0  }
0x285: {  	s31 =	simm.s32 $0x8;
	[sflag:s0] =	ssyncadd.s32 $0xFFFFEFE0  }
0x286: {  	s3 =	simm.s32 $0x0;
	[sflag:s31] =	ssyncpa.u1 $0x0  }
.LBB3_47:
0x287: {  	p1 =	slt.u32 s4, $0x270F1  }
0x288: {  	s0 =	sand.u32 @p1 $0x3FFF8, s4  }
0x289: {  	s4 =	sand.u32 @p1 $0x7, s4;
	s5 =	simm.s32 @p1 $0xF188;
	s0 =	sadd.s32 @p1 s1, s0  }
0x28a: {  	[tilespmem:s5], [sflag:$0x8] =	stream.linear.gather @p1 [hbm4b:s0+s4], $0x80, $0x38;
	[tilespmem:$0x1F6F8] =	vst v63  }
0x28b: {  	s0 =	simm.s32 @p1 $0x8  }
0x28c: {  	_ =	swait.ge @p1 [sflag:s0], $0x80  }
0x28d: {  	[sflag:s0] =	ssyncset.done @p1 $0x0  }
0x28e: {  	[sflag:s0] =	ssyncadd.s32 @p1 $0xFFFFFF80  }
0x28f: {  	v1 =	vld @p1 [tilespmem:$0xF188];
	_ =	sdelay $0x2  }
0x290: {  	s0 =	sshll.u32 @p1 s3, $0x9  }
0x291: {  	s4 =	sshrl.u32 @p1 s0, $0x2  }
0x292: {  	[tilespmem:s4+$0xF238] =	vst.add.f32.msk @p1 $0xffff, v1  }
0x293: {  	v1 =	vld @p1 [tilespmem:$0xF198];
	_ =	sdelay $0x4  }
0x294: {  	[tilespmem:s4+$0xF248] =	vst.add.f32.msk @p1 $0xffff, v1  }
0x295: {  	v1 =	vld @p1 [tilespmem:$0xF1A8];
	_ =	sdelay $0x4  }
0x296: {  	[tilespmem:s4+$0xF258] =	vst.add.f32.msk @p1 $0xffff, v1  }
0x297: {  	v1 =	vld @p1 [tilespmem:$0xF1B8];
	_ =	sdelay $0x4  }
0x298: {  	[tilespmem:s4+$0xF268] =	vst.add.f32.msk @p1 $0xffff, v1  }
0x299: {  	v1 =	vld @p1 [tilespmem:$0xF1C8];
	_ =	sdelay $0x4  }
0x29a: {  	[tilespmem:s4+$0xF278] =	vst.add.f32.msk @p1 $0xffff, v1  }
0x29b: {  	v1 =	vld @p1 [tilespmem:$0xF1D8];
	_ =	sdelay $0x4  }
0x29c: {  	[tilespmem:s4+$0xF288] =	vst.add.f32.msk @p1 $0xffff, v1  }
0x29d: {  	v1 =	vld @p1 [tilespmem:$0xF1E8];
	_ =	sdelay $0x4  }
0x29e: {  	[tilespmem:s4+$0xF298] =	vst.add.f32.msk @p1 $0xffff, v1  }
0x29f: {  	v1 =	vld @p1 [tilespmem:$0xF1F8];
	_ =	sdelay $0x3  }
0x2a0: {  	s5 =	sshll.u32 @!p1 s3, $0x9  }
0x2a1: {  	s5 =	smov.u32 @p1 s0;
	[tilespmem:s4+$0xF2A8] =	vst.add.f32.msk @p1 $0xffff, v1  }
0x2a2: {  	s0 =	sshrl.u32 s5, $0x2;
	[tilespmem:s2+$0xF218] =	vst.msk $0x1, v0  }
0x2a3: {  	v0 =	vld [tilespmem:s0+$0xF238];
	_ =	sdelay $0x2  }
0x2a4: {  	s31 =	sshll.u32 s2, $0x9  }
0x2a5: {  	s4 =	sshra.s32 s31, $0x2  }
0x2a6: {  	[tilespmem:s4+$0xF238] =	vst v0  }
0x2a7: {  	v0 =	vld [tilespmem:s0+$0xF248];
	_ =	sdelay $0x4  }
0x2a8: {  	[tilespmem:s4+$0xF248] =	vst v0  }
0x2a9: {  	v0 =	vld [tilespmem:s0+$0xF258];
	_ =	sdelay $0x4  }
0x2aa: {  	[tilespmem:s4+$0xF258] =	vst v0  }
0x2ab: {  	v0 =	vld [tilespmem:s0+$0xF268];
	_ =	sdelay $0x4  }
0x2ac: {  	[tilespmem:s4+$0xF268] =	vst v0  }
0x2ad: {  	v0 =	vld [tilespmem:s0+$0xF278];
	_ =	sdelay $0x4  }
0x2ae: {  	[tilespmem:s4+$0xF278] =	vst v0  }
0x2af: {  	v0 =	vld [tilespmem:s0+$0xF288];
	_ =	sdelay $0x4  }
0x2b0: {  	[tilespmem:s4+$0xF288] =	vst v0  }
0x2b1: {  	v0 =	vld [tilespmem:s0+$0xF298];
	_ =	sdelay $0x4  }
0x2b2: {  	[tilespmem:s4+$0xF298] =	vst v0  }
0x2b3: {  	v0 =	vld [tilespmem:s0+$0xF2A8];
	_ =	sdelay $0x4  }
0x2b4: {  	s2 =	sadd.s32 $0x1, s2;
	[tilespmem:s4+$0xF2A8] =	vst v0  }
.LBB3_48:
0x2b5: {  	s3 =	sadd.s32 $0x1, s3  }
0x2b6: {  	p1 =	sne.s32 s3, $0x20  }
.Ltmp40:
0x2b7: {  	_ = 	snop;
	(pc) =	sbr.rel @!p1 .LBB3_49-.Ltmp40, $1  }
0x2b8: {  	_ =	sdelay $0x3  }
.LBB3_41:
0x2b9: {  	v0 =	vld.msk [tilespmem:s3+$0xF218], $0x1;
	_ =	sdelay $0x4  }
0x2ba: {  	(v2sf) =	vpush v0, $0x0;
	_ =	sdelay $0xe  }
0x2bb: {  	s4 =	spop (v2sf)  }
0x2bc: {  	p1 =	seq.s32 s4, $0xFFFFFFFF  }
.Ltmp41:
0x2bd: {  	_ = 	snop;
	(pc) =	sbr.rel @p1 .LBB3_48-.Ltmp41, $1  }
0x2be: {  	_ =	sdelay $0x3  }
0x2bf: {  	p1 =	slt.s32 s2, $0x1  }
.Ltmp42:
0x2c0: {  	_ = 	snop;
	(pc) =	sbr.rel @p1 .LBB3_47-.Ltmp42, $1  }
0x2c1: {  	_ =	sdelay $0x3  }
0x2c2: {  	s5 =	simm.s32 $0xF218;
	p1 =	por $0x0, $0x0  }
0x2c3: {  	v1 =	vld.msk @!p1 [tilespmem:s5+$0x0], $0x1;
	_ =	sdelay $0x4  }
0x2c4: {  	(v2sf) =	vpush @!p1 v1, $0x0;
	_ =	sdelay $0xd  }
0x2c5: {  	p3 =	sne.s32 s2, $0x1  }
.Ltmp43:
0x2c6: {  	s0 =	spop @!p1 (v2sf);
	(pc) =	sbr.rel @!p3 .LBB3_45-.Ltmp43, $4  }
0x2c7: {  	p2 =	seq.s32 @!p1 s4, s0  }
0x2c8: {  	s6 =	simm.s32 $0x0;
	p2 =	por !p2, p1  }
0x2c9: {  	s7 =	simm.s32 $0xFFFFFFFF;
	s6 =	simm.s32 @p2 $0xFFFFFFFF  }
0x2ca: {  	s0 =	simm.s32 $0x1;
	s6 =	smov.u32 @p1 s7  }
.LBB3_44:
0x2cb: {  	s7 =	smov.u32 s6;
	p1 =	sne.s32 s6, $0xFFFFFFFF  }
0x2cc: {  	s5 =	sadd.s32 $0x1, s5;
	s6 =	smov.u32 s0;
	s0 =	sadd.s32 $0x1, s0  }
0x2cd: {  	p2 =	sne.s32 s2, s0;
	v1 =	vld.msk @!p1 [tilespmem:s5+$0x0], $0x1;
	_ =	sdelay $0x4  }
0x2ce: {  	(v2sf) =	vpush @!p1 v1, $0x0;
	_ =	sdelay $0xe  }
.Ltmp44:
0x2cf: {  	s8 =	spop @!p1 (v2sf);
	(pc) =	sbr.rel @p2 .LBB3_44-.Ltmp44, $4  }
0x2d0: {  	p3 =	seq.s32 @!p1 s4, s8  }
0x2d1: {  	p3 =	por !p3, p1  }
0x2d2: {  	s6 =	simm.s32 @p3 $0xFFFFFFFF  }
0x2d3: {  	s6 =	smov.u32 @p1 s7  }
.LBB3_45:
0x2d4: {  	p1 =	seq.s32 s6, $0xFFFFFFFF  }
.Ltmp45:
0x2d5: {  	_ = 	snop;
	(pc) =	sbr.rel @p1 .LBB3_47-.Ltmp45, $1  }
0x2d6: {  	_ =	sdelay $0x3  }
0x2d7: {  	s0 =	sshll.u32 s3, $0x7  }
0x2d8: {  	s0 =	sand.u32 $0x3FFFFF80, s0  }
0x2d9: {  	v0 =	vld [tilespmem:s0+$0xF238];
	_ =	sdelay $0x2  }
0x2da: {  	s4 =	sshll.u32 s6, $0x9  }
0x2db: {  	s4 =	sshra.s32 s4, $0x2  }
0x2dc: {  	[tilespmem:s4+$0xF238] =	vst.add.f32.msk $0xffff, v0  }
0x2dd: {  	v0 =	vld [tilespmem:s0+$0xF248];
	_ =	sdelay $0x4  }
0x2de: {  	[tilespmem:s4+$0xF248] =	vst.add.f32.msk $0xffff, v0  }
0x2df: {  	v0 =	vld [tilespmem:s0+$0xF258];
	_ =	sdelay $0x4  }
0x2e0: {  	[tilespmem:s4+$0xF258] =	vst.add.f32.msk $0xffff, v0  }
0x2e1: {  	v0 =	vld [tilespmem:s0+$0xF268];
	_ =	sdelay $0x4  }
0x2e2: {  	[tilespmem:s4+$0xF268] =	vst.add.f32.msk $0xffff, v0  }
0x2e3: {  	v0 =	vld [tilespmem:s0+$0xF278];
	_ =	sdelay $0x4  }
0x2e4: {  	[tilespmem:s4+$0xF278] =	vst.add.f32.msk $0xffff, v0  }
0x2e5: {  	v0 =	vld [tilespmem:s0+$0xF288];
	_ =	sdelay $0x4  }
0x2e6: {  	[tilespmem:s4+$0xF288] =	vst.add.f32.msk $0xffff, v0  }
0x2e7: {  	v0 =	vld [tilespmem:s0+$0xF298];
	_ =	sdelay $0x4  }
0x2e8: {  	[tilespmem:s4+$0xF298] =	vst.add.f32.msk $0xffff, v0  }
0x2e9: {  	v0 =	vld [tilespmem:s0+$0xF2A8]  }
.Ltmp46:
0x2ea: {  	_ = 	snop;
	(pc) =	sbr.rel .LBB3_48-.Ltmp46, $2  }
0x2eb: {  	_ =	sdelay $0x2  }
0x2ec: {  	[tilespmem:s4+$0xF2A8] =	vst.add.f32.msk $0xffff, v0  }
.LBB3_49:
0x2ed: {  	p1 =	slt.s32 s2, $0x1  }
.Ltmp47:
0x2ee: {  	_ = 	snop;
	(pc) =	sbr.rel @p1 .LBB3_53-.Ltmp47, $3  }
0x2ef: {  	_ =	sdelay $0x1  }
0x2f0: {  	s0 =	simm.s32 $0x8  }
0x2f1: {  	s3 =	simm.s32 $0x0;
	[sflag:s0] =	ssyncpa.u1 $0x1  }
0x2f2: {  	s0 =	simm.s32 $0xF218  }
0x2f3: {  	v0 =	vld.msk [tilespmem:s0+$0x0], $0x1;
	_ =	sdelay $0x4  }
0x2f4: {  	(v2sf) =	vpush v0, $0x0;
	_ =	sdelay $0xe  }
0x2f5: {  	s0 =	sadd.s32 $0xFFFFFFFF, s2;
	s5 =	spop (v2sf)  }
0x2f6: {  	p2 =	sne.s32 s0, $0x0;
	p1 =	sgt.u32 s5, $0x270F0  }
.Ltmp48:
0x2f7: {  	s6 =	sand.u32 @!p1 $0x3FFF8, s5;
	(pc) =	sbr.rel @!p2 .LBB3_52-.Ltmp48, $4  }
0x2f8: {  	s4 =	simm.s32 $0xF238;
	s5 =	sand.u32 @!p1 $0x7, s5;
	s2 =	sadd.s32 @!p1 s1, s6  }
0x2f9: {  	[hbm4b:s2+s5] =	stream.linear.scatter @!p1 [tilespmem:s4], [sflag:$0x7], $0x80, $0x38;
	[tilespmem:$0x1F6F8] =	vst v63  }
0x2fa: {  	s5 =	simm.s32 $0x0  }
0x2fb: {  	s2 =	simm.s32 $0xF219;
	s5 =	simm.s32 @!p1 $0x200  }
.LBB3_51:
0x2fc: {  	v0 =	vld.msk [tilespmem:s2+$0x0], $0x1;
	s0 =	sadd.s32 $0xFFFFFFFF, s0;
	s3 =	sadd.s32 s3, s5  }
0x2fd: {  	p1 =	sne.s32 s0, $0x0;
	_ =	sdelay $0x3  }
0x2fe: {  	(v2sf) =	vpush v0, $0x0;
	_ =	sdelay $0xe  }
.Ltmp49:
0x2ff: {  	s6 =	spop (v2sf);
	(pc) =	sbr.rel @p1 .LBB3_51-.Ltmp49, $4  }
0x300: {  	s5 =	simm.s32 $0x0;
	p2 =	sgt.u32 s6, $0x270F0  }
0x301: {  	s4 =	sadd.s32 $0x80, s4;
	s5 =	simm.s32 @!p2 $0x200;
	s7 =	sand.u32 @!p2 $0x3FFF8, s6  }
0x302: {  	s2 =	sadd.s32 $0x1, s2;
	s6 =	sand.u32 @!p2 $0x7, s6;
	s7 =	sadd.s32 @!p2 s1, s7  }
0x303: {  	[hbm4b:s7+s6] =	stream.linear.scatter @!p2 [tilespmem:s4], [sflag:$0x7], $0x80, $0x38;
	[tilespmem:$0x1F6F8] =	vst v63  }
.LBB3_52:
0x304: {  	s0 =	sadd.s32 s3, s5  }
0x305: {  	s3 =	sshrl.u32 s0, $0x2  }
.LBB3_53:
0x306: {  	s0 =	simm.s32 $0x7  }
0x307: {  	_ =	swait.ge [sflag:s0], s3  }
0x308: {  	s1 =	ssub.s32 $0x0, s3;
	[sflag:s0] =	ssyncset.done $0x0  }
0x309: {  	[sflag:s0] =	ssyncadd.s32 s1  }
0x30a: {  	[sflag:s0] =	ssyncpa.u1 $0x1  }
.LBB3_54:
0x30b: {  	_ =	sfence;
	s0 =	simm.s32 $0x1  }
0x30c: {  	[sflag:s0] =	ssyncpa.u1 $0x1  }
0x30d: {  	_ =	strace $0x90000050  }
0x30e: {  	[bflag:$0x2] =	sbarrier.arrive $0xFFFF  }
0x30f: {  	s0 =	rddreg [dreg:$0x4]  }
0x310: {  	s0 =	sadd.s32 @!p0 $0x100000, s0  }
0x311: {  	[sflag:s0] =	ssyncadd.tile.s32 @!p0 $0x1;
	_ =	shalt  }
.Lfunc_end3:
_tile_overlayer_lowered:
.L_overlay_start_3:
0x312: {  	(tag) =	ssettag $0x3  }
0x313: {  	s0 =	rddreg [dreg:$0x0];
	s2 =	stileid.u32  }
0x314: {  	s1 =	rddreg [dreg:$0x1];
	p0 =	sne.s32 s2, $0x0  }
0x315: {  	s3 =	rddreg [dreg:$0x2];
	[bflag:$0x3] =	sbarrier.arrive $0xFFFF;
	s2 =	simm.s32 @!p0 $0x1C01  }
0x316: {  	[timem:s3], [sflag:s2] =	dma.local @!p0 [hbm:s0], s1  }
0x317: {  	s0 =	simm.s32 @!p0 $0x1  }
0x318: {  	_ =	swait.ge @!p0 [sflag:s0], s1  }
0x319: {  	s1 =	ssub.s32 @!p0 $0x0, s1;
	[sflag:s0] =	ssyncset.done @!p0 $0x0  }
0x31a: {  	[sflag:s0] =	ssyncadd.s32 @!p0 s1  }
0x31b: {  	[bflag:$0x3] =	sbarrier.arrive $0xFFFF  }
0x31c: {  	_ =	shalt  }

// kernel: scatter_offload_async_start.2
scs
__scs_entry_jumppad:
0x0: {  	(pc) =	sbr.rel $0x88, $3  }
0x1: {  	(tag) =	ssettag $0x0;
	lr =	simm.s32 $0x1  }
0x2: {  	[smem:$0x3F7B] =	sst lr;
	_ =	strace $0xD0000000  }
0x3: {  	_ = 	snop  }
0x4: {  	_ = 	snop  }
0x5: {  	_ = 	snop  }
0x6: {  	_ = 	snop  }
0x7: {  	_ = 	snop  }
__scs_overlays_trampoline_lowered:
0x8: {  	[smem:$0x3F8A] =	sst s0  }
0x9: {  	[smem:$0x3F8B] =	sst s1  }
0xa: {  	[smem:$0x3F8C] =	sst s2  }
0xb: {  	[smem:$0x3F8D] =	sst s3  }
0xc: {  	[smem:$0x3F8E] =	sst s4  }
0xd: {  	[smem:$0x3F8F] =	sst s5  }
0xe: {  	[smem:$0x3F90] =	sst s6  }
0xf: {  	[smem:$0x3F91] =	sst s7  }
0x10: {  	[smem:$0x3F92] =	sst s8  }
0x11: {  	[smem:$0x3F93] =	sst s9;
	s0 =	simm.s32 @!p0 $0x0  }
0x12: {  	s1 =	sld [smem:$0x3F79];
	s0 =	simm.s32 @p0 $0x1  }
0x13: {  	[smem:$0x3F94] =	sst s0;
	s0 =	simm.s32 @!p1 $0x0  }
0x14: {  	s2 =	sld [smem:$0x3F78];
	s0 =	simm.s32 @p1 $0x1  }
0x15: {  	[smem:$0x3F95] =	sst s0;
	s0 =	simm.s32 @!p2 $0x0  }
0x16: {  	s3 =	sld [smem:$0x3FDB];
	s0 =	simm.s32 @p2 $0x1  }
0x17: {  	s4 =	simm.s32 $0x1BF5;
	[smem:$0x3F97] =	sst s0  }
0x18: {  	s0 =	sld [smem:$0x3F7A];
	_ =	swait.ge [sflag:s4], $0x0  }
0x19: {  	s7 =	sld [smem:$0x3F7B]  }
0x1a: {  	s8 =	sadd.s32 $0xFFFFE003, lr  }
0x1b: {  	s9 =	sadd.s32 $0xFFFFFEF7, lr;
	s5 =	simm.s32 $0xFFFFFFFF;
	p2 =	slt.u32 s8, $0xFFFFF086  }
0x1c: {  	p1 =	slt.u32 s9, $0xF7A;
	s5 =	simm.s32 @!p2 $0x0  }
0x1d: {  	s5 =	simm.s32 @p1 $0x1;
	p0 =	seq.s32 s7, s2  }
0x1e: {  	s7 =	smul.u32 @!p0 $0xF7A, s2;
	p2 =	seq.s32 @!p0 s5, $0x0  }
0x1f: {  	s9 =	smul.u32 $0xF7A, s1;
	s8 =	simm.s32 @!p0 $0x1BF5;
	p2 =	por !p2, p0  }
0x20: {  	[sflag:s8] =	ssyncset.s32 @!p0 $0xFFFFF086;
	s6 =	sadd.s32 @!p0 s3, s7;
	s7 =	simm.s32 @!p0 $0x108  }
0x21: {  	s3 =	sadd.s32 s3, s9;
	s6 =	sadd.s32 @!p0 $0x88, s6;
	s7 =	simm.s32 @p2 $0x1082  }
0x22: {  	[simem:s7], [sflag:s8] =	dma.local @!p0 [hbm:s6], $0xF7A  }
0x23: {  	s9 =	sor.u32 $0xD0000000, s2;
	s6 =	simm.s32 $0x108;
	_ =	swait.ge @!p0 [sflag:s8], $0x0  }
0x24: {  	s3 =	sadd.s32 $0x88, s3;
	s6 =	simm.s32 @!p1 $0x1082;
	[sflag:s4] =	ssyncset.s32 $0xFFFFF086  }
0x25: {  	[simem:s6], [sflag:s4] =	dma.local [hbm:s3], $0xF7A  }
0x26: {  	[smem:$0x3F7B] =	sst s1;
	(tag) =	ssettag s2;
	_ =	strace s9  }
0x27: {  	s1 =	sld [smem:$0x3F8B]  }
0x28: {  	s2 =	sld [smem:$0x3F8C]  }
0x29: {  	s4 =	sld [smem:$0x3F8E]  }
0x2a: {  	p0 =	seq.s32 s5, $0x0;
	s5 =	sld [smem:$0x3F8F]  }
0x2b: {  	s6 =	sld [smem:$0x3F90]  }
0x2c: {  	s7 =	sld [smem:$0x3F91]  }
0x2d: {  	s3 =	simm.s32 $0x108;
	s8 =	sld [smem:$0x3F92]  }
0x2e: {  	s3 =	simm.s32 @!p0 $0x1082;
	s9 =	sld [smem:$0x3F93]  }
0x2f: {  	lr =	sadd.s32 s0, s3;
	s0 =	sld [smem:$0x3F8A]  }
0x30: {  	s3 =	sld [smem:$0x3F8D]  }
0x31: {  	[smem:$0x3F96] =	sst s10  }
0x32: {  	s10 =	sld [smem:$0x3F94];
	_ =	sdelay $0x3  }
0x33: {  	p0 =	seq.s32 s10, $0x1;
	s10 =	sld [smem:$0x3F96];
	_ =	sdelay $0x3  }
0x34: {  	[smem:$0x3F96] =	sst s10  }
0x35: {  	s10 =	sld [smem:$0x3F95];
	_ =	sdelay $0x3  }
0x36: {  	p1 =	seq.s32 s10, $0x1;
	s10 =	sld [smem:$0x3F96];
	_ =	sdelay $0x3  }
0x37: {  	[smem:$0x3F96] =	sst s10  }
0x38: {  	s10 =	sld [smem:$0x3F97]  }
0x39: {  	_ = 	snop;
	(pc) =	sbr.ind lr, $3  }
0x3a: {  	_ = 	snop  }
0x3b: {  	_ = 	snop  }
0x3c: {  	p2 =	seq.s32 s10, $0x1;
	s10 =	sld [smem:$0x3F96]  }
0x3d: {  	_ =	shalt  }
0x3e: {  	_ =	shalt  }
0x3f: {  	_ =	shalt  }
0x40: {  	_ =	shalt  }
0x41: {  	_ =	shalt  }
0x42: {  	_ =	shalt  }
0x43: {  	_ =	shalt  }
0x44: {  	_ =	shalt  }
0x45: {  	_ =	shalt  }
0x46: {  	_ =	shalt  }
0x47: {  	_ =	shalt  }
0x48: {  	_ =	shalt  }
0x49: {  	_ =	shalt  }
0x4a: {  	_ =	shalt  }
0x4b: {  	_ =	shalt  }
0x4c: {  	_ =	shalt  }
0x4d: {  	_ =	shalt  }
0x4e: {  	_ =	shalt  }
0x4f: {  	_ =	shalt  }
0x50: {  	_ =	shalt  }
0x51: {  	_ =	shalt  }
0x52: {  	_ =	shalt  }
0x53: {  	_ =	shalt  }
0x54: {  	_ =	shalt  }
0x55: {  	_ =	shalt  }
0x56: {  	_ =	shalt  }
0x57: {  	_ =	shalt  }
0x58: {  	_ =	shalt  }
0x59: {  	_ =	shalt  }
0x5a: {  	_ =	shalt  }
0x5b: {  	_ =	shalt  }
0x5c: {  	_ =	shalt  }
0x5d: {  	_ =	shalt  }
0x5e: {  	_ =	shalt  }
0x5f: {  	_ =	shalt  }
0x60: {  	_ =	shalt  }
0x61: {  	_ =	shalt  }
0x62: {  	_ =	shalt  }
0x63: {  	_ =	shalt  }
0x64: {  	_ =	shalt  }
0x65: {  	_ =	shalt  }
0x66: {  	_ =	shalt  }
0x67: {  	_ =	shalt  }
0x68: {  	_ =	shalt  }
0x69: {  	_ =	shalt  }
0x6a: {  	_ =	shalt  }
0x6b: {  	_ =	shalt  }
0x6c: {  	_ =	shalt  }
0x6d: {  	_ =	shalt  }
0x6e: {  	_ =	shalt  }
0x6f: {  	_ =	shalt  }
0x70: {  	_ =	shalt  }
0x71: {  	_ =	shalt  }
0x72: {  	_ =	shalt  }
0x73: {  	_ =	shalt  }
0x74: {  	_ =	shalt  }
0x75: {  	_ =	shalt  }
0x76: {  	_ =	shalt  }
0x77: {  	_ =	shalt  }
0x78: {  	_ =	shalt  }
0x79: {  	_ =	shalt  }
0x7a: {  	_ =	shalt  }
0x7b: {  	_ =	shalt  }
0x7c: {  	_ =	shalt  }
0x7d: {  	_ =	shalt  }
0x7e: {  	_ =	shalt  }
0x7f: {  	_ =	shalt  }
0x80: {  	_ =	shalt  }
0x81: {  	_ =	shalt  }
0x82: {  	_ =	shalt  }
0x83: {  	_ =	shalt  }
0x84: {  	_ =	shalt  }
0x85: {  	_ =	shalt  }
0x86: {  	_ =	shalt  }
0x87: {  	_ =	shalt  }
.Lfunc_end0:
.L_simem_size_0:
called_computation.2_lowered:
.L_overlay_start_0:
0x88: {  	s2 =	sld [smem:$0x3FD9]  }
0x89: {  	s3 =	sld [smem:$0x3FFE];
	_ =	sdelay $0x1  }
0x8a: {  	s1 =	srdreg.scid  }
0x8b: {  	s0 =	sand.u32 $0x1, s1  }
0x8c: {  	s15 =	sshll.u32 s0, $0xA;
	s2 =	sadd.s32 s3, s2  }
0x8d: {  	s2 =	sadd.s32 s2, s15  }
0x8e: {  	[smem:$0x3FA2] =	sst s2  }
0x8f: {  	_ = 	snop  }
0x90: {  	s2 =	sld [smem:$0x3FD0];
	_ =	sdelay $0x2  }
0x91: {  	s16 =	simm.s32 $0xB;
	s4 =	simm.s32 $0x10  }
0x92: {  	[smem:s4], [sflag:s16] =	dma.local [hbm:s2], $0x1  }
0x93: {  	_ =	swait.eq [sflag:s16], $0x1  }
0x94: {  	[sflag:s16] =	ssyncset.done $0x0  }
0x95: {  	[sflag:s16] =	ssyncadd.s32 $0xFFFFFFFF  }
0x96: {  	s17 =	sld [smem:$0x11];
	(tm) =	ssettm $0x1  }
0x97: {  	s18 =	sld [smem:$0x3FFB];
	_ =	sdelay $0x3  }
0x98: {  	_ =	strace s18  }
0x99: {  	s2 =	sld [smem:$0x3FFC];
	_ =	sdelay $0x3  }
0x9a: {  	_ =	strace s2  }
0x9b: {  	s2 =	sld [smem:$0x3FFD];
	_ =	sdelay $0x3  }
0x9c: {  	_ =	strace s2  }
0x9d: {  	_ =	strace $0x8FFFFFFF  }
0x9e: {  	s19 =	sld [smem:$0x3FDB];
	_ =	sdelay $0x1  }
0x9f: {  	s20 =	simm.s32 $_scs_section_size  }
0xa0: {  	s5 =	simm.s32 $_size__tile_overlayer_lowered;
	s6 =	simm.s32 $_tile_overlayer_lowered  }
0xa1: {  	s7 =	simm.s32 $0x1BFF;
	s21 =	sshll.u32 s6, $0x1;
	s4 =	sadd.s32 s20, s19  }
0xa2: {  	s22 =	simm.s32 $0x0;
	s5 =	sshll.u32 s5, $0x1;
	s6 =	sadd.s32 s21, s4  }
0xa3: {  	[timem:s22], [sflag:s7] =	dma.local [hbm:s6], s5  }
0xa4: {  	_ =	swait.ge [sflag:s7], s5  }
0xa5: {  	s5 =	ssub.s32 $0x0, s5;
	[sflag:s7] =	ssyncset.done $0x0  }
0xa6: {  	[sflag:s7] =	ssyncadd.s32 s5;
	_ =	sdelay $0x1  }
0xa7: {  	s23 =	simm.s32 $0x1B8B  }
0xa8: {  	_ =	swait.ge [sflag:s23], $0x1  }
0xa9: {  	[sflag:s23] =	ssyncset.done $0x0  }
0xaa: {  	[sflag:s23] =	ssyncadd.s32 $0xFFFFFFFF  }
0xab: {  	s5 =	sld [smem:$0x0]  }
0xac: {  	s6 =	sand.u32 $0xFFFFFFFE, s1  }
0xad: {  	p0 =	sne.s32 s1, s6  }
0xae: {  	s6 =	sshll.u32 @p0 s6, $0xE  }
0xaf: {  	s6 =	sadd.s32 @p0 $0x11B8D, s6;
	s7 =	sshll.u32 @p0 s5, $0x11  }
0xb0: {  	s6 =	sor.u32 @p0 s7, s6  }
0xb1: {  	[sflag:s6] =	ssyncadd.remote.s32 @p0 $0x1;
	_ =	sdelay $0x1  }
0xb2: {  	s6 =	simm.s32 @p0 $0x1B8D  }
0xb3: {  	_ =	swait.eq @p0 [sflag:s6], $0x1  }
0xb4: {  	[sflag:s6] =	ssyncadd.s32 @p0 $0xFFFFFFFF  }
0xb5: {  	s7 =	sshll.u32 @!p0 s1, $0xE  }
0xb6: {  	s7 =	sor.u32 @!p0 $0x4000, s7;
	s6 =	simm.s32 @!p0 $0x1B8D  }
0xb7: {  	s8 =	sshll.u32 @!p0 s5, $0x11;
	s7 =	sadd.s32 @!p0 $0x11B8D, s7;
	_ =	swait.eq @!p0 [sflag:s6], $0x1  }
0xb8: {  	[sflag:s6] =	ssyncadd.s32 @!p0 $0xFFFFFFFF;
	s6 =	sor.u32 @!p0 s8, s7  }
0xb9: {  	s25 =	simm.s32 $0x1B8E;
	s24 =	sld [smem:$0x3FFE];
	[sflag:s6] =	ssyncadd.remote.s32 @!p0 $0x1  }
0xba: {  	s26 =	simm.s32 $execute0_lowered;
	[smem:$0x3FD2] =	sst s25  }
0xbb: {  	s7 =	sshll.u32 s26, $0x1;
	_ =	strace $0x80000055;
	[dreg:$0x1] =	wrdreg $0xFFFFFFFF  }
0xbc: {  	s28 =	simm.s32 $_size_execute0_lowered;
	s4 =	sadd.s32 s4, s7;
	[dreg:$0x0] =	wrdreg $0x0  }
0xbd: {  	s7 =	sshll.u32 s28, $0x1;
	[dreg:$0x2] =	wrdreg s4  }
0xbe: {  	[dreg:$0x3] =	wrdreg s7  }
0xbf: {  	[dreg:$0x4] =	wrdreg $0xC0  }
0xc0: {  	_ =	task [dreg:s22], $0x5FFFF  }
0xc1: {  	[dreg:$0x1] =	wrdreg $0xFFFFFFFF  }
0xc2: {  	[dreg:$0x0] =	wrdreg $0x60  }
0xc3: {  	[dreg:$0x2] =	wrdreg s17  }
0xc4: {  	[dreg:$0x3] =	wrdreg s24  }
0xc5: {  	[dreg:$0x4] =	wrdreg s1  }
0xc6: {  	[dreg:$0x5] =	wrdreg s5  }
0xc7: {  	[dreg:$0x6] =	wrdreg $0x9  }
0xc8: {  	_ =	task.clear_ibuf [dreg:s22], $0x7FFFF;
	_ =	strace $0x90000055  }
0xc9: {  	s29 =	simm.s32 $0x9;
	_ =	strace $0x80000057  }
0xca: {  	_ =	swait.ge [sflag:s29], $0x1  }
0xcb: {  	[sflag:s29] =	ssyncadd.s32 $0xFFFFFFFF  }
0xcc: {  	_ =	strace $0x90000057  }
0xcd: {  	_ =	sfence  }
0xce: {  	s30 =	sld [smem:$0x0];
	_ =	sdelay $0x2  }
0xcf: {  	s31 =	sshll.u32 s1, $0xD;
	s1 =	sshrl.u32 s1, $0x2  }
0xd0: {  	s4 =	sand.u32 $0x4000, s31;
	s1 =	sadd.s32 s1, s30  }
0xd1: {  	s0 =	sor.u32 s4, s0;
	s1 =	sshll.u32 s1, $0x11  }
0xd2: {  	s0 =	sor.u32 s1, s0  }
0xd3: {  	s0 =	sadd.s32 $0x8F2B, s0  }
0xd4: {  	[sflag:s0] =	ssyncadd.remote.s32 $0x1  }
0xd5: {  	_ =	sfence.sel $0xFFFF  }
0xd6: {  	[dreg:$0x0] =	wrdreg $0xFFFFFFFF;
	(pc) =	sbr.abs _section_cstart, $3  }
0xd7: {  	[dreg:$0x1] =	wrdreg $0xFFFFFFFF  }
0xd8: {  	_ =	task.clear_ibuf [dreg:s22], $0x2FFFF;
	_ =	strace $0x9FFFFFFF  }
0xd9: {  	(tm) =	ssettm $0x7FFFFFFF  }
tec
execute0_lowered:
.L_overlay_start_1:
0x0: {  	(tag) =	ssettag $0x1  }
0x1: {  	s1 =	rddreg [dreg:$0x0]  }
0x2: {  	s2 =	rddreg [dreg:$0x1]  }
0x3: {  	s3 =	rddreg [dreg:$0x2];
	_ =	strace $0x80000056;
	s0 =	simm.s32 $0x1  }
0x4: {  	v0 =	vimm.s32 $0x0;
	[sflag:s0] =	ssyncpa.u1 $0x0;
	s0 =	simm.s32 $0x108  }
0x5: {  	[tilespmem:s0+$0x70] =	vst v0  }
0x6: {  	[tilespmem:s0+$0x60] =	vst v0  }
0x7: {  	[tilespmem:s0+$0x50] =	vst v0  }
0x8: {  	[tilespmem:s0+$0x40] =	vst v0  }
0x9: {  	[tilespmem:s0+$0x30] =	vst v0  }
0xa: {  	s15 =	sadd.s32 $0x1A5200, s2;
	s6 =	sadd.s32 $0x276800, s2;
	[tilespmem:s0+$0x20] =	vst v0  }
0xb: {  	s14 =	sadd.s32 $0x1A7A00, s2;
	s5 =	sand.u32 $0x1, s3;
	s3 =	simm.s32 $0x40;
	[tilespmem:s0+$0x10] =	vst v0  }
.LBB2_1:
0xc: {  	s3 =	sadd.s32 $0x40, s3;
	[tilespmem:s0+$0x0] =	vst v0;
	s0 =	sadd.s32 $0x80, s0  }
0xd: {  	p0 =	slt.u32 s3, $0x3C40;
	[tilespmem:s0+$0x70] =	vst v0  }
0xe: {  	[tilespmem:s0+$0x60] =	vst v0  }
.Ltmp0:
0xf: {  	[tilespmem:s0+$0x50] =	vst v0;
	(pc) =	sbr.rel @p0 .LBB2_1-.Ltmp0, $4  }
0x10: {  	[tilespmem:s0+$0x40] =	vst v0  }
0x11: {  	[tilespmem:s0+$0x30] =	vst v0  }
0x12: {  	[tilespmem:s0+$0x20] =	vst v0  }
0x13: {  	[tilespmem:s0+$0x10] =	vst v0  }
0x14: {  	s9 =	stileid.u32  }
0x15: {  	s2 =	smul.u32 $0xA, s9  }
0x16: {  	s3 =	smin.u32 s9, $0x7  }
0x17: {  	s2 =	sadd.s32 s3, s2  }
0x18: {  	p0 =	slt.u32 s9, $0x7;
	s7 =	smul.u32 $0xF0, s2;
	s2 =	simm.s32 $0xA50  }
0x19: {  	s2 =	simm.s32 @!p0 $0x960  }
0x1a: {  	s2 =	sadd.s32 s2, s7  }
0x1b: {  	s8 =	smin.u32 s2, $0x9C40  }
0x1c: {  	s2 =	ssub.s32 s8, s7  }
0x1d: {  	p0 =	sgt.s32 s2, $0x0  }
0x1e: {  	s29 =	simm.s32 $0x2;
	s10 =	simm.s32 $0x9;
	s2 =	simm.s32 @!p0 $0x0  }
0x1f: {  	s4 =	simm.s32 $0xA;
	s11 =	simm.s32 $0xB;
	s28 =	smul.u32 $0x8889, s2  }
0x20: {  	[dreg:$0x5] =	wrdreg s5;
	s31 =	smul.u32 $0x1388, s5;
	s12 =	simm.s32 $0x1  }
0x21: {  	s22 =	simm.s32 $0x0;
	s18 =	simm.s32 $0xC;
	s30 =	sshrl.u32 s28, $0x17  }
0x22: {  	s20 =	simm.s32 $0x0;
	s21 =	simm.s32 $0x0;
	s3 =	smul.u32 $0xF0, s30  }
.Ltmp1:
0x23: {  	[tilespmem:s0+$0x0] =	vst v0;
	v0 =	vimm.s32 $0xFFFFFFFF;
	[sflag:s29] =	ssyncpa.u1 $0x0;
	s16 =	sshll.u32 s9, $0x8;
	(pc) =	sbr.rel .LBB2_3-.Ltmp1, $4  }
0x24: {  	[tilespmem:$0xF208] =	vst v0;
	[sflag:s10] =	ssyncpa.u1 $0x0;
	p0 =	sne.s32 s2, s3;
	s2 =	simm.s32 $0x1  }
0x25: {  	s14 =	sadd.s32 s31, s14;
	[sflag:s4] =	ssyncpa.u1 $0x0;
	s2 =	simm.s32 @!p0 $0x0  }
0x26: {  	s15 =	sadd.s32 s31, s15;
	[sflag:s11] =	ssyncpa.u1 $0x0;
	s13 =	sadd.s32 s30, s2  }
0x27: {  	v0 =	vlaneseq.u32;
	s19 =	smov.u32 s7;
	p0 =	por $0x0, $0x0;
	s17 =	sadd.s32 $0x1, s13  }
.LBB2_18:
0x28: {  	s0 =	sshrl.u32 s31, $0x2  }
.LBB2_20:
0x29: {  	_ =	swait.ge [sflag:s18], s0  }
0x2a: {  	s31 =	ssub.s32 $0x0, s0;
	v1 =	vmov s24;
	vm0 =	veq.s32 v0, $0x0;
	[sflag:s18] =	ssyncset.done $0x0  }
0x2b: {  	vm15 =	veq.s32 v0, $0x2;
	v1 =	vsel vm0, s30, v1;
	[sflag:s18] =	ssyncadd.s32 s31  }
0x2c: {  	v1 =	vsel vm15, s22, v1;
	[sflag:s18] =	ssyncpa.u1 $0x1  }
0x2d: {  	[tilespmem:$0xF208] =	vst v1  }
.LBB2_21:
0x2e: {  	s0 =	sadd.s32 $0xF0, s19  }
0x2f: {  	s2 =	smov.u32 s7;
	p1 =	slt.s32 s0, s8  }
0x30: {  	s2 =	smov.u32 @p1 s0;
	p1 =	sne.s32 s21, s17  }
.Ltmp2:
0x31: {  	_ = 	snop;
	(pc) =	sbr.rel @!p1 .LBB2_22-.Ltmp2, $3  }
0x32: {  	_ =	sdelay $0x1  }
0x33: {  	s22 =	smov.u32 s20;
	s31 =	sadd.s32 $0x1, s21;
	s20 =	smov.u32 s19  }
0x34: {  	p0 =	por !p0, !p0;
	s21 =	smov.u32 s31;
	s19 =	smov.u32 s2  }
.LBB2_3:
0x35: {  	p1 =	sge.u32 s21, s13  }
0x36: {  	s0 =	smulhi.u32 @!p1 $0xAAAAAAAB, s21  }
0x37: {  	s2 =	smov.u32 s19;
	p2 =	sgt.s32 @!p1 s19, $0x9B50  }
0x38: {  	s3 =	sshra.s32 @!p1 s19, $0x1F;
	p2 =	por !p2, p1;
	s0 =	sshrl.u32 @!p1 s0, $0x1  }
0x39: {  	s3 =	sand.u32 @!p1 s3, s19;
	s2 =	simm.s32 @p2 $0x9B50;
	s0 =	smul.u32 @!p1 $0x3, s0  }
0x3a: {  	s2 =	ssub.s32 @!p1 s2, s3  }
0x3b: {  	s2 =	sadd.s32 @!p1 $0xFFFF64B0, s2;
	s0 =	ssub.s32 @!p1 s21, s0  }
0x3c: {  	s3 =	sshll.u32 @!p1 s2, $0x2;
	p2 =	sgt.s32 @!p1 s2, $0xEF;
	s0 =	smul.u32 @!p1 $0x3C0, s0  }
0x3d: {  	s4 =	sand.u32 @!p1 $0x7, s19;
	s2 =	ssub.s32 @!p1 $0x3C0, s3;
	p2 =	por !p2, p1  }
0x3e: {  	s3 =	sshrl.u32 @!p1 s19, $0x3;
	s2 =	sshrl.u32 @!p1 s2, $0x2;
	s0 =	sshrl.u32 @!p1 s0, $0x2  }
0x3f: {  	s3 =	sadd.s32 @!p1 s3, s14;
	s2 =	simm.s32 @!p2 $0x0;
	s0 =	sadd.s32 @!p1 $0x10248, s0  }
0x40: {  	[tilespmem:s0], [sflag:$0xA] =	stream.linear.gather @!p1 [hbm4b:s3+s4], s2, $0x38;
	[tilespmem:$0x1F6F8] =	vst v63  }
0x41: {  	s0 =	sadd.s32 $0xFFFFFFFF, s21  }
0x42: {  	p1 =	sge.u32 s0, s13  }
0x43: {  	p2 =	sgt.s32 @!p1 s20, $0x9B50  }
0x44: {  	s2 =	smov.u32 s20;
	s3 =	sshra.s32 @!p1 s20, $0x1F;
	p2 =	por !p2, p1  }
0x45: {  	s3 =	sand.u32 @!p1 s3, s20;
	s2 =	simm.s32 @p2 $0x9B50  }
0x46: {  	s2 =	ssub.s32 @!p1 s2, s3  }
0x47: {  	s2 =	sadd.s32 @!p1 $0xFFFF64B0, s2  }
0x48: {  	s4 =	sand.u32 @!p1 $0x1, s0;
	s3 =	sshll.u32 @!p1 s2, $0x2  }
0x49: {  	p2 =	sgt.s32 @!p1 s2, $0xEF;
	s2 =	ssub.s32 @!p1 $0x3C0, s3;
	s3 =	smulhi.u32 @!p1 $0xAAAAAAAB, s0  }
0x4a: {  	s23 =	smul.u32 @!p1 $0x3C0, s4;
	p2 =	por !p2, p1;
	s2 =	sshrl.u32 @!p1 s2, $0x2  }
0x4b: {  	s5 =	simm.s32 @!p1 $0xA;
	s2 =	simm.s32 @!p2 $0x0;
	s3 =	sshrl.u32 @!p1 s3, $0x1  }
0x4c: {  	s23 =	sshrl.u32 @!p1 s23, $0x2;
	_ =	swait.ge @!p1 [sflag:s5], s2;
	s3 =	smul.u32 @!p1 $0x3, s3  }
0x4d: {  	s23 =	sadd.s32 @!p1 $0x10518, s23;
	s24 =	ssub.s32 @!p1 $0x0, s2;
	[sflag:s5] =	ssyncset.done @!p1 $0x0  }
0x4e: {  	[sflag:s5] =	ssyncadd.s32 @!p1 s24;
	s5 =	sshrl.u32 @!p1 s20, $0x3;
	s0 =	ssub.s32 @!p1 s0, s3  }
0x4f: {  	s24 =	sand.u32 @!p1 $0x7, s20;
	s5 =	sadd.s32 @!p1 s5, s15;
	s0 =	smul.u32 @!p1 $0x3C0, s0  }
0x50: {  	[tilespmem:s23], [sflag:$0xB] =	stream.linear.gather @!p1 [hbm4b:s5+s24], s2, $0x38;
	[tilespmem:$0x1F6F8] =	vst v63  }
0x51: {  	s3 =	ssub.s32 @!p1 $0x9C40, s20;
	s2 =	smul.u32 @!p1 $0x1E000, s4  }
0x52: {  	p2 =	slt.s32 @!p1 s3, $0xF0  }
0x53: {  	p2 =	por !p2, p1;
	s0 =	sshrl.u32 @!p1 s0, $0x2;
	s2 =	sshrl.u32 @!p1 s2, $0x2  }
0x54: {  	s3 =	simm.s32 @p2 $0xF0;
	s0 =	sadd.s32 @!p1 $0x10248, s0;
	s2 =	sor.u32 @!p1 $0x106F8, s2  }
0x55: {  	[tilespmem:s2], [sflag:$0x9] =	stream.indirect.gather @!p1 [hbm4b:s6+s3], $0x80, s0, s3, $0xb8;
	[tilespmem:$0x1F6F8] =	vst v63  }
0x56: {  	p1 =	slt.u32 s21, $0x2  }
.Ltmp3:
0x57: {  	_ = 	snop;
	(pc) =	sbr.rel @p1 .LBB2_21-.Ltmp3, $1  }
0x58: {  	_ =	sdelay $0x3  }
0x59: {  	p1 =	sgt.s32 s22, $0x9B50  }
0x5a: {  	s0 =	smov.u32 s22;
	s2 =	sshra.s32 s22, $0x1F;
	s3 =	ssub.s32 $0x9C40, s22  }
0x5b: {  	s0 =	simm.s32 @!p1 $0x9B50;
	s2 =	sand.u32 s2, s22;
	p1 =	slt.s32 s3, $0xF0  }
0x5c: {  	s0 =	ssub.s32 s0, s2;
	s3 =	simm.s32 @!p1 $0xF0  }
0x5d: {  	s0 =	sadd.s32 $0xFFFF64B0, s0;
	s25 =	sshll.u32 s3, $0x7  }
0x5e: {  	s26 =	sshll.u32 s0, $0x2;
	s2 =	sand.u32 $0x3FFFFF80, s25  }
0x5f: {  	p1 =	sgt.s32 s0, $0xEF;
	s29 =	ssub.s32 $0x3C0, s26;
	_ =	swait.ge [sflag:s10], s2  }
0x60: {  	s2 =	ssub.s32 $0x0, s2;
	[sflag:s10] =	ssyncset.done $0x0;
	s0 =	sshrl.u32 s29, $0x2  }
0x61: {  	[sflag:s10] =	ssyncadd.s32 s2;
	s0 =	simm.s32 @p1 $0x0  }
0x62: {  	_ =	swait.ge [sflag:s11], s0  }
0x63: {  	s0 =	ssub.s32 $0x0, s0;
	[sflag:s11] =	ssyncset.done $0x0  }
0x64: {  	[sflag:s11] =	ssyncadd.s32 s0  }
0x65: {  	v1 =	vld [tilespmem:$0xF208];
	_ =	sdelay $0x4  }
0x66: {  	(v2sf) =	vpush v1, $0x0  }
0x67: {  	(v2sf) =	vpush v1, $0x1  }
0x68: {  	(v2sf) =	vpush v1, $0x2;
	_ =	sdelay $0x3  }
0x69: {  	s0 =	sadd.s32 $0xF0, s22  }
0x6a: {  	s2 =	ssub.s32 $0x13880, s22;
	p1 =	slt.s32 s8, s0  }
0x6b: {  	s0 =	smov.u32 @p1 s8;
	p1 =	sgt.s32 s2, $0x0  }
0x6c: {  	s26 =	ssub.s32 s0, s22;
	s2 =	simm.s32 @!p1 $0x0  }
0x6d: {  	p1 =	slt.s32 s2, s26  }
0x6e: {  	s26 =	smov.u32 @p1 s2  }
0x6f: {  	s25 =	simm.s32 $0x1;
	p1 =	slt.s32 s26, $0x1  }
.Ltmp4:
0x70: {  	s25 =	simm.s32 @!p0 $0x0;
	(pc) =	sbr.rel @p1 .LBB2_8-.Ltmp4, $4  }
0x71: {  	s31 =	smul.u32 $0x3C0, s25  }
0x72: {  	s28 =	spop (v2sf)  }
0x73: {  	s0 =	sshrl.u32 s31, $0x2;
	s30 =	spop (v2sf)  }
0x74: {  	s23 =	sadd.s32 $0x10518, s0;
	s22 =	spop (v2sf)  }
0x75: {  	s0 =	smin.u32 s26, $0x10  }
0x76: {  	v1 =	vmov s0  }
0x77: {  	p2 =	sgt.s32 s26, $0x10;
	vm1 =	vgt.u32 v1, v0  }
.Ltmp5:
0x78: {  	_ = 	snop;
	(pc) =	sbr.rel @!p2 .LBB2_7-.Ltmp5, $2  }
0x79: {  	_ =	sdelay $0x2  }
0x7a: {  	s4 =	simm.s32 $0x10;
	s24 =	sadd.s32 $0xFFFFFFF0, s26;
	s0 =	smov.u32 s23;
	vm0 =	vmmov vm1  }
.LBB2_6:
0x7b: {  	s2 =	smin.u32 s24, $0x10;
	s4 =	sadd.s32 $0x10, s4;
	v1 =	vld.msk [tilespmem:s0+$0x0 ss:$0x1], vm1  }
0x7c: {  	v2 =	vmov s2;
	p2 =	slt.s32 s4, s26  }
0x7d: {  	vm1 =	vgt.u32 v2, v0  }
.Ltmp6:
0x7e: {  	(pc) =	sbr.rel @p2 .LBB2_6-.Ltmp6, $3  }
0x7f: {  	_ =	sdelay $0x1  }
0x80: {  	v1 =	vshll.u32 v1, $0x4  }
0x81: {  	s24 =	sadd.s32 $0xFFFFFFF0, s24;
	[tilespmem:s0+$0x0] =	vst.msk vm0, v1;
	s0 =	sadd.s32 $0x10, s0;
	vm0 =	vmmov vm1  }
.LBB2_7:
0x82: {  	_ =	sdelay $0x4  }
0x83: {  	v1 =	vld.msk [tilespmem:s0+$0x0 ss:$0x1], vm1;
	_ =	sdelay $0x4  }
0x84: {  	v1 =	vshll.u32 v1, $0x4  }
0x85: {  	[tilespmem:s0+$0x0] =	vst.msk vm0, v1  }
.LBB2_8:
0x86: {  	s0 =	sand.u32 $0x1, s21  }
0x87: {  	s0 =	smul.u32 $0xF0, s0  }
0x88: {  	p2 =	sne.s32 s30, $0xFFFFFFFF  }
0x89: {  	v1 =	vld.msk @!p2 [tilespmem:s0+$0x10518], $0x1;
	_ =	sdelay $0x4  }
0x8a: {  	(v2sf) =	vpush @!p2 v1, $0x0;
	_ =	sdelay $0xc  }
.Ltmp7:
0x8b: {  	_ = 	snop;
	(pc) =	sbr.rel @p1 .LBB2_19-.Ltmp7, $4  }
0x8c: {  	_ = 	snop  }
0x8d: {  	s29 =	spop @!p2 (v2sf)  }
0x8e: {  	s22 =	simm.s32 @!p2 $0x0;
	s24 =	smov.u32 s29  }
0x8f: {  	[sflag:s18] =	ssyncpa.u1 $0x0;
	s29 =	smov.u32 @p2 s28;
	s24 =	smov.u32 @p2 s30  }
0x90: {  	v1 =	vld.msk [tilespmem:s23+$0x0], $0x1;
	_ =	sdelay $0x4  }
0x91: {  	(v2sf) =	vpush v1, $0x0;
	_ =	sdelay $0xe  }
0x92: {  	s2 =	smul.u32 $0x1E000, s25;
	s0 =	spop (v2sf)  }
0x93: {  	s26 =	ssub.s32 $0x0, s26;
	p1 =	seq.s32 s29, s0  }
0x94: {  	s30 =	sadd.s32 $0x1, s26;
	s2 =	sshrl.u32 s2, $0x2;
	p2 =	sgt.s32 @!p1 s29, $0x0  }
0x95: {  	s25 =	sor.u32 $0x10738, s2;
	s2 =	smov.u32 s29;
	p2 =	por !p2, p1  }
0x96: {  	s2 =	simm.s32 @p2 $0x0;
	p2 =	seq.s32 s30, $0x0  }
.Ltmp8:
0x97: {  	_ = 	snop;
	(pc) =	sbr.rel @p2 .LBB2_11-.Ltmp8, $4  }
0x98: {  	_ = 	snop  }
0x99: {  	s28 =	simm.s32 $0x0;
	s31 =	sadd.s32 $0x1, s23;
	s2 =	smin.u32 @!p1 s2, $0x3FFF0  }
0x9a: {  	s4 =	simm.s32 @!p1 $0x1;
	s5 =	simm.s32 @!p1 $0x7988;
	s3 =	sand.u32 @!p1 $0x3FFF8, s2  }
0x9b: {  	s4 =	smov.u32 @p1 s28;
	s2 =	sand.u32 @!p1 $0x7, s2;
	s3 =	sadd.s32 @!p1 s1, s3  }
.LBB2_10:
0x9c: {  	s9 =	smov.u32 s4  }
0x9d: {  	[tilespmem:s5], [sflag:$0x2] =	stream.linear.gather @!p1 [hbm4b:s3+s2], $0x80, $0x38;
	[tilespmem:$0x1F6F8] =	vst v63  }
0x9e: {  	s30 =	sadd.s32 $0x1, s30;
	s2 =	smov.u32 s0;
	v1 =	vld.msk [tilespmem:s31+$0x0], $0x1  }
0x9f: {  	p2 =	seq.s32 s30, $0x0;
	_ =	sdelay $0x3  }
0xa0: {  	(v2sf) =	vpush v1, $0x0;
	_ =	sdelay $0xe  }
0xa1: {  	s0 =	spop (v2sf)  }
0xa2: {  	p1 =	seq.s32 s2, s0  }
0xa3: {  	p3 =	sgt.s32 @!p1 s2, $0x0;
	s3 =	sshll.u32 @!p1 s4, $0x9;
	s4 =	sadd.s32 @!p1 $0x1, s4  }
.Ltmp9:
0xa4: {  	p3 =	por !p3, p1;
	s3 =	sshra.s32 @!p1 s3, $0x2;
	(pc) =	sbr.rel @!p2 .LBB2_10-.Ltmp9, $4  }
0xa5: {  	s4 =	smov.u32 @p1 s9;
	s2 =	simm.s32 @p3 $0x0;
	s5 =	sadd.s32 @!p1 $0x7988, s3  }
0xa6: {  	s2 =	smin.u32 @!p1 s2, $0x3FFF0  }
0xa7: {  	s3 =	sand.u32 @!p1 $0x3FFF8, s2;
	s2 =	sand.u32 @!p1 $0x7, s2  }
0xa8: {  	s31 =	sadd.s32 $0x1, s31;
	s3 =	sadd.s32 @!p1 s1, s3  }
.LBB2_11:
0xa9: {  	[tilespmem:s5], [sflag:$0x2] =	stream.linear.gather @!p1 [hbm4b:s3+s2], $0x80, $0x38;
	[tilespmem:$0x1F6F8] =	vst v63  }
.Ltmp10:
0xaa: {  	s0 =	sshll.u32 s4, $0x7;
	(pc) =	sbr.rel .LBB2_12-.Ltmp10, $4  }
0xab: {  	s30 =	simm.s32 $0x2;
	s0 =	sand.u32 $0x3FFFFF80, s0  }
0xac: {  	_ =	swait.ge [sflag:s30], s0  }
0xad: {  	s0 =	ssub.s32 $0x0, s0;
	[sflag:s30] =	ssyncset.done $0x0  }
0xae: {  	s31 =	simm.s32 $0x0;
	[sflag:s30] =	ssyncadd.s32 s0  }
.LBB2_13:
0xaf: {  	v1 =	vld [tilespmem:s25+$0xFFFFFFC0];
	_ =	sdelay $0x3  }
0xb0: {  	s0 =	sshra.s32 s0, $0x2  }
0xb1: {  	[tilespmem:s0+$0x108] =	vst.add.f32.msk $0xffff, v1  }
0xb2: {  	v1 =	vld [tilespmem:s25+$0xFFFFFFD0];
	_ =	sdelay $0x4  }
0xb3: {  	[tilespmem:s0+$0x118] =	vst.add.f32.msk $0xffff, v1  }
0xb4: {  	v1 =	vld [tilespmem:s25+$0xFFFFFFE0];
	_ =	sdelay $0x4  }
0xb5: {  	[tilespmem:s0+$0x128] =	vst.add.f32.msk $0xffff, v1  }
0xb6: {  	v1 =	vld [tilespmem:s25+$0xFFFFFFF0];
	_ =	sdelay $0x4  }
0xb7: {  	[tilespmem:s0+$0x138] =	vst.add.f32.msk $0xffff, v1  }
0xb8: {  	v1 =	vld [tilespmem:s25+$0x0];
	_ =	sdelay $0x4  }
0xb9: {  	[tilespmem:s0+$0x148] =	vst.add.f32.msk $0xffff, v1  }
0xba: {  	v1 =	vld [tilespmem:s25+$0x10];
	_ =	sdelay $0x4  }
0xbb: {  	[tilespmem:s0+$0x158] =	vst.add.f32.msk $0xffff, v1  }
0xbc: {  	v1 =	vld [tilespmem:s25+$0x20];
	_ =	sdelay $0x4  }
0xbd: {  	[tilespmem:s0+$0x168] =	vst.add.f32.msk $0xffff, v1  }
0xbe: {  	v1 =	vld [tilespmem:s25+$0x30];
	_ =	sdelay $0x4  }
0xbf: {  	[tilespmem:s0+$0x178] =	vst.add.f32.msk $0xffff, v1  }
.LBB2_17:
0xc0: {  	s26 =	sadd.s32 $0x1, s26  }
0xc1: {  	p1 =	seq.s32 s26, $0x0  }
.Ltmp11:
0xc2: {  	_ = 	snop;
	(pc) =	sbr.rel @p1 .LBB2_18-.Ltmp11, $2  }
0xc3: {  	_ =	sdelay $0x2  }
0xc4: {  	s23 =	sadd.s32 $0x1, s23;
	s25 =	sadd.s32 $0x80, s25;
	s29 =	smov.u32 s30  }
.LBB2_12:
0xc5: {  	v1 =	vld.msk [tilespmem:s23+$0x0], $0x1;
	_ =	sdelay $0x4  }
0xc6: {  	(v2sf) =	vpush v1, $0x0;
	_ =	sdelay $0xe  }
0xc7: {  	s30 =	spop (v2sf)  }
0xc8: {  	p1 =	sne.s32 s29, s30  }
.Ltmp12:
0xc9: {  	_ = 	snop;
	(pc) =	sbr.rel @!p1 .LBB2_13-.Ltmp12, $2  }
0xca: {  	_ =	sdelay $0x2  }
0xcb: {  	s0 =	sshll.u32 s22, $0x9  }
0xcc: {  	p1 =	seq.s32 s29, s24  }
.Ltmp13:
0xcd: {  	_ = 	snop;
	(pc) =	sbr.rel @!p1 .LBB2_15-.Ltmp13, $1  }
0xce: {  	_ =	sdelay $0x3  }
0xcf: {  	s0 =	sshra.s32 s0, $0x2  }
.Ltmp14:
0xd0: {  	s0 =	sadd.s32 $0x108, s0;
	(pc) =	sbr.rel .LBB2_16-.Ltmp14, $4  }
0xd1: {  	[spmem:s16] =	stream.linear.scatter [tilespmem:s0], [sflag:$0x1], $0x80, $0x38;
	[tilespmem:$0x1F6F8] =	vst v63  }
0xd2: {  	_ =	swait.ge [sflag:s12], $0x80  }
0xd3: {  	[sflag:s12] =	ssyncset.done $0x0  }
0xd4: {  	[sflag:s12] =	ssyncadd.s32 $0xFFFFFF80  }
.LBB2_15:
0xd5: {  	s2 =	sshll.u32 s28, $0x9  }
0xd6: {  	s2 =	sshra.s32 s2, $0x2  }
0xd7: {  	v1 =	vld [tilespmem:s2+$0x7988];
	_ =	sdelay $0x3  }
0xd8: {  	s0 =	sshra.s32 s0, $0x2  }
0xd9: {  	[tilespmem:s0+$0x108] =	vst.add.f32.msk $0xffff, v1  }
0xda: {  	v1 =	vld [tilespmem:s2+$0x7998];
	_ =	sdelay $0x4  }
0xdb: {  	[tilespmem:s0+$0x118] =	vst.add.f32.msk $0xffff, v1  }
0xdc: {  	v1 =	vld [tilespmem:s2+$0x79A8];
	_ =	sdelay $0x4  }
0xdd: {  	[tilespmem:s0+$0x128] =	vst.add.f32.msk $0xffff, v1  }
0xde: {  	v1 =	vld [tilespmem:s2+$0x79B8];
	_ =	sdelay $0x4  }
0xdf: {  	[tilespmem:s0+$0x138] =	vst.add.f32.msk $0xffff, v1  }
0xe0: {  	v1 =	vld [tilespmem:s2+$0x79C8];
	_ =	sdelay $0x4  }
0xe1: {  	[tilespmem:s0+$0x148] =	vst.add.f32.msk $0xffff, v1  }
0xe2: {  	v1 =	vld [tilespmem:s2+$0x79D8];
	_ =	sdelay $0x4  }
0xe3: {  	[tilespmem:s0+$0x158] =	vst.add.f32.msk $0xffff, v1  }
0xe4: {  	v1 =	vld [tilespmem:s2+$0x79E8];
	_ =	sdelay $0x4  }
0xe5: {  	[tilespmem:s0+$0x168] =	vst.add.f32.msk $0xffff, v1  }
0xe6: {  	v1 =	vld [tilespmem:s2+$0x79F8];
	_ =	sdelay $0x2  }
0xe7: {  	p1 =	sgt.u32 s29, $0x3FFF0  }
0xe8: {  	s2 =	sand.u32 @!p1 $0x3FFF8, s29  }
0xe9: {  	s3 =	sadd.s32 $0x108, s0;
	[tilespmem:s0+$0x178] =	vst.add.f32.msk $0xffff, v1;
	s0 =	sadd.s32 @!p1 s1, s2;
	s2 =	sand.u32 @!p1 $0x7, s29  }
0xea: {  	[hbm4b:s0+s2] =	stream.linear.scatter @!p1 [tilespmem:s3], [sflag:$0xC], $0x80, $0x38;
	[tilespmem:$0x1F6F8] =	vst v63  }
0xeb: {  	s0 =	simm.s32 $0x0  }
0xec: {  	s0 =	simm.s32 @!p1 $0x200  }
0xed: {  	s31 =	sadd.s32 s0, s31  }
.LBB2_16:
0xee: {  	s0 =	sadd.s32 $0x1, s22  }
0xef: {  	s2 =	smulhi.u32 $0x88888889, s0;
	_ =	sdelay $0x1  }
0xf0: {  	v1 =	vld [tilespmem:s25+$0xFFFFFFC0];
	s2 =	sshrl.u32 s2, $0x7  }
0xf1: {  	s2 =	smul.u32 $0xF0, s2;
	_ =	sdelay $0x1  }
0xf2: {  	s22 =	ssub.s32 s0, s2  }
0xf3: {  	s0 =	sshll.u32 s22, $0x7  }
0xf4: {  	[tilespmem:s0+$0x108] =	vst v1  }
0xf5: {  	v1 =	vld [tilespmem:s25+$0xFFFFFFD0];
	_ =	sdelay $0x4  }
0xf6: {  	[tilespmem:s0+$0x118] =	vst v1  }
0xf7: {  	v1 =	vld [tilespmem:s25+$0xFFFFFFE0];
	_ =	sdelay $0x4  }
0xf8: {  	[tilespmem:s0+$0x128] =	vst v1  }
0xf9: {  	v1 =	vld [tilespmem:s25+$0xFFFFFFF0];
	_ =	sdelay $0x4  }
0xfa: {  	[tilespmem:s0+$0x138] =	vst v1  }
0xfb: {  	v1 =	vld [tilespmem:s25+$0x0];
	_ =	sdelay $0x4  }
0xfc: {  	[tilespmem:s0+$0x148] =	vst v1  }
0xfd: {  	v1 =	vld [tilespmem:s25+$0x10];
	_ =	sdelay $0x4  }
0xfe: {  	[tilespmem:s0+$0x158] =	vst v1  }
0xff: {  	v1 =	vld [tilespmem:s25+$0x20];
	_ =	sdelay $0x4  }
0x100: {  	[tilespmem:s0+$0x168] =	vst v1  }
0x101: {  	v1 =	vld [tilespmem:s25+$0x30]  }
.Ltmp15:
0x102: {  	_ = 	snop;
	(pc) =	sbr.rel .LBB2_17-.Ltmp15, $2  }
0x103: {  	_ =	sdelay $0x2  }
0x104: {  	s28 =	sadd.s32 $0x1, s28;
	[tilespmem:s0+$0x178] =	vst v1  }
.LBB2_19:
.Ltmp16:
0x105: {  	(pc) =	sbr.rel .LBB2_20-.Ltmp16, $4  }
0x106: {  	_ = 	snop  }
0x107: {  	s0 =	simm.s32 $0x2  }
0x108: {  	_ =	swait.ge [sflag:s0], $0x0  }
0x109: {  	s30 =	smov.u32 s29;
	[sflag:s0] =	ssyncset.done $0x0;
	s0 =	simm.s32 $0x0  }
.LBB2_22:
0x10a: {  	_ =	sfence.sel $0x180000  }
0x10b: {  	s0 =	simm.s32 $0x9;
	[bflag:$0x0] =	sbarrier.arrive $0xFFFF  }
0x10c: {  	s24 =	simm.s32 $0xA;
	[sflag:s0] =	ssyncpa.u1 $0x1  }
0x10d: {  	s25 =	simm.s32 $0xB;
	[sflag:s24] =	ssyncpa.u1 $0x1  }
0x10e: {  	s26 =	simm.s32 $0x2;
	[sflag:s25] =	ssyncpa.u1 $0x1  }
0x10f: {  	[sflag:s26] =	ssyncpa.u1 $0x1  }
0x110: {  	v0 =	vld [tilespmem:$0xF208];
	_ =	sdelay $0x4  }
0x111: {  	(v2sf) =	vpush v0, $0x0  }
0x112: {  	(v2sf) =	vpush v0, $0x1;
	_ =	sdelay $0x1  }
0x113: {  	(v2sf) =	vpush v0, $0x2;
	_ =	sdelay $0xb  }
0x114: {  	s0 =	spop (v2sf)  }
0x115: {  	s2 =	spop (v2sf)  }
0x116: {  	s3 =	smov.u32 s0;
	p0 =	sne.s32 s0, s2  }
0x117: {  	s4 =	spop (v2sf);
	s3 =	simm.s32 @!p0 $0xFFFFFFFF  }
0x118: {  	v2 =	vimm.s32 $0x1;
	v3 =	vlaneseq.u32;
	p0 =	seq.s32 s4, $0xFFFFFFFF;
	v1 =	vmov s3  }
0x119: {  	s16 =	stileid.u32;
	v0 =	vperm.xlane v0, v2;
	p1 =	sne.s32 @!p0 s0, s2;
	v1 =	vperm.xlane v1, v3  }
0x11a: {  	vm0 =	vcmask $0x3F04;
	s6 =	simm.s32 $0xF208;
	s0 =	simm.s32 @!p0 $0x1;
	p1 =	por !p1, p0  }
0x11b: {  	s3 =	sshll.u32 s16, $0x1;
	s2 =	sshll.u32 @!p0 s4, $0x9;
	s0 =	simm.s32 @p1 $0x0;
	v0 =	vsel vm0, v1, v0  }
0x11c: {  	s5 =	sor.u32 $0x1000, s3;
	s2 =	sshra.s32 @!p0 s2, $0x2;
	s0 =	sor.u32 @!p0 s0, s3;
	[tilespmem:$0xF208] =	vst v0  }
0x11d: {  	[spmem:s5] =	stream.linear.scatter [tilespmem:s6], [sflag:$0x1], $0x2, $0x38;
	[tilespmem:$0x1F6F8] =	vst v63  }
0x11e: {  	s2 =	sadd.s32 @!p0 $0x108, s2;
	s0 =	sshll.u32 @!p0 s0, $0x7  }
0x11f: {  	[spmem:s0] =	stream.linear.scatter @!p0 [tilespmem:s2], [sflag:$0x1], $0x80, $0x38;
	[tilespmem:$0x1F6F8] =	vst v63  }
0x120: {  	s0 =	simm.s32 @!p0 $0x82  }
0x121: {  	s28 =	simm.s32 $0x1;
	s0 =	simm.s32 @p0 $0x2  }
0x122: {  	_ =	swait.ge [sflag:s28], s0  }
0x123: {  	s0 =	ssub.s32 $0x0, s0;
	[sflag:s28] =	ssyncset.done $0x0  }
0x124: {  	p0 =	sne.s32 s16, $0x0;
	[sflag:s28] =	ssyncadd.s32 s0  }
.Ltmp17:
0x125: {  	_ =	sfence.stream.spmem;
	(pc) =	sbr.rel @p0 .LBB2_39-.Ltmp17, $4  }
0x126: {  	s29 =	simm.s32 $0x3;
	[bflag:$0x0] =	sbarrier.arrive $0xFFFF  }
0x127: {  	s30 =	simm.s32 $0x4;
	[sflag:s29] =	ssyncpa.u1 $0x1  }
0x128: {  	s31 =	simm.s32 $0x3C;
	[sflag:s30] =	ssyncpa.u1 $0x1  }
0x129: {  	s15 =	rddreg [dreg:$0x5];
	[sflag:s31] =	ssyncpa.u1 $0x1  }
0x12a: {  	_ =	sfence.stream.spmem;
	s0 =	simm.s32 $0x5  }
0x12b: {  	s2 =	simm.s32 $0x1000;
	s3 =	simm.s32 $0xF218;
	[sflag:s0] =	ssyncpa.u1 $0x0  }
0x12c: {  	[tilespmem:s3], [sflag:$0x5] =	stream.linear.gather [spmem:s2], $0x20, $0x38;
	[tilespmem:$0x1F6F8] =	vst v63  }
0x12d: {  	s26 =	simm.s32 $0x0;
	s28 =	simm.s32 $0xF238  }
0x12e: {  	[tilespmem:s28], [sflag:$0x5] =	stream.linear.gather [spmem:s26], $0x1000, $0x38;
	[tilespmem:$0x1F6F8] =	vst v63  }
0x12f: {  	_ =	swait.ge [sflag:s0], $0x1020  }
0x130: {  	[sflag:s0] =	ssyncset.done $0x0  }
0x131: {  	s29 =	simm.s32 $0x0;
	[sflag:s0] =	ssyncadd.s32 $0xFFFFEFE0  }
0x132: {  	v0 =	vld.msk [tilespmem:s29+$0xF218], $0x1;
	_ =	sdelay $0x1  }
0x133: {  	s30 =	simm.s32 $0x1  }
0x134: {  	v1 =	vld.msk [tilespmem:s30+$0xF218], $0x1;
	_ =	sdelay $0x1  }
0x135: {  	(v2sf) =	vpush v0, $0x0;
	_ =	sdelay $0x2  }
0x136: {  	(v2sf) =	vpush v1, $0x0;
	_ =	sdelay $0x2  }
0x137: {  	s31 =	simm.s32 $0x2  }
0x138: {  	v0 =	vld.msk [tilespmem:s31+$0xF218], $0x1;
	_ =	sdelay $0x2  }
0x139: {  	s4 =	simm.s32 $0xFFFFFFFF;
	s5 =	simm.s32 $0xFFFFFFFF;
	s0 =	simm.s32 $0xC  }
.LBB2_24:
0x13a: {  	s2 =	smov.u32 s5;
	s3 =	smov.u32 s4  }
0x13b: {  	s4 =	sshra.s32 s0, $0x2;
	p1 =	sne.s32 s0, $0x7C;
	s0 =	sadd.s32 $0x4, s0;
	(v2sf) =	vpush v0, $0x0  }
0x13c: {  	v0 =	vld.msk [tilespmem:s4+$0xF218], $0x1  }
.Ltmp18:
0x13d: {  	(pc) =	sbr.rel @p1 .LBB2_24-.Ltmp18, $4  }
0x13e: {  	s5 =	spop (v2sf)  }
0x13f: {  	p2 =	sne.s32 s3, $0xFFFFFFFF;
	s4 =	smov.u32 s5  }
0x140: {  	p3 =	seq.s32 s5, $0xFFFFFFFF;
	s4 =	smov.u32 @p2 s3  }
0x141: {  	s5 =	smov.u32 @p3 s2;
	s4 =	smov.u32 @p3 s3  }
0x142: {  	(v2sf) =	vpush v0, $0x0;
	_ =	sdelay $0x8  }
0x143: {  	s0 =	spop (v2sf)  }
0x144: {  	p1 =	sne.s32 s4, $0xFFFFFFFF;
	s2 =	smov.u32 s0  }
0x145: {  	s9 =	simm.s32 $0x6;
	p2 =	seq.s32 s0, $0xFFFFFFFF;
	s2 =	smov.u32 @p1 s4  }
0x146: {  	s6 =	simm.s32 $0x0;
	s2 =	smov.u32 @p2 s4;
	s3 =	spop (v2sf)  }
0x147: {  	s0 =	smov.u32 @p2 s5;
	p1 =	sne.s32 s2, $0xFFFFFFFF;
	s4 =	smov.u32 s3  }
.Ltmp19:
0x148: {  	p2 =	seq.s32 s3, $0xFFFFFFFF;
	s4 =	smov.u32 @p1 s2;
	(pc) =	sbr.rel .LBB2_26-.Ltmp19, $4  }
0x149: {  	s10 =	simm.s32 $0xF188;
	s4 =	smov.u32 @p2 s2;
	s7 =	spop (v2sf)  }
0x14a: {  	s11 =	simm.s32 $0x0;
	p1 =	sne.s32 s4, $0xFFFFFFFF;
	s8 =	smov.u32 s7  }
0x14b: {  	s3 =	smov.u32 @p2 s0;
	p2 =	seq.s32 s7, $0xFFFFFFFF;
	s8 =	smov.u32 @p1 s4  }
0x14c: {  	[sflag:s9] =	ssyncpa.u1 $0x0;
	s7 =	smov.u32 @p2 s3;
	s8 =	smov.u32 @p2 s4  }
.LBB2_32:
0x14d: {  	p1 =	sgt.u32 s12, $0x3FFF0  }
0x14e: {  	p2 =	seq.s32 @!p1 s12, s8  }
0x14f: {  	p1 =	por p1, p2  }
0x150: {  	p2 =	sne.s32 @!p1 s12, s7  }
0x151: {  	p1 =	por p1, !p2  }
0x152: {  	s0 =	sshll.u32 @p1 s11, $0x9  }
0x153: {  	s0 =	sand.u32 @!p1 $0x3FFF8, s12  }
0x154: {  	s2 =	sand.u32 @!p1 $0x7, s12;
	s0 =	sadd.s32 @!p1 s1, s0  }
0x155: {  	[tilespmem:s10], [sflag:$0x6] =	stream.linear.gather @!p1 [hbm4b:s0+s2], $0x80, $0x38;
	[tilespmem:$0x1F6F8] =	vst v63  }
0x156: {  	_ =	swait.ge @!p1 [sflag:s9], $0x80  }
0x157: {  	[sflag:s9] =	ssyncset.done @!p1 $0x0  }
0x158: {  	[sflag:s9] =	ssyncadd.s32 @!p1 $0xFFFFFF80  }
0x159: {  	v1 =	vld @!p1 [tilespmem:$0xF188];
	_ =	sdelay $0x2  }
0x15a: {  	s0 =	sshll.u32 @!p1 s11, $0x9  }
0x15b: {  	s2 =	sshrl.u32 @!p1 s0, $0x2  }
0x15c: {  	[tilespmem:s2+$0xF238] =	vst.add.f32.msk @!p1 $0xffff, v1  }
0x15d: {  	v1 =	vld @!p1 [tilespmem:$0xF198];
	_ =	sdelay $0x4  }
0x15e: {  	[tilespmem:s2+$0xF248] =	vst.add.f32.msk @!p1 $0xffff, v1  }
0x15f: {  	v1 =	vld @!p1 [tilespmem:$0xF1A8];
	_ =	sdelay $0x4  }
0x160: {  	[tilespmem:s2+$0xF258] =	vst.add.f32.msk @!p1 $0xffff, v1  }
0x161: {  	v1 =	vld @!p1 [tilespmem:$0xF1B8];
	_ =	sdelay $0x4  }
0x162: {  	[tilespmem:s2+$0xF268] =	vst.add.f32.msk @!p1 $0xffff, v1  }
0x163: {  	v1 =	vld @!p1 [tilespmem:$0xF1C8];
	_ =	sdelay $0x4  }
0x164: {  	[tilespmem:s2+$0xF278] =	vst.add.f32.msk @!p1 $0xffff, v1  }
0x165: {  	v1 =	vld @!p1 [tilespmem:$0xF1D8];
	_ =	sdelay $0x4  }
0x166: {  	[tilespmem:s2+$0xF288] =	vst.add.f32.msk @!p1 $0xffff, v1  }
0x167: {  	v1 =	vld @!p1 [tilespmem:$0xF1E8];
	_ =	sdelay $0x4  }
0x168: {  	[tilespmem:s2+$0xF298] =	vst.add.f32.msk @!p1 $0xffff, v1  }
0x169: {  	v1 =	vld @!p1 [tilespmem:$0xF1F8];
	_ =	sdelay $0x4  }
0x16a: {  	[tilespmem:s2+$0xF2A8] =	vst.add.f32.msk @!p1 $0xffff, v1  }
0x16b: {  	s0 =	sshrl.u32 s0, $0x2;
	[tilespmem:s6+$0xF218] =	vst.msk $0x1, v0  }
0x16c: {  	v0 =	vld [tilespmem:s0+$0xF238];
	_ =	sdelay $0x2  }
0x16d: {  	s31 =	sshll.u32 s6, $0x9  }
0x16e: {  	s2 =	sshra.s32 s31, $0x2  }
0x16f: {  	[tilespmem:s2+$0xF238] =	vst v0  }
0x170: {  	v0 =	vld [tilespmem:s0+$0xF248];
	_ =	sdelay $0x4  }
0x171: {  	[tilespmem:s2+$0xF248] =	vst v0  }
0x172: {  	v0 =	vld [tilespmem:s0+$0xF258];
	_ =	sdelay $0x4  }
0x173: {  	[tilespmem:s2+$0xF258] =	vst v0  }
0x174: {  	v0 =	vld [tilespmem:s0+$0xF268];
	_ =	sdelay $0x4  }
0x175: {  	[tilespmem:s2+$0xF268] =	vst v0  }
0x176: {  	v0 =	vld [tilespmem:s0+$0xF278];
	_ =	sdelay $0x4  }
0x177: {  	[tilespmem:s2+$0xF278] =	vst v0  }
0x178: {  	v0 =	vld [tilespmem:s0+$0xF288];
	_ =	sdelay $0x4  }
0x179: {  	[tilespmem:s2+$0xF288] =	vst v0  }
0x17a: {  	v0 =	vld [tilespmem:s0+$0xF298];
	_ =	sdelay $0x4  }
0x17b: {  	[tilespmem:s2+$0xF298] =	vst v0  }
0x17c: {  	v0 =	vld [tilespmem:s0+$0xF2A8];
	_ =	sdelay $0x4  }
0x17d: {  	s6 =	sadd.s32 $0x1, s6;
	[tilespmem:s2+$0xF2A8] =	vst v0  }
.LBB2_33:
0x17e: {  	s11 =	sadd.s32 $0x1, s11  }
0x17f: {  	p1 =	sne.s32 s11, $0x20  }
.Ltmp20:
0x180: {  	_ = 	snop;
	(pc) =	sbr.rel @!p1 .LBB2_34-.Ltmp20, $1  }
0x181: {  	_ =	sdelay $0x3  }
.LBB2_26:
0x182: {  	v0 =	vld.msk [tilespmem:s11+$0xF218], $0x1;
	_ =	sdelay $0x4  }
0x183: {  	(v2sf) =	vpush v0, $0x0;
	_ =	sdelay $0xe  }
0x184: {  	s12 =	spop (v2sf)  }
0x185: {  	p1 =	seq.s32 s12, $0xFFFFFFFF  }
.Ltmp21:
0x186: {  	_ = 	snop;
	(pc) =	sbr.rel @p1 .LBB2_33-.Ltmp21, $1  }
0x187: {  	_ =	sdelay $0x3  }
0x188: {  	p1 =	slt.s32 s6, $0x1  }
.Ltmp22:
0x189: {  	_ = 	snop;
	(pc) =	sbr.rel @p1 .LBB2_32-.Ltmp22, $1  }
0x18a: {  	_ =	sdelay $0x3  }
0x18b: {  	s13 =	simm.s32 $0xF218;
	p1 =	por $0x0, $0x0  }
0x18c: {  	v1 =	vld.msk @!p1 [tilespmem:s13+$0x0], $0x1;
	_ =	sdelay $0x4  }
0x18d: {  	(v2sf) =	vpush @!p1 v1, $0x0;
	_ =	sdelay $0xd  }
0x18e: {  	p3 =	sne.s32 s6, $0x1  }
.Ltmp23:
0x18f: {  	s0 =	spop @!p1 (v2sf);
	(pc) =	sbr.rel @!p3 .LBB2_30-.Ltmp23, $4  }
0x190: {  	p2 =	seq.s32 @!p1 s12, s0  }
0x191: {  	s14 =	simm.s32 $0x0;
	p2 =	por !p2, p1  }
0x192: {  	s2 =	simm.s32 $0xFFFFFFFF;
	s14 =	simm.s32 @p2 $0xFFFFFFFF  }
0x193: {  	s0 =	simm.s32 $0x1;
	s14 =	smov.u32 @p1 s2  }
.LBB2_29:
0x194: {  	s2 =	smov.u32 s14;
	p1 =	sne.s32 s14, $0xFFFFFFFF  }
0x195: {  	s13 =	sadd.s32 $0x1, s13;
	s14 =	smov.u32 s0;
	s0 =	sadd.s32 $0x1, s0  }
0x196: {  	p2 =	sne.s32 s6, s0;
	v1 =	vld.msk @!p1 [tilespmem:s13+$0x0], $0x1;
	_ =	sdelay $0x4  }
0x197: {  	(v2sf) =	vpush @!p1 v1, $0x0;
	_ =	sdelay $0xe  }
.Ltmp24:
0x198: {  	s3 =	spop @!p1 (v2sf);
	(pc) =	sbr.rel @p2 .LBB2_29-.Ltmp24, $4  }
0x199: {  	p3 =	seq.s32 @!p1 s12, s3  }
0x19a: {  	p3 =	por !p3, p1  }
0x19b: {  	s14 =	simm.s32 @p3 $0xFFFFFFFF  }
0x19c: {  	s14 =	smov.u32 @p1 s2  }
.LBB2_30:
0x19d: {  	p1 =	seq.s32 s14, $0xFFFFFFFF  }
.Ltmp25:
0x19e: {  	_ = 	snop;
	(pc) =	sbr.rel @p1 .LBB2_32-.Ltmp25, $1  }
0x19f: {  	_ =	sdelay $0x3  }
0x1a0: {  	s0 =	sshll.u32 s11, $0x7  }
0x1a1: {  	s0 =	sand.u32 $0x3FFFFF80, s0  }
0x1a2: {  	v0 =	vld [tilespmem:s0+$0xF238];
	_ =	sdelay $0x2  }
0x1a3: {  	s2 =	sshll.u32 s14, $0x9  }
0x1a4: {  	s2 =	sshra.s32 s2, $0x2  }
0x1a5: {  	[tilespmem:s2+$0xF238] =	vst.add.f32.msk $0xffff, v0  }
0x1a6: {  	v0 =	vld [tilespmem:s0+$0xF248];
	_ =	sdelay $0x4  }
0x1a7: {  	[tilespmem:s2+$0xF248] =	vst.add.f32.msk $0xffff, v0  }
0x1a8: {  	v0 =	vld [tilespmem:s0+$0xF258];
	_ =	sdelay $0x4  }
0x1a9: {  	[tilespmem:s2+$0xF258] =	vst.add.f32.msk $0xffff, v0  }
0x1aa: {  	v0 =	vld [tilespmem:s0+$0xF268];
	_ =	sdelay $0x4  }
0x1ab: {  	[tilespmem:s2+$0xF268] =	vst.add.f32.msk $0xffff, v0  }
0x1ac: {  	v0 =	vld [tilespmem:s0+$0xF278];
	_ =	sdelay $0x4  }
0x1ad: {  	[tilespmem:s2+$0xF278] =	vst.add.f32.msk $0xffff, v0  }
0x1ae: {  	v0 =	vld [tilespmem:s0+$0xF288];
	_ =	sdelay $0x4  }
0x1af: {  	[tilespmem:s2+$0xF288] =	vst.add.f32.msk $0xffff, v0  }
0x1b0: {  	v0 =	vld [tilespmem:s0+$0xF298];
	_ =	sdelay $0x4  }
0x1b1: {  	[tilespmem:s2+$0xF298] =	vst.add.f32.msk $0xffff, v0  }
0x1b2: {  	v0 =	vld [tilespmem:s0+$0xF2A8]  }
.Ltmp26:
0x1b3: {  	_ = 	snop;
	(pc) =	sbr.rel .LBB2_33-.Ltmp26, $2  }
0x1b4: {  	_ =	sdelay $0x2  }
0x1b5: {  	[tilespmem:s2+$0xF2A8] =	vst.add.f32.msk $0xffff, v0  }
.LBB2_34:
0x1b6: {  	s0 =	simm.s32 $0x6;
	p1 =	seq.s32 s6, $0x0  }
0x1b7: {  	[sflag:s0] =	ssyncpa.u1 $0x1;
	v0 =	vimm.s32 @p1 $0xFFFFFFFF  }
0x1b8: {  	s9 =	sadd.s32 $0xFFFFFFFF, s6;
	[tilespmem:$0x10238] =	vst @p1 v0  }
0x1b9: {  	v0 =	vld.msk @!p1 [tilespmem:s9+$0xF218], $0x1;
	_ =	sdelay $0x1  }
0x1ba: {  	v1 =	vld.msk @!p1 [tilespmem:$0xF218], $0x1;
	_ =	sdelay $0x2  }
0x1bb: {  	p2 =	seq.s32 @!p1 s9, $0x0;
	v0 =	vbroadcast @!p1 v0, $0x0  }
0x1bc: {  	vm0 =	vmmov @!p1 $0x1;
	p2 =	por !p2, p1  }
0x1bd: {  	v1 =	vnsel @!p1 vm0, $0xFFFFFFFF, v1;
	vm0 =	vcmask @!p1 $0x308;
	v0 =	vpsel !p2, $0xFFFFFFFF, v0  }
0x1be: {  	p2 =	sne.s32 @!p1 s8, s7;
	v0 =	vsel @!p1 vm0, v1, v0  }
0x1bf: {  	s0 =	simm.s32 @!p1 $0xF238;
	s2 =	simm.s32 @!p1 $0x0;
	p3 =	por !p2, p1;
	[tilespmem:$0x10238] =	vst @!p1 v0  }
0x1c0: {  	[spmem:s2] =	stream.linear.scatter @!p1 [tilespmem:s0], [sflag:$0x1], $0x80, $0x38;
	[tilespmem:$0x1F6F8] =	vst v63  }
0x1c1: {  	s0 =	sshll.u32 @!p3 s9, $0x9  }
0x1c2: {  	s0 =	sshra.s32 @!p3 s0, $0x2  }
0x1c3: {  	s2 =	simm.s32 @!p3 $0x80;
	s0 =	sadd.s32 @!p3 $0xF238, s0  }
0x1c4: {  	[spmem:s2] =	stream.linear.scatter @!p3 [tilespmem:s0], [sflag:$0x1], $0x80, $0x38;
	[tilespmem:$0x1F6F8] =	vst v63  }
0x1c5: {  	s0 =	simm.s32 @!p3 $0x1  }
0x1c6: {  	_ =	swait.ge @!p3 [sflag:s0], $0x100  }
0x1c7: {  	p1 =	por p2, p1;
	[sflag:s0] =	ssyncset.done @!p3 $0x0  }
0x1c8: {  	[sflag:s0] =	ssyncadd.s32 @!p3 $0xFFFFFF00;
	s0 =	simm.s32 @!p1 $0x1  }
0x1c9: {  	_ =	swait.ge @!p1 [sflag:s0], $0x80  }
0x1ca: {  	s29 =	simm.s32 $0x10238;
	[sflag:s0] =	ssyncset.done @!p1 $0x0  }
0x1cb: {  	s30 =	simm.s32 $0x1000;
	s31 =	simm.s32 $0x1;
	[sflag:s0] =	ssyncadd.s32 @!p1 $0xFFFFFF80  }
0x1cc: {  	[spmem:s30] =	stream.linear.scatter [tilespmem:s29], [sflag:$0x1], $0x10, $0x38;
	[tilespmem:$0x1F6F8] =	vst v63  }
0x1cd: {  	_ =	swait.ge [sflag:s31], $0x10  }
0x1ce: {  	[sflag:s31] =	ssyncset.done $0x0  }
0x1cf: {  	p1 =	seq.s32 s15, $0x0;
	s8 =	rddreg [dreg:$0x2];
	[sflag:s31] =	ssyncadd.s32 $0xFFFFFFF0  }
0x1d0: {  	s2 =	sshll.u32 @p1 s8, $0xE;
	s7 =	rddreg [dreg:$0x3]  }
0x1d1: {  	s0 =	sadd.s32 @p1 $0x15C3C, s2;
	s2 =	sshll.u32 @p1 s7, $0x11  }
0x1d2: {  	_ =	sfence.stream.spmem;
	s0 =	sor.u32 @p1 s2, s0  }
0x1d3: {  	[sflag:s0] =	ssyncadd.remote.s32 @p1 $0x1;
	s0 =	simm.s32 @p1 $0x4  }
0x1d4: {  	s3 =	simm.s32 @!p1 $0x3C;
	s2 =	sand.u32 $0xFFFFFFFE, s8;
	_ =	swait.ge @p1 [sflag:s0], $0x22  }
0x1d5: {  	s4 =	simm.s32 @!p1 $0x0;
	s2 =	sadd.s32 @!p1 $0x4, s2;
	[sflag:s0] =	ssyncset.done @p1 $0x0  }
0x1d6: {  	s5 =	simm.s32 @!p1 $0x100;
	[sflag:s0] =	ssyncadd.s32 @p1 $0xFFFFFFDE;
	s0 =	sshll.u32 @!p1 s2, $0x1A  }
0x1d7: {  	s2 =	sshll.u32 @!p1 s2, $0xD;
	s0 =	sor.u32 @!p1 s0, s7;
	_ =	swait.eq @!p1 [sflag:s3], $0x1  }
0x1d8: {  	s2 =	sor.u32 @!p1 $0x1C04, s2;
	s3 =	simm.s32 @!p1 $0x1C03;
	s0 =	sor.u32 @!p1 $0x80004000, s0  }
0x1d9: {  	[spmem:s5], [sflag:s2] =	dma.general @!p1 [spmem:s4], [sflag:s3], length:$0x20, [dreg:$0x0], stride_count:$0x0, ici_dest:s0, dma_misc:DstOpCode:WRITE  }
0x1da: {  	p2 =	slt.s32 s9, $0x2;
	s4 =	simm.s32 @!p1 $0x200;
	s5 =	simm.s32 @!p1 $0x202  }
0x1db: {  	[spmem:s5], [sflag:s2] =	dma.general @!p1 [spmem:s4], [sflag:s3], length:$0x2, [dreg:$0x0], stride_count:$0x0, ici_dest:s0, dma_misc:DstOpCode:WRITE  }
.Ltmp27:
0x1dc: {  	s0 =	simm.s32 @!p1 $0x3;
	(pc) =	sbr.rel @p2 .LBB2_38-.Ltmp27, $4  }
0x1dd: {  	s2 =	sshll.u32 @!p1 s8, $0xE;
	_ =	swait.ge @!p1 [sflag:s0], $0x22  }
0x1de: {  	s3 =	sshll.u32 @!p1 s7, $0x11;
	s2 =	sadd.s32 @!p1 $0x11C3C, s2;
	[sflag:s0] =	ssyncset.done @!p1 $0x0  }
0x1df: {  	[sflag:s0] =	ssyncadd.s32 @!p1 $0xFFFFFFDE;
	s0 =	sor.u32 @!p1 s3, s2  }
0x1e0: {  	[sflag:s0] =	ssyncadd.remote.s32 @!p1 $0xFFFFFFFF;
	s0 =	simm.s32 $0x0  }
0x1e1: {  	s0 =	simm.s32 $0xF219  }
0x1e2: {  	v0 =	vld.msk [tilespmem:s0+$0x0], $0x1;
	_ =	sdelay $0x4  }
0x1e3: {  	(v2sf) =	vpush v0, $0x0;
	_ =	sdelay $0xb  }
0x1e4: {  	s31 =	sadd.s32 $0xFFFFFFFE, s6  }
0x1e5: {  	s0 =	sadd.s32 $0xFFFFFFFF, s31  }
0x1e6: {  	p2 =	sne.s32 s0, $0x0  }
.Ltmp28:
0x1e7: {  	s2 =	spop (v2sf);
	(pc) =	sbr.rel @!p2 .LBB2_37-.Ltmp28, $4  }
0x1e8: {  	s4 =	simm.s32 $0xF2B8;
	s7 =	simm.s32 $0x0;
	p1 =	sgt.u32 s2, $0x3FFF0  }
0x1e9: {  	s5 =	simm.s32 $0x0;
	s6 =	simm.s32 $0xF21A;
	s3 =	sand.u32 @!p1 $0x3FFF8, s2  }
0x1ea: {  	s2 =	sand.u32 @!p1 $0x7, s2;
	s7 =	simm.s32 @!p1 $0x200;
	s3 =	sadd.s32 @!p1 s1, s3  }
0x1eb: {  	[hbm4b:s3+s2] =	stream.linear.scatter @!p1 [tilespmem:s4], [sflag:$0x5], $0x80, $0x38;
	[tilespmem:$0x1F6F8] =	vst v63  }
.LBB2_36:
0x1ec: {  	v0 =	vld.msk [tilespmem:s6+$0x0], $0x1;
	s0 =	sadd.s32 $0xFFFFFFFF, s0;
	s5 =	sadd.s32 s5, s7  }
0x1ed: {  	p1 =	sne.s32 s0, $0x0;
	_ =	sdelay $0x3  }
0x1ee: {  	(v2sf) =	vpush v0, $0x0;
	_ =	sdelay $0xe  }
.Ltmp29:
0x1ef: {  	s2 =	spop (v2sf);
	(pc) =	sbr.rel @p1 .LBB2_36-.Ltmp29, $4  }
0x1f0: {  	s7 =	simm.s32 $0x0;
	p2 =	sgt.u32 s2, $0x3FFF0  }
0x1f1: {  	s4 =	sadd.s32 $0x80, s4;
	s7 =	simm.s32 @!p2 $0x200;
	s3 =	sand.u32 @!p2 $0x3FFF8, s2  }
0x1f2: {  	s6 =	sadd.s32 $0x1, s6;
	s2 =	sand.u32 @!p2 $0x7, s2;
	s3 =	sadd.s32 @!p2 s1, s3  }
0x1f3: {  	[hbm4b:s3+s2] =	stream.linear.scatter @!p2 [tilespmem:s4], [sflag:$0x5], $0x80, $0x38;
	[tilespmem:$0x1F6F8] =	vst v63  }
.LBB2_37:
0x1f4: {  	s0 =	sadd.s32 s5, s7  }
0x1f5: {  	s0 =	sshrl.u32 s0, $0x2  }
.LBB2_38:
0x1f6: {  	s2 =	simm.s32 $0x5  }
0x1f7: {  	_ =	swait.ge [sflag:s2], s0  }
0x1f8: {  	s31 =	ssub.s32 $0x0, s0;
	[sflag:s2] =	ssyncset.done $0x0  }
0x1f9: {  	[sflag:s2] =	ssyncadd.s32 s31  }
0x1fa: {  	[sflag:s2] =	ssyncpa.u1 $0x1  }
.LBB2_39:
0x1fb: {  	s0 =	sor.u32 s15, s16  }
0x1fc: {  	p1 =	sne.s32 s0, $0x0  }
.Ltmp30:
0x1fd: {  	_ = 	snop;
	(pc) =	sbr.rel @p1 .LBB2_54-.Ltmp30, $3  }
0x1fe: {  	_ =	sdelay $0x1  }
0x1ff: {  	[bflag:$0x0] =	sbarrier.arrive $0xFFFF  }
0x200: {  	_ =	sfence  }
0x201: {  	s0 =	simm.s32 $0x7  }
0x202: {  	s2 =	simm.s32 $0x1000;
	s3 =	simm.s32 $0xF218;
	[sflag:s0] =	ssyncpa.u1 $0x0  }
0x203: {  	[tilespmem:s3], [sflag:$0x7] =	stream.linear.gather [spmem:s2], $0x20, $0x38;
	[tilespmem:$0x1F6F8] =	vst v63  }
0x204: {  	s30 =	simm.s32 $0xF238;
	s2 =	simm.s32 $0x0  }
0x205: {  	[tilespmem:s30], [sflag:$0x7] =	stream.linear.gather [spmem:s2], $0x1000, $0x38;
	[tilespmem:$0x1F6F8] =	vst v63  }
.Ltmp31:
0x206: {  	_ = 	snop;
	(pc) =	sbr.rel .LBB2_41-.Ltmp31, $4  }
0x207: {  	_ =	swait.ge [sflag:s0], $0x1020  }
0x208: {  	[sflag:s0] =	ssyncset.done $0x0  }
0x209: {  	s31 =	simm.s32 $0x8;
	[sflag:s0] =	ssyncadd.s32 $0xFFFFEFE0  }
0x20a: {  	s3 =	simm.s32 $0x0;
	[sflag:s31] =	ssyncpa.u1 $0x0  }
.LBB2_47:
0x20b: {  	p1 =	slt.u32 s4, $0x3FFF1  }
0x20c: {  	s0 =	sand.u32 @p1 $0x3FFF8, s4  }
0x20d: {  	s4 =	sand.u32 @p1 $0x7, s4;
	s5 =	simm.s32 @p1 $0xF188;
	s0 =	sadd.s32 @p1 s1, s0  }
0x20e: {  	[tilespmem:s5], [sflag:$0x8] =	stream.linear.gather @p1 [hbm4b:s0+s4], $0x80, $0x38;
	[tilespmem:$0x1F6F8] =	vst v63  }
0x20f: {  	s0 =	simm.s32 @p1 $0x8  }
0x210: {  	_ =	swait.ge @p1 [sflag:s0], $0x80  }
0x211: {  	[sflag:s0] =	ssyncset.done @p1 $0x0  }
0x212: {  	[sflag:s0] =	ssyncadd.s32 @p1 $0xFFFFFF80  }
0x213: {  	v1 =	vld @p1 [tilespmem:$0xF188];
	_ =	sdelay $0x2  }
0x214: {  	s0 =	sshll.u32 @p1 s3, $0x9  }
0x215: {  	s4 =	sshrl.u32 @p1 s0, $0x2  }
0x216: {  	[tilespmem:s4+$0xF238] =	vst.add.f32.msk @p1 $0xffff, v1  }
0x217: {  	v1 =	vld @p1 [tilespmem:$0xF198];
	_ =	sdelay $0x4  }
0x218: {  	[tilespmem:s4+$0xF248] =	vst.add.f32.msk @p1 $0xffff, v1  }
0x219: {  	v1 =	vld @p1 [tilespmem:$0xF1A8];
	_ =	sdelay $0x4  }
0x21a: {  	[tilespmem:s4+$0xF258] =	vst.add.f32.msk @p1 $0xffff, v1  }
0x21b: {  	v1 =	vld @p1 [tilespmem:$0xF1B8];
	_ =	sdelay $0x4  }
0x21c: {  	[tilespmem:s4+$0xF268] =	vst.add.f32.msk @p1 $0xffff, v1  }
0x21d: {  	v1 =	vld @p1 [tilespmem:$0xF1C8];
	_ =	sdelay $0x4  }
0x21e: {  	[tilespmem:s4+$0xF278] =	vst.add.f32.msk @p1 $0xffff, v1  }
0x21f: {  	v1 =	vld @p1 [tilespmem:$0xF1D8];
	_ =	sdelay $0x4  }
0x220: {  	[tilespmem:s4+$0xF288] =	vst.add.f32.msk @p1 $0xffff, v1  }
0x221: {  	v1 =	vld @p1 [tilespmem:$0xF1E8];
	_ =	sdelay $0x4  }
0x222: {  	[tilespmem:s4+$0xF298] =	vst.add.f32.msk @p1 $0xffff, v1  }
0x223: {  	v1 =	vld @p1 [tilespmem:$0xF1F8];
	_ =	sdelay $0x3  }
0x224: {  	s5 =	sshll.u32 @!p1 s3, $0x9  }
0x225: {  	s5 =	smov.u32 @p1 s0;
	[tilespmem:s4+$0xF2A8] =	vst.add.f32.msk @p1 $0xffff, v1  }
0x226: {  	s0 =	sshrl.u32 s5, $0x2;
	[tilespmem:s2+$0xF218] =	vst.msk $0x1, v0  }
0x227: {  	v0 =	vld [tilespmem:s0+$0xF238];
	_ =	sdelay $0x2  }
0x228: {  	s31 =	sshll.u32 s2, $0x9  }
0x229: {  	s4 =	sshra.s32 s31, $0x2  }
0x22a: {  	[tilespmem:s4+$0xF238] =	vst v0  }
0x22b: {  	v0 =	vld [tilespmem:s0+$0xF248];
	_ =	sdelay $0x4  }
0x22c: {  	[tilespmem:s4+$0xF248] =	vst v0  }
0x22d: {  	v0 =	vld [tilespmem:s0+$0xF258];
	_ =	sdelay $0x4  }
0x22e: {  	[tilespmem:s4+$0xF258] =	vst v0  }
0x22f: {  	v0 =	vld [tilespmem:s0+$0xF268];
	_ =	sdelay $0x4  }
0x230: {  	[tilespmem:s4+$0xF268] =	vst v0  }
0x231: {  	v0 =	vld [tilespmem:s0+$0xF278];
	_ =	sdelay $0x4  }
0x232: {  	[tilespmem:s4+$0xF278] =	vst v0  }
0x233: {  	v0 =	vld [tilespmem:s0+$0xF288];
	_ =	sdelay $0x4  }
0x234: {  	[tilespmem:s4+$0xF288] =	vst v0  }
0x235: {  	v0 =	vld [tilespmem:s0+$0xF298];
	_ =	sdelay $0x4  }
0x236: {  	[tilespmem:s4+$0xF298] =	vst v0  }
0x237: {  	v0 =	vld [tilespmem:s0+$0xF2A8];
	_ =	sdelay $0x4  }
0x238: {  	s2 =	sadd.s32 $0x1, s2;
	[tilespmem:s4+$0xF2A8] =	vst v0  }
.LBB2_48:
0x239: {  	s3 =	sadd.s32 $0x1, s3  }
0x23a: {  	p1 =	sne.s32 s3, $0x20  }
.Ltmp32:
0x23b: {  	_ = 	snop;
	(pc) =	sbr.rel @!p1 .LBB2_49-.Ltmp32, $1  }
0x23c: {  	_ =	sdelay $0x3  }
.LBB2_41:
0x23d: {  	v0 =	vld.msk [tilespmem:s3+$0xF218], $0x1;
	_ =	sdelay $0x4  }
0x23e: {  	(v2sf) =	vpush v0, $0x0;
	_ =	sdelay $0xe  }
0x23f: {  	s4 =	spop (v2sf)  }
0x240: {  	p1 =	seq.s32 s4, $0xFFFFFFFF  }
.Ltmp33:
0x241: {  	_ = 	snop;
	(pc) =	sbr.rel @p1 .LBB2_48-.Ltmp33, $1  }
0x242: {  	_ =	sdelay $0x3  }
0x243: {  	p1 =	slt.s32 s2, $0x1  }
.Ltmp34:
0x244: {  	_ = 	snop;
	(pc) =	sbr.rel @p1 .LBB2_47-.Ltmp34, $1  }
0x245: {  	_ =	sdelay $0x3  }
0x246: {  	s5 =	simm.s32 $0xF218;
	p1 =	por $0x0, $0x0  }
0x247: {  	v1 =	vld.msk @!p1 [tilespmem:s5+$0x0], $0x1;
	_ =	sdelay $0x4  }
0x248: {  	(v2sf) =	vpush @!p1 v1, $0x0;
	_ =	sdelay $0xd  }
0x249: {  	p3 =	sne.s32 s2, $0x1  }
.Ltmp35:
0x24a: {  	s0 =	spop @!p1 (v2sf);
	(pc) =	sbr.rel @!p3 .LBB2_45-.Ltmp35, $4  }
0x24b: {  	p2 =	seq.s32 @!p1 s4, s0  }
0x24c: {  	s6 =	simm.s32 $0x0;
	p2 =	por !p2, p1  }
0x24d: {  	s7 =	simm.s32 $0xFFFFFFFF;
	s6 =	simm.s32 @p2 $0xFFFFFFFF  }
0x24e: {  	s0 =	simm.s32 $0x1;
	s6 =	smov.u32 @p1 s7  }
.LBB2_44:
0x24f: {  	s7 =	smov.u32 s6;
	p1 =	sne.s32 s6, $0xFFFFFFFF  }
0x250: {  	s5 =	sadd.s32 $0x1, s5;
	s6 =	smov.u32 s0;
	s0 =	sadd.s32 $0x1, s0  }
0x251: {  	p2 =	sne.s32 s2, s0;
	v1 =	vld.msk @!p1 [tilespmem:s5+$0x0], $0x1;
	_ =	sdelay $0x4  }
0x252: {  	(v2sf) =	vpush @!p1 v1, $0x0;
	_ =	sdelay $0xe  }
.Ltmp36:
0x253: {  	s8 =	spop @!p1 (v2sf);
	(pc) =	sbr.rel @p2 .LBB2_44-.Ltmp36, $4  }
0x254: {  	p3 =	seq.s32 @!p1 s4, s8  }
0x255: {  	p3 =	por !p3, p1  }
0x256: {  	s6 =	simm.s32 @p3 $0xFFFFFFFF  }
0x257: {  	s6 =	smov.u32 @p1 s7  }
.LBB2_45:
0x258: {  	p1 =	seq.s32 s6, $0xFFFFFFFF  }
.Ltmp37:
0x259: {  	_ = 	snop;
	(pc) =	sbr.rel @p1 .LBB2_47-.Ltmp37, $1  }
0x25a: {  	_ =	sdelay $0x3  }
0x25b: {  	s0 =	sshll.u32 s3, $0x7  }
0x25c: {  	s0 =	sand.u32 $0x3FFFFF80, s0  }
0x25d: {  	v0 =	vld [tilespmem:s0+$0xF238];
	_ =	sdelay $0x2  }
0x25e: {  	s4 =	sshll.u32 s6, $0x9  }
0x25f: {  	s4 =	sshra.s32 s4, $0x2  }
0x260: {  	[tilespmem:s4+$0xF238] =	vst.add.f32.msk $0xffff, v0  }
0x261: {  	v0 =	vld [tilespmem:s0+$0xF248];
	_ =	sdelay $0x4  }
0x262: {  	[tilespmem:s4+$0xF248] =	vst.add.f32.msk $0xffff, v0  }
0x263: {  	v0 =	vld [tilespmem:s0+$0xF258];
	_ =	sdelay $0x4  }
0x264: {  	[tilespmem:s4+$0xF258] =	vst.add.f32.msk $0xffff, v0  }
0x265: {  	v0 =	vld [tilespmem:s0+$0xF268];
	_ =	sdelay $0x4  }
0x266: {  	[tilespmem:s4+$0xF268] =	vst.add.f32.msk $0xffff, v0  }
0x267: {  	v0 =	vld [tilespmem:s0+$0xF278];
	_ =	sdelay $0x4  }
0x268: {  	[tilespmem:s4+$0xF278] =	vst.add.f32.msk $0xffff, v0  }
0x269: {  	v0 =	vld [tilespmem:s0+$0xF288];
	_ =	sdelay $0x4  }
0x26a: {  	[tilespmem:s4+$0xF288] =	vst.add.f32.msk $0xffff, v0  }
0x26b: {  	v0 =	vld [tilespmem:s0+$0xF298];
	_ =	sdelay $0x4  }
0x26c: {  	[tilespmem:s4+$0xF298] =	vst.add.f32.msk $0xffff, v0  }
0x26d: {  	v0 =	vld [tilespmem:s0+$0xF2A8]  }
.Ltmp38:
0x26e: {  	_ = 	snop;
	(pc) =	sbr.rel .LBB2_48-.Ltmp38, $2  }
0x26f: {  	_ =	sdelay $0x2  }
0x270: {  	[tilespmem:s4+$0xF2A8] =	vst.add.f32.msk $0xffff, v0  }
.LBB2_49:
0x271: {  	p1 =	slt.s32 s2, $0x1  }
.Ltmp39:
0x272: {  	_ = 	snop;
	(pc) =	sbr.rel @p1 .LBB2_53-.Ltmp39, $3  }
0x273: {  	_ =	sdelay $0x1  }
0x274: {  	s0 =	simm.s32 $0x8  }
0x275: {  	s3 =	simm.s32 $0x0;
	[sflag:s0] =	ssyncpa.u1 $0x1  }
0x276: {  	s0 =	simm.s32 $0xF218  }
0x277: {  	v0 =	vld.msk [tilespmem:s0+$0x0], $0x1;
	_ =	sdelay $0x4  }
0x278: {  	(v2sf) =	vpush v0, $0x0;
	_ =	sdelay $0xe  }
0x279: {  	s0 =	sadd.s32 $0xFFFFFFFF, s2;
	s5 =	spop (v2sf)  }
0x27a: {  	p2 =	sne.s32 s0, $0x0;
	p1 =	sgt.u32 s5, $0x3FFF0  }
.Ltmp40:
0x27b: {  	s6 =	sand.u32 @!p1 $0x3FFF8, s5;
	(pc) =	sbr.rel @!p2 .LBB2_52-.Ltmp40, $4  }
0x27c: {  	s4 =	simm.s32 $0xF238;
	s5 =	sand.u32 @!p1 $0x7, s5;
	s2 =	sadd.s32 @!p1 s1, s6  }
0x27d: {  	[hbm4b:s2+s5] =	stream.linear.scatter @!p1 [tilespmem:s4], [sflag:$0x7], $0x80, $0x38;
	[tilespmem:$0x1F6F8] =	vst v63  }
0x27e: {  	s5 =	simm.s32 $0x0  }
0x27f: {  	s2 =	simm.s32 $0xF219;
	s5 =	simm.s32 @!p1 $0x200  }
.LBB2_51:
0x280: {  	v0 =	vld.msk [tilespmem:s2+$0x0], $0x1;
	s0 =	sadd.s32 $0xFFFFFFFF, s0;
	s3 =	sadd.s32 s3, s5  }
0x281: {  	p1 =	sne.s32 s0, $0x0;
	_ =	sdelay $0x3  }
0x282: {  	(v2sf) =	vpush v0, $0x0;
	_ =	sdelay $0xe  }
.Ltmp41:
0x283: {  	s6 =	spop (v2sf);
	(pc) =	sbr.rel @p1 .LBB2_51-.Ltmp41, $4  }
0x284: {  	s5 =	simm.s32 $0x0;
	p2 =	sgt.u32 s6, $0x3FFF0  }
0x285: {  	s4 =	sadd.s32 $0x80, s4;
	s5 =	simm.s32 @!p2 $0x200;
	s7 =	sand.u32 @!p2 $0x3FFF8, s6  }
0x286: {  	s2 =	sadd.s32 $0x1, s2;
	s6 =	sand.u32 @!p2 $0x7, s6;
	s7 =	sadd.s32 @!p2 s1, s7  }
0x287: {  	[hbm4b:s7+s6] =	stream.linear.scatter @!p2 [tilespmem:s4], [sflag:$0x7], $0x80, $0x38;
	[tilespmem:$0x1F6F8] =	vst v63  }
.LBB2_52:
0x288: {  	s0 =	sadd.s32 s3, s5  }
0x289: {  	s3 =	sshrl.u32 s0, $0x2  }
.LBB2_53:
0x28a: {  	s0 =	simm.s32 $0x7  }
0x28b: {  	_ =	swait.ge [sflag:s0], s3  }
0x28c: {  	s1 =	ssub.s32 $0x0, s3;
	[sflag:s0] =	ssyncset.done $0x0  }
0x28d: {  	[sflag:s0] =	ssyncadd.s32 s1  }
0x28e: {  	[sflag:s0] =	ssyncpa.u1 $0x1  }
.LBB2_54:
0x28f: {  	_ =	sfence;
	s0 =	simm.s32 $0x1  }
0x290: {  	[sflag:s0] =	ssyncpa.u1 $0x1  }
0x291: {  	_ =	strace $0x90000056  }
0x292: {  	[bflag:$0x2] =	sbarrier.arrive $0xFFFF  }
0x293: {  	s0 =	rddreg [dreg:$0x4]  }
0x294: {  	s0 =	sadd.s32 @!p0 $0x100000, s0  }
0x295: {  	[sflag:s0] =	ssyncadd.tile.s32 @!p0 $0x1;
	_ =	shalt  }
.Lfunc_end2:
_tile_overlayer_lowered:
.L_overlay_start_2:
0x296: {  	(tag) =	ssettag $0x2  }
0x297: {  	s0 =	rddreg [dreg:$0x0];
	s2 =	stileid.u32  }
0x298: {  	s1 =	rddreg [dreg:$0x1];
	p0 =	sne.s32 s2, $0x0  }
0x299: {  	s3 =	rddreg [dreg:$0x2];
	[bflag:$0x3] =	sbarrier.arrive $0xFFFF;
	s2 =	simm.s32 @!p0 $0x1C01  }
0x29a: {  	[timem:s3], [sflag:s2] =	dma.local @!p0 [hbm:s0], s1  }
0x29b: {  	s0 =	simm.s32 @!p0 $0x1  }
0x29c: {  	_ =	swait.ge @!p0 [sflag:s0], s1  }
0x29d: {  	s1 =	ssub.s32 @!p0 $0x0, s1;
	[sflag:s0] =	ssyncset.done @!p0 $0x0  }
0x29e: {  	[sflag:s0] =	ssyncadd.s32 @!p0 s1  }
0x29f: {  	[bflag:$0x3] =	sbarrier.arrive $0xFFFF  }
0x2a0: {  	_ =	shalt  }

// kernel: scatter_offload_async_start.3
scs
__scs_entry_jumppad:
0x0: {  	(pc) =	sbr.rel $0x88, $3  }
0x1: {  	(tag) =	ssettag $0x0;
	lr =	simm.s32 $0x1  }
0x2: {  	[smem:$0x3F7B] =	sst lr;
	_ =	strace $0xD0000000  }
0x3: {  	_ = 	snop  }
0x4: {  	_ = 	snop  }
0x5: {  	_ = 	snop  }
0x6: {  	_ = 	snop  }
0x7: {  	_ = 	snop  }
__scs_overlays_trampoline_lowered:
0x8: {  	[smem:$0x3F8A] =	sst s0  }
0x9: {  	[smem:$0x3F8B] =	sst s1  }
0xa: {  	[smem:$0x3F8C] =	sst s2  }
0xb: {  	[smem:$0x3F8D] =	sst s3  }
0xc: {  	[smem:$0x3F8E] =	sst s4  }
0xd: {  	[smem:$0x3F8F] =	sst s5  }
0xe: {  	[smem:$0x3F90] =	sst s6  }
0xf: {  	[smem:$0x3F91] =	sst s7  }
0x10: {  	[smem:$0x3F92] =	sst s8  }
0x11: {  	[smem:$0x3F93] =	sst s9;
	s0 =	simm.s32 @!p0 $0x0  }
0x12: {  	s1 =	sld [smem:$0x3F79];
	s0 =	simm.s32 @p0 $0x1  }
0x13: {  	[smem:$0x3F94] =	sst s0;
	s0 =	simm.s32 @!p1 $0x0  }
0x14: {  	s2 =	sld [smem:$0x3F78];
	s0 =	simm.s32 @p1 $0x1  }
0x15: {  	[smem:$0x3F95] =	sst s0;
	s0 =	simm.s32 @!p2 $0x0  }
0x16: {  	s3 =	sld [smem:$0x3FDB];
	s0 =	simm.s32 @p2 $0x1  }
0x17: {  	s4 =	simm.s32 $0x1BF5;
	[smem:$0x3F97] =	sst s0  }
0x18: {  	s0 =	sld [smem:$0x3F7A];
	_ =	swait.ge [sflag:s4], $0x0  }
0x19: {  	s7 =	sld [smem:$0x3F7B]  }
0x1a: {  	s8 =	sadd.s32 $0xFFFFE003, lr  }
0x1b: {  	s9 =	sadd.s32 $0xFFFFFEF7, lr;
	s5 =	simm.s32 $0xFFFFFFFF;
	p2 =	slt.u32 s8, $0xFFFFF086  }
0x1c: {  	p1 =	slt.u32 s9, $0xF7A;
	s5 =	simm.s32 @!p2 $0x0  }
0x1d: {  	s5 =	simm.s32 @p1 $0x1;
	p0 =	seq.s32 s7, s2  }
0x1e: {  	s7 =	smul.u32 @!p0 $0xF7A, s2;
	p2 =	seq.s32 @!p0 s5, $0x0  }
0x1f: {  	s9 =	smul.u32 $0xF7A, s1;
	s8 =	simm.s32 @!p0 $0x1BF5;
	p2 =	por !p2, p0  }
0x20: {  	[sflag:s8] =	ssyncset.s32 @!p0 $0xFFFFF086;
	s6 =	sadd.s32 @!p0 s3, s7;
	s7 =	simm.s32 @!p0 $0x108  }
0x21: {  	s3 =	sadd.s32 s3, s9;
	s6 =	sadd.s32 @!p0 $0x88, s6;
	s7 =	simm.s32 @p2 $0x1082  }
0x22: {  	[simem:s7], [sflag:s8] =	dma.local @!p0 [hbm:s6], $0xF7A  }
0x23: {  	s9 =	sor.u32 $0xD0000000, s2;
	s6 =	simm.s32 $0x108;
	_ =	swait.ge @!p0 [sflag:s8], $0x0  }
0x24: {  	s3 =	sadd.s32 $0x88, s3;
	s6 =	simm.s32 @!p1 $0x1082;
	[sflag:s4] =	ssyncset.s32 $0xFFFFF086  }
0x25: {  	[simem:s6], [sflag:s4] =	dma.local [hbm:s3], $0xF7A  }
0x26: {  	[smem:$0x3F7B] =	sst s1;
	(tag) =	ssettag s2;
	_ =	strace s9  }
0x27: {  	s1 =	sld [smem:$0x3F8B]  }
0x28: {  	s2 =	sld [smem:$0x3F8C]  }
0x29: {  	s4 =	sld [smem:$0x3F8E]  }
0x2a: {  	p0 =	seq.s32 s5, $0x0;
	s5 =	sld [smem:$0x3F8F]  }
0x2b: {  	s6 =	sld [smem:$0x3F90]  }
0x2c: {  	s7 =	sld [smem:$0x3F91]  }
0x2d: {  	s3 =	simm.s32 $0x108;
	s8 =	sld [smem:$0x3F92]  }
0x2e: {  	s3 =	simm.s32 @!p0 $0x1082;
	s9 =	sld [smem:$0x3F93]  }
0x2f: {  	lr =	sadd.s32 s0, s3;
	s0 =	sld [smem:$0x3F8A]  }
0x30: {  	s3 =	sld [smem:$0x3F8D]  }
0x31: {  	[smem:$0x3F96] =	sst s10  }
0x32: {  	s10 =	sld [smem:$0x3F94];
	_ =	sdelay $0x3  }
0x33: {  	p0 =	seq.s32 s10, $0x1;
	s10 =	sld [smem:$0x3F96];
	_ =	sdelay $0x3  }
0x34: {  	[smem:$0x3F96] =	sst s10  }
0x35: {  	s10 =	sld [smem:$0x3F95];
	_ =	sdelay $0x3  }
0x36: {  	p1 =	seq.s32 s10, $0x1;
	s10 =	sld [smem:$0x3F96];
	_ =	sdelay $0x3  }
0x37: {  	[smem:$0x3F96] =	sst s10  }
0x38: {  	s10 =	sld [smem:$0x3F97]  }
0x39: {  	_ = 	snop;
	(pc) =	sbr.ind lr, $3  }
0x3a: {  	_ = 	snop  }
0x3b: {  	_ = 	snop  }
0x3c: {  	p2 =	seq.s32 s10, $0x1;
	s10 =	sld [smem:$0x3F96]  }
0x3d: {  	_ =	shalt  }
0x3e: {  	_ =	shalt  }
0x3f: {  	_ =	shalt  }
0x40: {  	_ =	shalt  }
0x41: {  	_ =	shalt  }
0x42: {  	_ =	shalt  }
0x43: {  	_ =	shalt  }
0x44: {  	_ =	shalt  }
0x45: {  	_ =	shalt  }
0x46: {  	_ =	shalt  }
0x47: {  	_ =	shalt  }
0x48: {  	_ =	shalt  }
0x49: {  	_ =	shalt  }
0x4a: {  	_ =	shalt  }
0x4b: {  	_ =	shalt  }
0x4c: {  	_ =	shalt  }
0x4d: {  	_ =	shalt  }
0x4e: {  	_ =	shalt  }
0x4f: {  	_ =	shalt  }
0x50: {  	_ =	shalt  }
0x51: {  	_ =	shalt  }
0x52: {  	_ =	shalt  }
0x53: {  	_ =	shalt  }
0x54: {  	_ =	shalt  }
0x55: {  	_ =	shalt  }
0x56: {  	_ =	shalt  }
0x57: {  	_ =	shalt  }
0x58: {  	_ =	shalt  }
0x59: {  	_ =	shalt  }
0x5a: {  	_ =	shalt  }
0x5b: {  	_ =	shalt  }
0x5c: {  	_ =	shalt  }
0x5d: {  	_ =	shalt  }
0x5e: {  	_ =	shalt  }
0x5f: {  	_ =	shalt  }
0x60: {  	_ =	shalt  }
0x61: {  	_ =	shalt  }
0x62: {  	_ =	shalt  }
0x63: {  	_ =	shalt  }
0x64: {  	_ =	shalt  }
0x65: {  	_ =	shalt  }
0x66: {  	_ =	shalt  }
0x67: {  	_ =	shalt  }
0x68: {  	_ =	shalt  }
0x69: {  	_ =	shalt  }
0x6a: {  	_ =	shalt  }
0x6b: {  	_ =	shalt  }
0x6c: {  	_ =	shalt  }
0x6d: {  	_ =	shalt  }
0x6e: {  	_ =	shalt  }
0x6f: {  	_ =	shalt  }
0x70: {  	_ =	shalt  }
0x71: {  	_ =	shalt  }
0x72: {  	_ =	shalt  }
0x73: {  	_ =	shalt  }
0x74: {  	_ =	shalt  }
0x75: {  	_ =	shalt  }
0x76: {  	_ =	shalt  }
0x77: {  	_ =	shalt  }
0x78: {  	_ =	shalt  }
0x79: {  	_ =	shalt  }
0x7a: {  	_ =	shalt  }
0x7b: {  	_ =	shalt  }
0x7c: {  	_ =	shalt  }
0x7d: {  	_ =	shalt  }
0x7e: {  	_ =	shalt  }
0x7f: {  	_ =	shalt  }
0x80: {  	_ =	shalt  }
0x81: {  	_ =	shalt  }
0x82: {  	_ =	shalt  }
0x83: {  	_ =	shalt  }
0x84: {  	_ =	shalt  }
0x85: {  	_ =	shalt  }
0x86: {  	_ =	shalt  }
0x87: {  	_ =	shalt  }
.Lfunc_end0:
.L_simem_size_0:
called_computation.3_lowered:
.L_overlay_start_0:
0x88: {  	s2 =	sld [smem:$0x3FD9]  }
0x89: {  	s3 =	sld [smem:$0x3FFE];
	_ =	sdelay $0x1  }
0x8a: {  	s1 =	srdreg.scid  }
0x8b: {  	s0 =	sand.u32 $0x1, s1  }
0x8c: {  	s13 =	sshll.u32 s0, $0xA;
	s2 =	sadd.s32 s3, s2  }
0x8d: {  	s2 =	sadd.s32 s2, s13  }
0x8e: {  	[smem:$0x3FA2] =	sst s2  }
0x8f: {  	_ = 	snop  }
0x90: {  	s2 =	sld [smem:$0x3FD0];
	_ =	sdelay $0x2  }
0x91: {  	s14 =	simm.s32 $0xB;
	s4 =	simm.s32 $0x10  }
0x92: {  	[smem:s4], [sflag:s14] =	dma.local [hbm:s2], $0x1  }
0x93: {  	_ =	swait.eq [sflag:s14], $0x1  }
0x94: {  	[sflag:s14] =	ssyncset.done $0x0  }
0x95: {  	[sflag:s14] =	ssyncadd.s32 $0xFFFFFFFF  }
0x96: {  	s15 =	sld [smem:$0x10];
	(tm) =	ssettm $0x1  }
0x97: {  	s16 =	sld [smem:$0x3FFB];
	_ =	sdelay $0x3  }
0x98: {  	_ =	strace s16  }
0x99: {  	s3 =	sld [smem:$0x3FFC];
	_ =	sdelay $0x3  }
0x9a: {  	_ =	strace s3  }
0x9b: {  	s3 =	sld [smem:$0x3FFD];
	_ =	sdelay $0x3  }
0x9c: {  	_ =	strace s3  }
0x9d: {  	_ =	strace $0x8FFFFFFF  }
0x9e: {  	s17 =	sld [smem:$0x3FDB];
	_ =	sdelay $0x1  }
0x9f: {  	s18 =	simm.s32 $_scs_section_size  }
0xa0: {  	s5 =	simm.s32 $_size__tile_overlayer_lowered;
	s6 =	simm.s32 $_tile_overlayer_lowered  }
0xa1: {  	s21 =	simm.s32 $0x1BFF;
	s20 =	sshll.u32 s6, $0x1;
	s3 =	sadd.s32 s18, s17  }
0xa2: {  	s7 =	simm.s32 $0x0;
	s19 =	sshll.u32 s5, $0x1;
	s5 =	sadd.s32 s20, s3  }
0xa3: {  	[timem:s7], [sflag:s21] =	dma.local [hbm:s5], s19  }
0xa4: {  	_ =	swait.ge [sflag:s21], s19  }
0xa5: {  	s4 =	ssub.s32 $0x0, s19;
	[sflag:s21] =	ssyncset.done $0x0  }
0xa6: {  	[sflag:s21] =	ssyncadd.s32 s4;
	_ =	sdelay $0x1  }
0xa7: {  	s22 =	simm.s32 $0x1B8B  }
0xa8: {  	_ =	swait.ge [sflag:s22], $0x1  }
0xa9: {  	[sflag:s22] =	ssyncset.done $0x0  }
0xaa: {  	s23 =	sld [smem:$0x3FFE];
	[sflag:s22] =	ssyncadd.s32 $0xFFFFFFFF  }
0xab: {  	s25 =	simm.s32 $0x1B8E;
	s24 =	sld [smem:$0x0]  }
0xac: {  	s26 =	simm.s32 $execute0_lowered;
	[smem:$0x3FD2] =	sst s25  }
0xad: {  	s6 =	sshll.u32 s26, $0x1;
	_ =	strace $0x80000052;
	[dreg:$0x1] =	wrdreg $0xFFFFFFFF  }
0xae: {  	s28 =	simm.s32 $_size_execute0_lowered;
	s3 =	sadd.s32 s3, s6;
	[dreg:$0x0] =	wrdreg $0x0  }
0xaf: {  	s6 =	sshll.u32 s28, $0x1;
	[dreg:$0x2] =	wrdreg s3  }
0xb0: {  	[dreg:$0x3] =	wrdreg s6  }
0xb1: {  	[dreg:$0x4] =	wrdreg $0xC0  }
0xb2: {  	_ =	task [dreg:s7], $0x5FFFF  }
0xb3: {  	[dreg:$0x1] =	wrdreg $0xFFFFFFFF  }
0xb4: {  	[dreg:$0x0] =	wrdreg $0x60  }
0xb5: {  	[dreg:$0x2] =	wrdreg s23  }
0xb6: {  	[dreg:$0x3] =	wrdreg s15  }
0xb7: {  	[dreg:$0x4] =	wrdreg s1  }
0xb8: {  	[dreg:$0x5] =	wrdreg s24  }
0xb9: {  	[dreg:$0x6] =	wrdreg $0xA  }
0xba: {  	_ =	task.clear_ibuf [dreg:s7], $0x7FFFF;
	_ =	strace $0x90000052  }
0xbb: {  	s29 =	simm.s32 $0xA;
	_ =	strace $0x80000054  }
0xbc: {  	_ =	swait.ge [sflag:s29], $0x1  }
0xbd: {  	[sflag:s29] =	ssyncadd.s32 $0xFFFFFFFF  }
0xbe: {  	_ =	strace $0x90000054  }
0xbf: {  	_ =	sfence  }
0xc0: {  	s30 =	sld [smem:$0x0];
	_ =	sdelay $0x2  }
0xc1: {  	s31 =	sshll.u32 s1, $0xD;
	s1 =	sshrl.u32 s1, $0x2  }
0xc2: {  	s3 =	sand.u32 $0x4000, s31;
	s1 =	sadd.s32 s1, s30  }
0xc3: {  	s0 =	sor.u32 s3, s0;
	s1 =	sshll.u32 s1, $0x11  }
0xc4: {  	s0 =	sor.u32 s1, s0  }
0xc5: {  	s0 =	sadd.s32 $0x8F2B, s0  }
0xc6: {  	[sflag:s0] =	ssyncadd.remote.s32 $0x1  }
0xc7: {  	_ =	sfence.sel $0xFFFF  }
0xc8: {  	[dreg:$0x0] =	wrdreg $0xFFFFFFFF;
	(pc) =	sbr.abs _section_cstart, $3  }
0xc9: {  	[dreg:$0x1] =	wrdreg $0xFFFFFFFF  }
0xca: {  	_ =	task.clear_ibuf [dreg:s7], $0x2FFFF;
	_ =	strace $0x9FFFFFFF  }
0xcb: {  	(tm) =	ssettm $0x7FFFFFFF  }
tec
execute0_lowered:
.L_overlay_start_1:
0x0: {  	(tag) =	ssettag $0x1  }
0x1: {  	s2 =	rddreg [dreg:$0x0]  }
0x2: {  	s9 =	rddreg [dreg:$0x1]  }
0x3: {  	s3 =	rddreg [dreg:$0x2];
	_ =	strace $0x80000053;
	s0 =	simm.s32 $0x1  }
0x4: {  	v0 =	vimm.s32 $0x0;
	[sflag:s0] =	ssyncpa.u1 $0x0;
	s0 =	simm.s32 $0x108  }
0x5: {  	[tilespmem:s0+$0x70] =	vst v0  }
0x6: {  	[tilespmem:s0+$0x60] =	vst v0  }
0x7: {  	[tilespmem:s0+$0x50] =	vst v0  }
0x8: {  	[tilespmem:s0+$0x40] =	vst v0  }
0x9: {  	[tilespmem:s0+$0x30] =	vst v0  }
0xa: {  	s1 =	sadd.s32 $0x800, s2;
	s15 =	sadd.s32 $0x1A0200, s2;
	[tilespmem:s0+$0x20] =	vst v0  }
0xb: {  	s14 =	sadd.s32 $0x1A2A00, s2;
	s5 =	sand.u32 $0x1, s3;
	s3 =	simm.s32 $0x40;
	[tilespmem:s0+$0x10] =	vst v0  }
.LBB2_1:
0xc: {  	s3 =	sadd.s32 $0x40, s3;
	[tilespmem:s0+$0x0] =	vst v0;
	s0 =	sadd.s32 $0x80, s0  }
0xd: {  	p0 =	slt.u32 s3, $0x3C40;
	[tilespmem:s0+$0x70] =	vst v0  }
0xe: {  	[tilespmem:s0+$0x60] =	vst v0  }
.Ltmp0:
0xf: {  	[tilespmem:s0+$0x50] =	vst v0;
	(pc) =	sbr.rel @p0 .LBB2_1-.Ltmp0, $4  }
0x10: {  	[tilespmem:s0+$0x40] =	vst v0  }
0x11: {  	[tilespmem:s0+$0x30] =	vst v0  }
0x12: {  	[tilespmem:s0+$0x20] =	vst v0  }
0x13: {  	[tilespmem:s0+$0x10] =	vst v0  }
0x14: {  	s6 =	stileid.u32  }
0x15: {  	s2 =	smul.u32 $0xA, s6  }
0x16: {  	s3 =	smin.u32 s6, $0x7  }
0x17: {  	s2 =	sadd.s32 s3, s2  }
0x18: {  	p0 =	slt.u32 s6, $0x7;
	s7 =	smul.u32 $0xF0, s2;
	s2 =	simm.s32 $0xA50  }
0x19: {  	s2 =	simm.s32 @!p0 $0x960  }
0x1a: {  	s2 =	sadd.s32 s2, s7  }
0x1b: {  	s8 =	smin.u32 s2, $0x9C40  }
0x1c: {  	s2 =	ssub.s32 s8, s7  }
0x1d: {  	p0 =	sgt.s32 s2, $0x0  }
0x1e: {  	s29 =	simm.s32 $0x2;
	s10 =	simm.s32 $0x9;
	s2 =	simm.s32 @!p0 $0x0  }
0x1f: {  	s4 =	simm.s32 $0xA;
	s11 =	simm.s32 $0xB;
	s28 =	smul.u32 $0x8889, s2  }
0x20: {  	[dreg:$0x5] =	wrdreg s5;
	s31 =	smul.u32 $0x1388, s5;
	s12 =	simm.s32 $0x1  }
0x21: {  	s22 =	simm.s32 $0x0;
	s18 =	simm.s32 $0xC;
	s30 =	sshrl.u32 s28, $0x17  }
0x22: {  	s20 =	simm.s32 $0x0;
	s21 =	simm.s32 $0x0;
	s3 =	smul.u32 $0xF0, s30  }
.Ltmp1:
0x23: {  	[tilespmem:s0+$0x0] =	vst v0;
	v0 =	vimm.s32 $0xFFFFFFFF;
	[sflag:s29] =	ssyncpa.u1 $0x0;
	s16 =	sshll.u32 s6, $0x8;
	(pc) =	sbr.rel .LBB2_3-.Ltmp1, $4  }
0x24: {  	[tilespmem:$0xF208] =	vst v0;
	[sflag:s10] =	ssyncpa.u1 $0x0;
	p0 =	sne.s32 s2, s3;
	s2 =	simm.s32 $0x1  }
0x25: {  	s14 =	sadd.s32 s31, s14;
	[sflag:s4] =	ssyncpa.u1 $0x0;
	s2 =	simm.s32 @!p0 $0x0  }
0x26: {  	s15 =	sadd.s32 s31, s15;
	[sflag:s11] =	ssyncpa.u1 $0x0;
	s13 =	sadd.s32 s30, s2  }
0x27: {  	v0 =	vlaneseq.u32;
	s19 =	smov.u32 s7;
	p0 =	por $0x0, $0x0;
	s17 =	sadd.s32 $0x1, s13  }
.LBB2_18:
0x28: {  	s0 =	sshrl.u32 s31, $0x2  }
.LBB2_20:
0x29: {  	_ =	swait.ge [sflag:s18], s0  }
0x2a: {  	s31 =	ssub.s32 $0x0, s0;
	v1 =	vmov s24;
	vm0 =	veq.s32 v0, $0x0;
	[sflag:s18] =	ssyncset.done $0x0  }
0x2b: {  	vm15 =	veq.s32 v0, $0x2;
	v1 =	vsel vm0, s30, v1;
	[sflag:s18] =	ssyncadd.s32 s31  }
0x2c: {  	v1 =	vsel vm15, s22, v1;
	[sflag:s18] =	ssyncpa.u1 $0x1  }
0x2d: {  	[tilespmem:$0xF208] =	vst v1  }
.LBB2_21:
0x2e: {  	s0 =	sadd.s32 $0xF0, s19  }
0x2f: {  	s2 =	smov.u32 s7;
	p1 =	slt.s32 s0, s8  }
0x30: {  	s2 =	smov.u32 @p1 s0;
	p1 =	sne.s32 s21, s17  }
.Ltmp2:
0x31: {  	_ = 	snop;
	(pc) =	sbr.rel @!p1 .LBB2_22-.Ltmp2, $3  }
0x32: {  	_ =	sdelay $0x1  }
0x33: {  	s22 =	smov.u32 s20;
	s31 =	sadd.s32 $0x1, s21;
	s20 =	smov.u32 s19  }
0x34: {  	p0 =	por !p0, !p0;
	s21 =	smov.u32 s31;
	s19 =	smov.u32 s2  }
.LBB2_3:
0x35: {  	p1 =	sge.u32 s21, s13  }
0x36: {  	s0 =	smulhi.u32 @!p1 $0xAAAAAAAB, s21  }
0x37: {  	s2 =	smov.u32 s19;
	p2 =	sgt.s32 @!p1 s19, $0x9B50  }
0x38: {  	s3 =	sshra.s32 @!p1 s19, $0x1F;
	p2 =	por !p2, p1;
	s0 =	sshrl.u32 @!p1 s0, $0x1  }
0x39: {  	s3 =	sand.u32 @!p1 s3, s19;
	s2 =	simm.s32 @p2 $0x9B50;
	s0 =	smul.u32 @!p1 $0x3, s0  }
0x3a: {  	s2 =	ssub.s32 @!p1 s2, s3  }
0x3b: {  	s2 =	sadd.s32 @!p1 $0xFFFF64B0, s2;
	s0 =	ssub.s32 @!p1 s21, s0  }
0x3c: {  	s3 =	sshll.u32 @!p1 s2, $0x2;
	p2 =	sgt.s32 @!p1 s2, $0xEF;
	s0 =	smul.u32 @!p1 $0x3C0, s0  }
0x3d: {  	s4 =	sand.u32 @!p1 $0x7, s19;
	s2 =	ssub.s32 @!p1 $0x3C0, s3;
	p2 =	por !p2, p1  }
0x3e: {  	s3 =	sshrl.u32 @!p1 s19, $0x3;
	s2 =	sshrl.u32 @!p1 s2, $0x2;
	s0 =	sshrl.u32 @!p1 s0, $0x2  }
0x3f: {  	s3 =	sadd.s32 @!p1 s3, s14;
	s2 =	simm.s32 @!p2 $0x0;
	s0 =	sadd.s32 @!p1 $0x10248, s0  }
0x40: {  	[tilespmem:s0], [sflag:$0xA] =	stream.linear.gather @!p1 [hbm4b:s3+s4], s2, $0x38;
	[tilespmem:$0x1F6F8] =	vst v63  }
0x41: {  	s0 =	sadd.s32 $0xFFFFFFFF, s21  }
0x42: {  	p1 =	sge.u32 s0, s13  }
0x43: {  	p2 =	sgt.s32 @!p1 s20, $0x9B50  }
0x44: {  	s2 =	smov.u32 s20;
	s3 =	sshra.s32 @!p1 s20, $0x1F;
	p2 =	por !p2, p1  }
0x45: {  	s3 =	sand.u32 @!p1 s3, s20;
	s2 =	simm.s32 @p2 $0x9B50  }
0x46: {  	s2 =	ssub.s32 @!p1 s2, s3  }
0x47: {  	s2 =	sadd.s32 @!p1 $0xFFFF64B0, s2  }
0x48: {  	s4 =	sand.u32 @!p1 $0x1, s0;
	s3 =	sshll.u32 @!p1 s2, $0x2  }
0x49: {  	p2 =	sgt.s32 @!p1 s2, $0xEF;
	s2 =	ssub.s32 @!p1 $0x3C0, s3;
	s3 =	smulhi.u32 @!p1 $0xAAAAAAAB, s0  }
0x4a: {  	s23 =	smul.u32 @!p1 $0x3C0, s4;
	p2 =	por !p2, p1;
	s2 =	sshrl.u32 @!p1 s2, $0x2  }
0x4b: {  	s5 =	simm.s32 @!p1 $0xA;
	s2 =	simm.s32 @!p2 $0x0;
	s3 =	sshrl.u32 @!p1 s3, $0x1  }
0x4c: {  	s23 =	sshrl.u32 @!p1 s23, $0x2;
	_ =	swait.ge @!p1 [sflag:s5], s2;
	s3 =	smul.u32 @!p1 $0x3, s3  }
0x4d: {  	s23 =	sadd.s32 @!p1 $0x10518, s23;
	s24 =	ssub.s32 @!p1 $0x0, s2;
	[sflag:s5] =	ssyncset.done @!p1 $0x0  }
0x4e: {  	[sflag:s5] =	ssyncadd.s32 @!p1 s24;
	s5 =	sshrl.u32 @!p1 s20, $0x3;
	s0 =	ssub.s32 @!p1 s0, s3  }
0x4f: {  	s24 =	sand.u32 @!p1 $0x7, s20;
	s5 =	sadd.s32 @!p1 s5, s15;
	s0 =	smul.u32 @!p1 $0x3C0, s0  }
0x50: {  	[tilespmem:s23], [sflag:$0xB] =	stream.linear.gather @!p1 [hbm4b:s5+s24], s2, $0x38;
	[tilespmem:$0x1F6F8] =	vst v63  }
0x51: {  	s3 =	ssub.s32 @!p1 $0x9C40, s20;
	s2 =	smul.u32 @!p1 $0x1E000, s4  }
0x52: {  	p2 =	slt.s32 @!p1 s3, $0xF0  }
0x53: {  	p2 =	por !p2, p1;
	s0 =	sshrl.u32 @!p1 s0, $0x2;
	s2 =	sshrl.u32 @!p1 s2, $0x2  }
0x54: {  	s3 =	simm.s32 @p2 $0xF0;
	s0 =	sadd.s32 @!p1 $0x10248, s0;
	s2 =	sor.u32 @!p1 $0x106F8, s2  }
0x55: {  	[tilespmem:s2], [sflag:$0x9] =	stream.indirect.gather @!p1 [hbm4b:s9+s3], $0x80, s0, s3, $0xb8;
	[tilespmem:$0x1F6F8] =	vst v63  }
0x56: {  	p1 =	slt.u32 s21, $0x2  }
.Ltmp3:
0x57: {  	_ = 	snop;
	(pc) =	sbr.rel @p1 .LBB2_21-.Ltmp3, $1  }
0x58: {  	_ =	sdelay $0x3  }
0x59: {  	p1 =	sgt.s32 s22, $0x9B50  }
0x5a: {  	s0 =	smov.u32 s22;
	s2 =	sshra.s32 s22, $0x1F;
	s3 =	ssub.s32 $0x9C40, s22  }
0x5b: {  	s0 =	simm.s32 @!p1 $0x9B50;
	s2 =	sand.u32 s2, s22;
	p1 =	slt.s32 s3, $0xF0  }
0x5c: {  	s0 =	ssub.s32 s0, s2;
	s3 =	simm.s32 @!p1 $0xF0  }
0x5d: {  	s0 =	sadd.s32 $0xFFFF64B0, s0;
	s25 =	sshll.u32 s3, $0x7  }
0x5e: {  	s26 =	sshll.u32 s0, $0x2;
	s2 =	sand.u32 $0x3FFFFF80, s25  }
0x5f: {  	p1 =	sgt.s32 s0, $0xEF;
	s29 =	ssub.s32 $0x3C0, s26;
	_ =	swait.ge [sflag:s10], s2  }
0x60: {  	s2 =	ssub.s32 $0x0, s2;
	[sflag:s10] =	ssyncset.done $0x0;
	s0 =	sshrl.u32 s29, $0x2  }
0x61: {  	[sflag:s10] =	ssyncadd.s32 s2;
	s0 =	simm.s32 @p1 $0x0  }
0x62: {  	_ =	swait.ge [sflag:s11], s0  }
0x63: {  	s0 =	ssub.s32 $0x0, s0;
	[sflag:s11] =	ssyncset.done $0x0  }
0x64: {  	[sflag:s11] =	ssyncadd.s32 s0  }
0x65: {  	v1 =	vld [tilespmem:$0xF208];
	_ =	sdelay $0x4  }
0x66: {  	(v2sf) =	vpush v1, $0x0  }
0x67: {  	(v2sf) =	vpush v1, $0x1  }
0x68: {  	(v2sf) =	vpush v1, $0x2;
	_ =	sdelay $0x3  }
0x69: {  	s0 =	sadd.s32 $0xF0, s22  }
0x6a: {  	s2 =	ssub.s32 $0x13880, s22;
	p1 =	slt.s32 s8, s0  }
0x6b: {  	s0 =	smov.u32 @p1 s8;
	p1 =	sgt.s32 s2, $0x0  }
0x6c: {  	s26 =	ssub.s32 s0, s22;
	s2 =	simm.s32 @!p1 $0x0  }
0x6d: {  	p1 =	slt.s32 s2, s26  }
0x6e: {  	s26 =	smov.u32 @p1 s2  }
0x6f: {  	s25 =	simm.s32 $0x1;
	p1 =	slt.s32 s26, $0x1  }
.Ltmp4:
0x70: {  	s25 =	simm.s32 @!p0 $0x0;
	(pc) =	sbr.rel @p1 .LBB2_8-.Ltmp4, $4  }
0x71: {  	s31 =	smul.u32 $0x3C0, s25  }
0x72: {  	s28 =	spop (v2sf)  }
0x73: {  	s0 =	sshrl.u32 s31, $0x2;
	s30 =	spop (v2sf)  }
0x74: {  	s23 =	sadd.s32 $0x10518, s0;
	s22 =	spop (v2sf)  }
0x75: {  	s0 =	smin.u32 s26, $0x10  }
0x76: {  	v1 =	vmov s0  }
0x77: {  	p2 =	sgt.s32 s26, $0x10;
	vm1 =	vgt.u32 v1, v0  }
.Ltmp5:
0x78: {  	_ = 	snop;
	(pc) =	sbr.rel @!p2 .LBB2_7-.Ltmp5, $2  }
0x79: {  	_ =	sdelay $0x2  }
0x7a: {  	s4 =	simm.s32 $0x10;
	s24 =	sadd.s32 $0xFFFFFFF0, s26;
	s0 =	smov.u32 s23;
	vm0 =	vmmov vm1  }
.LBB2_6:
0x7b: {  	s2 =	smin.u32 s24, $0x10;
	s4 =	sadd.s32 $0x10, s4;
	v1 =	vld.msk [tilespmem:s0+$0x0 ss:$0x1], vm1  }
0x7c: {  	v2 =	vmov s2;
	p2 =	slt.s32 s4, s26  }
0x7d: {  	vm1 =	vgt.u32 v2, v0  }
.Ltmp6:
0x7e: {  	(pc) =	sbr.rel @p2 .LBB2_6-.Ltmp6, $3  }
0x7f: {  	_ =	sdelay $0x1  }
0x80: {  	v1 =	vshll.u32 v1, $0x4  }
0x81: {  	s24 =	sadd.s32 $0xFFFFFFF0, s24;
	[tilespmem:s0+$0x0] =	vst.msk vm0, v1;
	s0 =	sadd.s32 $0x10, s0;
	vm0 =	vmmov vm1  }
.LBB2_7:
0x82: {  	_ =	sdelay $0x4  }
0x83: {  	v1 =	vld.msk [tilespmem:s0+$0x0 ss:$0x1], vm1;
	_ =	sdelay $0x4  }
0x84: {  	v1 =	vshll.u32 v1, $0x4  }
0x85: {  	[tilespmem:s0+$0x0] =	vst.msk vm0, v1  }
.LBB2_8:
0x86: {  	s0 =	sand.u32 $0x1, s21  }
0x87: {  	s0 =	smul.u32 $0xF0, s0  }
0x88: {  	p2 =	sne.s32 s30, $0xFFFFFFFF  }
0x89: {  	v1 =	vld.msk @!p2 [tilespmem:s0+$0x10518], $0x1;
	_ =	sdelay $0x4  }
0x8a: {  	(v2sf) =	vpush @!p2 v1, $0x0;
	_ =	sdelay $0xc  }
.Ltmp7:
0x8b: {  	_ = 	snop;
	(pc) =	sbr.rel @p1 .LBB2_19-.Ltmp7, $4  }
0x8c: {  	_ = 	snop  }
0x8d: {  	s29 =	spop @!p2 (v2sf)  }
0x8e: {  	s22 =	simm.s32 @!p2 $0x0;
	s24 =	smov.u32 s29  }
0x8f: {  	[sflag:s18] =	ssyncpa.u1 $0x0;
	s29 =	smov.u32 @p2 s28;
	s24 =	smov.u32 @p2 s30  }
0x90: {  	v1 =	vld.msk [tilespmem:s23+$0x0], $0x1;
	_ =	sdelay $0x4  }
0x91: {  	(v2sf) =	vpush v1, $0x0;
	_ =	sdelay $0xe  }
0x92: {  	s2 =	smul.u32 $0x1E000, s25;
	s0 =	spop (v2sf)  }
0x93: {  	s26 =	ssub.s32 $0x0, s26;
	p1 =	seq.s32 s29, s0  }
0x94: {  	s30 =	sadd.s32 $0x1, s26;
	s2 =	sshrl.u32 s2, $0x2;
	p2 =	sgt.s32 @!p1 s29, $0x0  }
0x95: {  	s25 =	sor.u32 $0x10738, s2;
	s2 =	smov.u32 s29;
	p2 =	por !p2, p1  }
0x96: {  	s2 =	simm.s32 @p2 $0x0;
	p2 =	seq.s32 s30, $0x0  }
.Ltmp8:
0x97: {  	_ = 	snop;
	(pc) =	sbr.rel @p2 .LBB2_11-.Ltmp8, $4  }
0x98: {  	_ = 	snop  }
0x99: {  	s28 =	simm.s32 $0x0;
	s31 =	sadd.s32 $0x1, s23;
	s2 =	smin.u32 @!p1 s2, $0x270F0  }
0x9a: {  	s4 =	simm.s32 @!p1 $0x1;
	s5 =	simm.s32 @!p1 $0x7988;
	s3 =	sand.u32 @!p1 $0x3FFF8, s2  }
0x9b: {  	s4 =	smov.u32 @p1 s28;
	s2 =	sand.u32 @!p1 $0x7, s2;
	s3 =	sadd.s32 @!p1 s1, s3  }
.LBB2_10:
0x9c: {  	s6 =	smov.u32 s4  }
0x9d: {  	[tilespmem:s5], [sflag:$0x2] =	stream.linear.gather @!p1 [hbm4b:s3+s2], $0x80, $0x38;
	[tilespmem:$0x1F6F8] =	vst v63  }
0x9e: {  	s30 =	sadd.s32 $0x1, s30;
	s2 =	smov.u32 s0;
	v1 =	vld.msk [tilespmem:s31+$0x0], $0x1  }
0x9f: {  	p2 =	seq.s32 s30, $0x0;
	_ =	sdelay $0x3  }
0xa0: {  	(v2sf) =	vpush v1, $0x0;
	_ =	sdelay $0xe  }
0xa1: {  	s0 =	spop (v2sf)  }
0xa2: {  	p1 =	seq.s32 s2, s0  }
0xa3: {  	p3 =	sgt.s32 @!p1 s2, $0x0;
	s3 =	sshll.u32 @!p1 s4, $0x9;
	s4 =	sadd.s32 @!p1 $0x1, s4  }
.Ltmp9:
0xa4: {  	p3 =	por !p3, p1;
	s3 =	sshra.s32 @!p1 s3, $0x2;
	(pc) =	sbr.rel @!p2 .LBB2_10-.Ltmp9, $4  }
0xa5: {  	s4 =	smov.u32 @p1 s6;
	s2 =	simm.s32 @p3 $0x0;
	s5 =	sadd.s32 @!p1 $0x7988, s3  }
0xa6: {  	s2 =	smin.u32 @!p1 s2, $0x270F0  }
0xa7: {  	s3 =	sand.u32 @!p1 $0x3FFF8, s2;
	s2 =	sand.u32 @!p1 $0x7, s2  }
0xa8: {  	s31 =	sadd.s32 $0x1, s31;
	s3 =	sadd.s32 @!p1 s1, s3  }
.LBB2_11:
0xa9: {  	[tilespmem:s5], [sflag:$0x2] =	stream.linear.gather @!p1 [hbm4b:s3+s2], $0x80, $0x38;
	[tilespmem:$0x1F6F8] =	vst v63  }
.Ltmp10:
0xaa: {  	s0 =	sshll.u32 s4, $0x7;
	(pc) =	sbr.rel .LBB2_12-.Ltmp10, $4  }
0xab: {  	s30 =	simm.s32 $0x2;
	s0 =	sand.u32 $0x3FFFFF80, s0  }
0xac: {  	_ =	swait.ge [sflag:s30], s0  }
0xad: {  	s0 =	ssub.s32 $0x0, s0;
	[sflag:s30] =	ssyncset.done $0x0  }
0xae: {  	s31 =	simm.s32 $0x0;
	[sflag:s30] =	ssyncadd.s32 s0  }
.LBB2_13:
0xaf: {  	v1 =	vld [tilespmem:s25+$0xFFFFFFC0];
	_ =	sdelay $0x3  }
0xb0: {  	s0 =	sshra.s32 s0, $0x2  }
0xb1: {  	[tilespmem:s0+$0x108] =	vst.add.f32.msk $0xffff, v1  }
0xb2: {  	v1 =	vld [tilespmem:s25+$0xFFFFFFD0];
	_ =	sdelay $0x4  }
0xb3: {  	[tilespmem:s0+$0x118] =	vst.add.f32.msk $0xffff, v1  }
0xb4: {  	v1 =	vld [tilespmem:s25+$0xFFFFFFE0];
	_ =	sdelay $0x4  }
0xb5: {  	[tilespmem:s0+$0x128] =	vst.add.f32.msk $0xffff, v1  }
0xb6: {  	v1 =	vld [tilespmem:s25+$0xFFFFFFF0];
	_ =	sdelay $0x4  }
0xb7: {  	[tilespmem:s0+$0x138] =	vst.add.f32.msk $0xffff, v1  }
0xb8: {  	v1 =	vld [tilespmem:s25+$0x0];
	_ =	sdelay $0x4  }
0xb9: {  	[tilespmem:s0+$0x148] =	vst.add.f32.msk $0xffff, v1  }
0xba: {  	v1 =	vld [tilespmem:s25+$0x10];
	_ =	sdelay $0x4  }
0xbb: {  	[tilespmem:s0+$0x158] =	vst.add.f32.msk $0xffff, v1  }
0xbc: {  	v1 =	vld [tilespmem:s25+$0x20];
	_ =	sdelay $0x4  }
0xbd: {  	[tilespmem:s0+$0x168] =	vst.add.f32.msk $0xffff, v1  }
0xbe: {  	v1 =	vld [tilespmem:s25+$0x30];
	_ =	sdelay $0x4  }
0xbf: {  	[tilespmem:s0+$0x178] =	vst.add.f32.msk $0xffff, v1  }
.LBB2_17:
0xc0: {  	s26 =	sadd.s32 $0x1, s26  }
0xc1: {  	p1 =	seq.s32 s26, $0x0  }
.Ltmp11:
0xc2: {  	_ = 	snop;
	(pc) =	sbr.rel @p1 .LBB2_18-.Ltmp11, $2  }
0xc3: {  	_ =	sdelay $0x2  }
0xc4: {  	s23 =	sadd.s32 $0x1, s23;
	s25 =	sadd.s32 $0x80, s25;
	s29 =	smov.u32 s30  }
.LBB2_12:
0xc5: {  	v1 =	vld.msk [tilespmem:s23+$0x0], $0x1;
	_ =	sdelay $0x4  }
0xc6: {  	(v2sf) =	vpush v1, $0x0;
	_ =	sdelay $0xe  }
0xc7: {  	s30 =	spop (v2sf)  }
0xc8: {  	p1 =	sne.s32 s29, s30  }
.Ltmp12:
0xc9: {  	_ = 	snop;
	(pc) =	sbr.rel @!p1 .LBB2_13-.Ltmp12, $2  }
0xca: {  	_ =	sdelay $0x2  }
0xcb: {  	s0 =	sshll.u32 s22, $0x9  }
0xcc: {  	p1 =	seq.s32 s29, s24  }
.Ltmp13:
0xcd: {  	_ = 	snop;
	(pc) =	sbr.rel @!p1 .LBB2_15-.Ltmp13, $1  }
0xce: {  	_ =	sdelay $0x3  }
0xcf: {  	s0 =	sshra.s32 s0, $0x2  }
.Ltmp14:
0xd0: {  	s0 =	sadd.s32 $0x108, s0;
	(pc) =	sbr.rel .LBB2_16-.Ltmp14, $4  }
0xd1: {  	[spmem:s16] =	stream.linear.scatter [tilespmem:s0], [sflag:$0x1], $0x80, $0x38;
	[tilespmem:$0x1F6F8] =	vst v63  }
0xd2: {  	_ =	swait.ge [sflag:s12], $0x80  }
0xd3: {  	[sflag:s12] =	ssyncset.done $0x0  }
0xd4: {  	[sflag:s12] =	ssyncadd.s32 $0xFFFFFF80  }
.LBB2_15:
0xd5: {  	s2 =	sshll.u32 s28, $0x9  }
0xd6: {  	s2 =	sshra.s32 s2, $0x2  }
0xd7: {  	v1 =	vld [tilespmem:s2+$0x7988];
	_ =	sdelay $0x3  }
0xd8: {  	s0 =	sshra.s32 s0, $0x2  }
0xd9: {  	[tilespmem:s0+$0x108] =	vst.add.f32.msk $0xffff, v1  }
0xda: {  	v1 =	vld [tilespmem:s2+$0x7998];
	_ =	sdelay $0x4  }
0xdb: {  	[tilespmem:s0+$0x118] =	vst.add.f32.msk $0xffff, v1  }
0xdc: {  	v1 =	vld [tilespmem:s2+$0x79A8];
	_ =	sdelay $0x4  }
0xdd: {  	[tilespmem:s0+$0x128] =	vst.add.f32.msk $0xffff, v1  }
0xde: {  	v1 =	vld [tilespmem:s2+$0x79B8];
	_ =	sdelay $0x4  }
0xdf: {  	[tilespmem:s0+$0x138] =	vst.add.f32.msk $0xffff, v1  }
0xe0: {  	v1 =	vld [tilespmem:s2+$0x79C8];
	_ =	sdelay $0x4  }
0xe1: {  	[tilespmem:s0+$0x148] =	vst.add.f32.msk $0xffff, v1  }
0xe2: {  	v1 =	vld [tilespmem:s2+$0x79D8];
	_ =	sdelay $0x4  }
0xe3: {  	[tilespmem:s0+$0x158] =	vst.add.f32.msk $0xffff, v1  }
0xe4: {  	v1 =	vld [tilespmem:s2+$0x79E8];
	_ =	sdelay $0x4  }
0xe5: {  	[tilespmem:s0+$0x168] =	vst.add.f32.msk $0xffff, v1  }
0xe6: {  	v1 =	vld [tilespmem:s2+$0x79F8];
	_ =	sdelay $0x2  }
0xe7: {  	p1 =	sgt.u32 s29, $0x270F0  }
0xe8: {  	s2 =	sand.u32 @!p1 $0x3FFF8, s29  }
0xe9: {  	s3 =	sadd.s32 $0x108, s0;
	[tilespmem:s0+$0x178] =	vst.add.f32.msk $0xffff, v1;
	s0 =	sadd.s32 @!p1 s1, s2;
	s2 =	sand.u32 @!p1 $0x7, s29  }
0xea: {  	[hbm4b:s0+s2] =	stream.linear.scatter @!p1 [tilespmem:s3], [sflag:$0xC], $0x80, $0x38;
	[tilespmem:$0x1F6F8] =	vst v63  }
0xeb: {  	s0 =	simm.s32 $0x0  }
0xec: {  	s0 =	simm.s32 @!p1 $0x200  }
0xed: {  	s31 =	sadd.s32 s0, s31  }
.LBB2_16:
0xee: {  	s0 =	sadd.s32 $0x1, s22  }
0xef: {  	s2 =	smulhi.u32 $0x88888889, s0;
	_ =	sdelay $0x1  }
0xf0: {  	v1 =	vld [tilespmem:s25+$0xFFFFFFC0];
	s2 =	sshrl.u32 s2, $0x7  }
0xf1: {  	s2 =	smul.u32 $0xF0, s2;
	_ =	sdelay $0x1  }
0xf2: {  	s22 =	ssub.s32 s0, s2  }
0xf3: {  	s0 =	sshll.u32 s22, $0x7  }
0xf4: {  	[tilespmem:s0+$0x108] =	vst v1  }
0xf5: {  	v1 =	vld [tilespmem:s25+$0xFFFFFFD0];
	_ =	sdelay $0x4  }
0xf6: {  	[tilespmem:s0+$0x118] =	vst v1  }
0xf7: {  	v1 =	vld [tilespmem:s25+$0xFFFFFFE0];
	_ =	sdelay $0x4  }
0xf8: {  	[tilespmem:s0+$0x128] =	vst v1  }
0xf9: {  	v1 =	vld [tilespmem:s25+$0xFFFFFFF0];
	_ =	sdelay $0x4  }
0xfa: {  	[tilespmem:s0+$0x138] =	vst v1  }
0xfb: {  	v1 =	vld [tilespmem:s25+$0x0];
	_ =	sdelay $0x4  }
0xfc: {  	[tilespmem:s0+$0x148] =	vst v1  }
0xfd: {  	v1 =	vld [tilespmem:s25+$0x10];
	_ =	sdelay $0x4  }
0xfe: {  	[tilespmem:s0+$0x158] =	vst v1  }
0xff: {  	v1 =	vld [tilespmem:s25+$0x20];
	_ =	sdelay $0x4  }
0x100: {  	[tilespmem:s0+$0x168] =	vst v1  }
0x101: {  	v1 =	vld [tilespmem:s25+$0x30]  }
.Ltmp15:
0x102: {  	_ = 	snop;
	(pc) =	sbr.rel .LBB2_17-.Ltmp15, $2  }
0x103: {  	_ =	sdelay $0x2  }
0x104: {  	s28 =	sadd.s32 $0x1, s28;
	[tilespmem:s0+$0x178] =	vst v1  }
.LBB2_19:
.Ltmp16:
0x105: {  	(pc) =	sbr.rel .LBB2_20-.Ltmp16, $4  }
0x106: {  	_ = 	snop  }
0x107: {  	s0 =	simm.s32 $0x2  }
0x108: {  	_ =	swait.ge [sflag:s0], $0x0  }
0x109: {  	s30 =	smov.u32 s29;
	[sflag:s0] =	ssyncset.done $0x0;
	s0 =	simm.s32 $0x0  }
.LBB2_22:
0x10a: {  	_ =	sfence.sel $0x180000  }
0x10b: {  	s0 =	simm.s32 $0x9;
	[bflag:$0x0] =	sbarrier.arrive $0xFFFF  }
0x10c: {  	s24 =	simm.s32 $0xA;
	[sflag:s0] =	ssyncpa.u1 $0x1  }
0x10d: {  	s25 =	simm.s32 $0xB;
	[sflag:s24] =	ssyncpa.u1 $0x1  }
0x10e: {  	s26 =	simm.s32 $0x2;
	[sflag:s25] =	ssyncpa.u1 $0x1  }
0x10f: {  	[sflag:s26] =	ssyncpa.u1 $0x1  }
0x110: {  	v0 =	vld [tilespmem:$0xF208];
	_ =	sdelay $0x4  }
0x111: {  	(v2sf) =	vpush v0, $0x0  }
0x112: {  	(v2sf) =	vpush v0, $0x1;
	_ =	sdelay $0x1  }
0x113: {  	(v2sf) =	vpush v0, $0x2;
	_ =	sdelay $0xb  }
0x114: {  	s0 =	spop (v2sf)  }
0x115: {  	s2 =	spop (v2sf)  }
0x116: {  	s3 =	smov.u32 s0;
	p0 =	sne.s32 s0, s2  }
0x117: {  	s4 =	spop (v2sf);
	s3 =	simm.s32 @!p0 $0xFFFFFFFF  }
0x118: {  	v2 =	vimm.s32 $0x1;
	v3 =	vlaneseq.u32;
	p0 =	seq.s32 s4, $0xFFFFFFFF;
	v1 =	vmov s3  }
0x119: {  	s16 =	stileid.u32;
	v0 =	vperm.xlane v0, v2;
	p1 =	sne.s32 @!p0 s0, s2;
	v1 =	vperm.xlane v1, v3  }
0x11a: {  	vm0 =	vcmask $0x3F04;
	s6 =	simm.s32 $0xF208;
	s0 =	simm.s32 @!p0 $0x1;
	p1 =	por !p1, p0  }
0x11b: {  	s3 =	sshll.u32 s16, $0x1;
	s2 =	sshll.u32 @!p0 s4, $0x9;
	s0 =	simm.s32 @p1 $0x0;
	v0 =	vsel vm0, v1, v0  }
0x11c: {  	s5 =	sor.u32 $0x1000, s3;
	s2 =	sshra.s32 @!p0 s2, $0x2;
	s0 =	sor.u32 @!p0 s0, s3;
	[tilespmem:$0xF208] =	vst v0  }
0x11d: {  	[spmem:s5] =	stream.linear.scatter [tilespmem:s6], [sflag:$0x1], $0x2, $0x38;
	[tilespmem:$0x1F6F8] =	vst v63  }
0x11e: {  	s2 =	sadd.s32 @!p0 $0x108, s2;
	s0 =	sshll.u32 @!p0 s0, $0x7  }
0x11f: {  	[spmem:s0] =	stream.linear.scatter @!p0 [tilespmem:s2], [sflag:$0x1], $0x80, $0x38;
	[tilespmem:$0x1F6F8] =	vst v63  }
0x120: {  	s0 =	simm.s32 @!p0 $0x82  }
0x121: {  	s28 =	simm.s32 $0x1;
	s0 =	simm.s32 @p0 $0x2  }
0x122: {  	_ =	swait.ge [sflag:s28], s0  }
0x123: {  	s0 =	ssub.s32 $0x0, s0;
	[sflag:s28] =	ssyncset.done $0x0  }
0x124: {  	p0 =	sne.s32 s16, $0x0;
	[sflag:s28] =	ssyncadd.s32 s0  }
.Ltmp17:
0x125: {  	_ =	sfence.stream.spmem;
	(pc) =	sbr.rel @p0 .LBB2_39-.Ltmp17, $4  }
0x126: {  	s29 =	simm.s32 $0x3;
	[bflag:$0x0] =	sbarrier.arrive $0xFFFF  }
0x127: {  	s30 =	simm.s32 $0x4;
	[sflag:s29] =	ssyncpa.u1 $0x1  }
0x128: {  	s31 =	simm.s32 $0x3C;
	[sflag:s30] =	ssyncpa.u1 $0x1  }
0x129: {  	s15 =	rddreg [dreg:$0x5];
	[sflag:s31] =	ssyncpa.u1 $0x1  }
0x12a: {  	_ =	sfence.stream.spmem;
	s0 =	simm.s32 $0x5  }
0x12b: {  	s2 =	simm.s32 $0x1000;
	s3 =	simm.s32 $0xF218;
	[sflag:s0] =	ssyncpa.u1 $0x0  }
0x12c: {  	[tilespmem:s3], [sflag:$0x5] =	stream.linear.gather [spmem:s2], $0x20, $0x38;
	[tilespmem:$0x1F6F8] =	vst v63  }
0x12d: {  	s26 =	simm.s32 $0x0;
	s28 =	simm.s32 $0xF238  }
0x12e: {  	[tilespmem:s28], [sflag:$0x5] =	stream.linear.gather [spmem:s26], $0x1000, $0x38;
	[tilespmem:$0x1F6F8] =	vst v63  }
0x12f: {  	_ =	swait.ge [sflag:s0], $0x1020  }
0x130: {  	[sflag:s0] =	ssyncset.done $0x0  }
0x131: {  	s29 =	simm.s32 $0x0;
	[sflag:s0] =	ssyncadd.s32 $0xFFFFEFE0  }
0x132: {  	v0 =	vld.msk [tilespmem:s29+$0xF218], $0x1;
	_ =	sdelay $0x1  }
0x133: {  	s30 =	simm.s32 $0x1  }
0x134: {  	v1 =	vld.msk [tilespmem:s30+$0xF218], $0x1;
	_ =	sdelay $0x1  }
0x135: {  	(v2sf) =	vpush v0, $0x0;
	_ =	sdelay $0x2  }
0x136: {  	(v2sf) =	vpush v1, $0x0;
	_ =	sdelay $0x2  }
0x137: {  	s31 =	simm.s32 $0x2  }
0x138: {  	v0 =	vld.msk [tilespmem:s31+$0xF218], $0x1;
	_ =	sdelay $0x2  }
0x139: {  	s4 =	simm.s32 $0xFFFFFFFF;
	s5 =	simm.s32 $0xFFFFFFFF;
	s0 =	simm.s32 $0xC  }
.LBB2_24:
0x13a: {  	s2 =	smov.u32 s5;
	s3 =	smov.u32 s4  }
0x13b: {  	s4 =	sshra.s32 s0, $0x2;
	p1 =	sne.s32 s0, $0x7C;
	s0 =	sadd.s32 $0x4, s0;
	(v2sf) =	vpush v0, $0x0  }
0x13c: {  	v0 =	vld.msk [tilespmem:s4+$0xF218], $0x1  }
.Ltmp18:
0x13d: {  	(pc) =	sbr.rel @p1 .LBB2_24-.Ltmp18, $4  }
0x13e: {  	s5 =	spop (v2sf)  }
0x13f: {  	p2 =	sne.s32 s3, $0xFFFFFFFF;
	s4 =	smov.u32 s5  }
0x140: {  	p3 =	seq.s32 s5, $0xFFFFFFFF;
	s4 =	smov.u32 @p2 s3  }
0x141: {  	s5 =	smov.u32 @p3 s2;
	s4 =	smov.u32 @p3 s3  }
0x142: {  	(v2sf) =	vpush v0, $0x0;
	_ =	sdelay $0x8  }
0x143: {  	s0 =	spop (v2sf)  }
0x144: {  	p1 =	sne.s32 s4, $0xFFFFFFFF;
	s2 =	smov.u32 s0  }
0x145: {  	s9 =	simm.s32 $0x6;
	p2 =	seq.s32 s0, $0xFFFFFFFF;
	s2 =	smov.u32 @p1 s4  }
0x146: {  	s6 =	simm.s32 $0x0;
	s2 =	smov.u32 @p2 s4;
	s3 =	spop (v2sf)  }
0x147: {  	s0 =	smov.u32 @p2 s5;
	p1 =	sne.s32 s2, $0xFFFFFFFF;
	s4 =	smov.u32 s3  }
.Ltmp19:
0x148: {  	p2 =	seq.s32 s3, $0xFFFFFFFF;
	s4 =	smov.u32 @p1 s2;
	(pc) =	sbr.rel .LBB2_26-.Ltmp19, $4  }
0x149: {  	s10 =	simm.s32 $0xF188;
	s4 =	smov.u32 @p2 s2;
	s7 =	spop (v2sf)  }
0x14a: {  	s11 =	simm.s32 $0x0;
	p1 =	sne.s32 s4, $0xFFFFFFFF;
	s8 =	smov.u32 s7  }
0x14b: {  	s3 =	smov.u32 @p2 s0;
	p2 =	seq.s32 s7, $0xFFFFFFFF;
	s8 =	smov.u32 @p1 s4  }
0x14c: {  	[sflag:s9] =	ssyncpa.u1 $0x0;
	s7 =	smov.u32 @p2 s3;
	s8 =	smov.u32 @p2 s4  }
.LBB2_32:
0x14d: {  	p1 =	sgt.u32 s12, $0x270F0  }
0x14e: {  	p2 =	seq.s32 @!p1 s12, s8  }
0x14f: {  	p1 =	por p1, p2  }
0x150: {  	p2 =	sne.s32 @!p1 s12, s7  }
0x151: {  	p1 =	por p1, !p2  }
0x152: {  	s0 =	sshll.u32 @p1 s11, $0x9  }
0x153: {  	s0 =	sand.u32 @!p1 $0x3FFF8, s12  }
0x154: {  	s2 =	sand.u32 @!p1 $0x7, s12;
	s0 =	sadd.s32 @!p1 s1, s0  }
0x155: {  	[tilespmem:s10], [sflag:$0x6] =	stream.linear.gather @!p1 [hbm4b:s0+s2], $0x80, $0x38;
	[tilespmem:$0x1F6F8] =	vst v63  }
0x156: {  	_ =	swait.ge @!p1 [sflag:s9], $0x80  }
0x157: {  	[sflag:s9] =	ssyncset.done @!p1 $0x0  }
0x158: {  	[sflag:s9] =	ssyncadd.s32 @!p1 $0xFFFFFF80  }
0x159: {  	v1 =	vld @!p1 [tilespmem:$0xF188];
	_ =	sdelay $0x2  }
0x15a: {  	s0 =	sshll.u32 @!p1 s11, $0x9  }
0x15b: {  	s2 =	sshrl.u32 @!p1 s0, $0x2  }
0x15c: {  	[tilespmem:s2+$0xF238] =	vst.add.f32.msk @!p1 $0xffff, v1  }
0x15d: {  	v1 =	vld @!p1 [tilespmem:$0xF198];
	_ =	sdelay $0x4  }
0x15e: {  	[tilespmem:s2+$0xF248] =	vst.add.f32.msk @!p1 $0xffff, v1  }
0x15f: {  	v1 =	vld @!p1 [tilespmem:$0xF1A8];
	_ =	sdelay $0x4  }
0x160: {  	[tilespmem:s2+$0xF258] =	vst.add.f32.msk @!p1 $0xffff, v1  }
0x161: {  	v1 =	vld @!p1 [tilespmem:$0xF1B8];
	_ =	sdelay $0x4  }
0x162: {  	[tilespmem:s2+$0xF268] =	vst.add.f32.msk @!p1 $0xffff, v1  }
0x163: {  	v1 =	vld @!p1 [tilespmem:$0xF1C8];
	_ =	sdelay $0x4  }
0x164: {  	[tilespmem:s2+$0xF278] =	vst.add.f32.msk @!p1 $0xffff, v1  }
0x165: {  	v1 =	vld @!p1 [tilespmem:$0xF1D8];
	_ =	sdelay $0x4  }
0x166: {  	[tilespmem:s2+$0xF288] =	vst.add.f32.msk @!p1 $0xffff, v1  }
0x167: {  	v1 =	vld @!p1 [tilespmem:$0xF1E8];
	_ =	sdelay $0x4  }
0x168: {  	[tilespmem:s2+$0xF298] =	vst.add.f32.msk @!p1 $0xffff, v1  }
0x169: {  	v1 =	vld @!p1 [tilespmem:$0xF1F8];
	_ =	sdelay $0x4  }
0x16a: {  	[tilespmem:s2+$0xF2A8] =	vst.add.f32.msk @!p1 $0xffff, v1  }
0x16b: {  	s0 =	sshrl.u32 s0, $0x2;
	[tilespmem:s6+$0xF218] =	vst.msk $0x1, v0  }
0x16c: {  	v0 =	vld [tilespmem:s0+$0xF238];
	_ =	sdelay $0x2  }
0x16d: {  	s31 =	sshll.u32 s6, $0x9  }
0x16e: {  	s2 =	sshra.s32 s31, $0x2  }
0x16f: {  	[tilespmem:s2+$0xF238] =	vst v0  }
0x170: {  	v0 =	vld [tilespmem:s0+$0xF248];
	_ =	sdelay $0x4  }
0x171: {  	[tilespmem:s2+$0xF248] =	vst v0  }
0x172: {  	v0 =	vld [tilespmem:s0+$0xF258];
	_ =	sdelay $0x4  }
0x173: {  	[tilespmem:s2+$0xF258] =	vst v0  }
0x174: {  	v0 =	vld [tilespmem:s0+$0xF268];
	_ =	sdelay $0x4  }
0x175: {  	[tilespmem:s2+$0xF268] =	vst v0  }
0x176: {  	v0 =	vld [tilespmem:s0+$0xF278];
	_ =	sdelay $0x4  }
0x177: {  	[tilespmem:s2+$0xF278] =	vst v0  }
0x178: {  	v0 =	vld [tilespmem:s0+$0xF288];
	_ =	sdelay $0x4  }
0x179: {  	[tilespmem:s2+$0xF288] =	vst v0  }
0x17a: {  	v0 =	vld [tilespmem:s0+$0xF298];
	_ =	sdelay $0x4  }
0x17b: {  	[tilespmem:s2+$0xF298] =	vst v0  }
0x17c: {  	v0 =	vld [tilespmem:s0+$0xF2A8];
	_ =	sdelay $0x4  }
0x17d: {  	s6 =	sadd.s32 $0x1, s6;
	[tilespmem:s2+$0xF2A8] =	vst v0  }
.LBB2_33:
0x17e: {  	s11 =	sadd.s32 $0x1, s11  }
0x17f: {  	p1 =	sne.s32 s11, $0x20  }
.Ltmp20:
0x180: {  	_ = 	snop;
	(pc) =	sbr.rel @!p1 .LBB2_34-.Ltmp20, $1  }
0x181: {  	_ =	sdelay $0x3  }
.LBB2_26:
0x182: {  	v0 =	vld.msk [tilespmem:s11+$0xF218], $0x1;
	_ =	sdelay $0x4  }
0x183: {  	(v2sf) =	vpush v0, $0x0;
	_ =	sdelay $0xe  }
0x184: {  	s12 =	spop (v2sf)  }
0x185: {  	p1 =	seq.s32 s12, $0xFFFFFFFF  }
.Ltmp21:
0x186: {  	_ = 	snop;
	(pc) =	sbr.rel @p1 .LBB2_33-.Ltmp21, $1  }
0x187: {  	_ =	sdelay $0x3  }
0x188: {  	p1 =	slt.s32 s6, $0x1  }
.Ltmp22:
0x189: {  	_ = 	snop;
	(pc) =	sbr.rel @p1 .LBB2_32-.Ltmp22, $1  }
0x18a: {  	_ =	sdelay $0x3  }
0x18b: {  	s13 =	simm.s32 $0xF218;
	p1 =	por $0x0, $0x0  }
0x18c: {  	v1 =	vld.msk @!p1 [tilespmem:s13+$0x0], $0x1;
	_ =	sdelay $0x4  }
0x18d: {  	(v2sf) =	vpush @!p1 v1, $0x0;
	_ =	sdelay $0xd  }
0x18e: {  	p3 =	sne.s32 s6, $0x1  }
.Ltmp23:
0x18f: {  	s0 =	spop @!p1 (v2sf);
	(pc) =	sbr.rel @!p3 .LBB2_30-.Ltmp23, $4  }
0x190: {  	p2 =	seq.s32 @!p1 s12, s0  }
0x191: {  	s14 =	simm.s32 $0x0;
	p2 =	por !p2, p1  }
0x192: {  	s2 =	simm.s32 $0xFFFFFFFF;
	s14 =	simm.s32 @p2 $0xFFFFFFFF  }
0x193: {  	s0 =	simm.s32 $0x1;
	s14 =	smov.u32 @p1 s2  }
.LBB2_29:
0x194: {  	s2 =	smov.u32 s14;
	p1 =	sne.s32 s14, $0xFFFFFFFF  }
0x195: {  	s13 =	sadd.s32 $0x1, s13;
	s14 =	smov.u32 s0;
	s0 =	sadd.s32 $0x1, s0  }
0x196: {  	p2 =	sne.s32 s6, s0;
	v1 =	vld.msk @!p1 [tilespmem:s13+$0x0], $0x1;
	_ =	sdelay $0x4  }
0x197: {  	(v2sf) =	vpush @!p1 v1, $0x0;
	_ =	sdelay $0xe  }
.Ltmp24:
0x198: {  	s3 =	spop @!p1 (v2sf);
	(pc) =	sbr.rel @p2 .LBB2_29-.Ltmp24, $4  }
0x199: {  	p3 =	seq.s32 @!p1 s12, s3  }
0x19a: {  	p3 =	por !p3, p1  }
0x19b: {  	s14 =	simm.s32 @p3 $0xFFFFFFFF  }
0x19c: {  	s14 =	smov.u32 @p1 s2  }
.LBB2_30:
0x19d: {  	p1 =	seq.s32 s14, $0xFFFFFFFF  }
.Ltmp25:
0x19e: {  	_ = 	snop;
	(pc) =	sbr.rel @p1 .LBB2_32-.Ltmp25, $1  }
0x19f: {  	_ =	sdelay $0x3  }
0x1a0: {  	s0 =	sshll.u32 s11, $0x7  }
0x1a1: {  	s0 =	sand.u32 $0x3FFFFF80, s0  }
0x1a2: {  	v0 =	vld [tilespmem:s0+$0xF238];
	_ =	sdelay $0x2  }
0x1a3: {  	s2 =	sshll.u32 s14, $0x9  }
0x1a4: {  	s2 =	sshra.s32 s2, $0x2  }
0x1a5: {  	[tilespmem:s2+$0xF238] =	vst.add.f32.msk $0xffff, v0  }
0x1a6: {  	v0 =	vld [tilespmem:s0+$0xF248];
	_ =	sdelay $0x4  }
0x1a7: {  	[tilespmem:s2+$0xF248] =	vst.add.f32.msk $0xffff, v0  }
0x1a8: {  	v0 =	vld [tilespmem:s0+$0xF258];
	_ =	sdelay $0x4  }
0x1a9: {  	[tilespmem:s2+$0xF258] =	vst.add.f32.msk $0xffff, v0  }
0x1aa: {  	v0 =	vld [tilespmem:s0+$0xF268];
	_ =	sdelay $0x4  }
0x1ab: {  	[tilespmem:s2+$0xF268] =	vst.add.f32.msk $0xffff, v0  }
0x1ac: {  	v0 =	vld [tilespmem:s0+$0xF278];
	_ =	sdelay $0x4  }
0x1ad: {  	[tilespmem:s2+$0xF278] =	vst.add.f32.msk $0xffff, v0  }
0x1ae: {  	v0 =	vld [tilespmem:s0+$0xF288];
	_ =	sdelay $0x4  }
0x1af: {  	[tilespmem:s2+$0xF288] =	vst.add.f32.msk $0xffff, v0  }
0x1b0: {  	v0 =	vld [tilespmem:s0+$0xF298];
	_ =	sdelay $0x4  }
0x1b1: {  	[tilespmem:s2+$0xF298] =	vst.add.f32.msk $0xffff, v0  }
0x1b2: {  	v0 =	vld [tilespmem:s0+$0xF2A8]  }
.Ltmp26:
0x1b3: {  	_ = 	snop;
	(pc) =	sbr.rel .LBB2_33-.Ltmp26, $2  }
0x1b4: {  	_ =	sdelay $0x2  }
0x1b5: {  	[tilespmem:s2+$0xF2A8] =	vst.add.f32.msk $0xffff, v0  }
.LBB2_34:
0x1b6: {  	s0 =	simm.s32 $0x6;
	p1 =	seq.s32 s6, $0x0  }
0x1b7: {  	[sflag:s0] =	ssyncpa.u1 $0x1;
	v0 =	vimm.s32 @p1 $0xFFFFFFFF  }
0x1b8: {  	s9 =	sadd.s32 $0xFFFFFFFF, s6;
	[tilespmem:$0x10238] =	vst @p1 v0  }
0x1b9: {  	v0 =	vld.msk @!p1 [tilespmem:s9+$0xF218], $0x1;
	_ =	sdelay $0x1  }
0x1ba: {  	v1 =	vld.msk @!p1 [tilespmem:$0xF218], $0x1;
	_ =	sdelay $0x2  }
0x1bb: {  	p2 =	seq.s32 @!p1 s9, $0x0;
	v0 =	vbroadcast @!p1 v0, $0x0  }
0x1bc: {  	vm0 =	vmmov @!p1 $0x1;
	p2 =	por !p2, p1  }
0x1bd: {  	v1 =	vnsel @!p1 vm0, $0xFFFFFFFF, v1;
	vm0 =	vcmask @!p1 $0x308;
	v0 =	vpsel !p2, $0xFFFFFFFF, v0  }
0x1be: {  	p2 =	sne.s32 @!p1 s8, s7;
	v0 =	vsel @!p1 vm0, v1, v0  }
0x1bf: {  	s0 =	simm.s32 @!p1 $0xF238;
	s2 =	simm.s32 @!p1 $0x0;
	p3 =	por !p2, p1;
	[tilespmem:$0x10238] =	vst @!p1 v0  }
0x1c0: {  	[spmem:s2] =	stream.linear.scatter @!p1 [tilespmem:s0], [sflag:$0x1], $0x80, $0x38;
	[tilespmem:$0x1F6F8] =	vst v63  }
0x1c1: {  	s0 =	sshll.u32 @!p3 s9, $0x9  }
0x1c2: {  	s0 =	sshra.s32 @!p3 s0, $0x2  }
0x1c3: {  	s2 =	simm.s32 @!p3 $0x80;
	s0 =	sadd.s32 @!p3 $0xF238, s0  }
0x1c4: {  	[spmem:s2] =	stream.linear.scatter @!p3 [tilespmem:s0], [sflag:$0x1], $0x80, $0x38;
	[tilespmem:$0x1F6F8] =	vst v63  }
0x1c5: {  	s0 =	simm.s32 @!p3 $0x1  }
0x1c6: {  	_ =	swait.ge @!p3 [sflag:s0], $0x100  }
0x1c7: {  	p1 =	por p2, p1;
	[sflag:s0] =	ssyncset.done @!p3 $0x0  }
0x1c8: {  	[sflag:s0] =	ssyncadd.s32 @!p3 $0xFFFFFF00;
	s0 =	simm.s32 @!p1 $0x1  }
0x1c9: {  	_ =	swait.ge @!p1 [sflag:s0], $0x80  }
0x1ca: {  	s29 =	simm.s32 $0x10238;
	[sflag:s0] =	ssyncset.done @!p1 $0x0  }
0x1cb: {  	s30 =	simm.s32 $0x1000;
	s31 =	simm.s32 $0x1;
	[sflag:s0] =	ssyncadd.s32 @!p1 $0xFFFFFF80  }
0x1cc: {  	[spmem:s30] =	stream.linear.scatter [tilespmem:s29], [sflag:$0x1], $0x10, $0x38;
	[tilespmem:$0x1F6F8] =	vst v63  }
0x1cd: {  	_ =	swait.ge [sflag:s31], $0x10  }
0x1ce: {  	[sflag:s31] =	ssyncset.done $0x0  }
0x1cf: {  	p1 =	seq.s32 s15, $0x0;
	s8 =	rddreg [dreg:$0x2];
	[sflag:s31] =	ssyncadd.s32 $0xFFFFFFF0  }
0x1d0: {  	s2 =	sshll.u32 @p1 s8, $0xE;
	s7 =	rddreg [dreg:$0x3]  }
0x1d1: {  	s0 =	sadd.s32 @p1 $0x15C3C, s2;
	s2 =	sshll.u32 @p1 s7, $0x11  }
0x1d2: {  	_ =	sfence.stream.spmem;
	s0 =	sor.u32 @p1 s2, s0  }
0x1d3: {  	[sflag:s0] =	ssyncadd.remote.s32 @p1 $0x1;
	s0 =	simm.s32 @p1 $0x4  }
0x1d4: {  	s3 =	simm.s32 @!p1 $0x3C;
	s2 =	sand.u32 $0xFFFFFFFE, s8;
	_ =	swait.ge @p1 [sflag:s0], $0x22  }
0x1d5: {  	s4 =	simm.s32 @!p1 $0x0;
	s2 =	sadd.s32 @!p1 $0x4, s2;
	[sflag:s0] =	ssyncset.done @p1 $0x0  }
0x1d6: {  	s5 =	simm.s32 @!p1 $0x100;
	[sflag:s0] =	ssyncadd.s32 @p1 $0xFFFFFFDE;
	s0 =	sshll.u32 @!p1 s2, $0x1A  }
0x1d7: {  	s2 =	sshll.u32 @!p1 s2, $0xD;
	s0 =	sor.u32 @!p1 s0, s7;
	_ =	swait.eq @!p1 [sflag:s3], $0x1  }
0x1d8: {  	s2 =	sor.u32 @!p1 $0x1C04, s2;
	s3 =	simm.s32 @!p1 $0x1C03;
	s0 =	sor.u32 @!p1 $0x80004000, s0  }
0x1d9: {  	[spmem:s5], [sflag:s2] =	dma.general @!p1 [spmem:s4], [sflag:s3], length:$0x20, [dreg:$0x0], stride_count:$0x0, ici_dest:s0, dma_misc:DstOpCode:WRITE  }
0x1da: {  	p2 =	slt.s32 s9, $0x2;
	s4 =	simm.s32 @!p1 $0x200;
	s5 =	simm.s32 @!p1 $0x202  }
0x1db: {  	[spmem:s5], [sflag:s2] =	dma.general @!p1 [spmem:s4], [sflag:s3], length:$0x2, [dreg:$0x0], stride_count:$0x0, ici_dest:s0, dma_misc:DstOpCode:WRITE  }
.Ltmp27:
0x1dc: {  	s0 =	simm.s32 @!p1 $0x3;
	(pc) =	sbr.rel @p2 .LBB2_38-.Ltmp27, $4  }
0x1dd: {  	s2 =	sshll.u32 @!p1 s8, $0xE;
	_ =	swait.ge @!p1 [sflag:s0], $0x22  }
0x1de: {  	s3 =	sshll.u32 @!p1 s7, $0x11;
	s2 =	sadd.s32 @!p1 $0x11C3C, s2;
	[sflag:s0] =	ssyncset.done @!p1 $0x0  }
0x1df: {  	[sflag:s0] =	ssyncadd.s32 @!p1 $0xFFFFFFDE;
	s0 =	sor.u32 @!p1 s3, s2  }
0x1e0: {  	[sflag:s0] =	ssyncadd.remote.s32 @!p1 $0xFFFFFFFF;
	s0 =	simm.s32 $0x0  }
0x1e1: {  	s0 =	simm.s32 $0xF219  }
0x1e2: {  	v0 =	vld.msk [tilespmem:s0+$0x0], $0x1;
	_ =	sdelay $0x4  }
0x1e3: {  	(v2sf) =	vpush v0, $0x0;
	_ =	sdelay $0xb  }
0x1e4: {  	s31 =	sadd.s32 $0xFFFFFFFE, s6  }
0x1e5: {  	s0 =	sadd.s32 $0xFFFFFFFF, s31  }
0x1e6: {  	p2 =	sne.s32 s0, $0x0  }
.Ltmp28:
0x1e7: {  	s2 =	spop (v2sf);
	(pc) =	sbr.rel @!p2 .LBB2_37-.Ltmp28, $4  }
0x1e8: {  	s4 =	simm.s32 $0xF2B8;
	s7 =	simm.s32 $0x0;
	p1 =	sgt.u32 s2, $0x270F0  }
0x1e9: {  	s5 =	simm.s32 $0x0;
	s6 =	simm.s32 $0xF21A;
	s3 =	sand.u32 @!p1 $0x3FFF8, s2  }
0x1ea: {  	s2 =	sand.u32 @!p1 $0x7, s2;
	s7 =	simm.s32 @!p1 $0x200;
	s3 =	sadd.s32 @!p1 s1, s3  }
0x1eb: {  	[hbm4b:s3+s2] =	stream.linear.scatter @!p1 [tilespmem:s4], [sflag:$0x5], $0x80, $0x38;
	[tilespmem:$0x1F6F8] =	vst v63  }
.LBB2_36:
0x1ec: {  	v0 =	vld.msk [tilespmem:s6+$0x0], $0x1;
	s0 =	sadd.s32 $0xFFFFFFFF, s0;
	s5 =	sadd.s32 s5, s7  }
0x1ed: {  	p1 =	sne.s32 s0, $0x0;
	_ =	sdelay $0x3  }
0x1ee: {  	(v2sf) =	vpush v0, $0x0;
	_ =	sdelay $0xe  }
.Ltmp29:
0x1ef: {  	s2 =	spop (v2sf);
	(pc) =	sbr.rel @p1 .LBB2_36-.Ltmp29, $4  }
0x1f0: {  	s7 =	simm.s32 $0x0;
	p2 =	sgt.u32 s2, $0x270F0  }
0x1f1: {  	s4 =	sadd.s32 $0x80, s4;
	s7 =	simm.s32 @!p2 $0x200;
	s3 =	sand.u32 @!p2 $0x3FFF8, s2  }
0x1f2: {  	s6 =	sadd.s32 $0x1, s6;
	s2 =	sand.u32 @!p2 $0x7, s2;
	s3 =	sadd.s32 @!p2 s1, s3  }
0x1f3: {  	[hbm4b:s3+s2] =	stream.linear.scatter @!p2 [tilespmem:s4], [sflag:$0x5], $0x80, $0x38;
	[tilespmem:$0x1F6F8] =	vst v63  }
.LBB2_37:
0x1f4: {  	s0 =	sadd.s32 s5, s7  }
0x1f5: {  	s0 =	sshrl.u32 s0, $0x2  }
.LBB2_38:
0x1f6: {  	s2 =	simm.s32 $0x5  }
0x1f7: {  	_ =	swait.ge [sflag:s2], s0  }
0x1f8: {  	s31 =	ssub.s32 $0x0, s0;
	[sflag:s2] =	ssyncset.done $0x0  }
0x1f9: {  	[sflag:s2] =	ssyncadd.s32 s31  }
0x1fa: {  	[sflag:s2] =	ssyncpa.u1 $0x1  }
.LBB2_39:
0x1fb: {  	s0 =	sor.u32 s15, s16  }
0x1fc: {  	p1 =	sne.s32 s0, $0x0  }
.Ltmp30:
0x1fd: {  	_ = 	snop;
	(pc) =	sbr.rel @p1 .LBB2_54-.Ltmp30, $3  }
0x1fe: {  	_ =	sdelay $0x1  }
0x1ff: {  	[bflag:$0x0] =	sbarrier.arrive $0xFFFF  }
0x200: {  	_ =	sfence  }
0x201: {  	s0 =	simm.s32 $0x7  }
0x202: {  	s2 =	simm.s32 $0x1000;
	s3 =	simm.s32 $0xF218;
	[sflag:s0] =	ssyncpa.u1 $0x0  }
0x203: {  	[tilespmem:s3], [sflag:$0x7] =	stream.linear.gather [spmem:s2], $0x20, $0x38;
	[tilespmem:$0x1F6F8] =	vst v63  }
0x204: {  	s30 =	simm.s32 $0xF238;
	s2 =	simm.s32 $0x0  }
0x205: {  	[tilespmem:s30], [sflag:$0x7] =	stream.linear.gather [spmem:s2], $0x1000, $0x38;
	[tilespmem:$0x1F6F8] =	vst v63  }
.Ltmp31:
0x206: {  	_ = 	snop;
	(pc) =	sbr.rel .LBB2_41-.Ltmp31, $4  }
0x207: {  	_ =	swait.ge [sflag:s0], $0x1020  }
0x208: {  	[sflag:s0] =	ssyncset.done $0x0  }
0x209: {  	s31 =	simm.s32 $0x8;
	[sflag:s0] =	ssyncadd.s32 $0xFFFFEFE0  }
0x20a: {  	s3 =	simm.s32 $0x0;
	[sflag:s31] =	ssyncpa.u1 $0x0  }
.LBB2_47:
0x20b: {  	p1 =	slt.u32 s4, $0x270F1  }
0x20c: {  	s0 =	sand.u32 @p1 $0x3FFF8, s4  }
0x20d: {  	s4 =	sand.u32 @p1 $0x7, s4;
	s5 =	simm.s32 @p1 $0xF188;
	s0 =	sadd.s32 @p1 s1, s0  }
0x20e: {  	[tilespmem:s5], [sflag:$0x8] =	stream.linear.gather @p1 [hbm4b:s0+s4], $0x80, $0x38;
	[tilespmem:$0x1F6F8] =	vst v63  }
0x20f: {  	s0 =	simm.s32 @p1 $0x8  }
0x210: {  	_ =	swait.ge @p1 [sflag:s0], $0x80  }
0x211: {  	[sflag:s0] =	ssyncset.done @p1 $0x0  }
0x212: {  	[sflag:s0] =	ssyncadd.s32 @p1 $0xFFFFFF80  }
0x213: {  	v1 =	vld @p1 [tilespmem:$0xF188];
	_ =	sdelay $0x2  }
0x214: {  	s0 =	sshll.u32 @p1 s3, $0x9  }
0x215: {  	s4 =	sshrl.u32 @p1 s0, $0x2  }
0x216: {  	[tilespmem:s4+$0xF238] =	vst.add.f32.msk @p1 $0xffff, v1  }
0x217: {  	v1 =	vld @p1 [tilespmem:$0xF198];
	_ =	sdelay $0x4  }
0x218: {  	[tilespmem:s4+$0xF248] =	vst.add.f32.msk @p1 $0xffff, v1  }
0x219: {  	v1 =	vld @p1 [tilespmem:$0xF1A8];
	_ =	sdelay $0x4  }
0x21a: {  	[tilespmem:s4+$0xF258] =	vst.add.f32.msk @p1 $0xffff, v1  }
0x21b: {  	v1 =	vld @p1 [tilespmem:$0xF1B8];
	_ =	sdelay $0x4  }
0x21c: {  	[tilespmem:s4+$0xF268] =	vst.add.f32.msk @p1 $0xffff, v1  }
0x21d: {  	v1 =	vld @p1 [tilespmem:$0xF1C8];
	_ =	sdelay $0x4  }
0x21e: {  	[tilespmem:s4+$0xF278] =	vst.add.f32.msk @p1 $0xffff, v1  }
0x21f: {  	v1 =	vld @p1 [tilespmem:$0xF1D8];
	_ =	sdelay $0x4  }
0x220: {  	[tilespmem:s4+$0xF288] =	vst.add.f32.msk @p1 $0xffff, v1  }
0x221: {  	v1 =	vld @p1 [tilespmem:$0xF1E8];
	_ =	sdelay $0x4  }
0x222: {  	[tilespmem:s4+$0xF298] =	vst.add.f32.msk @p1 $0xffff, v1  }
0x223: {  	v1 =	vld @p1 [tilespmem:$0xF1F8];
	_ =	sdelay $0x3  }
0x224: {  	s5 =	sshll.u32 @!p1 s3, $0x9  }
0x225: {  	s5 =	smov.u32 @p1 s0;
	[tilespmem:s4+$0xF2A8] =	vst.add.f32.msk @p1 $0xffff, v1  }
0x226: {  	s0 =	sshrl.u32 s5, $0x2;
	[tilespmem:s2+$0xF218] =	vst.msk $0x1, v0  }
0x227: {  	v0 =	vld [tilespmem:s0+$0xF238];
	_ =	sdelay $0x2  }
0x228: {  	s31 =	sshll.u32 s2, $0x9  }
0x229: {  	s4 =	sshra.s32 s31, $0x2  }
0x22a: {  	[tilespmem:s4+$0xF238] =	vst v0  }
0x22b: {  	v0 =	vld [tilespmem:s0+$0xF248];
	_ =	sdelay $0x4  }
0x22c: {  	[tilespmem:s4+$0xF248] =	vst v0  }
0x22d: {  	v0 =	vld [tilespmem:s0+$0xF258];
	_ =	sdelay $0x4  }
0x22e: {  	[tilespmem:s4+$0xF258] =	vst v0  }
0x22f: {  	v0 =	vld [tilespmem:s0+$0xF268];
	_ =	sdelay $0x4  }
0x230: {  	[tilespmem:s4+$0xF268] =	vst v0  }
0x231: {  	v0 =	vld [tilespmem:s0+$0xF278];
	_ =	sdelay $0x4  }
0x232: {  	[tilespmem:s4+$0xF278] =	vst v0  }
0x233: {  	v0 =	vld [tilespmem:s0+$0xF288];
	_ =	sdelay $0x4  }
0x234: {  	[tilespmem:s4+$0xF288] =	vst v0  }
0x235: {  	v0 =	vld [tilespmem:s0+$0xF298];
	_ =	sdelay $0x4  }
0x236: {  	[tilespmem:s4+$0xF298] =	vst v0  }
0x237: {  	v0 =	vld [tilespmem:s0+$0xF2A8];
	_ =	sdelay $0x4  }
0x238: {  	s2 =	sadd.s32 $0x1, s2;
	[tilespmem:s4+$0xF2A8] =	vst v0  }
.LBB2_48:
0x239: {  	s3 =	sadd.s32 $0x1, s3  }
0x23a: {  	p1 =	sne.s32 s3, $0x20  }
.Ltmp32:
0x23b: {  	_ = 	snop;
	(pc) =	sbr.rel @!p1 .LBB2_49-.Ltmp32, $1  }
0x23c: {  	_ =	sdelay $0x3  }
.LBB2_41:
0x23d: {  	v0 =	vld.msk [tilespmem:s3+$0xF218], $0x1;
	_ =	sdelay $0x4  }
0x23e: {  	(v2sf) =	vpush v0, $0x0;
	_ =	sdelay $0xe  }
0x23f: {  	s4 =	spop (v2sf)  }
0x240: {  	p1 =	seq.s32 s4, $0xFFFFFFFF  }
.Ltmp33:
0x241: {  	_ = 	snop;
	(pc) =	sbr.rel @p1 .LBB2_48-.Ltmp33, $1  }
0x242: {  	_ =	sdelay $0x3  }
0x243: {  	p1 =	slt.s32 s2, $0x1  }
.Ltmp34:
0x244: {  	_ = 	snop;
	(pc) =	sbr.rel @p1 .LBB2_47-.Ltmp34, $1  }
0x245: {  	_ =	sdelay $0x3  }
0x246: {  	s5 =	simm.s32 $0xF218;
	p1 =	por $0x0, $0x0  }
0x247: {  	v1 =	vld.msk @!p1 [tilespmem:s5+$0x0], $0x1;
	_ =	sdelay $0x4  }
0x248: {  	(v2sf) =	vpush @!p1 v1, $0x0;
	_ =	sdelay $0xd  }
0x249: {  	p3 =	sne.s32 s2, $0x1  }
.Ltmp35:
0x24a: {  	s0 =	spop @!p1 (v2sf);
	(pc) =	sbr.rel @!p3 .LBB2_45-.Ltmp35, $4  }
0x24b: {  	p2 =	seq.s32 @!p1 s4, s0  }
0x24c: {  	s6 =	simm.s32 $0x0;
	p2 =	por !p2, p1  }
0x24d: {  	s7 =	simm.s32 $0xFFFFFFFF;
	s6 =	simm.s32 @p2 $0xFFFFFFFF  }
0x24e: {  	s0 =	simm.s32 $0x1;
	s6 =	smov.u32 @p1 s7  }
.LBB2_44:
0x24f: {  	s7 =	smov.u32 s6;
	p1 =	sne.s32 s6, $0xFFFFFFFF  }
0x250: {  	s5 =	sadd.s32 $0x1, s5;
	s6 =	smov.u32 s0;
	s0 =	sadd.s32 $0x1, s0  }
0x251: {  	p2 =	sne.s32 s2, s0;
	v1 =	vld.msk @!p1 [tilespmem:s5+$0x0], $0x1;
	_ =	sdelay $0x4  }
0x252: {  	(v2sf) =	vpush @!p1 v1, $0x0;
	_ =	sdelay $0xe  }
.Ltmp36:
0x253: {  	s8 =	spop @!p1 (v2sf);
	(pc) =	sbr.rel @p2 .LBB2_44-.Ltmp36, $4  }
0x254: {  	p3 =	seq.s32 @!p1 s4, s8  }
0x255: {  	p3 =	por !p3, p1  }
0x256: {  	s6 =	simm.s32 @p3 $0xFFFFFFFF  }
0x257: {  	s6 =	smov.u32 @p1 s7  }
.LBB2_45:
0x258: {  	p1 =	seq.s32 s6, $0xFFFFFFFF  }
.Ltmp37:
0x259: {  	_ = 	snop;
	(pc) =	sbr.rel @p1 .LBB2_47-.Ltmp37, $1  }
0x25a: {  	_ =	sdelay $0x3  }
0x25b: {  	s0 =	sshll.u32 s3, $0x7  }
0x25c: {  	s0 =	sand.u32 $0x3FFFFF80, s0  }
0x25d: {  	v0 =	vld [tilespmem:s0+$0xF238];
	_ =	sdelay $0x2  }
0x25e: {  	s4 =	sshll.u32 s6, $0x9  }
0x25f: {  	s4 =	sshra.s32 s4, $0x2  }
0x260: {  	[tilespmem:s4+$0xF238] =	vst.add.f32.msk $0xffff, v0  }
0x261: {  	v0 =	vld [tilespmem:s0+$0xF248];
	_ =	sdelay $0x4  }
0x262: {  	[tilespmem:s4+$0xF248] =	vst.add.f32.msk $0xffff, v0  }
0x263: {  	v0 =	vld [tilespmem:s0+$0xF258];
	_ =	sdelay $0x4  }
0x264: {  	[tilespmem:s4+$0xF258] =	vst.add.f32.msk $0xffff, v0  }
0x265: {  	v0 =	vld [tilespmem:s0+$0xF268];
	_ =	sdelay $0x4  }
0x266: {  	[tilespmem:s4+$0xF268] =	vst.add.f32.msk $0xffff, v0  }
0x267: {  	v0 =	vld [tilespmem:s0+$0xF278];
	_ =	sdelay $0x4  }
0x268: {  	[tilespmem:s4+$0xF278] =	vst.add.f32.msk $0xffff, v0  }
0x269: {  	v0 =	vld [tilespmem:s0+$0xF288];
	_ =	sdelay $0x4  }
0x26a: {  	[tilespmem:s4+$0xF288] =	vst.add.f32.msk $0xffff, v0  }
0x26b: {  	v0 =	vld [tilespmem:s0+$0xF298];
	_ =	sdelay $0x4  }
0x26c: {  	[tilespmem:s4+$0xF298] =	vst.add.f32.msk $0xffff, v0  }
0x26d: {  	v0 =	vld [tilespmem:s0+$0xF2A8]  }
.Ltmp38:
0x26e: {  	_ = 	snop;
	(pc) =	sbr.rel .LBB2_48-.Ltmp38, $2  }
0x26f: {  	_ =	sdelay $0x2  }
0x270: {  	[tilespmem:s4+$0xF2A8] =	vst.add.f32.msk $0xffff, v0  }
.LBB2_49:
0x271: {  	p1 =	slt.s32 s2, $0x1  }
.Ltmp39:
0x272: {  	_ = 	snop;
	(pc) =	sbr.rel @p1 .LBB2_53-.Ltmp39, $3  }
0x273: {  	_ =	sdelay $0x1  }
0x274: {  	s0 =	simm.s32 $0x8  }
0x275: {  	s3 =	simm.s32 $0x0;
	[sflag:s0] =	ssyncpa.u1 $0x1  }
0x276: {  	s0 =	simm.s32 $0xF218  }
0x277: {  	v0 =	vld.msk [tilespmem:s0+$0x0], $0x1;
	_ =	sdelay $0x4  }
0x278: {  	(v2sf) =	vpush v0, $0x0;
	_ =	sdelay $0xe  }
0x279: {  	s0 =	sadd.s32 $0xFFFFFFFF, s2;
	s5 =	spop (v2sf)  }
0x27a: {  	p2 =	sne.s32 s0, $0x0;
	p1 =	sgt.u32 s5, $0x270F0  }
.Ltmp40:
0x27b: {  	s6 =	sand.u32 @!p1 $0x3FFF8, s5;
	(pc) =	sbr.rel @!p2 .LBB2_52-.Ltmp40, $4  }
0x27c: {  	s4 =	simm.s32 $0xF238;
	s5 =	sand.u32 @!p1 $0x7, s5;
	s2 =	sadd.s32 @!p1 s1, s6  }
0x27d: {  	[hbm4b:s2+s5] =	stream.linear.scatter @!p1 [tilespmem:s4], [sflag:$0x7], $0x80, $0x38;
	[tilespmem:$0x1F6F8] =	vst v63  }
0x27e: {  	s5 =	simm.s32 $0x0  }
0x27f: {  	s2 =	simm.s32 $0xF219;
	s5 =	simm.s32 @!p1 $0x200  }
.LBB2_51:
0x280: {  	v0 =	vld.msk [tilespmem:s2+$0x0], $0x1;
	s0 =	sadd.s32 $0xFFFFFFFF, s0;
	s3 =	sadd.s32 s3, s5  }
0x281: {  	p1 =	sne.s32 s0, $0x0;
	_ =	sdelay $0x3  }
0x282: {  	(v2sf) =	vpush v0, $0x0;
	_ =	sdelay $0xe  }
.Ltmp41:
0x283: {  	s6 =	spop (v2sf);
	(pc) =	sbr.rel @p1 .LBB2_51-.Ltmp41, $4  }
0x284: {  	s5 =	simm.s32 $0x0;
	p2 =	sgt.u32 s6, $0x270F0  }
0x285: {  	s4 =	sadd.s32 $0x80, s4;
	s5 =	simm.s32 @!p2 $0x200;
	s7 =	sand.u32 @!p2 $0x3FFF8, s6  }
0x286: {  	s2 =	sadd.s32 $0x1, s2;
	s6 =	sand.u32 @!p2 $0x7, s6;
	s7 =	sadd.s32 @!p2 s1, s7  }
0x287: {  	[hbm4b:s7+s6] =	stream.linear.scatter @!p2 [tilespmem:s4], [sflag:$0x7], $0x80, $0x38;
	[tilespmem:$0x1F6F8] =	vst v63  }
.LBB2_52:
0x288: {  	s0 =	sadd.s32 s3, s5  }
0x289: {  	s3 =	sshrl.u32 s0, $0x2  }
.LBB2_53:
0x28a: {  	s0 =	simm.s32 $0x7  }
0x28b: {  	_ =	swait.ge [sflag:s0], s3  }
0x28c: {  	s1 =	ssub.s32 $0x0, s3;
	[sflag:s0] =	ssyncset.done $0x0  }
0x28d: {  	[sflag:s0] =	ssyncadd.s32 s1  }
0x28e: {  	[sflag:s0] =	ssyncpa.u1 $0x1  }
.LBB2_54:
0x28f: {  	_ =	sfence;
	s0 =	simm.s32 $0x1  }
0x290: {  	[sflag:s0] =	ssyncpa.u1 $0x1  }
0x291: {  	_ =	strace $0x90000053  }
0x292: {  	[bflag:$0x2] =	sbarrier.arrive $0xFFFF  }
0x293: {  	s0 =	rddreg [dreg:$0x4]  }
0x294: {  	s0 =	sadd.s32 @!p0 $0x100000, s0  }
0x295: {  	[sflag:s0] =	ssyncadd.tile.s32 @!p0 $0x1;
	_ =	shalt  }
.Lfunc_end2:
_tile_overlayer_lowered:
.L_overlay_start_2:
0x296: {  	(tag) =	ssettag $0x2  }
0x297: {  	s0 =	rddreg [dreg:$0x0];
	s2 =	stileid.u32  }
0x298: {  	s1 =	rddreg [dreg:$0x1];
	p0 =	sne.s32 s2, $0x0  }
0x299: {  	s3 =	rddreg [dreg:$0x2];
	[bflag:$0x3] =	sbarrier.arrive $0xFFFF;
	s2 =	simm.s32 @!p0 $0x1C01  }
0x29a: {  	[timem:s3], [sflag:s2] =	dma.local @!p0 [hbm:s0], s1  }
0x29b: {  	s0 =	simm.s32 @!p0 $0x1  }
0x29c: {  	_ =	swait.ge @!p0 [sflag:s0], s1  }
0x29d: {  	s1 =	ssub.s32 @!p0 $0x0, s1;
	[sflag:s0] =	ssyncset.done @!p0 $0x0  }
0x29e: {  	[sflag:s0] =	ssyncadd.s32 @!p0 s1  }
0x29f: {  	[bflag:$0x3] =	sbarrier.arrive $0xFFFF  }
0x2a0: {  	_ =	shalt  }

// kernel: scatter_offload_async_start
scs
__scs_entry_jumppad:
0x0: {  	(pc) =	sbr.rel $0x88, $3  }
0x1: {  	(tag) =	ssettag $0x0;
	lr =	simm.s32 $0x1  }
0x2: {  	[smem:$0x3F7B] =	sst lr;
	_ =	strace $0xD0000000  }
0x3: {  	_ = 	snop  }
0x4: {  	_ = 	snop  }
0x5: {  	_ = 	snop  }
0x6: {  	_ = 	snop  }
0x7: {  	_ = 	snop  }
__scs_overlays_trampoline_lowered:
0x8: {  	[smem:$0x3F8A] =	sst s0  }
0x9: {  	[smem:$0x3F8B] =	sst s1  }
0xa: {  	[smem:$0x3F8C] =	sst s2  }
0xb: {  	[smem:$0x3F8D] =	sst s3  }
0xc: {  	[smem:$0x3F8E] =	sst s4  }
0xd: {  	[smem:$0x3F8F] =	sst s5  }
0xe: {  	[smem:$0x3F90] =	sst s6  }
0xf: {  	[smem:$0x3F91] =	sst s7  }
0x10: {  	[smem:$0x3F92] =	sst s8  }
0x11: {  	[smem:$0x3F93] =	sst s9;
	s0 =	simm.s32 @!p0 $0x0  }
0x12: {  	s1 =	sld [smem:$0x3F79];
	s0 =	simm.s32 @p0 $0x1  }
0x13: {  	[smem:$0x3F94] =	sst s0;
	s0 =	simm.s32 @!p1 $0x0  }
0x14: {  	s2 =	sld [smem:$0x3F78];
	s0 =	simm.s32 @p1 $0x1  }
0x15: {  	[smem:$0x3F95] =	sst s0;
	s0 =	simm.s32 @!p2 $0x0  }
0x16: {  	s3 =	sld [smem:$0x3FDB];
	s0 =	simm.s32 @p2 $0x1  }
0x17: {  	s4 =	simm.s32 $0x1BF5;
	[smem:$0x3F97] =	sst s0  }
0x18: {  	s0 =	sld [smem:$0x3F7A];
	_ =	swait.ge [sflag:s4], $0x0  }
0x19: {  	s7 =	sld [smem:$0x3F7B]  }
0x1a: {  	s8 =	sadd.s32 $0xFFFFE003, lr  }
0x1b: {  	s9 =	sadd.s32 $0xFFFFFEF7, lr;
	s5 =	simm.s32 $0xFFFFFFFF;
	p2 =	slt.u32 s8, $0xFFFFF086  }
0x1c: {  	p1 =	slt.u32 s9, $0xF7A;
	s5 =	simm.s32 @!p2 $0x0  }
0x1d: {  	s5 =	simm.s32 @p1 $0x1;
	p0 =	seq.s32 s7, s2  }
0x1e: {  	s7 =	smul.u32 @!p0 $0xF7A, s2;
	p2 =	seq.s32 @!p0 s5, $0x0  }
0x1f: {  	s9 =	smul.u32 $0xF7A, s1;
	s8 =	simm.s32 @!p0 $0x1BF5;
	p2 =	por !p2, p0  }
0x20: {  	[sflag:s8] =	ssyncset.s32 @!p0 $0xFFFFF086;
	s6 =	sadd.s32 @!p0 s3, s7;
	s7 =	simm.s32 @!p0 $0x108  }
0x21: {  	s3 =	sadd.s32 s3, s9;
	s6 =	sadd.s32 @!p0 $0x88, s6;
	s7 =	simm.s32 @p2 $0x1082  }
0x22: {  	[simem:s7], [sflag:s8] =	dma.local @!p0 [hbm:s6], $0xF7A  }
0x23: {  	s9 =	sor.u32 $0xD0000000, s2;
	s6 =	simm.s32 $0x108;
	_ =	swait.ge @!p0 [sflag:s8], $0x0  }
0x24: {  	s3 =	sadd.s32 $0x88, s3;
	s6 =	simm.s32 @!p1 $0x1082;
	[sflag:s4] =	ssyncset.s32 $0xFFFFF086  }
0x25: {  	[simem:s6], [sflag:s4] =	dma.local [hbm:s3], $0xF7A  }
0x26: {  	[smem:$0x3F7B] =	sst s1;
	(tag) =	ssettag s2;
	_ =	strace s9  }
0x27: {  	s1 =	sld [smem:$0x3F8B]  }
0x28: {  	s2 =	sld [smem:$0x3F8C]  }
0x29: {  	s4 =	sld [smem:$0x3F8E]  }
0x2a: {  	p0 =	seq.s32 s5, $0x0;
	s5 =	sld [smem:$0x3F8F]  }
0x2b: {  	s6 =	sld [smem:$0x3F90]  }
0x2c: {  	s7 =	sld [smem:$0x3F91]  }
0x2d: {  	s3 =	simm.s32 $0x108;
	s8 =	sld [smem:$0x3F92]  }
0x2e: {  	s3 =	simm.s32 @!p0 $0x1082;
	s9 =	sld [smem:$0x3F93]  }
0x2f: {  	lr =	sadd.s32 s0, s3;
	s0 =	sld [smem:$0x3F8A]  }
0x30: {  	s3 =	sld [smem:$0x3F8D]  }
0x31: {  	[smem:$0x3F96] =	sst s10  }
0x32: {  	s10 =	sld [smem:$0x3F94];
	_ =	sdelay $0x3  }
0x33: {  	p0 =	seq.s32 s10, $0x1;
	s10 =	sld [smem:$0x3F96];
	_ =	sdelay $0x3  }
0x34: {  	[smem:$0x3F96] =	sst s10  }
0x35: {  	s10 =	sld [smem:$0x3F95];
	_ =	sdelay $0x3  }
0x36: {  	p1 =	seq.s32 s10, $0x1;
	s10 =	sld [smem:$0x3F96];
	_ =	sdelay $0x3  }
0x37: {  	[smem:$0x3F96] =	sst s10  }
0x38: {  	s10 =	sld [smem:$0x3F97]  }
0x39: {  	_ = 	snop;
	(pc) =	sbr.ind lr, $3  }
0x3a: {  	_ = 	snop  }
0x3b: {  	_ = 	snop  }
0x3c: {  	p2 =	seq.s32 s10, $0x1;
	s10 =	sld [smem:$0x3F96]  }
0x3d: {  	_ =	shalt  }
0x3e: {  	_ =	shalt  }
0x3f: {  	_ =	shalt  }
0x40: {  	_ =	shalt  }
0x41: {  	_ =	shalt  }
0x42: {  	_ =	shalt  }
0x43: {  	_ =	shalt  }
0x44: {  	_ =	shalt  }
0x45: {  	_ =	shalt  }
0x46: {  	_ =	shalt  }
0x47: {  	_ =	shalt  }
0x48: {  	_ =	shalt  }
0x49: {  	_ =	shalt  }
0x4a: {  	_ =	shalt  }
0x4b: {  	_ =	shalt  }
0x4c: {  	_ =	shalt  }
0x4d: {  	_ =	shalt  }
0x4e: {  	_ =	shalt  }
0x4f: {  	_ =	shalt  }
0x50: {  	_ =	shalt  }
0x51: {  	_ =	shalt  }
0x52: {  	_ =	shalt  }
0x53: {  	_ =	shalt  }
0x54: {  	_ =	shalt  }
0x55: {  	_ =	shalt  }
0x56: {  	_ =	shalt  }
0x57: {  	_ =	shalt  }
0x58: {  	_ =	shalt  }
0x59: {  	_ =	shalt  }
0x5a: {  	_ =	shalt  }
0x5b: {  	_ =	shalt  }
0x5c: {  	_ =	shalt  }
0x5d: {  	_ =	shalt  }
0x5e: {  	_ =	shalt  }
0x5f: {  	_ =	shalt  }
0x60: {  	_ =	shalt  }
0x61: {  	_ =	shalt  }
0x62: {  	_ =	shalt  }
0x63: {  	_ =	shalt  }
0x64: {  	_ =	shalt  }
0x65: {  	_ =	shalt  }
0x66: {  	_ =	shalt  }
0x67: {  	_ =	shalt  }
0x68: {  	_ =	shalt  }
0x69: {  	_ =	shalt  }
0x6a: {  	_ =	shalt  }
0x6b: {  	_ =	shalt  }
0x6c: {  	_ =	shalt  }
0x6d: {  	_ =	shalt  }
0x6e: {  	_ =	shalt  }
0x6f: {  	_ =	shalt  }
0x70: {  	_ =	shalt  }
0x71: {  	_ =	shalt  }
0x72: {  	_ =	shalt  }
0x73: {  	_ =	shalt  }
0x74: {  	_ =	shalt  }
0x75: {  	_ =	shalt  }
0x76: {  	_ =	shalt  }
0x77: {  	_ =	shalt  }
0x78: {  	_ =	shalt  }
0x79: {  	_ =	shalt  }
0x7a: {  	_ =	shalt  }
0x7b: {  	_ =	shalt  }
0x7c: {  	_ =	shalt  }
0x7d: {  	_ =	shalt  }
0x7e: {  	_ =	shalt  }
0x7f: {  	_ =	shalt  }
0x80: {  	_ =	shalt  }
0x81: {  	_ =	shalt  }
0x82: {  	_ =	shalt  }
0x83: {  	_ =	shalt  }
0x84: {  	_ =	shalt  }
0x85: {  	_ =	shalt  }
0x86: {  	_ =	shalt  }
0x87: {  	_ =	shalt  }
.Lfunc_end0:
.L_simem_size_0:
called_computation_lowered:
.L_overlay_start_0:
0x88: {  	s2 =	sld [smem:$0x3FD9]  }
0x89: {  	s3 =	sld [smem:$0x3FFE];
	_ =	sdelay $0x1  }
0x8a: {  	s1 =	srdreg.scid  }
0x8b: {  	s0 =	sand.u32 $0x1, s1  }
0x8c: {  	s13 =	sshll.u32 s0, $0xA;
	s2 =	sadd.s32 s3, s2  }
0x8d: {  	s2 =	sadd.s32 s2, s13  }
0x8e: {  	[smem:$0x3FA2] =	sst s2  }
0x8f: {  	_ = 	snop  }
0x90: {  	s2 =	sld [smem:$0x3FD0];
	_ =	sdelay $0x2  }
0x91: {  	s14 =	simm.s32 $0xB;
	s4 =	simm.s32 $0x10  }
0x92: {  	[smem:s4], [sflag:s14] =	dma.local [hbm:s2], $0x1  }
0x93: {  	_ =	swait.eq [sflag:s14], $0x1  }
0x94: {  	[sflag:s14] =	ssyncset.done $0x0  }
0x95: {  	[sflag:s14] =	ssyncadd.s32 $0xFFFFFFFF  }
0x96: {  	s15 =	sld [smem:$0x11];
	(tm) =	ssettm $0x1  }
0x97: {  	s16 =	sld [smem:$0x3FFB];
	_ =	sdelay $0x3  }
0x98: {  	_ =	strace s16  }
0x99: {  	s3 =	sld [smem:$0x3FFC];
	_ =	sdelay $0x3  }
0x9a: {  	_ =	strace s3  }
0x9b: {  	s3 =	sld [smem:$0x3FFD];
	_ =	sdelay $0x3  }
0x9c: {  	_ =	strace s3  }
0x9d: {  	_ =	strace $0x8FFFFFFF  }
0x9e: {  	s17 =	sld [smem:$0x3FDB];
	_ =	sdelay $0x1  }
0x9f: {  	s18 =	simm.s32 $_scs_section_size  }
0xa0: {  	s5 =	simm.s32 $_size__tile_overlayer_lowered;
	s6 =	simm.s32 $_tile_overlayer_lowered  }
0xa1: {  	s21 =	simm.s32 $0x1BFF;
	s20 =	sshll.u32 s6, $0x1;
	s3 =	sadd.s32 s18, s17  }
0xa2: {  	s7 =	simm.s32 $0x0;
	s19 =	sshll.u32 s5, $0x1;
	s5 =	sadd.s32 s20, s3  }
0xa3: {  	[timem:s7], [sflag:s21] =	dma.local [hbm:s5], s19  }
0xa4: {  	_ =	swait.ge [sflag:s21], s19  }
0xa5: {  	s4 =	ssub.s32 $0x0, s19;
	[sflag:s21] =	ssyncset.done $0x0  }
0xa6: {  	[sflag:s21] =	ssyncadd.s32 s4;
	_ =	sdelay $0x1  }
0xa7: {  	s22 =	simm.s32 $0x1B8B  }
0xa8: {  	_ =	swait.ge [sflag:s22], $0x1  }
0xa9: {  	[sflag:s22] =	ssyncset.done $0x0  }
0xaa: {  	s23 =	sld [smem:$0x3FFE];
	[sflag:s22] =	ssyncadd.s32 $0xFFFFFFFF  }
0xab: {  	s25 =	simm.s32 $0x1B8E;
	s24 =	sld [smem:$0x0]  }
0xac: {  	s26 =	simm.s32 $execute0_lowered;
	[smem:$0x3FD2] =	sst s25  }
0xad: {  	s6 =	sshll.u32 s26, $0x1;
	_ =	strace $0x80000049;
	[dreg:$0x1] =	wrdreg $0xFFFFFFFF  }
0xae: {  	s28 =	simm.s32 $_size_execute0_lowered;
	s3 =	sadd.s32 s3, s6;
	[dreg:$0x0] =	wrdreg $0x0  }
0xaf: {  	s6 =	sshll.u32 s28, $0x1;
	[dreg:$0x2] =	wrdreg s3  }
0xb0: {  	[dreg:$0x3] =	wrdreg s6  }
0xb1: {  	[dreg:$0x4] =	wrdreg $0xC0  }
0xb2: {  	_ =	task [dreg:s7], $0x5FFFF  }
0xb3: {  	[dreg:$0x1] =	wrdreg $0xFFFFFFFF  }
0xb4: {  	[dreg:$0x0] =	wrdreg $0x60  }
0xb5: {  	[dreg:$0x2] =	wrdreg s23  }
0xb6: {  	[dreg:$0x3] =	wrdreg s15  }
0xb7: {  	[dreg:$0x4] =	wrdreg s1  }
0xb8: {  	[dreg:$0x5] =	wrdreg s24  }
0xb9: {  	[dreg:$0x6] =	wrdreg $0x9  }
0xba: {  	_ =	task.clear_ibuf [dreg:s7], $0x7FFFF;
	_ =	strace $0x90000049  }
0xbb: {  	s29 =	simm.s32 $0x9;
	_ =	strace $0x8000004B  }
0xbc: {  	_ =	swait.ge [sflag:s29], $0x1  }
0xbd: {  	[sflag:s29] =	ssyncadd.s32 $0xFFFFFFFF  }
0xbe: {  	_ =	strace $0x9000004B  }
0xbf: {  	_ =	sfence  }
0xc0: {  	s30 =	sld [smem:$0x0];
	_ =	sdelay $0x2  }
0xc1: {  	s31 =	sshll.u32 s1, $0xD;
	s1 =	sshrl.u32 s1, $0x2  }
0xc2: {  	s3 =	sand.u32 $0x4000, s31;
	s1 =	sadd.s32 s1, s30  }
0xc3: {  	s0 =	sor.u32 s3, s0;
	s1 =	sshll.u32 s1, $0x11  }
0xc4: {  	s0 =	sor.u32 s1, s0  }
0xc5: {  	s0 =	sadd.s32 $0x8F2B, s0  }
0xc6: {  	[sflag:s0] =	ssyncadd.remote.s32 $0x1  }
0xc7: {  	_ =	sfence.sel $0xFFFF  }
0xc8: {  	[dreg:$0x0] =	wrdreg $0xFFFFFFFF;
	(pc) =	sbr.abs _section_cstart, $3  }
0xc9: {  	[dreg:$0x1] =	wrdreg $0xFFFFFFFF  }
0xca: {  	_ =	task.clear_ibuf [dreg:s7], $0x2FFFF;
	_ =	strace $0x9FFFFFFF  }
0xcb: {  	(tm) =	ssettm $0x7FFFFFFF  }
tec
execute0_lowered:
.L_overlay_start_1:
0x0: {  	(tag) =	ssettag $0x1  }
0x1: {  	s2 =	rddreg [dreg:$0x0]  }
0x2: {  	s15 =	rddreg [dreg:$0x1]  }
0x3: {  	s3 =	rddreg [dreg:$0x2];
	_ =	strace $0x8000004A;
	s0 =	simm.s32 $0x1  }
0x4: {  	v0 =	vimm.s32 $0x0;
	[sflag:s0] =	ssyncpa.u1 $0x0;
	s0 =	simm.s32 $0x108  }
0x5: {  	[tilespmem:s0+$0x70] =	vst v0  }
0x6: {  	[tilespmem:s0+$0x60] =	vst v0  }
0x7: {  	[tilespmem:s0+$0x50] =	vst v0  }
0x8: {  	[tilespmem:s0+$0x40] =	vst v0  }
0x9: {  	[tilespmem:s0+$0x30] =	vst v0  }
0xa: {  	s1 =	sadd.s32 $0x800, s2;
	s6 =	sadd.s32 $0x4EC600, s2;
	[tilespmem:s0+$0x20] =	vst v0  }
0xb: {  	s14 =	sadd.s32 $0xEB0600, s2;
	s5 =	sand.u32 $0x1, s3;
	s3 =	simm.s32 $0x40;
	[tilespmem:s0+$0x10] =	vst v0  }
.LBB2_1:
0xc: {  	s3 =	sadd.s32 $0x40, s3;
	[tilespmem:s0+$0x0] =	vst v0;
	s0 =	sadd.s32 $0x80, s0  }
0xd: {  	p0 =	slt.u32 s3, $0x3C40;
	[tilespmem:s0+$0x70] =	vst v0  }
0xe: {  	[tilespmem:s0+$0x60] =	vst v0  }
.Ltmp0:
0xf: {  	[tilespmem:s0+$0x50] =	vst v0;
	(pc) =	sbr.rel @p0 .LBB2_1-.Ltmp0, $4  }
0x10: {  	[tilespmem:s0+$0x40] =	vst v0  }
0x11: {  	[tilespmem:s0+$0x30] =	vst v0  }
0x12: {  	[tilespmem:s0+$0x20] =	vst v0  }
0x13: {  	[tilespmem:s0+$0x10] =	vst v0  }
0x14: {  	s9 =	stileid.u32  }
0x15: {  	s2 =	smul.u32 $0x29, s9  }
0x16: {  	s3 =	smin.u32 s9, $0xB  }
0x17: {  	s2 =	sadd.s32 s3, s2  }
0x18: {  	p0 =	slt.u32 s9, $0xB;
	s7 =	smul.u32 $0xF0, s2;
	s2 =	simm.s32 $0x2760  }
0x19: {  	s2 =	simm.s32 @!p0 $0x2670  }
0x1a: {  	s2 =	sadd.s32 s2, s7  }
0x1b: {  	s8 =	smin.u32 s2, $0x27100  }
0x1c: {  	s2 =	ssub.s32 s8, s7  }
0x1d: {  	p0 =	sgt.s32 s2, $0x0  }
0x1e: {  	s29 =	simm.s32 $0x2;
	s10 =	simm.s32 $0x9;
	s2 =	simm.s32 @!p0 $0x0  }
0x1f: {  	s4 =	simm.s32 $0xA;
	s11 =	simm.s32 $0xB;
	s28 =	smulhi.u32 $0x88888889, s2  }
0x20: {  	[dreg:$0x5] =	wrdreg s5;
	s31 =	smul.u32 $0x4E20, s5;
	s12 =	simm.s32 $0x1  }
0x21: {  	s22 =	simm.s32 $0x0;
	s18 =	simm.s32 $0xC;
	s30 =	sshrl.u32 s28, $0x7  }
0x22: {  	s20 =	simm.s32 $0x0;
	s21 =	simm.s32 $0x0;
	s3 =	smul.u32 $0xF0, s30  }
.Ltmp1:
0x23: {  	[tilespmem:s0+$0x0] =	vst v0;
	v0 =	vimm.s32 $0xFFFFFFFF;
	[sflag:s29] =	ssyncpa.u1 $0x0;
	s16 =	sshll.u32 s9, $0x8;
	(pc) =	sbr.rel .LBB2_3-.Ltmp1, $4  }
0x24: {  	[tilespmem:$0xF208] =	vst v0;
	[sflag:s10] =	ssyncpa.u1 $0x0;
	p0 =	sne.s32 s2, s3;
	s2 =	simm.s32 $0x1  }
0x25: {  	s14 =	sadd.s32 s31, s14;
	[sflag:s4] =	ssyncpa.u1 $0x0;
	s2 =	simm.s32 @!p0 $0x0  }
0x26: {  	s15 =	sadd.s32 s31, s15;
	[sflag:s11] =	ssyncpa.u1 $0x0;
	s13 =	sadd.s32 s2, s30  }
0x27: {  	v0 =	vlaneseq.u32;
	s19 =	smov.u32 s7;
	p0 =	por $0x0, $0x0;
	s17 =	sadd.s32 $0x1, s13  }
.LBB2_18:
0x28: {  	s0 =	sshrl.u32 s31, $0x2  }
.LBB2_20:
0x29: {  	_ =	swait.ge [sflag:s18], s0  }
0x2a: {  	s31 =	ssub.s32 $0x0, s0;
	v1 =	vmov s24;
	vm0 =	veq.s32 v0, $0x0;
	[sflag:s18] =	ssyncset.done $0x0  }
0x2b: {  	vm15 =	veq.s32 v0, $0x2;
	v1 =	vsel vm0, s30, v1;
	[sflag:s18] =	ssyncadd.s32 s31  }
0x2c: {  	v1 =	vsel vm15, s22, v1;
	[sflag:s18] =	ssyncpa.u1 $0x1  }
0x2d: {  	[tilespmem:$0xF208] =	vst v1  }
.LBB2_21:
0x2e: {  	s0 =	sadd.s32 $0xF0, s19  }
0x2f: {  	s2 =	smov.u32 s7;
	p1 =	slt.s32 s0, s8  }
0x30: {  	s2 =	smov.u32 @p1 s0;
	p1 =	sne.s32 s21, s17  }
.Ltmp2:
0x31: {  	_ = 	snop;
	(pc) =	sbr.rel @!p1 .LBB2_22-.Ltmp2, $3  }
0x32: {  	_ =	sdelay $0x1  }
0x33: {  	s22 =	smov.u32 s20;
	s31 =	sadd.s32 $0x1, s21;
	s20 =	smov.u32 s19  }
0x34: {  	p0 =	por !p0, !p0;
	s21 =	smov.u32 s31;
	s19 =	smov.u32 s2  }
.LBB2_3:
0x35: {  	p1 =	sge.u32 s21, s13  }
0x36: {  	s0 =	smulhi.u32 @!p1 $0xAAAAAAAB, s21  }
0x37: {  	s2 =	smov.u32 s19;
	p2 =	sgt.s32 @!p1 s19, $0x27010  }
0x38: {  	s3 =	sshra.s32 @!p1 s19, $0x1F;
	p2 =	por !p2, p1;
	s0 =	sshrl.u32 @!p1 s0, $0x1  }
0x39: {  	s3 =	sand.u32 @!p1 s3, s19;
	s2 =	simm.s32 @p2 $0x27010;
	s0 =	smul.u32 @!p1 $0x3, s0  }
0x3a: {  	s2 =	ssub.s32 @!p1 s2, s3  }
0x3b: {  	s2 =	sadd.s32 @!p1 $0xFFFD8FF0, s2;
	s0 =	ssub.s32 @!p1 s21, s0  }
0x3c: {  	s3 =	sshll.u32 @!p1 s2, $0x2;
	p2 =	sgt.s32 @!p1 s2, $0xEF;
	s0 =	smul.u32 @!p1 $0x3C0, s0  }
0x3d: {  	s4 =	sand.u32 @!p1 $0x7, s19;
	s2 =	ssub.s32 @!p1 $0x3C0, s3;
	p2 =	por !p2, p1  }
0x3e: {  	s3 =	sshrl.u32 @!p1 s19, $0x3;
	s2 =	sshrl.u32 @!p1 s2, $0x2;
	s0 =	sshrl.u32 @!p1 s0, $0x2  }
0x3f: {  	s3 =	sadd.s32 @!p1 s3, s14;
	s2 =	simm.s32 @!p2 $0x0;
	s0 =	sadd.s32 @!p1 $0x10248, s0  }
0x40: {  	[tilespmem:s0], [sflag:$0xA] =	stream.linear.gather @!p1 [hbm4b:s3+s4], s2, $0x38;
	[tilespmem:$0x1F6F8] =	vst v63  }
0x41: {  	s0 =	sadd.s32 $0xFFFFFFFF, s21  }
0x42: {  	p1 =	sge.u32 s0, s13  }
0x43: {  	p2 =	sgt.s32 @!p1 s20, $0x27010  }
0x44: {  	s2 =	smov.u32 s20;
	s3 =	sshra.s32 @!p1 s20, $0x1F;
	p2 =	por !p2, p1  }
0x45: {  	s3 =	sand.u32 @!p1 s3, s20;
	s2 =	simm.s32 @p2 $0x27010  }
0x46: {  	s2 =	ssub.s32 @!p1 s2, s3  }
0x47: {  	s2 =	sadd.s32 @!p1 $0xFFFD8FF0, s2  }
0x48: {  	s4 =	sand.u32 @!p1 $0x1, s0;
	s3 =	sshll.u32 @!p1 s2, $0x2  }
0x49: {  	p2 =	sgt.s32 @!p1 s2, $0xEF;
	s2 =	ssub.s32 @!p1 $0x3C0, s3;
	s3 =	smulhi.u32 @!p1 $0xAAAAAAAB, s0  }
0x4a: {  	s23 =	smul.u32 @!p1 $0x3C0, s4;
	p2 =	por !p2, p1;
	s2 =	sshrl.u32 @!p1 s2, $0x2  }
0x4b: {  	s5 =	simm.s32 @!p1 $0xA;
	s2 =	simm.s32 @!p2 $0x0;
	s3 =	sshrl.u32 @!p1 s3, $0x1  }
0x4c: {  	s23 =	sshrl.u32 @!p1 s23, $0x2;
	_ =	swait.ge @!p1 [sflag:s5], s2;
	s3 =	smul.u32 @!p1 $0x3, s3  }
0x4d: {  	s23 =	sadd.s32 @!p1 $0x10518, s23;
	s24 =	ssub.s32 @!p1 $0x0, s2;
	[sflag:s5] =	ssyncset.done @!p1 $0x0  }
0x4e: {  	[sflag:s5] =	ssyncadd.s32 @!p1 s24;
	s5 =	sshrl.u32 @!p1 s20, $0x3;
	s0 =	ssub.s32 @!p1 s0, s3  }
0x4f: {  	s24 =	sand.u32 @!p1 $0x7, s20;
	s5 =	sadd.s32 @!p1 s5, s15;
	s0 =	smul.u32 @!p1 $0x3C0, s0  }
0x50: {  	[tilespmem:s23], [sflag:$0xB] =	stream.linear.gather @!p1 [hbm4b:s5+s24], s2, $0x38;
	[tilespmem:$0x1F6F8] =	vst v63  }
0x51: {  	s3 =	ssub.s32 @!p1 $0x27100, s20;
	s2 =	smul.u32 @!p1 $0x1E000, s4  }
0x52: {  	p2 =	slt.s32 @!p1 s3, $0xF0  }
0x53: {  	p2 =	por !p2, p1;
	s0 =	sshrl.u32 @!p1 s0, $0x2;
	s2 =	sshrl.u32 @!p1 s2, $0x2  }
0x54: {  	s3 =	simm.s32 @p2 $0xF0;
	s0 =	sadd.s32 @!p1 $0x10248, s0;
	s2 =	sor.u32 @!p1 $0x106F8, s2  }
0x55: {  	[tilespmem:s2], [sflag:$0x9] =	stream.indirect.gather @!p1 [hbm4b:s6+s3], $0x80, s0, s3, $0xb8;
	[tilespmem:$0x1F6F8] =	vst v63  }
0x56: {  	p1 =	slt.u32 s21, $0x2  }
.Ltmp3:
0x57: {  	_ = 	snop;
	(pc) =	sbr.rel @p1 .LBB2_21-.Ltmp3, $1  }
0x58: {  	_ =	sdelay $0x3  }
0x59: {  	p1 =	sgt.s32 s22, $0x27010  }
0x5a: {  	s0 =	smov.u32 s22;
	s2 =	sshra.s32 s22, $0x1F;
	s3 =	ssub.s32 $0x27100, s22  }
0x5b: {  	s0 =	simm.s32 @!p1 $0x27010;
	s2 =	sand.u32 s2, s22;
	p1 =	slt.s32 s3, $0xF0  }
0x5c: {  	s0 =	ssub.s32 s0, s2;
	s3 =	simm.s32 @!p1 $0xF0  }
0x5d: {  	s0 =	sadd.s32 $0xFFFD8FF0, s0;
	s25 =	sshll.u32 s3, $0x7  }
0x5e: {  	s26 =	sshll.u32 s0, $0x2;
	s2 =	sand.u32 $0x3FFFFF80, s25  }
0x5f: {  	p1 =	sgt.s32 s0, $0xEF;
	s29 =	ssub.s32 $0x3C0, s26;
	_ =	swait.ge [sflag:s10], s2  }
0x60: {  	s2 =	ssub.s32 $0x0, s2;
	[sflag:s10] =	ssyncset.done $0x0;
	s0 =	sshrl.u32 s29, $0x2  }
0x61: {  	[sflag:s10] =	ssyncadd.s32 s2;
	s0 =	simm.s32 @p1 $0x0  }
0x62: {  	_ =	swait.ge [sflag:s11], s0  }
0x63: {  	s0 =	ssub.s32 $0x0, s0;
	[sflag:s11] =	ssyncset.done $0x0  }
0x64: {  	[sflag:s11] =	ssyncadd.s32 s0  }
0x65: {  	v1 =	vld [tilespmem:$0xF208];
	_ =	sdelay $0x4  }
0x66: {  	(v2sf) =	vpush v1, $0x0  }
0x67: {  	(v2sf) =	vpush v1, $0x1  }
0x68: {  	(v2sf) =	vpush v1, $0x2;
	_ =	sdelay $0x3  }
0x69: {  	s0 =	sadd.s32 $0xF0, s22  }
0x6a: {  	s2 =	ssub.s32 $0x4E200, s22;
	p1 =	slt.s32 s8, s0  }
0x6b: {  	s0 =	smov.u32 @p1 s8;
	p1 =	sgt.s32 s2, $0x0  }
0x6c: {  	s26 =	ssub.s32 s0, s22;
	s2 =	simm.s32 @!p1 $0x0  }
0x6d: {  	p1 =	slt.s32 s2, s26  }
0x6e: {  	s26 =	smov.u32 @p1 s2  }
0x6f: {  	s25 =	simm.s32 $0x1;
	p1 =	slt.s32 s26, $0x1  }
.Ltmp4:
0x70: {  	s25 =	simm.s32 @!p0 $0x0;
	(pc) =	sbr.rel @p1 .LBB2_8-.Ltmp4, $4  }
0x71: {  	s31 =	smul.u32 $0x3C0, s25  }
0x72: {  	s28 =	spop (v2sf)  }
0x73: {  	s0 =	sshrl.u32 s31, $0x2;
	s30 =	spop (v2sf)  }
0x74: {  	s23 =	sadd.s32 $0x10518, s0;
	s22 =	spop (v2sf)  }
0x75: {  	s0 =	smin.u32 s26, $0x10  }
0x76: {  	v1 =	vmov s0  }
0x77: {  	p2 =	sgt.s32 s26, $0x10;
	vm1 =	vgt.u32 v1, v0  }
.Ltmp5:
0x78: {  	_ = 	snop;
	(pc) =	sbr.rel @!p2 .LBB2_7-.Ltmp5, $2  }
0x79: {  	_ =	sdelay $0x2  }
0x7a: {  	s4 =	simm.s32 $0x10;
	s24 =	sadd.s32 $0xFFFFFFF0, s26;
	s0 =	smov.u32 s23;
	vm0 =	vmmov vm1  }
.LBB2_6:
0x7b: {  	s2 =	smin.u32 s24, $0x10;
	s4 =	sadd.s32 $0x10, s4;
	v1 =	vld.msk [tilespmem:s0+$0x0 ss:$0x1], vm1  }
0x7c: {  	v2 =	vmov s2;
	p2 =	slt.s32 s4, s26  }
0x7d: {  	vm1 =	vgt.u32 v2, v0  }
.Ltmp6:
0x7e: {  	(pc) =	sbr.rel @p2 .LBB2_6-.Ltmp6, $3  }
0x7f: {  	_ =	sdelay $0x1  }
0x80: {  	v1 =	vshll.u32 v1, $0x4  }
0x81: {  	s24 =	sadd.s32 $0xFFFFFFF0, s24;
	[tilespmem:s0+$0x0] =	vst.msk vm0, v1;
	s0 =	sadd.s32 $0x10, s0;
	vm0 =	vmmov vm1  }
.LBB2_7:
0x82: {  	_ =	sdelay $0x4  }
0x83: {  	v1 =	vld.msk [tilespmem:s0+$0x0 ss:$0x1], vm1;
	_ =	sdelay $0x4  }
0x84: {  	v1 =	vshll.u32 v1, $0x4  }
0x85: {  	[tilespmem:s0+$0x0] =	vst.msk vm0, v1  }
.LBB2_8:
0x86: {  	s0 =	sand.u32 $0x1, s21  }
0x87: {  	s0 =	smul.u32 $0xF0, s0  }
0x88: {  	p2 =	sne.s32 s30, $0xFFFFFFFF  }
0x89: {  	v1 =	vld.msk @!p2 [tilespmem:s0+$0x10518], $0x1;
	_ =	sdelay $0x4  }
0x8a: {  	(v2sf) =	vpush @!p2 v1, $0x0;
	_ =	sdelay $0xc  }
.Ltmp7:
0x8b: {  	_ = 	snop;
	(pc) =	sbr.rel @p1 .LBB2_19-.Ltmp7, $4  }
0x8c: {  	_ = 	snop  }
0x8d: {  	s29 =	spop @!p2 (v2sf)  }
0x8e: {  	s22 =	simm.s32 @!p2 $0x0;
	s24 =	smov.u32 s29  }
0x8f: {  	[sflag:s18] =	ssyncpa.u1 $0x0;
	s29 =	smov.u32 @p2 s28;
	s24 =	smov.u32 @p2 s30  }
0x90: {  	v1 =	vld.msk [tilespmem:s23+$0x0], $0x1;
	_ =	sdelay $0x4  }
0x91: {  	(v2sf) =	vpush v1, $0x0;
	_ =	sdelay $0xe  }
0x92: {  	s2 =	smul.u32 $0x1E000, s25;
	s0 =	spop (v2sf)  }
0x93: {  	s26 =	ssub.s32 $0x0, s26;
	p1 =	seq.s32 s29, s0  }
0x94: {  	s30 =	sadd.s32 $0x1, s26;
	s2 =	sshrl.u32 s2, $0x2;
	p2 =	sgt.s32 @!p1 s29, $0x0  }
0x95: {  	s25 =	sor.u32 $0x10738, s2;
	s2 =	smov.u32 s29;
	p2 =	por !p2, p1  }
0x96: {  	s2 =	simm.s32 @p2 $0x0;
	p2 =	seq.s32 s30, $0x0  }
.Ltmp8:
0x97: {  	_ = 	snop;
	(pc) =	sbr.rel @p2 .LBB2_11-.Ltmp8, $4  }
0x98: {  	_ = 	snop  }
0x99: {  	s28 =	simm.s32 $0x0;
	s31 =	sadd.s32 $0x1, s23;
	s2 =	smin.u32 @!p1 s2, $0x270FF0  }
0x9a: {  	s4 =	simm.s32 @!p1 $0x1;
	s5 =	simm.s32 @!p1 $0x7988;
	s3 =	sand.u32 @!p1 $0x3FFFF8, s2  }
0x9b: {  	s4 =	smov.u32 @p1 s28;
	s2 =	sand.u32 @!p1 $0x7, s2;
	s3 =	sadd.s32 @!p1 s1, s3  }
.LBB2_10:
0x9c: {  	s9 =	smov.u32 s4  }
0x9d: {  	[tilespmem:s5], [sflag:$0x2] =	stream.linear.gather @!p1 [hbm4b:s3+s2], $0x80, $0x38;
	[tilespmem:$0x1F6F8] =	vst v63  }
0x9e: {  	s30 =	sadd.s32 $0x1, s30;
	s2 =	smov.u32 s0;
	v1 =	vld.msk [tilespmem:s31+$0x0], $0x1  }
0x9f: {  	p2 =	seq.s32 s30, $0x0;
	_ =	sdelay $0x3  }
0xa0: {  	(v2sf) =	vpush v1, $0x0;
	_ =	sdelay $0xe  }
0xa1: {  	s0 =	spop (v2sf)  }
0xa2: {  	p1 =	seq.s32 s2, s0  }
0xa3: {  	p3 =	sgt.s32 @!p1 s2, $0x0;
	s3 =	sshll.u32 @!p1 s4, $0x9;
	s4 =	sadd.s32 @!p1 $0x1, s4  }
.Ltmp9:
0xa4: {  	p3 =	por !p3, p1;
	s3 =	sshra.s32 @!p1 s3, $0x2;
	(pc) =	sbr.rel @!p2 .LBB2_10-.Ltmp9, $4  }
0xa5: {  	s4 =	smov.u32 @p1 s9;
	s2 =	simm.s32 @p3 $0x0;
	s5 =	sadd.s32 @!p1 $0x7988, s3  }
0xa6: {  	s2 =	smin.u32 @!p1 s2, $0x270FF0  }
0xa7: {  	s3 =	sand.u32 @!p1 $0x3FFFF8, s2;
	s2 =	sand.u32 @!p1 $0x7, s2  }
0xa8: {  	s31 =	sadd.s32 $0x1, s31;
	s3 =	sadd.s32 @!p1 s1, s3  }
.LBB2_11:
0xa9: {  	[tilespmem:s5], [sflag:$0x2] =	stream.linear.gather @!p1 [hbm4b:s3+s2], $0x80, $0x38;
	[tilespmem:$0x1F6F8] =	vst v63  }
.Ltmp10:
0xaa: {  	s0 =	sshll.u32 s4, $0x7;
	(pc) =	sbr.rel .LBB2_12-.Ltmp10, $4  }
0xab: {  	s30 =	simm.s32 $0x2;
	s0 =	sand.u32 $0x3FFFFF80, s0  }
0xac: {  	_ =	swait.ge [sflag:s30], s0  }
0xad: {  	s0 =	ssub.s32 $0x0, s0;
	[sflag:s30] =	ssyncset.done $0x0  }
0xae: {  	s31 =	simm.s32 $0x0;
	[sflag:s30] =	ssyncadd.s32 s0  }
.LBB2_13:
0xaf: {  	v1 =	vld [tilespmem:s25+$0xFFFFFFC0];
	_ =	sdelay $0x3  }
0xb0: {  	s0 =	sshra.s32 s0, $0x2  }
0xb1: {  	[tilespmem:s0+$0x108] =	vst.add.f32.msk $0xffff, v1  }
0xb2: {  	v1 =	vld [tilespmem:s25+$0xFFFFFFD0];
	_ =	sdelay $0x4  }
0xb3: {  	[tilespmem:s0+$0x118] =	vst.add.f32.msk $0xffff, v1  }
0xb4: {  	v1 =	vld [tilespmem:s25+$0xFFFFFFE0];
	_ =	sdelay $0x4  }
0xb5: {  	[tilespmem:s0+$0x128] =	vst.add.f32.msk $0xffff, v1  }
0xb6: {  	v1 =	vld [tilespmem:s25+$0xFFFFFFF0];
	_ =	sdelay $0x4  }
0xb7: {  	[tilespmem:s0+$0x138] =	vst.add.f32.msk $0xffff, v1  }
0xb8: {  	v1 =	vld [tilespmem:s25+$0x0];
	_ =	sdelay $0x4  }
0xb9: {  	[tilespmem:s0+$0x148] =	vst.add.f32.msk $0xffff, v1  }
0xba: {  	v1 =	vld [tilespmem:s25+$0x10];
	_ =	sdelay $0x4  }
0xbb: {  	[tilespmem:s0+$0x158] =	vst.add.f32.msk $0xffff, v1  }
0xbc: {  	v1 =	vld [tilespmem:s25+$0x20];
	_ =	sdelay $0x4  }
0xbd: {  	[tilespmem:s0+$0x168] =	vst.add.f32.msk $0xffff, v1  }
0xbe: {  	v1 =	vld [tilespmem:s25+$0x30];
	_ =	sdelay $0x4  }
0xbf: {  	[tilespmem:s0+$0x178] =	vst.add.f32.msk $0xffff, v1  }
.LBB2_17:
0xc0: {  	s26 =	sadd.s32 $0x1, s26  }
0xc1: {  	p1 =	seq.s32 s26, $0x0  }
.Ltmp11:
0xc2: {  	_ = 	snop;
	(pc) =	sbr.rel @p1 .LBB2_18-.Ltmp11, $2  }
0xc3: {  	_ =	sdelay $0x2  }
0xc4: {  	s23 =	sadd.s32 $0x1, s23;
	s25 =	sadd.s32 $0x80, s25;
	s29 =	smov.u32 s30  }
.LBB2_12:
0xc5: {  	v1 =	vld.msk [tilespmem:s23+$0x0], $0x1;
	_ =	sdelay $0x4  }
0xc6: {  	(v2sf) =	vpush v1, $0x0;
	_ =	sdelay $0xe  }
0xc7: {  	s30 =	spop (v2sf)  }
0xc8: {  	p1 =	sne.s32 s29, s30  }
.Ltmp12:
0xc9: {  	_ = 	snop;
	(pc) =	sbr.rel @!p1 .LBB2_13-.Ltmp12, $2  }
0xca: {  	_ =	sdelay $0x2  }
0xcb: {  	s0 =	sshll.u32 s22, $0x9  }
0xcc: {  	p1 =	seq.s32 s29, s24  }
.Ltmp13:
0xcd: {  	_ = 	snop;
	(pc) =	sbr.rel @!p1 .LBB2_15-.Ltmp13, $1  }
0xce: {  	_ =	sdelay $0x3  }
0xcf: {  	s0 =	sshra.s32 s0, $0x2  }
.Ltmp14:
0xd0: {  	s0 =	sadd.s32 $0x108, s0;
	(pc) =	sbr.rel .LBB2_16-.Ltmp14, $4  }
0xd1: {  	[spmem:s16] =	stream.linear.scatter [tilespmem:s0], [sflag:$0x1], $0x80, $0x38;
	[tilespmem:$0x1F6F8] =	vst v63  }
0xd2: {  	_ =	swait.ge [sflag:s12], $0x80  }
0xd3: {  	[sflag:s12] =	ssyncset.done $0x0  }
0xd4: {  	[sflag:s12] =	ssyncadd.s32 $0xFFFFFF80  }
.LBB2_15:
0xd5: {  	s2 =	sshll.u32 s28, $0x9  }
0xd6: {  	s2 =	sshra.s32 s2, $0x2  }
0xd7: {  	v1 =	vld [tilespmem:s2+$0x7988];
	_ =	sdelay $0x3  }
0xd8: {  	s0 =	sshra.s32 s0, $0x2  }
0xd9: {  	[tilespmem:s0+$0x108] =	vst.add.f32.msk $0xffff, v1  }
0xda: {  	v1 =	vld [tilespmem:s2+$0x7998];
	_ =	sdelay $0x4  }
0xdb: {  	[tilespmem:s0+$0x118] =	vst.add.f32.msk $0xffff, v1  }
0xdc: {  	v1 =	vld [tilespmem:s2+$0x79A8];
	_ =	sdelay $0x4  }
0xdd: {  	[tilespmem:s0+$0x128] =	vst.add.f32.msk $0xffff, v1  }
0xde: {  	v1 =	vld [tilespmem:s2+$0x79B8];
	_ =	sdelay $0x4  }
0xdf: {  	[tilespmem:s0+$0x138] =	vst.add.f32.msk $0xffff, v1  }
0xe0: {  	v1 =	vld [tilespmem:s2+$0x79C8];
	_ =	sdelay $0x4  }
0xe1: {  	[tilespmem:s0+$0x148] =	vst.add.f32.msk $0xffff, v1  }
0xe2: {  	v1 =	vld [tilespmem:s2+$0x79D8];
	_ =	sdelay $0x4  }
0xe3: {  	[tilespmem:s0+$0x158] =	vst.add.f32.msk $0xffff, v1  }
0xe4: {  	v1 =	vld [tilespmem:s2+$0x79E8];
	_ =	sdelay $0x4  }
0xe5: {  	[tilespmem:s0+$0x168] =	vst.add.f32.msk $0xffff, v1  }
0xe6: {  	v1 =	vld [tilespmem:s2+$0x79F8];
	_ =	sdelay $0x2  }
0xe7: {  	p1 =	sgt.u32 s29, $0x270FF0  }
0xe8: {  	s2 =	sand.u32 @!p1 $0x3FFFF8, s29  }
0xe9: {  	s3 =	sadd.s32 $0x108, s0;
	[tilespmem:s0+$0x178] =	vst.add.f32.msk $0xffff, v1;
	s0 =	sadd.s32 @!p1 s1, s2;
	s2 =	sand.u32 @!p1 $0x7, s29  }
0xea: {  	[hbm4b:s0+s2] =	stream.linear.scatter @!p1 [tilespmem:s3], [sflag:$0xC], $0x80, $0x38;
	[tilespmem:$0x1F6F8] =	vst v63  }
0xeb: {  	s0 =	simm.s32 $0x0  }
0xec: {  	s0 =	simm.s32 @!p1 $0x200  }
0xed: {  	s31 =	sadd.s32 s0, s31  }
.LBB2_16:
0xee: {  	s0 =	sadd.s32 $0x1, s22  }
0xef: {  	s2 =	smulhi.u32 $0x88888889, s0;
	_ =	sdelay $0x1  }
0xf0: {  	v1 =	vld [tilespmem:s25+$0xFFFFFFC0];
	s2 =	sshrl.u32 s2, $0x7  }
0xf1: {  	s2 =	smul.u32 $0xF0, s2;
	_ =	sdelay $0x1  }
0xf2: {  	s22 =	ssub.s32 s0, s2  }
0xf3: {  	s0 =	sshll.u32 s22, $0x7  }
0xf4: {  	[tilespmem:s0+$0x108] =	vst v1  }
0xf5: {  	v1 =	vld [tilespmem:s25+$0xFFFFFFD0];
	_ =	sdelay $0x4  }
0xf6: {  	[tilespmem:s0+$0x118] =	vst v1  }
0xf7: {  	v1 =	vld [tilespmem:s25+$0xFFFFFFE0];
	_ =	sdelay $0x4  }
0xf8: {  	[tilespmem:s0+$0x128] =	vst v1  }
0xf9: {  	v1 =	vld [tilespmem:s25+$0xFFFFFFF0];
	_ =	sdelay $0x4  }
0xfa: {  	[tilespmem:s0+$0x138] =	vst v1  }
0xfb: {  	v1 =	vld [tilespmem:s25+$0x0];
	_ =	sdelay $0x4  }
0xfc: {  	[tilespmem:s0+$0x148] =	vst v1  }
0xfd: {  	v1 =	vld [tilespmem:s25+$0x10];
	_ =	sdelay $0x4  }
0xfe: {  	[tilespmem:s0+$0x158] =	vst v1  }
0xff: {  	v1 =	vld [tilespmem:s25+$0x20];
	_ =	sdelay $0x4  }
0x100: {  	[tilespmem:s0+$0x168] =	vst v1  }
0x101: {  	v1 =	vld [tilespmem:s25+$0x30]  }
.Ltmp15:
0x102: {  	_ = 	snop;
	(pc) =	sbr.rel .LBB2_17-.Ltmp15, $2  }
0x103: {  	_ =	sdelay $0x2  }
0x104: {  	s28 =	sadd.s32 $0x1, s28;
	[tilespmem:s0+$0x178] =	vst v1  }
.LBB2_19:
.Ltmp16:
0x105: {  	(pc) =	sbr.rel .LBB2_20-.Ltmp16, $4  }
0x106: {  	_ = 	snop  }
0x107: {  	s0 =	simm.s32 $0x2  }
0x108: {  	_ =	swait.ge [sflag:s0], $0x0  }
0x109: {  	s30 =	smov.u32 s29;
	[sflag:s0] =	ssyncset.done $0x0;
	s0 =	simm.s32 $0x0  }
.LBB2_22:
0x10a: {  	_ =	sfence.sel $0x180000  }
0x10b: {  	s0 =	simm.s32 $0x9;
	[bflag:$0x0] =	sbarrier.arrive $0xFFFF  }
0x10c: {  	s24 =	simm.s32 $0xA;
	[sflag:s0] =	ssyncpa.u1 $0x1  }
0x10d: {  	s25 =	simm.s32 $0xB;
	[sflag:s24] =	ssyncpa.u1 $0x1  }
0x10e: {  	s26 =	simm.s32 $0x2;
	[sflag:s25] =	ssyncpa.u1 $0x1  }
0x10f: {  	[sflag:s26] =	ssyncpa.u1 $0x1  }
0x110: {  	v0 =	vld [tilespmem:$0xF208];
	_ =	sdelay $0x4  }
0x111: {  	(v2sf) =	vpush v0, $0x0  }
0x112: {  	(v2sf) =	vpush v0, $0x1;
	_ =	sdelay $0x1  }
0x113: {  	(v2sf) =	vpush v0, $0x2;
	_ =	sdelay $0xb  }
0x114: {  	s0 =	spop (v2sf)  }
0x115: {  	s2 =	spop (v2sf)  }
0x116: {  	s3 =	smov.u32 s0;
	p0 =	sne.s32 s0, s2  }
0x117: {  	s4 =	spop (v2sf);
	s3 =	simm.s32 @!p0 $0xFFFFFFFF  }
0x118: {  	v2 =	vimm.s32 $0x1;
	v3 =	vlaneseq.u32;
	p0 =	seq.s32 s4, $0xFFFFFFFF;
	v1 =	vmov s3  }
0x119: {  	s16 =	stileid.u32;
	v0 =	vperm.xlane v0, v2;
	p1 =	sne.s32 @!p0 s0, s2;
	v1 =	vperm.xlane v1, v3  }
0x11a: {  	vm0 =	vcmask $0x3F04;
	s6 =	simm.s32 $0xF208;
	s0 =	simm.s32 @!p0 $0x1;
	p1 =	por !p1, p0  }
0x11b: {  	s3 =	sshll.u32 s16, $0x1;
	s2 =	sshll.u32 @!p0 s4, $0x9;
	s0 =	simm.s32 @p1 $0x0;
	v0 =	vsel vm0, v1, v0  }
0x11c: {  	s5 =	sor.u32 $0x1000, s3;
	s2 =	sshra.s32 @!p0 s2, $0x2;
	s0 =	sor.u32 @!p0 s0, s3;
	[tilespmem:$0xF208] =	vst v0  }
0x11d: {  	[spmem:s5] =	stream.linear.scatter [tilespmem:s6], [sflag:$0x1], $0x2, $0x38;
	[tilespmem:$0x1F6F8] =	vst v63  }
0x11e: {  	s2 =	sadd.s32 @!p0 $0x108, s2;
	s0 =	sshll.u32 @!p0 s0, $0x7  }
0x11f: {  	[spmem:s0] =	stream.linear.scatter @!p0 [tilespmem:s2], [sflag:$0x1], $0x80, $0x38;
	[tilespmem:$0x1F6F8] =	vst v63  }
0x120: {  	s0 =	simm.s32 @!p0 $0x82  }
0x121: {  	s28 =	simm.s32 $0x1;
	s0 =	simm.s32 @p0 $0x2  }
0x122: {  	_ =	swait.ge [sflag:s28], s0  }
0x123: {  	s0 =	ssub.s32 $0x0, s0;
	[sflag:s28] =	ssyncset.done $0x0  }
0x124: {  	p0 =	sne.s32 s16, $0x0;
	[sflag:s28] =	ssyncadd.s32 s0  }
.Ltmp17:
0x125: {  	_ =	sfence.stream.spmem;
	(pc) =	sbr.rel @p0 .LBB2_39-.Ltmp17, $4  }
0x126: {  	s29 =	simm.s32 $0x3;
	[bflag:$0x0] =	sbarrier.arrive $0xFFFF  }
0x127: {  	s30 =	simm.s32 $0x4;
	[sflag:s29] =	ssyncpa.u1 $0x1  }
0x128: {  	s31 =	simm.s32 $0x3C;
	[sflag:s30] =	ssyncpa.u1 $0x1  }
0x129: {  	s15 =	rddreg [dreg:$0x5];
	[sflag:s31] =	ssyncpa.u1 $0x1  }
0x12a: {  	_ =	sfence.stream.spmem;
	s0 =	simm.s32 $0x5  }
0x12b: {  	s2 =	simm.s32 $0x1000;
	s3 =	simm.s32 $0xF218;
	[sflag:s0] =	ssyncpa.u1 $0x0  }
0x12c: {  	[tilespmem:s3], [sflag:$0x5] =	stream.linear.gather [spmem:s2], $0x20, $0x38;
	[tilespmem:$0x1F6F8] =	vst v63  }
0x12d: {  	s26 =	simm.s32 $0x0;
	s28 =	simm.s32 $0xF238  }
0x12e: {  	[tilespmem:s28], [sflag:$0x5] =	stream.linear.gather [spmem:s26], $0x1000, $0x38;
	[tilespmem:$0x1F6F8] =	vst v63  }
0x12f: {  	_ =	swait.ge [sflag:s0], $0x1020  }
0x130: {  	[sflag:s0] =	ssyncset.done $0x0  }
0x131: {  	s29 =	simm.s32 $0x0;
	[sflag:s0] =	ssyncadd.s32 $0xFFFFEFE0  }
0x132: {  	v0 =	vld.msk [tilespmem:s29+$0xF218], $0x1;
	_ =	sdelay $0x1  }
0x133: {  	s30 =	simm.s32 $0x1  }
0x134: {  	v1 =	vld.msk [tilespmem:s30+$0xF218], $0x1;
	_ =	sdelay $0x1  }
0x135: {  	(v2sf) =	vpush v0, $0x0;
	_ =	sdelay $0x2  }
0x136: {  	(v2sf) =	vpush v1, $0x0;
	_ =	sdelay $0x2  }
0x137: {  	s31 =	simm.s32 $0x2  }
0x138: {  	v0 =	vld.msk [tilespmem:s31+$0xF218], $0x1;
	_ =	sdelay $0x2  }
0x139: {  	s4 =	simm.s32 $0xFFFFFFFF;
	s5 =	simm.s32 $0xFFFFFFFF;
	s0 =	simm.s32 $0xC  }
.LBB2_24:
0x13a: {  	s2 =	smov.u32 s5;
	s3 =	smov.u32 s4  }
0x13b: {  	s4 =	sshra.s32 s0, $0x2;
	p1 =	sne.s32 s0, $0x7C;
	s0 =	sadd.s32 $0x4, s0;
	(v2sf) =	vpush v0, $0x0  }
0x13c: {  	v0 =	vld.msk [tilespmem:s4+$0xF218], $0x1  }
.Ltmp18:
0x13d: {  	(pc) =	sbr.rel @p1 .LBB2_24-.Ltmp18, $4  }
0x13e: {  	s5 =	spop (v2sf)  }
0x13f: {  	p2 =	sne.s32 s3, $0xFFFFFFFF;
	s4 =	smov.u32 s5  }
0x140: {  	p3 =	seq.s32 s5, $0xFFFFFFFF;
	s4 =	smov.u32 @p2 s3  }
0x141: {  	s5 =	smov.u32 @p3 s2;
	s4 =	smov.u32 @p3 s3  }
0x142: {  	(v2sf) =	vpush v0, $0x0;
	_ =	sdelay $0x8  }
0x143: {  	s0 =	spop (v2sf)  }
0x144: {  	p1 =	sne.s32 s4, $0xFFFFFFFF;
	s2 =	smov.u32 s0  }
0x145: {  	s9 =	simm.s32 $0x6;
	p2 =	seq.s32 s0, $0xFFFFFFFF;
	s2 =	smov.u32 @p1 s4  }
0x146: {  	s6 =	simm.s32 $0x0;
	s2 =	smov.u32 @p2 s4;
	s3 =	spop (v2sf)  }
0x147: {  	s0 =	smov.u32 @p2 s5;
	p1 =	sne.s32 s2, $0xFFFFFFFF;
	s4 =	smov.u32 s3  }
.Ltmp19:
0x148: {  	p2 =	seq.s32 s3, $0xFFFFFFFF;
	s4 =	smov.u32 @p1 s2;
	(pc) =	sbr.rel .LBB2_26-.Ltmp19, $4  }
0x149: {  	s10 =	simm.s32 $0xF188;
	s4 =	smov.u32 @p2 s2;
	s7 =	spop (v2sf)  }
0x14a: {  	s11 =	simm.s32 $0x0;
	p1 =	sne.s32 s4, $0xFFFFFFFF;
	s8 =	smov.u32 s7  }
0x14b: {  	s3 =	smov.u32 @p2 s0;
	p2 =	seq.s32 s7, $0xFFFFFFFF;
	s8 =	smov.u32 @p1 s4  }
0x14c: {  	[sflag:s9] =	ssyncpa.u1 $0x0;
	s7 =	smov.u32 @p2 s3;
	s8 =	smov.u32 @p2 s4  }
.LBB2_32:
0x14d: {  	p1 =	sgt.u32 s12, $0x270FF0  }
0x14e: {  	p2 =	seq.s32 @!p1 s12, s8  }
0x14f: {  	p1 =	por p1, p2  }
0x150: {  	p2 =	sne.s32 @!p1 s12, s7  }
0x151: {  	p1 =	por p1, !p2  }
0x152: {  	s0 =	sshll.u32 @p1 s11, $0x9  }
0x153: {  	s0 =	sand.u32 @!p1 $0x3FFFF8, s12  }
0x154: {  	s2 =	sand.u32 @!p1 $0x7, s12;
	s0 =	sadd.s32 @!p1 s1, s0  }
0x155: {  	[tilespmem:s10], [sflag:$0x6] =	stream.linear.gather @!p1 [hbm4b:s0+s2], $0x80, $0x38;
	[tilespmem:$0x1F6F8] =	vst v63  }
0x156: {  	_ =	swait.ge @!p1 [sflag:s9], $0x80  }
0x157: {  	[sflag:s9] =	ssyncset.done @!p1 $0x0  }
0x158: {  	[sflag:s9] =	ssyncadd.s32 @!p1 $0xFFFFFF80  }
0x159: {  	v1 =	vld @!p1 [tilespmem:$0xF188];
	_ =	sdelay $0x2  }
0x15a: {  	s0 =	sshll.u32 @!p1 s11, $0x9  }
0x15b: {  	s2 =	sshrl.u32 @!p1 s0, $0x2  }
0x15c: {  	[tilespmem:s2+$0xF238] =	vst.add.f32.msk @!p1 $0xffff, v1  }
0x15d: {  	v1 =	vld @!p1 [tilespmem:$0xF198];
	_ =	sdelay $0x4  }
0x15e: {  	[tilespmem:s2+$0xF248] =	vst.add.f32.msk @!p1 $0xffff, v1  }
0x15f: {  	v1 =	vld @!p1 [tilespmem:$0xF1A8];
	_ =	sdelay $0x4  }
0x160: {  	[tilespmem:s2+$0xF258] =	vst.add.f32.msk @!p1 $0xffff, v1  }
0x161: {  	v1 =	vld @!p1 [tilespmem:$0xF1B8];
	_ =	sdelay $0x4  }
0x162: {  	[tilespmem:s2+$0xF268] =	vst.add.f32.msk @!p1 $0xffff, v1  }
0x163: {  	v1 =	vld @!p1 [tilespmem:$0xF1C8];
	_ =	sdelay $0x4  }
0x164: {  	[tilespmem:s2+$0xF278] =	vst.add.f32.msk @!p1 $0xffff, v1  }
0x165: {  	v1 =	vld @!p1 [tilespmem:$0xF1D8];
	_ =	sdelay $0x4  }
0x166: {  	[tilespmem:s2+$0xF288] =	vst.add.f32.msk @!p1 $0xffff, v1  }
0x167: {  	v1 =	vld @!p1 [tilespmem:$0xF1E8];
	_ =	sdelay $0x4  }
0x168: {  	[tilespmem:s2+$0xF298] =	vst.add.f32.msk @!p1 $0xffff, v1  }
0x169: {  	v1 =	vld @!p1 [tilespmem:$0xF1F8];
	_ =	sdelay $0x4  }
0x16a: {  	[tilespmem:s2+$0xF2A8] =	vst.add.f32.msk @!p1 $0xffff, v1  }
0x16b: {  	s0 =	sshrl.u32 s0, $0x2;
	[tilespmem:s6+$0xF218] =	vst.msk $0x1, v0  }
0x16c: {  	v0 =	vld [tilespmem:s0+$0xF238];
	_ =	sdelay $0x2  }
0x16d: {  	s31 =	sshll.u32 s6, $0x9  }
0x16e: {  	s2 =	sshra.s32 s31, $0x2  }
0x16f: {  	[tilespmem:s2+$0xF238] =	vst v0  }
0x170: {  	v0 =	vld [tilespmem:s0+$0xF248];
	_ =	sdelay $0x4  }
0x171: {  	[tilespmem:s2+$0xF248] =	vst v0  }
0x172: {  	v0 =	vld [tilespmem:s0+$0xF258];
	_ =	sdelay $0x4  }
0x173: {  	[tilespmem:s2+$0xF258] =	vst v0  }
0x174: {  	v0 =	vld [tilespmem:s0+$0xF268];
	_ =	sdelay $0x4  }
0x175: {  	[tilespmem:s2+$0xF268] =	vst v0  }
0x176: {  	v0 =	vld [tilespmem:s0+$0xF278];
	_ =	sdelay $0x4  }
0x177: {  	[tilespmem:s2+$0xF278] =	vst v0  }
0x178: {  	v0 =	vld [tilespmem:s0+$0xF288];
	_ =	sdelay $0x4  }
0x179: {  	[tilespmem:s2+$0xF288] =	vst v0  }
0x17a: {  	v0 =	vld [tilespmem:s0+$0xF298];
	_ =	sdelay $0x4  }
0x17b: {  	[tilespmem:s2+$0xF298] =	vst v0  }
0x17c: {  	v0 =	vld [tilespmem:s0+$0xF2A8];
	_ =	sdelay $0x4  }
0x17d: {  	s6 =	sadd.s32 $0x1, s6;
	[tilespmem:s2+$0xF2A8] =	vst v0  }
.LBB2_33:
0x17e: {  	s11 =	sadd.s32 $0x1, s11  }
0x17f: {  	p1 =	sne.s32 s11, $0x20  }
.Ltmp20:
0x180: {  	_ = 	snop;
	(pc) =	sbr.rel @!p1 .LBB2_34-.Ltmp20, $1  }
0x181: {  	_ =	sdelay $0x3  }
.LBB2_26:
0x182: {  	v0 =	vld.msk [tilespmem:s11+$0xF218], $0x1;
	_ =	sdelay $0x4  }
0x183: {  	(v2sf) =	vpush v0, $0x0;
	_ =	sdelay $0xe  }
0x184: {  	s12 =	spop (v2sf)  }
0x185: {  	p1 =	seq.s32 s12, $0xFFFFFFFF  }
.Ltmp21:
0x186: {  	_ = 	snop;
	(pc) =	sbr.rel @p1 .LBB2_33-.Ltmp21, $1  }
0x187: {  	_ =	sdelay $0x3  }
0x188: {  	p1 =	slt.s32 s6, $0x1  }
.Ltmp22:
0x189: {  	_ = 	snop;
	(pc) =	sbr.rel @p1 .LBB2_32-.Ltmp22, $1  }
0x18a: {  	_ =	sdelay $0x3  }
0x18b: {  	s13 =	simm.s32 $0xF218;
	p1 =	por $0x0, $0x0  }
0x18c: {  	v1 =	vld.msk @!p1 [tilespmem:s13+$0x0], $0x1;
	_ =	sdelay $0x4  }
0x18d: {  	(v2sf) =	vpush @!p1 v1, $0x0;
	_ =	sdelay $0xd  }
0x18e: {  	p3 =	sne.s32 s6, $0x1  }
.Ltmp23:
0x18f: {  	s0 =	spop @!p1 (v2sf);
	(pc) =	sbr.rel @!p3 .LBB2_30-.Ltmp23, $4  }
0x190: {  	p2 =	seq.s32 @!p1 s12, s0  }
0x191: {  	s14 =	simm.s32 $0x0;
	p2 =	por !p2, p1  }
0x192: {  	s2 =	simm.s32 $0xFFFFFFFF;
	s14 =	simm.s32 @p2 $0xFFFFFFFF  }
0x193: {  	s0 =	simm.s32 $0x1;
	s14 =	smov.u32 @p1 s2  }
.LBB2_29:
0x194: {  	s2 =	smov.u32 s14;
	p1 =	sne.s32 s14, $0xFFFFFFFF  }
0x195: {  	s13 =	sadd.s32 $0x1, s13;
	s14 =	smov.u32 s0;
	s0 =	sadd.s32 $0x1, s0  }
0x196: {  	p2 =	sne.s32 s6, s0;
	v1 =	vld.msk @!p1 [tilespmem:s13+$0x0], $0x1;
	_ =	sdelay $0x4  }
0x197: {  	(v2sf) =	vpush @!p1 v1, $0x0;
	_ =	sdelay $0xe  }
.Ltmp24:
0x198: {  	s3 =	spop @!p1 (v2sf);
	(pc) =	sbr.rel @p2 .LBB2_29-.Ltmp24, $4  }
0x199: {  	p3 =	seq.s32 @!p1 s12, s3  }
0x19a: {  	p3 =	por !p3, p1  }
0x19b: {  	s14 =	simm.s32 @p3 $0xFFFFFFFF  }
0x19c: {  	s14 =	smov.u32 @p1 s2  }
.LBB2_30:
0x19d: {  	p1 =	seq.s32 s14, $0xFFFFFFFF  }
.Ltmp25:
0x19e: {  	_ = 	snop;
	(pc) =	sbr.rel @p1 .LBB2_32-.Ltmp25, $1  }
0x19f: {  	_ =	sdelay $0x3  }
0x1a0: {  	s0 =	sshll.u32 s11, $0x7  }
0x1a1: {  	s0 =	sand.u32 $0x3FFFFF80, s0  }
0x1a2: {  	v0 =	vld [tilespmem:s0+$0xF238];
	_ =	sdelay $0x2  }
0x1a3: {  	s2 =	sshll.u32 s14, $0x9  }
0x1a4: {  	s2 =	sshra.s32 s2, $0x2  }
0x1a5: {  	[tilespmem:s2+$0xF238] =	vst.add.f32.msk $0xffff, v0  }
0x1a6: {  	v0 =	vld [tilespmem:s0+$0xF248];
	_ =	sdelay $0x4  }
0x1a7: {  	[tilespmem:s2+$0xF248] =	vst.add.f32.msk $0xffff, v0  }
0x1a8: {  	v0 =	vld [tilespmem:s0+$0xF258];
	_ =	sdelay $0x4  }
0x1a9: {  	[tilespmem:s2+$0xF258] =	vst.add.f32.msk $0xffff, v0  }
0x1aa: {  	v0 =	vld [tilespmem:s0+$0xF268];
	_ =	sdelay $0x4  }
0x1ab: {  	[tilespmem:s2+$0xF268] =	vst.add.f32.msk $0xffff, v0  }
0x1ac: {  	v0 =	vld [tilespmem:s0+$0xF278];
	_ =	sdelay $0x4  }
0x1ad: {  	[tilespmem:s2+$0xF278] =	vst.add.f32.msk $0xffff, v0  }
0x1ae: {  	v0 =	vld [tilespmem:s0+$0xF288];
	_ =	sdelay $0x4  }
0x1af: {  	[tilespmem:s2+$0xF288] =	vst.add.f32.msk $0xffff, v0  }
0x1b0: {  	v0 =	vld [tilespmem:s0+$0xF298];
	_ =	sdelay $0x4  }
0x1b1: {  	[tilespmem:s2+$0xF298] =	vst.add.f32.msk $0xffff, v0  }
0x1b2: {  	v0 =	vld [tilespmem:s0+$0xF2A8]  }
.Ltmp26:
0x1b3: {  	_ = 	snop;
	(pc) =	sbr.rel .LBB2_33-.Ltmp26, $2  }
0x1b4: {  	_ =	sdelay $0x2  }
0x1b5: {  	[tilespmem:s2+$0xF2A8] =	vst.add.f32.msk $0xffff, v0  }
.LBB2_34:
0x1b6: {  	s0 =	simm.s32 $0x6;
	p1 =	seq.s32 s6, $0x0  }
0x1b7: {  	[sflag:s0] =	ssyncpa.u1 $0x1;
	v0 =	vimm.s32 @p1 $0xFFFFFFFF  }
0x1b8: {  	s9 =	sadd.s32 $0xFFFFFFFF, s6;
	[tilespmem:$0x10238] =	vst @p1 v0  }
0x1b9: {  	v0 =	vld.msk @!p1 [tilespmem:s9+$0xF218], $0x1;
	_ =	sdelay $0x1  }
0x1ba: {  	v1 =	vld.msk @!p1 [tilespmem:$0xF218], $0x1;
	_ =	sdelay $0x2  }
0x1bb: {  	p2 =	seq.s32 @!p1 s9, $0x0;
	v0 =	vbroadcast @!p1 v0, $0x0  }
0x1bc: {  	vm0 =	vmmov @!p1 $0x1;
	p2 =	por !p2, p1  }
0x1bd: {  	v1 =	vnsel @!p1 vm0, $0xFFFFFFFF, v1;
	vm0 =	vcmask @!p1 $0x308;
	v0 =	vpsel !p2, $0xFFFFFFFF, v0  }
0x1be: {  	p2 =	sne.s32 @!p1 s8, s7;
	v0 =	vsel @!p1 vm0, v1, v0  }
0x1bf: {  	s0 =	simm.s32 @!p1 $0xF238;
	s2 =	simm.s32 @!p1 $0x0;
	p3 =	por !p2, p1;
	[tilespmem:$0x10238] =	vst @!p1 v0  }
0x1c0: {  	[spmem:s2] =	stream.linear.scatter @!p1 [tilespmem:s0], [sflag:$0x1], $0x80, $0x38;
	[tilespmem:$0x1F6F8] =	vst v63  }
0x1c1: {  	s0 =	sshll.u32 @!p3 s9, $0x9  }
0x1c2: {  	s0 =	sshra.s32 @!p3 s0, $0x2  }
0x1c3: {  	s2 =	simm.s32 @!p3 $0x80;
	s0 =	sadd.s32 @!p3 $0xF238, s0  }
0x1c4: {  	[spmem:s2] =	stream.linear.scatter @!p3 [tilespmem:s0], [sflag:$0x1], $0x80, $0x38;
	[tilespmem:$0x1F6F8] =	vst v63  }
0x1c5: {  	s0 =	simm.s32 @!p3 $0x1  }
0x1c6: {  	_ =	swait.ge @!p3 [sflag:s0], $0x100  }
0x1c7: {  	p1 =	por p2, p1;
	[sflag:s0] =	ssyncset.done @!p3 $0x0  }
0x1c8: {  	[sflag:s0] =	ssyncadd.s32 @!p3 $0xFFFFFF00;
	s0 =	simm.s32 @!p1 $0x1  }
0x1c9: {  	_ =	swait.ge @!p1 [sflag:s0], $0x80  }
0x1ca: {  	s29 =	simm.s32 $0x10238;
	[sflag:s0] =	ssyncset.done @!p1 $0x0  }
0x1cb: {  	s30 =	simm.s32 $0x1000;
	s31 =	simm.s32 $0x1;
	[sflag:s0] =	ssyncadd.s32 @!p1 $0xFFFFFF80  }
0x1cc: {  	[spmem:s30] =	stream.linear.scatter [tilespmem:s29], [sflag:$0x1], $0x10, $0x38;
	[tilespmem:$0x1F6F8] =	vst v63  }
0x1cd: {  	_ =	swait.ge [sflag:s31], $0x10  }
0x1ce: {  	[sflag:s31] =	ssyncset.done $0x0  }
0x1cf: {  	p1 =	seq.s32 s15, $0x0;
	s8 =	rddreg [dreg:$0x2];
	[sflag:s31] =	ssyncadd.s32 $0xFFFFFFF0  }
0x1d0: {  	s2 =	sshll.u32 @p1 s8, $0xE;
	s7 =	rddreg [dreg:$0x3]  }
0x1d1: {  	s0 =	sadd.s32 @p1 $0x15C3C, s2;
	s2 =	sshll.u32 @p1 s7, $0x11  }
0x1d2: {  	_ =	sfence.stream.spmem;
	s0 =	sor.u32 @p1 s2, s0  }
0x1d3: {  	[sflag:s0] =	ssyncadd.remote.s32 @p1 $0x1;
	s0 =	simm.s32 @p1 $0x4  }
0x1d4: {  	s3 =	simm.s32 @!p1 $0x3C;
	s2 =	sand.u32 $0xFFFFFFFE, s8;
	_ =	swait.ge @p1 [sflag:s0], $0x22  }
0x1d5: {  	s4 =	simm.s32 @!p1 $0x0;
	s2 =	sadd.s32 @!p1 $0x4, s2;
	[sflag:s0] =	ssyncset.done @p1 $0x0  }
0x1d6: {  	s5 =	simm.s32 @!p1 $0x100;
	[sflag:s0] =	ssyncadd.s32 @p1 $0xFFFFFFDE;
	s0 =	sshll.u32 @!p1 s2, $0x1A  }
0x1d7: {  	s2 =	sshll.u32 @!p1 s2, $0xD;
	s0 =	sor.u32 @!p1 s0, s7;
	_ =	swait.eq @!p1 [sflag:s3], $0x1  }
0x1d8: {  	s2 =	sor.u32 @!p1 $0x1C04, s2;
	s3 =	simm.s32 @!p1 $0x1C03;
	s0 =	sor.u32 @!p1 $0x80004000, s0  }
0x1d9: {  	[spmem:s5], [sflag:s2] =	dma.general @!p1 [spmem:s4], [sflag:s3], length:$0x20, [dreg:$0x0], stride_count:$0x0, ici_dest:s0, dma_misc:DstOpCode:WRITE  }
0x1da: {  	p2 =	slt.s32 s9, $0x2;
	s4 =	simm.s32 @!p1 $0x200;
	s5 =	simm.s32 @!p1 $0x202  }
0x1db: {  	[spmem:s5], [sflag:s2] =	dma.general @!p1 [spmem:s4], [sflag:s3], length:$0x2, [dreg:$0x0], stride_count:$0x0, ici_dest:s0, dma_misc:DstOpCode:WRITE  }
.Ltmp27:
0x1dc: {  	s0 =	simm.s32 @!p1 $0x3;
	(pc) =	sbr.rel @p2 .LBB2_38-.Ltmp27, $4  }
0x1dd: {  	s2 =	sshll.u32 @!p1 s8, $0xE;
	_ =	swait.ge @!p1 [sflag:s0], $0x22  }
0x1de: {  	s3 =	sshll.u32 @!p1 s7, $0x11;
	s2 =	sadd.s32 @!p1 $0x11C3C, s2;
	[sflag:s0] =	ssyncset.done @!p1 $0x0  }
0x1df: {  	[sflag:s0] =	ssyncadd.s32 @!p1 $0xFFFFFFDE;
	s0 =	sor.u32 @!p1 s3, s2  }
0x1e0: {  	[sflag:s0] =	ssyncadd.remote.s32 @!p1 $0xFFFFFFFF;
	s0 =	simm.s32 $0x0  }
0x1e1: {  	s0 =	simm.s32 $0xF219  }
0x1e2: {  	v0 =	vld.msk [tilespmem:s0+$0x0], $0x1;
	_ =	sdelay $0x4  }
0x1e3: {  	(v2sf) =	vpush v0, $0x0;
	_ =	sdelay $0xb  }
0x1e4: {  	s31 =	sadd.s32 $0xFFFFFFFE, s6  }
0x1e5: {  	s0 =	sadd.s32 $0xFFFFFFFF, s31  }
0x1e6: {  	p2 =	sne.s32 s0, $0x0  }
.Ltmp28:
0x1e7: {  	s2 =	spop (v2sf);
	(pc) =	sbr.rel @!p2 .LBB2_37-.Ltmp28, $4  }
0x1e8: {  	s4 =	simm.s32 $0xF2B8;
	s7 =	simm.s32 $0x0;
	p1 =	sgt.u32 s2, $0x270FF0  }
0x1e9: {  	s5 =	simm.s32 $0x0;
	s6 =	simm.s32 $0xF21A;
	s3 =	sand.u32 @!p1 $0x3FFFF8, s2  }
0x1ea: {  	s2 =	sand.u32 @!p1 $0x7, s2;
	s7 =	simm.s32 @!p1 $0x200;
	s3 =	sadd.s32 @!p1 s1, s3  }
0x1eb: {  	[hbm4b:s3+s2] =	stream.linear.scatter @!p1 [tilespmem:s4], [sflag:$0x5], $0x80, $0x38;
	[tilespmem:$0x1F6F8] =	vst v63  }
.LBB2_36:
0x1ec: {  	v0 =	vld.msk [tilespmem:s6+$0x0], $0x1;
	s0 =	sadd.s32 $0xFFFFFFFF, s0;
	s5 =	sadd.s32 s5, s7  }
0x1ed: {  	p1 =	sne.s32 s0, $0x0;
	_ =	sdelay $0x3  }
0x1ee: {  	(v2sf) =	vpush v0, $0x0;
	_ =	sdelay $0xe  }
.Ltmp29:
0x1ef: {  	s2 =	spop (v2sf);
	(pc) =	sbr.rel @p1 .LBB2_36-.Ltmp29, $4  }
0x1f0: {  	s7 =	simm.s32 $0x0;
	p2 =	sgt.u32 s2, $0x270FF0  }
0x1f1: {  	s4 =	sadd.s32 $0x80, s4;
	s7 =	simm.s32 @!p2 $0x200;
	s3 =	sand.u32 @!p2 $0x3FFFF8, s2  }
0x1f2: {  	s6 =	sadd.s32 $0x1, s6;
	s2 =	sand.u32 @!p2 $0x7, s2;
	s3 =	sadd.s32 @!p2 s1, s3  }
0x1f3: {  	[hbm4b:s3+s2] =	stream.linear.scatter @!p2 [tilespmem:s4], [sflag:$0x5], $0x80, $0x38;
	[tilespmem:$0x1F6F8] =	vst v63  }
.LBB2_37:
0x1f4: {  	s0 =	sadd.s32 s5, s7  }
0x1f5: {  	s0 =	sshrl.u32 s0, $0x2  }
.LBB2_38:
0x1f6: {  	s2 =	simm.s32 $0x5  }
0x1f7: {  	_ =	swait.ge [sflag:s2], s0  }
0x1f8: {  	s31 =	ssub.s32 $0x0, s0;
	[sflag:s2] =	ssyncset.done $0x0  }
0x1f9: {  	[sflag:s2] =	ssyncadd.s32 s31  }
0x1fa: {  	[sflag:s2] =	ssyncpa.u1 $0x1  }
.LBB2_39:
0x1fb: {  	s0 =	sor.u32 s15, s16  }
0x1fc: {  	p1 =	sne.s32 s0, $0x0  }
.Ltmp30:
0x1fd: {  	_ = 	snop;
	(pc) =	sbr.rel @p1 .LBB2_54-.Ltmp30, $3  }
0x1fe: {  	_ =	sdelay $0x1  }
0x1ff: {  	[bflag:$0x0] =	sbarrier.arrive $0xFFFF  }
0x200: {  	_ =	sfence  }
0x201: {  	s0 =	simm.s32 $0x7  }
0x202: {  	s2 =	simm.s32 $0x1000;
	s3 =	simm.s32 $0xF218;
	[sflag:s0] =	ssyncpa.u1 $0x0  }
0x203: {  	[tilespmem:s3], [sflag:$0x7] =	stream.linear.gather [spmem:s2], $0x20, $0x38;
	[tilespmem:$0x1F6F8] =	vst v63  }
0x204: {  	s30 =	simm.s32 $0xF238;
	s2 =	simm.s32 $0x0  }
0x205: {  	[tilespmem:s30], [sflag:$0x7] =	stream.linear.gather [spmem:s2], $0x1000, $0x38;
	[tilespmem:$0x1F6F8] =	vst v63  }
.Ltmp31:
0x206: {  	_ = 	snop;
	(pc) =	sbr.rel .LBB2_41-.Ltmp31, $4  }
0x207: {  	_ =	swait.ge [sflag:s0], $0x1020  }
0x208: {  	[sflag:s0] =	ssyncset.done $0x0  }
0x209: {  	s31 =	simm.s32 $0x8;
	[sflag:s0] =	ssyncadd.s32 $0xFFFFEFE0  }
0x20a: {  	s3 =	simm.s32 $0x0;
	[sflag:s31] =	ssyncpa.u1 $0x0  }
.LBB2_47:
0x20b: {  	p1 =	slt.u32 s4, $0x270FF1  }
0x20c: {  	s0 =	sand.u32 @p1 $0x3FFFF8, s4  }
0x20d: {  	s4 =	sand.u32 @p1 $0x7, s4;
	s5 =	simm.s32 @p1 $0xF188;
	s0 =	sadd.s32 @p1 s1, s0  }
0x20e: {  	[tilespmem:s5], [sflag:$0x8] =	stream.linear.gather @p1 [hbm4b:s0+s4], $0x80, $0x38;
	[tilespmem:$0x1F6F8] =	vst v63  }
0x20f: {  	s0 =	simm.s32 @p1 $0x8  }
0x210: {  	_ =	swait.ge @p1 [sflag:s0], $0x80  }
0x211: {  	[sflag:s0] =	ssyncset.done @p1 $0x0  }
0x212: {  	[sflag:s0] =	ssyncadd.s32 @p1 $0xFFFFFF80  }
0x213: {  	v1 =	vld @p1 [tilespmem:$0xF188];
	_ =	sdelay $0x2  }
0x214: {  	s0 =	sshll.u32 @p1 s3, $0x9  }
0x215: {  	s4 =	sshrl.u32 @p1 s0, $0x2  }
0x216: {  	[tilespmem:s4+$0xF238] =	vst.add.f32.msk @p1 $0xffff, v1  }
0x217: {  	v1 =	vld @p1 [tilespmem:$0xF198];
	_ =	sdelay $0x4  }
0x218: {  	[tilespmem:s4+$0xF248] =	vst.add.f32.msk @p1 $0xffff, v1  }
0x219: {  	v1 =	vld @p1 [tilespmem:$0xF1A8];
	_ =	sdelay $0x4  }
0x21a: {  	[tilespmem:s4+$0xF258] =	vst.add.f32.msk @p1 $0xffff, v1  }
0x21b: {  	v1 =	vld @p1 [tilespmem:$0xF1B8];
	_ =	sdelay $0x4  }
0x21c: {  	[tilespmem:s4+$0xF268] =	vst.add.f32.msk @p1 $0xffff, v1  }
0x21d: {  	v1 =	vld @p1 [tilespmem:$0xF1C8];
	_ =	sdelay $0x4  }
0x21e: {  	[tilespmem:s4+$0xF278] =	vst.add.f32.msk @p1 $0xffff, v1  }
0x21f: {  	v1 =	vld @p1 [tilespmem:$0xF1D8];
	_ =	sdelay $0x4  }
0x220: {  	[tilespmem:s4+$0xF288] =	vst.add.f32.msk @p1 $0xffff, v1  }
0x221: {  	v1 =	vld @p1 [tilespmem:$0xF1E8];
	_ =	sdelay $0x4  }
0x222: {  	[tilespmem:s4+$0xF298] =	vst.add.f32.msk @p1 $0xffff, v1  }
0x223: {  	v1 =	vld @p1 [tilespmem:$0xF1F8];
	_ =	sdelay $0x3  }
0x224: {  	s5 =	sshll.u32 @!p1 s3, $0x9  }
0x225: {  	s5 =	smov.u32 @p1 s0;
	[tilespmem:s4+$0xF2A8] =	vst.add.f32.msk @p1 $0xffff, v1  }
0x226: {  	s0 =	sshrl.u32 s5, $0x2;
	[tilespmem:s2+$0xF218] =	vst.msk $0x1, v0  }
0x227: {  	v0 =	vld [tilespmem:s0+$0xF238];
	_ =	sdelay $0x2  }
0x228: {  	s31 =	sshll.u32 s2, $0x9  }
0x229: {  	s4 =	sshra.s32 s31, $0x2  }
0x22a: {  	[tilespmem:s4+$0xF238] =	vst v0  }
0x22b: {  	v0 =	vld [tilespmem:s0+$0xF248];
	_ =	sdelay $0x4  }
0x22c: {  	[tilespmem:s4+$0xF248] =	vst v0  }
0x22d: {  	v0 =	vld [tilespmem:s0+$0xF258];
	_ =	sdelay $0x4  }
0x22e: {  	[tilespmem:s4+$0xF258] =	vst v0  }
0x22f: {  	v0 =	vld [tilespmem:s0+$0xF268];
	_ =	sdelay $0x4  }
0x230: {  	[tilespmem:s4+$0xF268] =	vst v0  }
0x231: {  	v0 =	vld [tilespmem:s0+$0xF278];
	_ =	sdelay $0x4  }
0x232: {  	[tilespmem:s4+$0xF278] =	vst v0  }
0x233: {  	v0 =	vld [tilespmem:s0+$0xF288];
	_ =	sdelay $0x4  }
0x234: {  	[tilespmem:s4+$0xF288] =	vst v0  }
0x235: {  	v0 =	vld [tilespmem:s0+$0xF298];
	_ =	sdelay $0x4  }
0x236: {  	[tilespmem:s4+$0xF298] =	vst v0  }
0x237: {  	v0 =	vld [tilespmem:s0+$0xF2A8];
	_ =	sdelay $0x4  }
0x238: {  	s2 =	sadd.s32 $0x1, s2;
	[tilespmem:s4+$0xF2A8] =	vst v0  }
.LBB2_48:
0x239: {  	s3 =	sadd.s32 $0x1, s3  }
0x23a: {  	p1 =	sne.s32 s3, $0x20  }
.Ltmp32:
0x23b: {  	_ = 	snop;
	(pc) =	sbr.rel @!p1 .LBB2_49-.Ltmp32, $1  }
0x23c: {  	_ =	sdelay $0x3  }
.LBB2_41:
0x23d: {  	v0 =	vld.msk [tilespmem:s3+$0xF218], $0x1;
	_ =	sdelay $0x4  }
0x23e: {  	(v2sf) =	vpush v0, $0x0;
	_ =	sdelay $0xe  }
0x23f: {  	s4 =	spop (v2sf)  }
0x240: {  	p1 =	seq.s32 s4, $0xFFFFFFFF  }
.Ltmp33:
0x241: {  	_ = 	snop;
	(pc) =	sbr.rel @p1 .LBB2_48-.Ltmp33, $1  }
0x242: {  	_ =	sdelay $0x3  }
0x243: {  	p1 =	slt.s32 s2, $0x1  }
.Ltmp34:
0x244: {  	_ = 	snop;
	(pc) =	sbr.rel @p1 .LBB2_47-.Ltmp34, $1  }
0x245: {  	_ =	sdelay $0x3  }
0x246: {  	s5 =	simm.s32 $0xF218;
	p1 =	por $0x0, $0x0  }
0x247: {  	v1 =	vld.msk @!p1 [tilespmem:s5+$0x0], $0x1;
	_ =	sdelay $0x4  }
0x248: {  	(v2sf) =	vpush @!p1 v1, $0x0;
	_ =	sdelay $0xd  }
0x249: {  	p3 =	sne.s32 s2, $0x1  }
.Ltmp35:
0x24a: {  	s0 =	spop @!p1 (v2sf);
	(pc) =	sbr.rel @!p3 .LBB2_45-.Ltmp35, $4  }
0x24b: {  	p2 =	seq.s32 @!p1 s4, s0  }
0x24c: {  	s6 =	simm.s32 $0x0;
	p2 =	por !p2, p1  }
0x24d: {  	s7 =	simm.s32 $0xFFFFFFFF;
	s6 =	simm.s32 @p2 $0xFFFFFFFF  }
0x24e: {  	s0 =	simm.s32 $0x1;
	s6 =	smov.u32 @p1 s7  }
.LBB2_44:
0x24f: {  	s7 =	smov.u32 s6;
	p1 =	sne.s32 s6, $0xFFFFFFFF  }
0x250: {  	s5 =	sadd.s32 $0x1, s5;
	s6 =	smov.u32 s0;
	s0 =	sadd.s32 $0x1, s0  }
0x251: {  	p2 =	sne.s32 s2, s0;
	v1 =	vld.msk @!p1 [tilespmem:s5+$0x0], $0x1;
	_ =	sdelay $0x4  }
0x252: {  	(v2sf) =	vpush @!p1 v1, $0x0;
	_ =	sdelay $0xe  }
.Ltmp36:
0x253: {  	s8 =	spop @!p1 (v2sf);
	(pc) =	sbr.rel @p2 .LBB2_44-.Ltmp36, $4  }
0x254: {  	p3 =	seq.s32 @!p1 s4, s8  }
0x255: {  	p3 =	por !p3, p1  }
0x256: {  	s6 =	simm.s32 @p3 $0xFFFFFFFF  }
0x257: {  	s6 =	smov.u32 @p1 s7  }
.LBB2_45:
0x258: {  	p1 =	seq.s32 s6, $0xFFFFFFFF  }
.Ltmp37:
0x259: {  	_ = 	snop;
	(pc) =	sbr.rel @p1 .LBB2_47-.Ltmp37, $1  }
0x25a: {  	_ =	sdelay $0x3  }
0x25b: {  	s0 =	sshll.u32 s3, $0x7  }
0x25c: {  	s0 =	sand.u32 $0x3FFFFF80, s0  }
0x25d: {  	v0 =	vld [tilespmem:s0+$0xF238];
	_ =	sdelay $0x2  }
0x25e: {  	s4 =	sshll.u32 s6, $0x9  }
0x25f: {  	s4 =	sshra.s32 s4, $0x2  }
0x260: {  	[tilespmem:s4+$0xF238] =	vst.add.f32.msk $0xffff, v0  }
0x261: {  	v0 =	vld [tilespmem:s0+$0xF248];
	_ =	sdelay $0x4  }
0x262: {  	[tilespmem:s4+$0xF248] =	vst.add.f32.msk $0xffff, v0  }
0x263: {  	v0 =	vld [tilespmem:s0+$0xF258];
	_ =	sdelay $0x4  }
0x264: {  	[tilespmem:s4+$0xF258] =	vst.add.f32.msk $0xffff, v0  }
0x265: {  	v0 =	vld [tilespmem:s0+$0xF268];
	_ =	sdelay $0x4  }
0x266: {  	[tilespmem:s4+$0xF268] =	vst.add.f32.msk $0xffff, v0  }
0x267: {  	v0 =	vld [tilespmem:s0+$0xF278];
	_ =	sdelay $0x4  }
0x268: {  	[tilespmem:s4+$0xF278] =	vst.add.f32.msk $0xffff, v0  }
0x269: {  	v0 =	vld [tilespmem:s0+$0xF288];
	_ =	sdelay $0x4  }
0x26a: {  	[tilespmem:s4+$0xF288] =	vst.add.f32.msk $0xffff, v0  }
0x26b: {  	v0 =	vld [tilespmem:s0+$0xF298];
	_ =	sdelay $0x4  }
0x26c: {  	[tilespmem:s4+$0xF298] =	vst.add.f32.msk $0xffff, v0  }
0x26d: {  	v0 =	vld [tilespmem:s0+$0xF2A8]  }
.Ltmp38:
0x26e: {  	_ = 	snop;
	(pc) =	sbr.rel .LBB2_48-.Ltmp38, $2  }
0x26f: {  	_ =	sdelay $0x2  }
0x270: {  	[tilespmem:s4+$0xF2A8] =	vst.add.f32.msk $0xffff, v0  }
.LBB2_49:
0x271: {  	p1 =	slt.s32 s2, $0x1  }
.Ltmp39:
0x272: {  	_ = 	snop;
	(pc) =	sbr.rel @p1 .LBB2_53-.Ltmp39, $3  }
0x273: {  	_ =	sdelay $0x1  }
0x274: {  	s0 =	simm.s32 $0x8  }
0x275: {  	s3 =	simm.s32 $0x0;
	[sflag:s0] =	ssyncpa.u1 $0x1  }
0x276: {  	s0 =	simm.s32 $0xF218  }
0x277: {  	v0 =	vld.msk [tilespmem:s0+$0x0], $0x1;
	_ =	sdelay $0x4  }
0x278: {  	(v2sf) =	vpush v0, $0x0;
	_ =	sdelay $0xe  }
0x279: {  	s0 =	sadd.s32 $0xFFFFFFFF, s2;
	s5 =	spop (v2sf)  }
0x27a: {  	p2 =	sne.s32 s0, $0x0;
	p1 =	sgt.u32 s5, $0x270FF0  }
.Ltmp40:
0x27b: {  	s6 =	sand.u32 @!p1 $0x3FFFF8, s5;
	(pc) =	sbr.rel @!p2 .LBB2_52-.Ltmp40, $4  }
0x27c: {  	s4 =	simm.s32 $0xF238;
	s5 =	sand.u32 @!p1 $0x7, s5;
	s2 =	sadd.s32 @!p1 s1, s6  }
0x27d: {  	[hbm4b:s2+s5] =	stream.linear.scatter @!p1 [tilespmem:s4], [sflag:$0x7], $0x80, $0x38;
	[tilespmem:$0x1F6F8] =	vst v63  }
0x27e: {  	s5 =	simm.s32 $0x0  }
0x27f: {  	s2 =	simm.s32 $0xF219;
	s5 =	simm.s32 @!p1 $0x200  }
.LBB2_51:
0x280: {  	v0 =	vld.msk [tilespmem:s2+$0x0], $0x1;
	s0 =	sadd.s32 $0xFFFFFFFF, s0;
	s3 =	sadd.s32 s3, s5  }
0x281: {  	p1 =	sne.s32 s0, $0x0;
	_ =	sdelay $0x3  }
0x282: {  	(v2sf) =	vpush v0, $0x0;
	_ =	sdelay $0xe  }
.Ltmp41:
0x283: {  	s6 =	spop (v2sf);
	(pc) =	sbr.rel @p1 .LBB2_51-.Ltmp41, $4  }
0x284: {  	s5 =	simm.s32 $0x0;
	p2 =	sgt.u32 s6, $0x270FF0  }
0x285: {  	s4 =	sadd.s32 $0x80, s4;
	s5 =	simm.s32 @!p2 $0x200;
	s7 =	sand.u32 @!p2 $0x3FFFF8, s6  }
0x286: {  	s2 =	sadd.s32 $0x1, s2;
	s6 =	sand.u32 @!p2 $0x7, s6;
	s7 =	sadd.s32 @!p2 s1, s7  }
0x287: {  	[hbm4b:s7+s6] =	stream.linear.scatter @!p2 [tilespmem:s4], [sflag:$0x7], $0x80, $0x38;
	[tilespmem:$0x1F6F8] =	vst v63  }
.LBB2_52:
0x288: {  	s0 =	sadd.s32 s3, s5  }
0x289: {  	s3 =	sshrl.u32 s0, $0x2  }
.LBB2_53:
0x28a: {  	s0 =	simm.s32 $0x7  }
0x28b: {  	_ =	swait.ge [sflag:s0], s3  }
0x28c: {  	s1 =	ssub.s32 $0x0, s3;
	[sflag:s0] =	ssyncset.done $0x0  }
0x28d: {  	[sflag:s0] =	ssyncadd.s32 s1  }
0x28e: {  	[sflag:s0] =	ssyncpa.u1 $0x1  }
.LBB2_54:
0x28f: {  	_ =	sfence;
	s0 =	simm.s32 $0x1  }
0x290: {  	[sflag:s0] =	ssyncpa.u1 $0x1  }
0x291: {  	_ =	strace $0x9000004A  }
0x292: {  	[bflag:$0x2] =	sbarrier.arrive $0xFFFF  }
0x293: {  	s0 =	rddreg [dreg:$0x4]  }
0x294: {  	s0 =	sadd.s32 @!p0 $0x100000, s0  }
0x295: {  	[sflag:s0] =	ssyncadd.tile.s32 @!p0 $0x1;
	_ =	shalt  }
.Lfunc_end2:
_tile_overlayer_lowered:
.L_overlay_start_2:
0x296: {  	(tag) =	ssettag $0x2  }
0x297: {  	s0 =	rddreg [dreg:$0x0];
	s2 =	stileid.u32  }
0x298: {  	s1 =	rddreg [dreg:$0x1];
	p0 =	sne.s32 s2, $0x0  }
0x299: {  	s3 =	rddreg [dreg:$0x2];
	[bflag:$0x3] =	sbarrier.arrive $0xFFFF;
	s2 =	simm.s32 @!p0 $0x1C01  }
0x29a: {  	[timem:s3], [sflag:s2] =	dma.local @!p0 [hbm:s0], s1  }
0x29b: {  	s0 =	simm.s32 @!p0 $0x1  }
0x29c: {  	_ =	swait.ge @!p0 [sflag:s0], s1  }
0x29d: {  	s1 =	ssub.s32 @!p0 $0x0, s1;
	[sflag:s0] =	ssyncset.done @!p0 $0x0  }
0x29e: {  	[sflag:s0] =	ssyncadd.s32 @!p0 s1  }
0x29f: {  	[bflag:$0x3] =	sbarrier.arrive $0xFFFF  }
0x2a0: {  	_ =	shalt  }

</sc_bundles>
